<compile_context>
chip_gen: v7x
topology: tpu7x:2x2x1
jax: 0.10.2.dev20260603
libtpu: 0.0.44.dev20260713+nightly
codegen_flags: <defaults>
</compile_context>

<pallas_src>
import functools

import jax
import jax.numpy as jnp
from jax import lax
from jax.experimental import pallas as pl
from jax.experimental.pallas import tpu as pltpu
from jax.experimental.pallas import tpu_sc as plsc

_N = 10000
_E = 320000
_NC = 2
_NS = 16
_NW = _NC * _NS
_CHUNK = 128
_NCH = 80
_EPWP = _CHUNK * _NCH
_NBUF = 2
_IDXH = 40
_NA = _NS * 632
_RPS = _NA // _NS
_NP = _NS * 640
_DPS = _NP // _NS

_ROW_BLK = 1000


def _make_mesh():
    return plsc.VectorSubcoreMesh(core_axis_name="c", subcore_axis_name="s")


@functools.partial(
    pl.kernel,
    mesh=_make_mesh(),
    out_type=jax.ShapeDtypeStruct((_NC * _NP,), jnp.float32),
    scratch_types=[
        pltpu.VMEM((_NCH, _CHUNK), jnp.int32),
        pltpu.VMEM((_CHUNK,), jnp.float32),
        pltpu.VMEM((_DPS,), jnp.float32),
        pltpu.VMEM_SHARED((_NP,), jnp.float32),
        pltpu.SemaphoreType.DMA,
        pltpu.SemaphoreType.DMA,
    ],
)
def _deg_sc(dstp_hbm, out_hbm, dst_all, ones_v, stage_v, dacc, sem0, sem1):
    c = lax.axis_index("c")
    s = lax.axis_index("s")
    wid = c * _NS + s
    r0 = s * _DPS

    def zbody(k, carry):
        stage_v[pl.ds(k * 16, 16)] = jnp.zeros((16,), jnp.float32)
        return carry

    lax.fori_loop(0, _DPS // 16, zbody, 0)
    pltpu.sync_copy(stage_v, dacc.at[pl.ds(r0, _DPS)])
    for k in range(_CHUNK // 16):
        ones_v[pl.ds(k * 16, 16)] = jnp.full((16,), 1.0, jnp.float32)
    pltpu.sync_copy(dstp_hbm.at[wid], dst_all)
    plsc.subcore_barrier()

    dsems = (sem0, sem1)

    def body(g, carry):
        j0 = g * 2
        for b in range(2):
            @pl.when(g > 0)
            def _(b=b):
                pltpu.make_async_copy(
                    ones_v, dacc.at[dst_all.at[j0 - 2 + b]], dsems[b]
                ).wait()
            pltpu.async_copy(ones_v, dacc.at[dst_all.at[j0 + b]], dsems[b],
                             add=True)
        return carry

    lax.fori_loop(0, _NCH // 2, body, 0)
    for b in range(2):
        pltpu.make_async_copy(
            ones_v, dacc.at[dst_all.at[_NCH - 2 + b]], dsems[b]
        ).wait()
    plsc.subcore_barrier()
    pltpu.sync_copy(dacc.at[pl.ds(r0, _DPS)], stage_v)
    pltpu.sync_copy(stage_v, out_hbm.at[pl.ds(c * _NP + r0, _DPS)])


def _make_agg(d, tc_tiling=True):
    @functools.partial(
        pl.kernel,
        mesh=_make_mesh(),
        compiler_params=pltpu.CompilerParams(use_tc_tiling_on_sc=tc_tiling),
        out_type=jax.ShapeDtypeStruct((_NC, _NA, d), jnp.float32),
        scratch_types=[
            pltpu.VMEM((_IDXH, _CHUNK), jnp.int32),
            pltpu.VMEM((_IDXH, _CHUNK), jnp.int32),
            pltpu.VMEM((_NBUF, _CHUNK, d), jnp.float32),
            pltpu.VMEM_SHARED((_NA, d), jnp.float32),
        ]
        + [pltpu.SemaphoreType.DMA] * (2 * _NBUF),
    )
    def agg(t_hbm, srcp_hbm, dstp_hbm, out_hbm,
            src_all, dst_all, bufs, acc, *sems):
        gsems = sems[:_NBUF]
        ssems = sems[_NBUF:]
        c = lax.axis_index("c")
        s = lax.axis_index("s")
        wid = c * _NS + s
        r0 = s * _RPS

        def zbody(k, carry):
            for q in range(d // 16):
                bufs[0, k, pl.ds(q * 16, 16)] = jnp.zeros((16,), jnp.float32)
            return carry

        lax.fori_loop(0, _CHUNK, zbody, 0)
        for blk in range(_RPS // _CHUNK):
            pltpu.sync_copy(bufs.at[0],
                            acc.at[pl.ds(r0 + blk * _CHUNK, _CHUNK), :])
        rem = _RPS % _CHUNK
        pltpu.sync_copy(bufs.at[0, pl.ds(0, rem)],
                        acc.at[pl.ds(r0 + _RPS - rem, rem), :])
        plsc.subcore_barrier()

        def body(g, carry):
            j0 = g * _NBUF
            handles = []
            for b in range(_NBUF):
                @pl.when(g > 0)
                def _(b=b):
                    pltpu.make_async_copy(
                        bufs.at[b], acc.at[dst_all.at[j0 - _NBUF + b]], ssems[b]
                    ).wait()
                handles.append(
                    pltpu.async_copy(t_hbm.at[src_all.at[j0 + b]], bufs.at[b], gsems[b])
                )
            for b in range(_NBUF):
                handles[b].wait()
                pltpu.async_copy(bufs.at[b], acc.at[dst_all.at[j0 + b]], ssems[b],
                                 add=True)
            return carry

        ngrp = _IDXH // _NBUF
        for h in range(_NCH // _IDXH):
            pltpu.sync_copy(srcp_hbm.at[wid, pl.ds(h * _IDXH, _IDXH)], src_all)
            pltpu.sync_copy(dstp_hbm.at[wid, pl.ds(h * _IDXH, _IDXH)], dst_all)
            lax.fori_loop(0, ngrp, body, 0)
            for b in range(_NBUF):
                pltpu.make_async_copy(
                    bufs.at[b], acc.at[dst_all.at[(ngrp - 1) * _NBUF + b]], ssems[b]
                ).wait()

        plsc.subcore_barrier()
        pltpu.sync_copy(acc.at[pl.ds(r0, _RPS), :], out_hbm.at[c, pl.ds(r0, _RPS), :])

    return agg


_agg128 = _make_agg(128)
_agg64 = _make_agg(64, tc_tiling=False)


def _mm_first(x, deg_p, w):

    def body(x_ref, deg_ref, w_ref, t_ref, d_ref):
        deg = deg_ref[0] + deg_ref[1]
        dn = jnp.where(deg > 0, lax.rsqrt(jnp.maximum(deg, 1.0)), 0.0)
        t_ref[...] = jnp.dot(x_ref[...] * dn, w_ref[...],
                             preferred_element_type=jnp.float32)
        d_ref[...] = dn

    din, dout = w.shape
    return pl.pallas_call(
        body,
        grid=(_N // _ROW_BLK,),
        in_specs=[
            pl.BlockSpec((_ROW_BLK, din), lambda i: (i, 0)),
            pl.BlockSpec((2, _ROW_BLK, 1), lambda i: (0, i, 0)),
            pl.BlockSpec((din, dout), lambda i: (0, 0)),
        ],
        out_specs=[
            pl.BlockSpec((_ROW_BLK, dout), lambda i: (i, 0)),
            pl.BlockSpec((_ROW_BLK, 1), lambda i: (i, 0)),
        ],
        out_shape=[
            jax.ShapeDtypeStruct((_N, dout), jnp.float32),
            jax.ShapeDtypeStruct((_N, 1), jnp.float32),
        ],
    )(x, deg_p, w)


def _mm_mid(agg_p, d, b, w):

    def body(a_ref, d_ref, b_ref, w_ref, o_ref):
        dn = d_ref[...]
        h = jnp.maximum((a_ref[0] + a_ref[1]) * dn + b_ref[...], 0.0) * dn
        o_ref[...] = jnp.dot(h, w_ref[...], preferred_element_type=jnp.float32)

    din, dout = w.shape
    return pl.pallas_call(
        body,
        grid=(_N // _ROW_BLK,),
        in_specs=[
            pl.BlockSpec((2, _ROW_BLK, din), lambda i: (0, i, 0)),
            pl.BlockSpec((_ROW_BLK, 1), lambda i: (i, 0)),
            pl.BlockSpec((1, din), lambda i: (0, 0)),
            pl.BlockSpec((din, dout), lambda i: (0, 0)),
        ],
        out_specs=pl.BlockSpec((_ROW_BLK, dout), lambda i: (i, 0)),
        out_shape=jax.ShapeDtypeStruct((_N, dout), jnp.float32),
    )(agg_p, d, b, w)


def _mm_last(agg_p, d, b):

    def body(a_ref, d_ref, b_ref, o_ref):
        o_ref[...] = (a_ref[0] + a_ref[1]) * d_ref[...] + b_ref[...]

    dout = agg_p.shape[-1]
    return pl.pallas_call(
        body,
        grid=(_N // _ROW_BLK,),
        in_specs=[
            pl.BlockSpec((2, _ROW_BLK, dout), lambda i: (0, i, 0)),
            pl.BlockSpec((_ROW_BLK, 1), lambda i: (i, 0)),
            pl.BlockSpec((1, dout), lambda i: (0, 0)),
        ],
        out_specs=pl.BlockSpec((_ROW_BLK, dout), lambda i: (i, 0)),
        out_shape=jax.ShapeDtypeStruct((_N, dout), jnp.float32),
    )(agg_p, d, b)


def kernel(features, edge_index, W1, b1, W2, b2, W3, b3):
    pad = _NW * _EPWP - _E
    pad_src = (jnp.arange(pad, dtype=jnp.int32) * 97) % _N
    pad_dst = _N + (jnp.arange(pad, dtype=jnp.int32) % (_NA - _N))
    srcp = jnp.concatenate([edge_index[0], pad_src]).reshape(_NW, _NCH, _CHUNK)
    dstp = jnp.concatenate([edge_index[1], pad_dst]).reshape(_NW, _NCH, _CHUNK)
    deg_p = _deg_sc(dstp).reshape(_NC, _NP, 1)
    t1, d = _mm_first(features, deg_p, W1)
    agg1 = _agg128(t1, srcp, dstp)
    t2 = _mm_mid(agg1, d, b1.reshape(1, -1), W2)
    agg2 = _agg128(t2, srcp, dstp)
    t3 = _mm_mid(agg2, d, b2.reshape(1, -1), W3)
    agg3 = _agg64(t3, srcp, dstp)
    out = _mm_last(agg3, d, b3.reshape(1, -1))
    return out

# --- scband reference (transcript-rebuilt; emitter-appended) ---
"""Pipeline reference for scband-gcn-encoder-18210661335506 (READ-ONLY COPY).

The authoritative reference and input builder live on the scoring server;
editing this copy changes nothing except your own understanding.
"""

import jax, jax.numpy as jnp
import numpy as np

N = 10000
E = 320000
D_IN = 128
D_H = 128
D_OUT = 64


def setup_inputs(seed: int = 0) -> dict:
    key = jax.random.key(seed)
    ks = jax.random.split(key, 9)
    features = jax.random.normal(ks[0], (N, D_IN), dtype=jnp.float32)
    edge_index = jax.random.randint(ks[1], (2, E), 0, N, dtype=jnp.int32)
    W1 = jax.random.normal(ks[2], (D_IN, D_H), dtype=jnp.float32) * 0.05
    b1 = jnp.zeros((D_H,), dtype=jnp.float32)
    W2 = jax.random.normal(ks[3], (D_H, D_H), dtype=jnp.float32) * 0.05
    b2 = jnp.zeros((D_H,), dtype=jnp.float32)
    W3 = jax.random.normal(ks[4], (D_H, D_OUT), dtype=jnp.float32) * 0.05
    b3 = jnp.zeros((D_OUT,), dtype=jnp.float32)
    return {"features": features, "edge_index": edge_index, "W1": W1, "b1": b1, "W2": W2, "b2": b2, "W3": W3, "b3": b3}


def _gcn_layer(x, src, dst, deg_inv_sqrt, W, b, act):
    # DGL GraphConv with norm='both': h_i = act( sum_{j->i} (d_j d_i)^{-1/2} h_j W + b )
    x = x * deg_inv_sqrt[:, None]
    m = jnp.take(x, src, axis=0)
    agg = jax.ops.segment_sum(m, dst, num_segments=N)
    agg = agg * deg_inv_sqrt[:, None]
    out = agg @ W + b
    if act:
        out = jax.nn.relu(out)
    return out


def reference(features, edge_index, W1, b1, W2, b2, W3, b3):
    src = edge_index[0]
    dst = edge_index[1]
    deg = jax.ops.segment_sum(jnp.ones((E,), dtype=jnp.float32), dst, num_segments=N)
    deg_inv_sqrt = jnp.where(deg > 0, jax.lax.rsqrt(jnp.maximum(deg, 1.0)), 0.0)
    # layer 0 (in_feats -> n_hidden, relu); dropout p=0.0 => identity in eval
    h = _gcn_layer(features, src, dst, deg_inv_sqrt, W1, b1, True)
    # layer 1 (n_hidden -> n_hidden, relu)
    h = _gcn_layer(h, src, dst, deg_inv_sqrt, W2, b2, True)
    # layer 2 (n_hidden -> n_classes, no activation)
    h = _gcn_layer(h, src, dst, deg_inv_sqrt, W3, b3, False)
    return h

if __name__ == "__main__":
    import jax
    _d = setup_inputs()
    print(jax.jit(kernel)(*tuple(_d.values())))

</pallas_src>

<mosaic_0001>
#map = affine_map<(d0, d1) -> (0, 0, 0)>
#map1 = affine_map<(d0, d1) -> (0)>
module attributes {stable_mosaic.version = 14 : i64} {
  func.func @_deg_sc(%arg0: i32, %arg1: i32, %arg2: memref<32x80x128xi32, #tpu.memory_space<hbm>>, %arg3: memref<20480xf32, #tpu.memory_space<hbm>>, %arg4: memref<80x128xi32, #tpu.memory_space<vmem>>, %arg5: memref<128xf32, #tpu.memory_space<vmem>>, %arg6: memref<640xf32, #tpu.memory_space<vmem>>, %arg7: memref<10240xf32, #tpu.memory_space<vmem_shared>>, %arg8: memref<!tpu.dma_semaphore, #tpu.memory_space<semaphore_mem>>, %arg9: memref<!tpu.dma_semaphore, #tpu.memory_space<semaphore_mem>>) attributes {dimension_semantics = [#tpu.dimension_semantics<core_parallel>, #tpu.dimension_semantics<subcore_parallel>], iteration_bounds = array<i64: 2, 16>, scalar_prefetch = 0 : i64, scratch_operands = 6 : i64, tpu.core_type = #tpu.core_type<sc_vector_subcore>, window_params = [{transform_indices = #map}, {transform_indices = #map1}]} {
    %mul3A = arith.constant 16 : i32
    %mul3A_0 = arith.muli %arg0, %mul3A : i32
    %add3A = arith.addi %mul3A_0, %arg1 : i32
    %mul3A_1 = arith.constant 640 : i32
    %mul3A_2 = arith.muli %arg1, %mul3A_1 : i32
    %scan3A = arith.constant 0 : i32
    %scan3A_3 = arith.constant 0 : i32
    %scan3A_4 = arith.constant 40 : i32
    %scan3A_5 = arith.addi %scan3A_3, %scan3A_4 : i32
    %scan3A_6 = arith.constant 1 : i32
    scf.for %scan3A_75 = %scan3A_3 to %scan3A_5 step %scan3A_6  : i32 {
      %broadcast_in_dim3A_76 = arith.constant 0.000000e+00 : f32
      %broadcast_in_dim3A_77 = vector.broadcast %broadcast_in_dim3A_76 : f32 to vector<16xf32>
      %mul3A_78 = arith.constant 16 : i32
      %mul3A_79 = arith.muli %scan3A_75, %mul3A_78 : i32
      %swap3A_80 = arith.index_cast %mul3A_79 : i32 to index
      %swap3A_81 = tpu.vector_load %arg6[%swap3A_80] {strides = array<i32>} : memref<640xf32, #tpu.memory_space<vmem>>, vector<16xf32>,
      %swap3A_82 = vector.shape_cast %swap3A_81 : vector<16xf32> to vector<16xf32>
      %swap3A_83 = vector.shape_cast %broadcast_in_dim3A_77 : vector<16xf32> to vector<16xf32>
      tpu.vector_store %arg6[%swap3A_80], %swap3A_83 {strides = array<i32>} : memref<640xf32, #tpu.memory_space<vmem>>, vector<16xf32>,
    }
    %scan3A_7 = arith.constant 40 : i32
    "tpu.region"() ({
      %run_scoped3A = tpu.sem_alloc : memref<!tpu.dma_semaphore, #tpu.memory_space<semaphore_mem>>
      %dma_start3A = tpu.memref_slice %arg7[%mul3A_2] : memref<10240xf32, #tpu.memory_space<vmem_shared>> -> memref<640xf32, #tpu.memory_space<vmem_shared>>
      %dma_start3A_75 = tpu.memref_slice %arg7[%mul3A_2] : memref<10240xf32, #tpu.memory_space<vmem_shared>> -> memref<640xf32, #tpu.memory_space<vmem_shared>>
      tpu.enqueue_dma source(%arg6 : memref<640xf32, #tpu.memory_space<vmem>>) target(%dma_start3A_75 : memref<640xf32, #tpu.memory_space<vmem_shared>>) target_semaphore(%run_scoped3A : memref<!tpu.dma_semaphore, #tpu.memory_space<semaphore_mem>>)
      %dma_wait3A_76 = tpu.memref_slice %arg7[%mul3A_2] : memref<10240xf32, #tpu.memory_space<vmem_shared>> -> memref<640xf32, #tpu.memory_space<vmem_shared>>
      %dma_wait3A_77 = tpu.memref_slice %arg7[%mul3A_2] : memref<10240xf32, #tpu.memory_space<vmem_shared>> -> memref<640xf32, #tpu.memory_space<vmem_shared>>
      tpu.wait_dma2 semaphore(%run_scoped3A : memref<!tpu.dma_semaphore, #tpu.memory_space<semaphore_mem>>) src(%arg6 : memref<640xf32, #tpu.memory_space<vmem>>) dst(%dma_wait3A_77 : memref<640xf32, #tpu.memory_space<vmem_shared>>)
      tpu.yield
    }) : () -> ()
    %broadcast_in_dim3A = arith.constant 1.000000e+00 : f32
    %broadcast_in_dim3A_8 = vector.broadcast %broadcast_in_dim3A : f32 to vector<16xf32>
    %swap3A = arith.constant 0 : index
    %swap3A_9 = tpu.vector_load %arg5[%swap3A] {strides = array<i32>} : memref<128xf32, #tpu.memory_space<vmem>>, vector<16xf32>,
    %swap3A_10 = vector.shape_cast %swap3A_9 : vector<16xf32> to vector<16xf32>
    %swap3A_11 = vector.shape_cast %broadcast_in_dim3A_8 : vector<16xf32> to vector<16xf32>
    tpu.vector_store %arg5[%swap3A], %swap3A_11 {strides = array<i32>} : memref<128xf32, #tpu.memory_space<vmem>>, vector<16xf32>,
    %broadcast_in_dim3A_12 = arith.constant 1.000000e+00 : f32
    %broadcast_in_dim3A_13 = vector.broadcast %broadcast_in_dim3A_12 : f32 to vector<16xf32>
    %swap3A_14 = arith.constant 16 : index
    %swap3A_15 = tpu.vector_load %arg5[%swap3A_14] {strides = array<i32>} : memref<128xf32, #tpu.memory_space<vmem>>, vector<16xf32>,
    %swap3A_16 = vector.shape_cast %swap3A_15 : vector<16xf32> to vector<16xf32>
    %swap3A_17 = vector.shape_cast %broadcast_in_dim3A_13 : vector<16xf32> to vector<16xf32>
    tpu.vector_store %arg5[%swap3A_14], %swap3A_17 {strides = array<i32>} : memref<128xf32, #tpu.memory_space<vmem>>, vector<16xf32>,
    %broadcast_in_dim3A_18 = arith.constant 1.000000e+00 : f32
    %broadcast_in_dim3A_19 = vector.broadcast %broadcast_in_dim3A_18 : f32 to vector<16xf32>
    %swap3A_20 = arith.constant 32 : index
    %swap3A_21 = tpu.vector_load %arg5[%swap3A_20] {strides = array<i32>} : memref<128xf32, #tpu.memory_space<vmem>>, vector<16xf32>,
    %swap3A_22 = vector.shape_cast %swap3A_21 : vector<16xf32> to vector<16xf32>
    %swap3A_23 = vector.shape_cast %broadcast_in_dim3A_19 : vector<16xf32> to vector<16xf32>
    tpu.vector_store %arg5[%swap3A_20], %swap3A_23 {strides = array<i32>} : memref<128xf32, #tpu.memory_space<vmem>>, vector<16xf32>,
    %broadcast_in_dim3A_24 = arith.constant 1.000000e+00 : f32
    %broadcast_in_dim3A_25 = vector.broadcast %broadcast_in_dim3A_24 : f32 to vector<16xf32>
    %swap3A_26 = arith.constant 48 : index
    %swap3A_27 = tpu.vector_load %arg5[%swap3A_26] {strides = array<i32>} : memref<128xf32, #tpu.memory_space<vmem>>, vector<16xf32>,
    %swap3A_28 = vector.shape_cast %swap3A_27 : vector<16xf32> to vector<16xf32>
    %swap3A_29 = vector.shape_cast %broadcast_in_dim3A_25 : vector<16xf32> to vector<16xf32>
    tpu.vector_store %arg5[%swap3A_26], %swap3A_29 {strides = array<i32>} : memref<128xf32, #tpu.memory_space<vmem>>, vector<16xf32>,
    %broadcast_in_dim3A_30 = arith.constant 1.000000e+00 : f32
    %broadcast_in_dim3A_31 = vector.broadcast %broadcast_in_dim3A_30 : f32 to vector<16xf32>
    %swap3A_32 = arith.constant 64 : index
    %swap3A_33 = tpu.vector_load %arg5[%swap3A_32] {strides = array<i32>} : memref<128xf32, #tpu.memory_space<vmem>>, vector<16xf32>,
    %swap3A_34 = vector.shape_cast %swap3A_33 : vector<16xf32> to vector<16xf32>
    %swap3A_35 = vector.shape_cast %broadcast_in_dim3A_31 : vector<16xf32> to vector<16xf32>
    tpu.vector_store %arg5[%swap3A_32], %swap3A_35 {strides = array<i32>} : memref<128xf32, #tpu.memory_space<vmem>>, vector<16xf32>,
    %broadcast_in_dim3A_36 = arith.constant 1.000000e+00 : f32
    %broadcast_in_dim3A_37 = vector.broadcast %broadcast_in_dim3A_36 : f32 to vector<16xf32>
    %swap3A_38 = arith.constant 80 : index
    %swap3A_39 = tpu.vector_load %arg5[%swap3A_38] {strides = array<i32>} : memref<128xf32, #tpu.memory_space<vmem>>, vector<16xf32>,
    %swap3A_40 = vector.shape_cast %swap3A_39 : vector<16xf32> to vector<16xf32>
    %swap3A_41 = vector.shape_cast %broadcast_in_dim3A_37 : vector<16xf32> to vector<16xf32>
    tpu.vector_store %arg5[%swap3A_38], %swap3A_41 {strides = array<i32>} : memref<128xf32, #tpu.memory_space<vmem>>, vector<16xf32>,
    %broadcast_in_dim3A_42 = arith.constant 1.000000e+00 : f32
    %broadcast_in_dim3A_43 = vector.broadcast %broadcast_in_dim3A_42 : f32 to vector<16xf32>
    %swap3A_44 = arith.constant 96 : index
    %swap3A_45 = tpu.vector_load %arg5[%swap3A_44] {strides = array<i32>} : memref<128xf32, #tpu.memory_space<vmem>>, vector<16xf32>,
    %swap3A_46 = vector.shape_cast %swap3A_45 : vector<16xf32> to vector<16xf32>
    %swap3A_47 = vector.shape_cast %broadcast_in_dim3A_43 : vector<16xf32> to vector<16xf32>
    tpu.vector_store %arg5[%swap3A_44], %swap3A_47 {strides = array<i32>} : memref<128xf32, #tpu.memory_space<vmem>>, vector<16xf32>,
    %broadcast_in_dim3A_48 = arith.constant 1.000000e+00 : f32
    %broadcast_in_dim3A_49 = vector.broadcast %broadcast_in_dim3A_48 : f32 to vector<16xf32>
    %swap3A_50 = arith.constant 112 : index
    %swap3A_51 = tpu.vector_load %arg5[%swap3A_50] {strides = array<i32>} : memref<128xf32, #tpu.memory_space<vmem>>, vector<16xf32>,
    %swap3A_52 = vector.shape_cast %swap3A_51 : vector<16xf32> to vector<16xf32>
    %swap3A_53 = vector.shape_cast %broadcast_in_dim3A_49 : vector<16xf32> to vector<16xf32>
    tpu.vector_store %arg5[%swap3A_50], %swap3A_53 {strides = array<i32>} : memref<128xf32, #tpu.memory_space<vmem>>, vector<16xf32>,
    "tpu.region"() ({
      %run_scoped3A = tpu.sem_alloc : memref<!tpu.dma_semaphore, #tpu.memory_space<semaphore_mem>>
      %dma_start3A = arith.constant 0 : i32
      %dma_start3A_75 = arith.constant 0 : i32
      %dma_start3A_76 = tpu.memref_slice %arg2[%add3A, %dma_start3A, %dma_start3A_75] : memref<32x80x128xi32, #tpu.memory_space<hbm>> -> memref<1x80x128xi32, #tpu.memory_space<hbm>>
      %dma_start3A_77 = tpu.memref_squeeze %dma_start3A_76 : memref<1x80x128xi32, #tpu.memory_space<hbm>> -> memref<80x128xi32, #tpu.memory_space<hbm>>
      %dma_start3A_78 = arith.constant 0 : i32
      %dma_start3A_79 = arith.constant 0 : i32
      %dma_start3A_80 = tpu.memref_slice %arg2[%add3A, %dma_start3A_78, %dma_start3A_79] : memref<32x80x128xi32, #tpu.memory_space<hbm>> -> memref<1x80x128xi32, #tpu.memory_space<hbm>>
      %dma_start3A_81 = tpu.memref_squeeze %dma_start3A_80 : memref<1x80x128xi32, #tpu.memory_space<hbm>> -> memref<80x128xi32, #tpu.memory_space<hbm>>
      tpu.enqueue_dma source(%dma_start3A_81 : memref<80x128xi32, #tpu.memory_space<hbm>>) target(%arg4 : memref<80x128xi32, #tpu.memory_space<vmem>>) target_semaphore(%run_scoped3A : memref<!tpu.dma_semaphore, #tpu.memory_space<semaphore_mem>>)
      %dma_wait3A_82 = arith.constant 0 : i32
      %dma_wait3A_83 = arith.constant 0 : i32
      %dma_wait3A_84 = tpu.memref_slice %arg2[%add3A, %dma_wait3A_82, %dma_wait3A_83] : memref<32x80x128xi32, #tpu.memory_space<hbm>> -> memref<1x80x128xi32, #tpu.memory_space<hbm>>
      %dma_wait3A_85 = tpu.memref_squeeze %dma_wait3A_84 : memref<1x80x128xi32, #tpu.memory_space<hbm>> -> memref<80x128xi32, #tpu.memory_space<hbm>>
      %dma_wait3A_86 = arith.constant 0 : i32
      %dma_wait3A_87 = arith.constant 0 : i32
      %dma_wait3A_88 = tpu.memref_slice %arg2[%add3A, %dma_wait3A_86, %dma_wait3A_87] : memref<32x80x128xi32, #tpu.memory_space<hbm>> -> memref<1x80x128xi32, #tpu.memory_space<hbm>>
      %dma_wait3A_89 = tpu.memref_squeeze %dma_wait3A_88 : memref<1x80x128xi32, #tpu.memory_space<hbm>> -> memref<80x128xi32, #tpu.memory_space<hbm>>
      tpu.wait_dma2 semaphore(%run_scoped3A : memref<!tpu.dma_semaphore, #tpu.memory_space<semaphore_mem>>) src(%dma_wait3A_89 : memref<80x128xi32, #tpu.memory_space<hbm>>) dst(%arg4 : memref<80x128xi32, #tpu.memory_space<vmem>>)
      tpu.yield
    }) : () -> ()
    %barrier3A = arith.constant 0 : index
    tpu.barrier barrier_id(%barrier3A)
    %scan3A_54 = arith.constant 0 : i32
    %scan3A_55 = arith.constant 0 : i32
    %scan3A_56 = arith.constant 40 : i32
    %scan3A_57 = arith.addi %scan3A_55, %scan3A_56 : i32
    %scan3A_58 = arith.constant 1 : i32
    scf.for %scan3A_75 = %scan3A_55 to %scan3A_57 step %scan3A_58  : i32 {
      %mul3A_76 = arith.constant 2 : i32
      %mul3A_77 = arith.muli %scan3A_75, %mul3A_76 : i32
      %gt3A = arith.constant 0 : i32
      %gt3A_78 = arith.cmpi sgt, %scan3A_75, %gt3A : i32
      %convert_element_type3A = arith.extui %gt3A_78 : i1 to i32
      %cond3A = arith.constant 0 : i32
      %cond3A_79 = arith.cmpi ne, %convert_element_type3A, %cond3A : i32
      scf.if %cond3A_79 {
        %sub3A = arith.constant 2 : i32
        %sub3A_98 = arith.subi %mul3A_77, %sub3A : i32
        %add3A_99 = arith.constant 0 : i32
        %add3A_100 = arith.addi %sub3A_98, %add3A_99 : i32
        %dma_wait3A_101 = arith.constant 0 : i32
        %dma_wait3A_102 = tpu.memref_slice %arg4[%add3A_100, %dma_wait3A_101] : memref<80x128xi32, #tpu.memory_space<vmem>> -> memref<1x128xi32, #tpu.memory_space<vmem>>
        %dma_wait3A_103 = tpu.memref_squeeze %dma_wait3A_102 : memref<1x128xi32, #tpu.memory_space<vmem>> -> memref<128xi32, #tpu.memory_space<vmem>>
        %dma_wait3A_104 = arith.constant 0 : i32
        %dma_wait3A_105 = tpu.memref_slice %arg7[%dma_wait3A_104] : memref<10240xf32, #tpu.memory_space<vmem_shared>> -> memref<10240xf32, #tpu.memory_space<vmem_shared>>
        tpu.wait_indirect_dma semaphore(%arg8 : memref<!tpu.dma_semaphore, #tpu.memory_space<semaphore_mem>>) src(%arg5 : memref<128xf32, #tpu.memory_space<vmem>>) dst(%dma_wait3A_105 : memref<10240xf32, #tpu.memory_space<vmem_shared>>)
      } else {
      }
      %add3A_80 = arith.constant 0 : i32
      %add3A_81 = arith.addi %mul3A_77, %add3A_80 : i32
      %dma_start3A = arith.constant 0 : i32
      %dma_start3A_82 = tpu.memref_slice %arg4[%add3A_81, %dma_start3A] : memref<80x128xi32, #tpu.memory_space<vmem>> -> memref<1x128xi32, #tpu.memory_space<vmem>>
      %dma_start3A_83 = tpu.memref_squeeze %dma_start3A_82 : memref<1x128xi32, #tpu.memory_space<vmem>> -> memref<128xi32, #tpu.memory_space<vmem>>
      %dma_start3A_84 = arith.constant 0 : i32
      %dma_start3A_85 = tpu.memref_slice %arg7[%dma_start3A_84] : memref<10240xf32, #tpu.memory_space<vmem_shared>> -> memref<10240xf32, #tpu.memory_space<vmem_shared>>
      tpu.enqueue_indirect_dma source(%arg5 : memref<128xf32, #tpu.memory_space<vmem>>) target(%dma_start3A_85 : memref<10240xf32, #tpu.memory_space<vmem_shared>>) offsets(%dma_start3A_83 : memref<128xi32, #tpu.memory_space<vmem>>) semaphore(%arg8 : memref<!tpu.dma_semaphore, #tpu.memory_space<semaphore_mem>>) {add = true}
      %gt3A_86 = arith.constant 0 : i32
      %gt3A_87 = arith.cmpi sgt, %scan3A_75, %gt3A_86 : i32
      %convert_element_type3A_88 = arith.extui %gt3A_87 : i1 to i32
      %cond3A_89 = arith.constant 0 : i32
      %cond3A_90 = arith.cmpi ne, %convert_element_type3A_88, %cond3A_89 : i32
      scf.if %cond3A_90 {
        %sub3A = arith.constant 2 : i32
        %sub3A_98 = arith.subi %mul3A_77, %sub3A : i32
        %add3A_99 = arith.constant 1 : i32
        %add3A_100 = arith.addi %sub3A_98, %add3A_99 : i32
        %dma_wait3A_101 = arith.constant 0 : i32
        %dma_wait3A_102 = tpu.memref_slice %arg4[%add3A_100, %dma_wait3A_101] : memref<80x128xi32, #tpu.memory_space<vmem>> -> memref<1x128xi32, #tpu.memory_space<vmem>>
        %dma_wait3A_103 = tpu.memref_squeeze %dma_wait3A_102 : memref<1x128xi32, #tpu.memory_space<vmem>> -> memref<128xi32, #tpu.memory_space<vmem>>
        %dma_wait3A_104 = arith.constant 0 : i32
        %dma_wait3A_105 = tpu.memref_slice %arg7[%dma_wait3A_104] : memref<10240xf32, #tpu.memory_space<vmem_shared>> -> memref<10240xf32, #tpu.memory_space<vmem_shared>>
        tpu.wait_indirect_dma semaphore(%arg9 : memref<!tpu.dma_semaphore, #tpu.memory_space<semaphore_mem>>) src(%arg5 : memref<128xf32, #tpu.memory_space<vmem>>) dst(%dma_wait3A_105 : memref<10240xf32, #tpu.memory_space<vmem_shared>>)
      } else {
      }
      %add3A_91 = arith.constant 1 : i32
      %add3A_92 = arith.addi %mul3A_77, %add3A_91 : i32
      %dma_start3A_93 = arith.constant 0 : i32
      %dma_start3A_94 = tpu.memref_slice %arg4[%add3A_92, %dma_start3A_93] : memref<80x128xi32, #tpu.memory_space<vmem>> -> memref<1x128xi32, #tpu.memory_space<vmem>>
      %dma_start3A_95 = tpu.memref_squeeze %dma_start3A_94 : memref<1x128xi32, #tpu.memory_space<vmem>> -> memref<128xi32, #tpu.memory_space<vmem>>
      %dma_start3A_96 = arith.constant 0 : i32
      %dma_start3A_97 = tpu.memref_slice %arg7[%dma_start3A_96] : memref<10240xf32, #tpu.memory_space<vmem_shared>> -> memref<10240xf32, #tpu.memory_space<vmem_shared>>
      tpu.enqueue_indirect_dma source(%arg5 : memref<128xf32, #tpu.memory_space<vmem>>) target(%dma_start3A_97 : memref<10240xf32, #tpu.memory_space<vmem_shared>>) offsets(%dma_start3A_95 : memref<128xi32, #tpu.memory_space<vmem>>) semaphore(%arg9 : memref<!tpu.dma_semaphore, #tpu.memory_space<semaphore_mem>>) {add = true}
    }
    %scan3A_59 = arith.constant 40 : i32
    %dma_wait3A = arith.constant 78 : i32
    %dma_wait3A_60 = arith.constant 0 : i32
    %dma_wait3A_61 = tpu.memref_slice %arg4[%dma_wait3A, %dma_wait3A_60] : memref<80x128xi32, #tpu.memory_space<vmem>> -> memref<1x128xi32, #tpu.memory_space<vmem>>
    %dma_wait3A_62 = tpu.memref_squeeze %dma_wait3A_61 : memref<1x128xi32, #tpu.memory_space<vmem>> -> memref<128xi32, #tpu.memory_space<vmem>>
    %dma_wait3A_63 = arith.constant 0 : i32
    %dma_wait3A_64 = tpu.memref_slice %arg7[%dma_wait3A_63] : memref<10240xf32, #tpu.memory_space<vmem_shared>> -> memref<10240xf32, #tpu.memory_space<vmem_shared>>
    tpu.wait_indirect_dma semaphore(%arg8 : memref<!tpu.dma_semaphore, #tpu.memory_space<semaphore_mem>>) src(%arg5 : memref<128xf32, #tpu.memory_space<vmem>>) dst(%dma_wait3A_64 : memref<10240xf32, #tpu.memory_space<vmem_shared>>)
    %dma_wait3A_65 = arith.constant 79 : i32
    %dma_wait3A_66 = arith.constant 0 : i32
    %dma_wait3A_67 = tpu.memref_slice %arg4[%dma_wait3A_65, %dma_wait3A_66] : memref<80x128xi32, #tpu.memory_space<vmem>> -> memref<1x128xi32, #tpu.memory_space<vmem>>
    %dma_wait3A_68 = tpu.memref_squeeze %dma_wait3A_67 : memref<1x128xi32, #tpu.memory_space<vmem>> -> memref<128xi32, #tpu.memory_space<vmem>>
    %dma_wait3A_69 = arith.constant 0 : i32
    %dma_wait3A_70 = tpu.memref_slice %arg7[%dma_wait3A_69] : memref<10240xf32, #tpu.memory_space<vmem_shared>> -> memref<10240xf32, #tpu.memory_space<vmem_shared>>
    tpu.wait_indirect_dma semaphore(%arg9 : memref<!tpu.dma_semaphore, #tpu.memory_space<semaphore_mem>>) src(%arg5 : memref<128xf32, #tpu.memory_space<vmem>>) dst(%dma_wait3A_70 : memref<10240xf32, #tpu.memory_space<vmem_shared>>)
    %barrier3A_71 = arith.constant 0 : index
    tpu.barrier barrier_id(%barrier3A_71)
    "tpu.region"() ({
      %run_scoped3A = tpu.sem_alloc : memref<!tpu.dma_semaphore, #tpu.memory_space<semaphore_mem>>
      %dma_start3A = tpu.memref_slice %arg7[%mul3A_2] : memref<10240xf32, #tpu.memory_space<vmem_shared>> -> memref<640xf32, #tpu.memory_space<vmem_shared>>
      %dma_start3A_75 = tpu.memref_slice %arg7[%mul3A_2] : memref<10240xf32, #tpu.memory_space<vmem_shared>> -> memref<640xf32, #tpu.memory_space<vmem_shared>>
      tpu.enqueue_dma source(%dma_start3A_75 : memref<640xf32, #tpu.memory_space<vmem_shared>>) target(%arg6 : memref<640xf32, #tpu.memory_space<vmem>>) target_semaphore(%run_scoped3A : memref<!tpu.dma_semaphore, #tpu.memory_space<semaphore_mem>>)
      %dma_wait3A_76 = tpu.memref_slice %arg7[%mul3A_2] : memref<10240xf32, #tpu.memory_space<vmem_shared>> -> memref<640xf32, #tpu.memory_space<vmem_shared>>
      %dma_wait3A_77 = tpu.memref_slice %arg7[%mul3A_2] : memref<10240xf32, #tpu.memory_space<vmem_shared>> -> memref<640xf32, #tpu.memory_space<vmem_shared>>
      tpu.wait_dma2 semaphore(%run_scoped3A : memref<!tpu.dma_semaphore, #tpu.memory_space<semaphore_mem>>) src(%dma_wait3A_77 : memref<640xf32, #tpu.memory_space<vmem_shared>>) dst(%arg6 : memref<640xf32, #tpu.memory_space<vmem>>)
      tpu.yield
    }) : () -> ()
    %mul3A_72 = arith.constant 10240 : i32
    %mul3A_73 = arith.muli %arg0, %mul3A_72 : i32
    %add3A_74 = arith.addi %mul3A_73, %mul3A_2 : i32
    "tpu.region"() ({
      %run_scoped3A = tpu.sem_alloc : memref<!tpu.dma_semaphore, #tpu.memory_space<semaphore_mem>>
      %dma_start3A = tpu.memref_slice %arg3[%add3A_74] : memref<20480xf32, #tpu.memory_space<hbm>> -> memref<640xf32, #tpu.memory_space<hbm>>
      %dma_start3A_75 = tpu.memref_slice %arg3[%add3A_74] : memref<20480xf32, #tpu.memory_space<hbm>> -> memref<640xf32, #tpu.memory_space<hbm>>
      tpu.enqueue_dma source(%arg6 : memref<640xf32, #tpu.memory_space<vmem>>) target(%dma_start3A_75 : memref<640xf32, #tpu.memory_space<hbm>>) target_semaphore(%run_scoped3A : memref<!tpu.dma_semaphore, #tpu.memory_space<semaphore_mem>>)
      %dma_wait3A_76 = tpu.memref_slice %arg3[%add3A_74] : memref<20480xf32, #tpu.memory_space<hbm>> -> memref<640xf32, #tpu.memory_space<hbm>>
      %dma_wait3A_77 = tpu.memref_slice %arg3[%add3A_74] : memref<20480xf32, #tpu.memory_space<hbm>> -> memref<640xf32, #tpu.memory_space<hbm>>
      tpu.wait_dma2 semaphore(%run_scoped3A : memref<!tpu.dma_semaphore, #tpu.memory_space<semaphore_mem>>) src(%arg6 : memref<640xf32, #tpu.memory_space<vmem>>) dst(%dma_wait3A_77 : memref<640xf32, #tpu.memory_space<hbm>>)
      tpu.yield
    }) : () -> ()
    return
  }
}

#map = affine_map<(d0, d1) -> (0, 0)>
#map1 = affine_map<(d0, d1) -> (0, 0, 0)>
module attributes {stable_mosaic.version = 14 : i64} {
  func.func @agg(%arg0: i32, %arg1: i32, %arg2: memref<10000x64xf32, #tpu.memory_space<hbm>>, %arg3: memref<32x80x128xi32, #tpu.memory_space<hbm>>, %arg4: memref<32x80x128xi32, #tpu.memory_space<hbm>>, %arg5: memref<2x10112x64xf32, #tpu.memory_space<hbm>>, %arg6: memref<40x128xi32, #tpu.memory_space<vmem>>, %arg7: memref<40x128xi32, #tpu.memory_space<vmem>>, %arg8: memref<2x128x64xf32, #tpu.memory_space<vmem>>, %arg9: memref<10112x64xf32, #tpu.memory_space<vmem_shared>>, %arg10: memref<!tpu.dma_semaphore, #tpu.memory_space<semaphore_mem>>, %arg11: memref<!tpu.dma_semaphore, #tpu.memory_space<semaphore_mem>>, %arg12: memref<!tpu.dma_semaphore, #tpu.memory_space<semaphore_mem>>, %arg13: memref<!tpu.dma_semaphore, #tpu.memory_space<semaphore_mem>>) attributes {dimension_semantics = [#tpu.dimension_semantics<core_parallel>, #tpu.dimension_semantics<subcore_parallel>], iteration_bounds = array<i64: 2, 16>, scalar_prefetch = 0 : i64, scratch_operands = 8 : i64, tpu.core_type = #tpu.core_type<sc_vector_subcore>, window_params = [{transform_indices = #map}, {transform_indices = #map1}, {transform_indices = #map1}, {transform_indices = #map1}]} {
    %mul3A = arith.constant 16 : i32
    %mul3A_0 = arith.muli %arg0, %mul3A : i32
    %add3A = arith.addi %mul3A_0, %arg1 : i32
    %mul3A_1 = arith.constant 632 : i32
    %mul3A_2 = arith.muli %arg1, %mul3A_1 : i32
    %scan3A = arith.constant 0 : i32
    %scan3A_3 = arith.constant 0 : i32
    %scan3A_4 = arith.constant 128 : i32
    %scan3A_5 = arith.addi %scan3A_3, %scan3A_4 : i32
    %scan3A_6 = arith.constant 1 : i32
    scf.for %scan3A_83 = %scan3A_3 to %scan3A_5 step %scan3A_6  : i32 {
      %broadcast_in_dim3A = arith.constant 0.000000e+00 : f32
      %broadcast_in_dim3A_84 = vector.broadcast %broadcast_in_dim3A : f32 to vector<16xf32>
      %swap3A = arith.constant 0 : i32
      %swap3A_85 = arith.index_cast %swap3A : i32 to index
      %swap3A_86 = arith.index_cast %scan3A_83 : i32 to index
      %swap3A_87 = arith.constant 0 : index
      %swap3A_88 = tpu.vector_load %arg8[%swap3A_85, %swap3A_86, %swap3A_87] {strides = array<i32>} : memref<2x128x64xf32, #tpu.memory_space<vmem>>, vector<1x1x16xf32>,
      %swap3A_89 = vector.shape_cast %swap3A_88 : vector<1x1x16xf32> to vector<16xf32>
      %swap3A_90 = vector.shape_cast %broadcast_in_dim3A_84 : vector<16xf32> to vector<1x1x16xf32>
      tpu.vector_store %arg8[%swap3A_85, %swap3A_86, %swap3A_87], %swap3A_90 {strides = array<i32>} : memref<2x128x64xf32, #tpu.memory_space<vmem>>, vector<1x1x16xf32>,
      %broadcast_in_dim3A_91 = arith.constant 0.000000e+00 : f32
      %broadcast_in_dim3A_92 = vector.broadcast %broadcast_in_dim3A_91 : f32 to vector<16xf32>
      %swap3A_93 = arith.constant 0 : i32
      %swap3A_94 = arith.index_cast %swap3A_93 : i32 to index
      %swap3A_95 = arith.index_cast %scan3A_83 : i32 to index
      %swap3A_96 = arith.constant 16 : index
      %swap3A_97 = tpu.vector_load %arg8[%swap3A_94, %swap3A_95, %swap3A_96] {strides = array<i32>} : memref<2x128x64xf32, #tpu.memory_space<vmem>>, vector<1x1x16xf32>,
      %swap3A_98 = vector.shape_cast %swap3A_97 : vector<1x1x16xf32> to vector<16xf32>
      %swap3A_99 = vector.shape_cast %broadcast_in_dim3A_92 : vector<16xf32> to vector<1x1x16xf32>
      tpu.vector_store %arg8[%swap3A_94, %swap3A_95, %swap3A_96], %swap3A_99 {strides = array<i32>} : memref<2x128x64xf32, #tpu.memory_space<vmem>>, vector<1x1x16xf32>,
      %broadcast_in_dim3A_100 = arith.constant 0.000000e+00 : f32
      %broadcast_in_dim3A_101 = vector.broadcast %broadcast_in_dim3A_100 : f32 to vector<16xf32>
      %swap3A_102 = arith.constant 0 : i32
      %swap3A_103 = arith.index_cast %swap3A_102 : i32 to index
      %swap3A_104 = arith.index_cast %scan3A_83 : i32 to index
      %swap3A_105 = arith.constant 32 : index
      %swap3A_106 = tpu.vector_load %arg8[%swap3A_103, %swap3A_104, %swap3A_105] {strides = array<i32>} : memref<2x128x64xf32, #tpu.memory_space<vmem>>, vector<1x1x16xf32>,
      %swap3A_107 = vector.shape_cast %swap3A_106 : vector<1x1x16xf32> to vector<16xf32>
      %swap3A_108 = vector.shape_cast %broadcast_in_dim3A_101 : vector<16xf32> to vector<1x1x16xf32>
      tpu.vector_store %arg8[%swap3A_103, %swap3A_104, %swap3A_105], %swap3A_108 {strides = array<i32>} : memref<2x128x64xf32, #tpu.memory_space<vmem>>, vector<1x1x16xf32>,
      %broadcast_in_dim3A_109 = arith.constant 0.000000e+00 : f32
      %broadcast_in_dim3A_110 = vector.broadcast %broadcast_in_dim3A_109 : f32 to vector<16xf32>
      %swap3A_111 = arith.constant 0 : i32
      %swap3A_112 = arith.index_cast %swap3A_111 : i32 to index
      %swap3A_113 = arith.index_cast %scan3A_83 : i32 to index
      %swap3A_114 = arith.constant 48 : index
      %swap3A_115 = tpu.vector_load %arg8[%swap3A_112, %swap3A_113, %swap3A_114] {strides = array<i32>} : memref<2x128x64xf32, #tpu.memory_space<vmem>>, vector<1x1x16xf32>,
      %swap3A_116 = vector.shape_cast %swap3A_115 : vector<1x1x16xf32> to vector<16xf32>
      %swap3A_117 = vector.shape_cast %broadcast_in_dim3A_110 : vector<16xf32> to vector<1x1x16xf32>
      tpu.vector_store %arg8[%swap3A_112, %swap3A_113, %swap3A_114], %swap3A_117 {strides = array<i32>} : memref<2x128x64xf32, #tpu.memory_space<vmem>>, vector<1x1x16xf32>,
    }
    %scan3A_7 = arith.constant 128 : i32
    %add3A_8 = arith.constant 0 : i32
    %add3A_9 = arith.addi %mul3A_2, %add3A_8 : i32
    %run_scoped3A = arith.constant 0 : i32
    "tpu.region"() ({
      %run_scoped3A_83 = tpu.sem_alloc : memref<!tpu.dma_semaphore, #tpu.memory_space<semaphore_mem>>
      %dma_start3A = arith.constant 0 : i32
      %dma_start3A_84 = arith.constant 0 : i32
      %dma_start3A_85 = tpu.memref_slice %arg8[%run_scoped3A, %dma_start3A, %dma_start3A_84] : memref<2x128x64xf32, #tpu.memory_space<vmem>> -> memref<1x128x64xf32, #tpu.memory_space<vmem>>
      %dma_start3A_86 = tpu.memref_squeeze %dma_start3A_85 : memref<1x128x64xf32, #tpu.memory_space<vmem>> -> memref<128x64xf32, #tpu.memory_space<vmem>>
      %dma_start3A_87 = arith.constant 0 : i32
      %dma_start3A_88 = tpu.memref_slice %arg9[%add3A_9, %dma_start3A_87] : memref<10112x64xf32, #tpu.memory_space<vmem_shared>> -> memref<128x64xf32, #tpu.memory_space<vmem_shared>>
      %dma_start3A_89 = arith.constant 0 : i32
      %dma_start3A_90 = tpu.memref_slice %arg9[%add3A_9, %dma_start3A_89] : memref<10112x64xf32, #tpu.memory_space<vmem_shared>> -> memref<128x64xf32, #tpu.memory_space<vmem_shared>>
      %dma_start3A_91 = arith.constant 0 : i32
      %dma_start3A_92 = arith.constant 0 : i32
      %dma_start3A_93 = tpu.memref_slice %arg8[%run_scoped3A, %dma_start3A_91, %dma_start3A_92] : memref<2x128x64xf32, #tpu.memory_space<vmem>> -> memref<1x128x64xf32, #tpu.memory_space<vmem>>
      %dma_start3A_94 = tpu.memref_squeeze %dma_start3A_93 : memref<1x128x64xf32, #tpu.memory_space<vmem>> -> memref<128x64xf32, #tpu.memory_space<vmem>>
      tpu.enqueue_dma source(%dma_start3A_94 : memref<128x64xf32, #tpu.memory_space<vmem>>) target(%dma_start3A_90 : memref<128x64xf32, #tpu.memory_space<vmem_shared>>) target_semaphore(%run_scoped3A_83 : memref<!tpu.dma_semaphore, #tpu.memory_space<semaphore_mem>>)
      %dma_wait3A_95 = arith.constant 0 : i32
      %dma_wait3A_96 = arith.constant 0 : i32
      %dma_wait3A_97 = tpu.memref_slice %arg8[%run_scoped3A, %dma_wait3A_95, %dma_wait3A_96] : memref<2x128x64xf32, #tpu.memory_space<vmem>> -> memref<1x128x64xf32, #tpu.memory_space<vmem>>
      %dma_wait3A_98 = tpu.memref_squeeze %dma_wait3A_97 : memref<1x128x64xf32, #tpu.memory_space<vmem>> -> memref<128x64xf32, #tpu.memory_space<vmem>>
      %dma_wait3A_99 = arith.constant 0 : i32
      %dma_wait3A_100 = tpu.memref_slice %arg9[%add3A_9, %dma_wait3A_99] : memref<10112x64xf32, #tpu.memory_space<vmem_shared>> -> memref<128x64xf32, #tpu.memory_space<vmem_shared>>
      %dma_wait3A_101 = arith.constant 0 : i32
      %dma_wait3A_102 = tpu.memref_slice %arg9[%add3A_9, %dma_wait3A_101] : memref<10112x64xf32, #tpu.memory_space<vmem_shared>> -> memref<128x64xf32, #tpu.memory_space<vmem_shared>>
      %dma_wait3A_103 = arith.constant 0 : i32
      %dma_wait3A_104 = arith.constant 0 : i32
      %dma_wait3A_105 = tpu.memref_slice %arg8[%run_scoped3A, %dma_wait3A_103, %dma_wait3A_104] : memref<2x128x64xf32, #tpu.memory_space<vmem>> -> memref<1x128x64xf32, #tpu.memory_space<vmem>>
      %dma_wait3A_106 = tpu.memref_squeeze %dma_wait3A_105 : memref<1x128x64xf32, #tpu.memory_space<vmem>> -> memref<128x64xf32, #tpu.memory_space<vmem>>
      tpu.wait_dma2 semaphore(%run_scoped3A_83 : memref<!tpu.dma_semaphore, #tpu.memory_space<semaphore_mem>>) src(%dma_wait3A_106 : memref<128x64xf32, #tpu.memory_space<vmem>>) dst(%dma_wait3A_102 : memref<128x64xf32, #tpu.memory_space<vmem_shared>>)
      tpu.yield
    }) : () -> ()
    %add3A_10 = arith.constant 128 : i32
    %add3A_11 = arith.addi %mul3A_2, %add3A_10 : i32
    %run_scoped3A_12 = arith.constant 0 : i32
    "tpu.region"() ({
      %run_scoped3A_83 = tpu.sem_alloc : memref<!tpu.dma_semaphore, #tpu.memory_space<semaphore_mem>>
      %dma_start3A = arith.constant 0 : i32
      %dma_start3A_84 = arith.constant 0 : i32
      %dma_start3A_85 = tpu.memref_slice %arg8[%run_scoped3A_12, %dma_start3A, %dma_start3A_84] : memref<2x128x64xf32, #tpu.memory_space<vmem>> -> memref<1x128x64xf32, #tpu.memory_space<vmem>>
      %dma_start3A_86 = tpu.memref_squeeze %dma_start3A_85 : memref<1x128x64xf32, #tpu.memory_space<vmem>> -> memref<128x64xf32, #tpu.memory_space<vmem>>
      %dma_start3A_87 = arith.constant 0 : i32
      %dma_start3A_88 = tpu.memref_slice %arg9[%add3A_11, %dma_start3A_87] : memref<10112x64xf32, #tpu.memory_space<vmem_shared>> -> memref<128x64xf32, #tpu.memory_space<vmem_shared>>
      %dma_start3A_89 = arith.constant 0 : i32
      %dma_start3A_90 = tpu.memref_slice %arg9[%add3A_11, %dma_start3A_89] : memref<10112x64xf32, #tpu.memory_space<vmem_shared>> -> memref<128x64xf32, #tpu.memory_space<vmem_shared>>
      %dma_start3A_91 = arith.constant 0 : i32
      %dma_start3A_92 = arith.constant 0 : i32
      %dma_start3A_93 = tpu.memref_slice %arg8[%run_scoped3A_12, %dma_start3A_91, %dma_start3A_92] : memref<2x128x64xf32, #tpu.memory_space<vmem>> -> memref<1x128x64xf32, #tpu.memory_space<vmem>>
      %dma_start3A_94 = tpu.memref_squeeze %dma_start3A_93 : memref<1x128x64xf32, #tpu.memory_space<vmem>> -> memref<128x64xf32, #tpu.memory_space<vmem>>
      tpu.enqueue_dma source(%dma_start3A_94 : memref<128x64xf32, #tpu.memory_space<vmem>>) target(%dma_start3A_90 : memref<128x64xf32, #tpu.memory_space<vmem_shared>>) target_semaphore(%run_scoped3A_83 : memref<!tpu.dma_semaphore, #tpu.memory_space<semaphore_mem>>)
      %dma_wait3A_95 = arith.constant 0 : i32
      %dma_wait3A_96 = arith.constant 0 : i32
      %dma_wait3A_97 = tpu.memref_slice %arg8[%run_scoped3A_12, %dma_wait3A_95, %dma_wait3A_96] : memref<2x128x64xf32, #tpu.memory_space<vmem>> -> memref<1x128x64xf32, #tpu.memory_space<vmem>>
      %dma_wait3A_98 = tpu.memref_squeeze %dma_wait3A_97 : memref<1x128x64xf32, #tpu.memory_space<vmem>> -> memref<128x64xf32, #tpu.memory_space<vmem>>
      %dma_wait3A_99 = arith.constant 0 : i32
      %dma_wait3A_100 = tpu.memref_slice %arg9[%add3A_11, %dma_wait3A_99] : memref<10112x64xf32, #tpu.memory_space<vmem_shared>> -> memref<128x64xf32, #tpu.memory_space<vmem_shared>>
      %dma_wait3A_101 = arith.constant 0 : i32
      %dma_wait3A_102 = tpu.memref_slice %arg9[%add3A_11, %dma_wait3A_101] : memref<10112x64xf32, #tpu.memory_space<vmem_shared>> -> memref<128x64xf32, #tpu.memory_space<vmem_shared>>
      %dma_wait3A_103 = arith.constant 0 : i32
      %dma_wait3A_104 = arith.constant 0 : i32
      %dma_wait3A_105 = tpu.memref_slice %arg8[%run_scoped3A_12, %dma_wait3A_103, %dma_wait3A_104] : memref<2x128x64xf32, #tpu.memory_space<vmem>> -> memref<1x128x64xf32, #tpu.memory_space<vmem>>
      %dma_wait3A_106 = tpu.memref_squeeze %dma_wait3A_105 : memref<1x128x64xf32, #tpu.memory_space<vmem>> -> memref<128x64xf32, #tpu.memory_space<vmem>>
      tpu.wait_dma2 semaphore(%run_scoped3A_83 : memref<!tpu.dma_semaphore, #tpu.memory_space<semaphore_mem>>) src(%dma_wait3A_106 : memref<128x64xf32, #tpu.memory_space<vmem>>) dst(%dma_wait3A_102 : memref<128x64xf32, #tpu.memory_space<vmem_shared>>)
      tpu.yield
    }) : () -> ()
    %add3A_13 = arith.constant 256 : i32
    %add3A_14 = arith.addi %mul3A_2, %add3A_13 : i32
    %run_scoped3A_15 = arith.constant 0 : i32
    "tpu.region"() ({
      %run_scoped3A_83 = tpu.sem_alloc : memref<!tpu.dma_semaphore, #tpu.memory_space<semaphore_mem>>
      %dma_start3A = arith.constant 0 : i32
      %dma_start3A_84 = arith.constant 0 : i32
      %dma_start3A_85 = tpu.memref_slice %arg8[%run_scoped3A_15, %dma_start3A, %dma_start3A_84] : memref<2x128x64xf32, #tpu.memory_space<vmem>> -> memref<1x128x64xf32, #tpu.memory_space<vmem>>
      %dma_start3A_86 = tpu.memref_squeeze %dma_start3A_85 : memref<1x128x64xf32, #tpu.memory_space<vmem>> -> memref<128x64xf32, #tpu.memory_space<vmem>>
      %dma_start3A_87 = arith.constant 0 : i32
      %dma_start3A_88 = tpu.memref_slice %arg9[%add3A_14, %dma_start3A_87] : memref<10112x64xf32, #tpu.memory_space<vmem_shared>> -> memref<128x64xf32, #tpu.memory_space<vmem_shared>>
      %dma_start3A_89 = arith.constant 0 : i32
      %dma_start3A_90 = tpu.memref_slice %arg9[%add3A_14, %dma_start3A_89] : memref<10112x64xf32, #tpu.memory_space<vmem_shared>> -> memref<128x64xf32, #tpu.memory_space<vmem_shared>>
      %dma_start3A_91 = arith.constant 0 : i32
      %dma_start3A_92 = arith.constant 0 : i32
      %dma_start3A_93 = tpu.memref_slice %arg8[%run_scoped3A_15, %dma_start3A_91, %dma_start3A_92] : memref<2x128x64xf32, #tpu.memory_space<vmem>> -> memref<1x128x64xf32, #tpu.memory_space<vmem>>
      %dma_start3A_94 = tpu.memref_squeeze %dma_start3A_93 : memref<1x128x64xf32, #tpu.memory_space<vmem>> -> memref<128x64xf32, #tpu.memory_space<vmem>>
      tpu.enqueue_dma source(%dma_start3A_94 : memref<128x64xf32, #tpu.memory_space<vmem>>) target(%dma_start3A_90 : memref<128x64xf32, #tpu.memory_space<vmem_shared>>) target_semaphore(%run_scoped3A_83 : memref<!tpu.dma_semaphore, #tpu.memory_space<semaphore_mem>>)
      %dma_wait3A_95 = arith.constant 0 : i32
      %dma_wait3A_96 = arith.constant 0 : i32
      %dma_wait3A_97 = tpu.memref_slice %arg8[%run_scoped3A_15, %dma_wait3A_95, %dma_wait3A_96] : memref<2x128x64xf32, #tpu.memory_space<vmem>> -> memref<1x128x64xf32, #tpu.memory_space<vmem>>
      %dma_wait3A_98 = tpu.memref_squeeze %dma_wait3A_97 : memref<1x128x64xf32, #tpu.memory_space<vmem>> -> memref<128x64xf32, #tpu.memory_space<vmem>>
      %dma_wait3A_99 = arith.constant 0 : i32
      %dma_wait3A_100 = tpu.memref_slice %arg9[%add3A_14, %dma_wait3A_99] : memref<10112x64xf32, #tpu.memory_space<vmem_shared>> -> memref<128x64xf32, #tpu.memory_space<vmem_shared>>
      %dma_wait3A_101 = arith.constant 0 : i32
      %dma_wait3A_102 = tpu.memref_slice %arg9[%add3A_14, %dma_wait3A_101] : memref<10112x64xf32, #tpu.memory_space<vmem_shared>> -> memref<128x64xf32, #tpu.memory_space<vmem_shared>>
      %dma_wait3A_103 = arith.constant 0 : i32
      %dma_wait3A_104 = arith.constant 0 : i32
      %dma_wait3A_105 = tpu.memref_slice %arg8[%run_scoped3A_15, %dma_wait3A_103, %dma_wait3A_104] : memref<2x128x64xf32, #tpu.memory_space<vmem>> -> memref<1x128x64xf32, #tpu.memory_space<vmem>>
      %dma_wait3A_106 = tpu.memref_squeeze %dma_wait3A_105 : memref<1x128x64xf32, #tpu.memory_space<vmem>> -> memref<128x64xf32, #tpu.memory_space<vmem>>
      tpu.wait_dma2 semaphore(%run_scoped3A_83 : memref<!tpu.dma_semaphore, #tpu.memory_space<semaphore_mem>>) src(%dma_wait3A_106 : memref<128x64xf32, #tpu.memory_space<vmem>>) dst(%dma_wait3A_102 : memref<128x64xf32, #tpu.memory_space<vmem_shared>>)
      tpu.yield
    }) : () -> ()
    %add3A_16 = arith.constant 384 : i32
    %add3A_17 = arith.addi %mul3A_2, %add3A_16 : i32
    %run_scoped3A_18 = arith.constant 0 : i32
    "tpu.region"() ({
      %run_scoped3A_83 = tpu.sem_alloc : memref<!tpu.dma_semaphore, #tpu.memory_space<semaphore_mem>>
      %dma_start3A = arith.constant 0 : i32
      %dma_start3A_84 = arith.constant 0 : i32
      %dma_start3A_85 = tpu.memref_slice %arg8[%run_scoped3A_18, %dma_start3A, %dma_start3A_84] : memref<2x128x64xf32, #tpu.memory_space<vmem>> -> memref<1x128x64xf32, #tpu.memory_space<vmem>>
      %dma_start3A_86 = tpu.memref_squeeze %dma_start3A_85 : memref<1x128x64xf32, #tpu.memory_space<vmem>> -> memref<128x64xf32, #tpu.memory_space<vmem>>
      %dma_start3A_87 = arith.constant 0 : i32
      %dma_start3A_88 = tpu.memref_slice %arg9[%add3A_17, %dma_start3A_87] : memref<10112x64xf32, #tpu.memory_space<vmem_shared>> -> memref<128x64xf32, #tpu.memory_space<vmem_shared>>
      %dma_start3A_89 = arith.constant 0 : i32
      %dma_start3A_90 = tpu.memref_slice %arg9[%add3A_17, %dma_start3A_89] : memref<10112x64xf32, #tpu.memory_space<vmem_shared>> -> memref<128x64xf32, #tpu.memory_space<vmem_shared>>
      %dma_start3A_91 = arith.constant 0 : i32
      %dma_start3A_92 = arith.constant 0 : i32
      %dma_start3A_93 = tpu.memref_slice %arg8[%run_scoped3A_18, %dma_start3A_91, %dma_start3A_92] : memref<2x128x64xf32, #tpu.memory_space<vmem>> -> memref<1x128x64xf32, #tpu.memory_space<vmem>>
      %dma_start3A_94 = tpu.memref_squeeze %dma_start3A_93 : memref<1x128x64xf32, #tpu.memory_space<vmem>> -> memref<128x64xf32, #tpu.memory_space<vmem>>
      tpu.enqueue_dma source(%dma_start3A_94 : memref<128x64xf32, #tpu.memory_space<vmem>>) target(%dma_start3A_90 : memref<128x64xf32, #tpu.memory_space<vmem_shared>>) target_semaphore(%run_scoped3A_83 : memref<!tpu.dma_semaphore, #tpu.memory_space<semaphore_mem>>)
      %dma_wait3A_95 = arith.constant 0 : i32
      %dma_wait3A_96 = arith.constant 0 : i32
      %dma_wait3A_97 = tpu.memref_slice %arg8[%run_scoped3A_18, %dma_wait3A_95, %dma_wait3A_96] : memref<2x128x64xf32, #tpu.memory_space<vmem>> -> memref<1x128x64xf32, #tpu.memory_space<vmem>>
      %dma_wait3A_98 = tpu.memref_squeeze %dma_wait3A_97 : memref<1x128x64xf32, #tpu.memory_space<vmem>> -> memref<128x64xf32, #tpu.memory_space<vmem>>
      %dma_wait3A_99 = arith.constant 0 : i32
      %dma_wait3A_100 = tpu.memref_slice %arg9[%add3A_17, %dma_wait3A_99] : memref<10112x64xf32, #tpu.memory_space<vmem_shared>> -> memref<128x64xf32, #tpu.memory_space<vmem_shared>>
      %dma_wait3A_101 = arith.constant 0 : i32
      %dma_wait3A_102 = tpu.memref_slice %arg9[%add3A_17, %dma_wait3A_101] : memref<10112x64xf32, #tpu.memory_space<vmem_shared>> -> memref<128x64xf32, #tpu.memory_space<vmem_shared>>
      %dma_wait3A_103 = arith.constant 0 : i32
      %dma_wait3A_104 = arith.constant 0 : i32
      %dma_wait3A_105 = tpu.memref_slice %arg8[%run_scoped3A_18, %dma_wait3A_103, %dma_wait3A_104] : memref<2x128x64xf32, #tpu.memory_space<vmem>> -> memref<1x128x64xf32, #tpu.memory_space<vmem>>
      %dma_wait3A_106 = tpu.memref_squeeze %dma_wait3A_105 : memref<1x128x64xf32, #tpu.memory_space<vmem>> -> memref<128x64xf32, #tpu.memory_space<vmem>>
      tpu.wait_dma2 semaphore(%run_scoped3A_83 : memref<!tpu.dma_semaphore, #tpu.memory_space<semaphore_mem>>) src(%dma_wait3A_106 : memref<128x64xf32, #tpu.memory_space<vmem>>) dst(%dma_wait3A_102 : memref<128x64xf32, #tpu.memory_space<vmem_shared>>)
      tpu.yield
    }) : () -> ()
    %add3A_19 = arith.constant 632 : i32
    %add3A_20 = arith.addi %mul3A_2, %add3A_19 : i32
    %sub3A = arith.constant 120 : i32
    %sub3A_21 = arith.subi %add3A_20, %sub3A : i32
    %run_scoped3A_22 = arith.constant 0 : i32
    "tpu.region"() ({
      %run_scoped3A_83 = tpu.sem_alloc : memref<!tpu.dma_semaphore, #tpu.memory_space<semaphore_mem>>
      %dma_start3A = arith.constant 0 : i32
      %dma_start3A_84 = arith.constant 0 : i32
      %dma_start3A_85 = tpu.memref_slice %arg8[%run_scoped3A_22, %dma_start3A, %dma_start3A_84] : memref<2x128x64xf32, #tpu.memory_space<vmem>> -> memref<1x120x64xf32, #tpu.memory_space<vmem>>
      %dma_start3A_86 = tpu.memref_squeeze %dma_start3A_85 : memref<1x120x64xf32, #tpu.memory_space<vmem>> -> memref<120x64xf32, #tpu.memory_space<vmem>>
      %dma_start3A_87 = arith.constant 0 : i32
      %dma_start3A_88 = tpu.memref_slice %arg9[%sub3A_21, %dma_start3A_87] : memref<10112x64xf32, #tpu.memory_space<vmem_shared>> -> memref<120x64xf32, #tpu.memory_space<vmem_shared>>
      %dma_start3A_89 = arith.constant 0 : i32
      %dma_start3A_90 = tpu.memref_slice %arg9[%sub3A_21, %dma_start3A_89] : memref<10112x64xf32, #tpu.memory_space<vmem_shared>> -> memref<120x64xf32, #tpu.memory_space<vmem_shared>>
      %dma_start3A_91 = arith.constant 0 : i32
      %dma_start3A_92 = arith.constant 0 : i32
      %dma_start3A_93 = tpu.memref_slice %arg8[%run_scoped3A_22, %dma_start3A_91, %dma_start3A_92] : memref<2x128x64xf32, #tpu.memory_space<vmem>> -> memref<1x120x64xf32, #tpu.memory_space<vmem>>
      %dma_start3A_94 = tpu.memref_squeeze %dma_start3A_93 : memref<1x120x64xf32, #tpu.memory_space<vmem>> -> memref<120x64xf32, #tpu.memory_space<vmem>>
      tpu.enqueue_dma source(%dma_start3A_94 : memref<120x64xf32, #tpu.memory_space<vmem>>) target(%dma_start3A_90 : memref<120x64xf32, #tpu.memory_space<vmem_shared>>) target_semaphore(%run_scoped3A_83 : memref<!tpu.dma_semaphore, #tpu.memory_space<semaphore_mem>>)
      %dma_wait3A_95 = arith.constant 0 : i32
      %dma_wait3A_96 = arith.constant 0 : i32
      %dma_wait3A_97 = tpu.memref_slice %arg8[%run_scoped3A_22, %dma_wait3A_95, %dma_wait3A_96] : memref<2x128x64xf32, #tpu.memory_space<vmem>> -> memref<1x120x64xf32, #tpu.memory_space<vmem>>
      %dma_wait3A_98 = tpu.memref_squeeze %dma_wait3A_97 : memref<1x120x64xf32, #tpu.memory_space<vmem>> -> memref<120x64xf32, #tpu.memory_space<vmem>>
      %dma_wait3A_99 = arith.constant 0 : i32
      %dma_wait3A_100 = tpu.memref_slice %arg9[%sub3A_21, %dma_wait3A_99] : memref<10112x64xf32, #tpu.memory_space<vmem_shared>> -> memref<120x64xf32, #tpu.memory_space<vmem_shared>>
      %dma_wait3A_101 = arith.constant 0 : i32
      %dma_wait3A_102 = tpu.memref_slice %arg9[%sub3A_21, %dma_wait3A_101] : memref<10112x64xf32, #tpu.memory_space<vmem_shared>> -> memref<120x64xf32, #tpu.memory_space<vmem_shared>>
      %dma_wait3A_103 = arith.constant 0 : i32
      %dma_wait3A_104 = arith.constant 0 : i32
      %dma_wait3A_105 = tpu.memref_slice %arg8[%run_scoped3A_22, %dma_wait3A_103, %dma_wait3A_104] : memref<2x128x64xf32, #tpu.memory_space<vmem>> -> memref<1x120x64xf32, #tpu.memory_space<vmem>>
      %dma_wait3A_106 = tpu.memref_squeeze %dma_wait3A_105 : memref<1x120x64xf32, #tpu.memory_space<vmem>> -> memref<120x64xf32, #tpu.memory_space<vmem>>
      tpu.wait_dma2 semaphore(%run_scoped3A_83 : memref<!tpu.dma_semaphore, #tpu.memory_space<semaphore_mem>>) src(%dma_wait3A_106 : memref<120x64xf32, #tpu.memory_space<vmem>>) dst(%dma_wait3A_102 : memref<120x64xf32, #tpu.memory_space<vmem_shared>>)
      tpu.yield
    }) : () -> ()
    %barrier3A = arith.constant 0 : index
    tpu.barrier barrier_id(%barrier3A)
    "tpu.region"() ({
      %run_scoped3A_83 = tpu.sem_alloc : memref<!tpu.dma_semaphore, #tpu.memory_space<semaphore_mem>>
      %dma_start3A = arith.constant 0 : i32
      %dma_start3A_84 = arith.constant 0 : i32
      %dma_start3A_85 = tpu.memref_slice %arg3[%add3A, %dma_start3A, %dma_start3A_84] : memref<32x80x128xi32, #tpu.memory_space<hbm>> -> memref<1x40x128xi32, #tpu.memory_space<hbm>>
      %dma_start3A_86 = tpu.memref_squeeze %dma_start3A_85 : memref<1x40x128xi32, #tpu.memory_space<hbm>> -> memref<40x128xi32, #tpu.memory_space<hbm>>
      %dma_start3A_87 = arith.constant 0 : i32
      %dma_start3A_88 = arith.constant 0 : i32
      %dma_start3A_89 = tpu.memref_slice %arg3[%add3A, %dma_start3A_87, %dma_start3A_88] : memref<32x80x128xi32, #tpu.memory_space<hbm>> -> memref<1x40x128xi32, #tpu.memory_space<hbm>>
      %dma_start3A_90 = tpu.memref_squeeze %dma_start3A_89 : memref<1x40x128xi32, #tpu.memory_space<hbm>> -> memref<40x128xi32, #tpu.memory_space<hbm>>
      tpu.enqueue_dma source(%dma_start3A_90 : memref<40x128xi32, #tpu.memory_space<hbm>>) target(%arg6 : memref<40x128xi32, #tpu.memory_space<vmem>>) target_semaphore(%run_scoped3A_83 : memref<!tpu.dma_semaphore, #tpu.memory_space<semaphore_mem>>)
      %dma_wait3A_91 = arith.constant 0 : i32
      %dma_wait3A_92 = arith.constant 0 : i32
      %dma_wait3A_93 = tpu.memref_slice %arg3[%add3A, %dma_wait3A_91, %dma_wait3A_92] : memref<32x80x128xi32, #tpu.memory_space<hbm>> -> memref<1x40x128xi32, #tpu.memory_space<hbm>>
      %dma_wait3A_94 = tpu.memref_squeeze %dma_wait3A_93 : memref<1x40x128xi32, #tpu.memory_space<hbm>> -> memref<40x128xi32, #tpu.memory_space<hbm>>
      %dma_wait3A_95 = arith.constant 0 : i32
      %dma_wait3A_96 = arith.constant 0 : i32
      %dma_wait3A_97 = tpu.memref_slice %arg3[%add3A, %dma_wait3A_95, %dma_wait3A_96] : memref<32x80x128xi32, #tpu.memory_space<hbm>> -> memref<1x40x128xi32, #tpu.memory_space<hbm>>
      %dma_wait3A_98 = tpu.memref_squeeze %dma_wait3A_97 : memref<1x40x128xi32, #tpu.memory_space<hbm>> -> memref<40x128xi32, #tpu.memory_space<hbm>>
      tpu.wait_dma2 semaphore(%run_scoped3A_83 : memref<!tpu.dma_semaphore, #tpu.memory_space<semaphore_mem>>) src(%dma_wait3A_98 : memref<40x128xi32, #tpu.memory_space<hbm>>) dst(%arg6 : memref<40x128xi32, #tpu.memory_space<vmem>>)
      tpu.yield
    }) : () -> ()
    "tpu.region"() ({
      %run_scoped3A_83 = tpu.sem_alloc : memref<!tpu.dma_semaphore, #tpu.memory_space<semaphore_mem>>
      %dma_start3A = arith.constant 0 : i32
      %dma_start3A_84 = arith.constant 0 : i32
      %dma_start3A_85 = tpu.memref_slice %arg4[%add3A, %dma_start3A, %dma_start3A_84] : memref<32x80x128xi32, #tpu.memory_space<hbm>> -> memref<1x40x128xi32, #tpu.memory_space<hbm>>
      %dma_start3A_86 = tpu.memref_squeeze %dma_start3A_85 : memref<1x40x128xi32, #tpu.memory_space<hbm>> -> memref<40x128xi32, #tpu.memory_space<hbm>>
      %dma_start3A_87 = arith.constant 0 : i32
      %dma_start3A_88 = arith.constant 0 : i32
      %dma_start3A_89 = tpu.memref_slice %arg4[%add3A, %dma_start3A_87, %dma_start3A_88] : memref<32x80x128xi32, #tpu.memory_space<hbm>> -> memref<1x40x128xi32, #tpu.memory_space<hbm>>
      %dma_start3A_90 = tpu.memref_squeeze %dma_start3A_89 : memref<1x40x128xi32, #tpu.memory_space<hbm>> -> memref<40x128xi32, #tpu.memory_space<hbm>>
      tpu.enqueue_dma source(%dma_start3A_90 : memref<40x128xi32, #tpu.memory_space<hbm>>) target(%arg7 : memref<40x128xi32, #tpu.memory_space<vmem>>) target_semaphore(%run_scoped3A_83 : memref<!tpu.dma_semaphore, #tpu.memory_space<semaphore_mem>>)
      %dma_wait3A_91 = arith.constant 0 : i32
      %dma_wait3A_92 = arith.constant 0 : i32
      %dma_wait3A_93 = tpu.memref_slice %arg4[%add3A, %dma_wait3A_91, %dma_wait3A_92] : memref<32x80x128xi32, #tpu.memory_space<hbm>> -> memref<1x40x128xi32, #tpu.memory_space<hbm>>
      %dma_wait3A_94 = tpu.memref_squeeze %dma_wait3A_93 : memref<1x40x128xi32, #tpu.memory_space<hbm>> -> memref<40x128xi32, #tpu.memory_space<hbm>>
      %dma_wait3A_95 = arith.constant 0 : i32
      %dma_wait3A_96 = arith.constant 0 : i32
      %dma_wait3A_97 = tpu.memref_slice %arg4[%add3A, %dma_wait3A_95, %dma_wait3A_96] : memref<32x80x128xi32, #tpu.memory_space<hbm>> -> memref<1x40x128xi32, #tpu.memory_space<hbm>>
      %dma_wait3A_98 = tpu.memref_squeeze %dma_wait3A_97 : memref<1x40x128xi32, #tpu.memory_space<hbm>> -> memref<40x128xi32, #tpu.memory_space<hbm>>
      tpu.wait_dma2 semaphore(%run_scoped3A_83 : memref<!tpu.dma_semaphore, #tpu.memory_space<semaphore_mem>>) src(%dma_wait3A_98 : memref<40x128xi32, #tpu.memory_space<hbm>>) dst(%arg7 : memref<40x128xi32, #tpu.memory_space<vmem>>)
      tpu.yield
    }) : () -> ()
    %scan3A_23 = arith.constant 0 : i32
    %scan3A_24 = arith.constant 0 : i32
    %scan3A_25 = arith.constant 20 : i32
    %scan3A_26 = arith.addi %scan3A_24, %scan3A_25 : i32
    %scan3A_27 = arith.constant 1 : i32
    scf.for %scan3A_83 = %scan3A_24 to %scan3A_26 step %scan3A_27  : i32 {
      %mul3A_84 = arith.constant 2 : i32
      %mul3A_85 = arith.muli %scan3A_83, %mul3A_84 : i32
      %gt3A = arith.constant 0 : i32
      %gt3A_86 = arith.cmpi sgt, %scan3A_83, %gt3A : i32
      %convert_element_type3A = arith.extui %gt3A_86 : i1 to i32
      %cond3A = arith.constant 0 : i32
      %cond3A_87 = arith.cmpi ne, %convert_element_type3A, %cond3A : i32
      scf.if %cond3A_87 {
        %sub3A_166 = arith.constant 2 : i32
        %sub3A_167 = arith.subi %mul3A_85, %sub3A_166 : i32
        %add3A_168 = arith.constant 0 : i32
        %add3A_169 = arith.addi %sub3A_167, %add3A_168 : i32
        %dma_wait3A_170 = arith.constant 0 : i32
        %dma_wait3A_171 = arith.constant 0 : i32
        %dma_wait3A_172 = arith.constant 0 : i32
        %dma_wait3A_173 = tpu.memref_slice %arg8[%dma_wait3A_170, %dma_wait3A_171, %dma_wait3A_172] : memref<2x128x64xf32, #tpu.memory_space<vmem>> -> memref<1x128x64xf32, #tpu.memory_space<vmem>>
        %dma_wait3A_174 = tpu.memref_squeeze %dma_wait3A_173 : memref<1x128x64xf32, #tpu.memory_space<vmem>> -> memref<128x64xf32, #tpu.memory_space<vmem>>
        %dma_wait3A_175 = arith.constant 0 : i32
        %dma_wait3A_176 = tpu.memref_slice %arg7[%add3A_169, %dma_wait3A_175] : memref<40x128xi32, #tpu.memory_space<vmem>> -> memref<1x128xi32, #tpu.memory_space<vmem>>
        %dma_wait3A_177 = tpu.memref_squeeze %dma_wait3A_176 : memref<1x128xi32, #tpu.memory_space<vmem>> -> memref<128xi32, #tpu.memory_space<vmem>>
        %dma_wait3A_178 = arith.constant 0 : i32
        %dma_wait3A_179 = arith.constant 0 : i32
        %dma_wait3A_180 = tpu.memref_slice %arg9[%dma_wait3A_178, %dma_wait3A_179] : memref<10112x64xf32, #tpu.memory_space<vmem_shared>> -> memref<10112x64xf32, #tpu.memory_space<vmem_shared>>
        tpu.wait_indirect_dma semaphore(%arg12 : memref<!tpu.dma_semaphore, #tpu.memory_space<semaphore_mem>>) src(%dma_wait3A_174 : memref<128x64xf32, #tpu.memory_space<vmem>>) dst(%dma_wait3A_180 : memref<10112x64xf32, #tpu.memory_space<vmem_shared>>)
      } else {
      }
      %add3A_88 = arith.constant 0 : i32
      %add3A_89 = arith.addi %mul3A_85, %add3A_88 : i32
      %dma_start3A = arith.constant 0 : i32
      %dma_start3A_90 = arith.constant 0 : i32
      %dma_start3A_91 = arith.constant 0 : i32
      %dma_start3A_92 = tpu.memref_slice %arg8[%dma_start3A, %dma_start3A_90, %dma_start3A_91] : memref<2x128x64xf32, #tpu.memory_space<vmem>> -> memref<1x128x64xf32, #tpu.memory_space<vmem>>
      %dma_start3A_93 = tpu.memref_squeeze %dma_start3A_92 : memref<1x128x64xf32, #tpu.memory_space<vmem>> -> memref<128x64xf32, #tpu.memory_space<vmem>>
      %dma_start3A_94 = arith.constant 0 : i32
      %dma_start3A_95 = tpu.memref_slice %arg6[%add3A_89, %dma_start3A_94] : memref<40x128xi32, #tpu.memory_space<vmem>> -> memref<1x128xi32, #tpu.memory_space<vmem>>
      %dma_start3A_96 = tpu.memref_squeeze %dma_start3A_95 : memref<1x128xi32, #tpu.memory_space<vmem>> -> memref<128xi32, #tpu.memory_space<vmem>>
      %dma_start3A_97 = arith.constant 0 : i32
      %dma_start3A_98 = arith.constant 0 : i32
      %dma_start3A_99 = tpu.memref_slice %arg2[%dma_start3A_97, %dma_start3A_98] : memref<10000x64xf32, #tpu.memory_space<hbm>> -> memref<10000x64xf32, #tpu.memory_space<hbm>>
      tpu.enqueue_indirect_dma source(%dma_start3A_99 : memref<10000x64xf32, #tpu.memory_space<hbm>>) target(%dma_start3A_93 : memref<128x64xf32, #tpu.memory_space<vmem>>) offsets(%dma_start3A_96 : memref<128xi32, #tpu.memory_space<vmem>>) semaphore(%arg10 : memref<!tpu.dma_semaphore, #tpu.memory_space<semaphore_mem>>)
      %gt3A_100 = arith.constant 0 : i32
      %gt3A_101 = arith.cmpi sgt, %scan3A_83, %gt3A_100 : i32
      %convert_element_type3A_102 = arith.extui %gt3A_101 : i1 to i32
      %cond3A_103 = arith.constant 0 : i32
      %cond3A_104 = arith.cmpi ne, %convert_element_type3A_102, %cond3A_103 : i32
      scf.if %cond3A_104 {
        %sub3A_166 = arith.constant 2 : i32
        %sub3A_167 = arith.subi %mul3A_85, %sub3A_166 : i32
        %add3A_168 = arith.constant 1 : i32
        %add3A_169 = arith.addi %sub3A_167, %add3A_168 : i32
        %dma_wait3A_170 = arith.constant 1 : i32
        %dma_wait3A_171 = arith.constant 0 : i32
        %dma_wait3A_172 = arith.constant 0 : i32
        %dma_wait3A_173 = tpu.memref_slice %arg8[%dma_wait3A_170, %dma_wait3A_171, %dma_wait3A_172] : memref<2x128x64xf32, #tpu.memory_space<vmem>> -> memref<1x128x64xf32, #tpu.memory_space<vmem>>
        %dma_wait3A_174 = tpu.memref_squeeze %dma_wait3A_173 : memref<1x128x64xf32, #tpu.memory_space<vmem>> -> memref<128x64xf32, #tpu.memory_space<vmem>>
        %dma_wait3A_175 = arith.constant 0 : i32
        %dma_wait3A_176 = tpu.memref_slice %arg7[%add3A_169, %dma_wait3A_175] : memref<40x128xi32, #tpu.memory_space<vmem>> -> memref<1x128xi32, #tpu.memory_space<vmem>>
        %dma_wait3A_177 = tpu.memref_squeeze %dma_wait3A_176 : memref<1x128xi32, #tpu.memory_space<vmem>> -> memref<128xi32, #tpu.memory_space<vmem>>
        %dma_wait3A_178 = arith.constant 0 : i32
        %dma_wait3A_179 = arith.constant 0 : i32
        %dma_wait3A_180 = tpu.memref_slice %arg9[%dma_wait3A_178, %dma_wait3A_179] : memref<10112x64xf32, #tpu.memory_space<vmem_shared>> -> memref<10112x64xf32, #tpu.memory_space<vmem_shared>>
        tpu.wait_indirect_dma semaphore(%arg13 : memref<!tpu.dma_semaphore, #tpu.memory_space<semaphore_mem>>) src(%dma_wait3A_174 : memref<128x64xf32, #tpu.memory_space<vmem>>) dst(%dma_wait3A_180 : memref<10112x64xf32, #tpu.memory_space<vmem_shared>>)
      } else {
      }
      %add3A_105 = arith.constant 1 : i32
      %add3A_106 = arith.addi %mul3A_85, %add3A_105 : i32
      %dma_start3A_107 = arith.constant 1 : i32
      %dma_start3A_108 = arith.constant 0 : i32
      %dma_start3A_109 = arith.constant 0 : i32
      %dma_start3A_110 = tpu.memref_slice %arg8[%dma_start3A_107, %dma_start3A_108, %dma_start3A_109] : memref<2x128x64xf32, #tpu.memory_space<vmem>> -> memref<1x128x64xf32, #tpu.memory_space<vmem>>
      %dma_start3A_111 = tpu.memref_squeeze %dma_start3A_110 : memref<1x128x64xf32, #tpu.memory_space<vmem>> -> memref<128x64xf32, #tpu.memory_space<vmem>>
      %dma_start3A_112 = arith.constant 0 : i32
      %dma_start3A_113 = tpu.memref_slice %arg6[%add3A_106, %dma_start3A_112] : memref<40x128xi32, #tpu.memory_space<vmem>> -> memref<1x128xi32, #tpu.memory_space<vmem>>
      %dma_start3A_114 = tpu.memref_squeeze %dma_start3A_113 : memref<1x128xi32, #tpu.memory_space<vmem>> -> memref<128xi32, #tpu.memory_space<vmem>>
      %dma_start3A_115 = arith.constant 0 : i32
      %dma_start3A_116 = arith.constant 0 : i32
      %dma_start3A_117 = tpu.memref_slice %arg2[%dma_start3A_115, %dma_start3A_116] : memref<10000x64xf32, #tpu.memory_space<hbm>> -> memref<10000x64xf32, #tpu.memory_space<hbm>>
      tpu.enqueue_indirect_dma source(%dma_start3A_117 : memref<10000x64xf32, #tpu.memory_space<hbm>>) target(%dma_start3A_111 : memref<128x64xf32, #tpu.memory_space<vmem>>) offsets(%dma_start3A_114 : memref<128xi32, #tpu.memory_space<vmem>>) semaphore(%arg11 : memref<!tpu.dma_semaphore, #tpu.memory_space<semaphore_mem>>)
      %dma_wait3A_118 = arith.constant 0 : i32
      %dma_wait3A_119 = arith.constant 0 : i32
      %dma_wait3A_120 = arith.constant 0 : i32
      %dma_wait3A_121 = tpu.memref_slice %arg8[%dma_wait3A_118, %dma_wait3A_119, %dma_wait3A_120] : memref<2x128x64xf32, #tpu.memory_space<vmem>> -> memref<1x128x64xf32, #tpu.memory_space<vmem>>
      %dma_wait3A_122 = tpu.memref_squeeze %dma_wait3A_121 : memref<1x128x64xf32, #tpu.memory_space<vmem>> -> memref<128x64xf32, #tpu.memory_space<vmem>>
      %dma_wait3A_123 = arith.constant 0 : i32
      %dma_wait3A_124 = tpu.memref_slice %arg6[%add3A_89, %dma_wait3A_123] : memref<40x128xi32, #tpu.memory_space<vmem>> -> memref<1x128xi32, #tpu.memory_space<vmem>>
      %dma_wait3A_125 = tpu.memref_squeeze %dma_wait3A_124 : memref<1x128xi32, #tpu.memory_space<vmem>> -> memref<128xi32, #tpu.memory_space<vmem>>
      %dma_wait3A_126 = arith.constant 0 : i32
      %dma_wait3A_127 = arith.constant 0 : i32
      %dma_wait3A_128 = tpu.memref_slice %arg2[%dma_wait3A_126, %dma_wait3A_127] : memref<10000x64xf32, #tpu.memory_space<hbm>> -> memref<10000x64xf32, #tpu.memory_space<hbm>>
      tpu.wait_indirect_dma semaphore(%arg10 : memref<!tpu.dma_semaphore, #tpu.memory_space<semaphore_mem>>) src(%dma_wait3A_128 : memref<10000x64xf32, #tpu.memory_space<hbm>>) dst(%dma_wait3A_122 : memref<128x64xf32, #tpu.memory_space<vmem>>)
      %add3A_129 = arith.constant 0 : i32
      %add3A_130 = arith.addi %mul3A_85, %add3A_129 : i32
      %dma_start3A_131 = arith.constant 0 : i32
      %dma_start3A_132 = arith.constant 0 : i32
      %dma_start3A_133 = arith.constant 0 : i32
      %dma_start3A_134 = tpu.memref_slice %arg8[%dma_start3A_131, %dma_start3A_132, %dma_start3A_133] : memref<2x128x64xf32, #tpu.memory_space<vmem>> -> memref<1x128x64xf32, #tpu.memory_space<vmem>>
      %dma_start3A_135 = tpu.memref_squeeze %dma_start3A_134 : memref<1x128x64xf32, #tpu.memory_space<vmem>> -> memref<128x64xf32, #tpu.memory_space<vmem>>
      %dma_start3A_136 = arith.constant 0 : i32
      %dma_start3A_137 = tpu.memref_slice %arg7[%add3A_130, %dma_start3A_136] : memref<40x128xi32, #tpu.memory_space<vmem>> -> memref<1x128xi32, #tpu.memory_space<vmem>>
      %dma_start3A_138 = tpu.memref_squeeze %dma_start3A_137 : memref<1x128xi32, #tpu.memory_space<vmem>> -> memref<128xi32, #tpu.memory_space<vmem>>
      %dma_start3A_139 = arith.constant 0 : i32
      %dma_start3A_140 = arith.constant 0 : i32
      %dma_start3A_141 = tpu.memref_slice %arg9[%dma_start3A_139, %dma_start3A_140] : memref<10112x64xf32, #tpu.memory_space<vmem_shared>> -> memref<10112x64xf32, #tpu.memory_space<vmem_shared>>
      tpu.enqueue_indirect_dma source(%dma_start3A_135 : memref<128x64xf32, #tpu.memory_space<vmem>>) target(%dma_start3A_141 : memref<10112x64xf32, #tpu.memory_space<vmem_shared>>) offsets(%dma_start3A_138 : memref<128xi32, #tpu.memory_space<vmem>>) semaphore(%arg12 : memref<!tpu.dma_semaphore, #tpu.memory_space<semaphore_mem>>) {add = true}
      %dma_wait3A_142 = arith.constant 1 : i32
      %dma_wait3A_143 = arith.constant 0 : i32
      %dma_wait3A_144 = arith.constant 0 : i32
      %dma_wait3A_145 = tpu.memref_slice %arg8[%dma_wait3A_142, %dma_wait3A_143, %dma_wait3A_144] : memref<2x128x64xf32, #tpu.memory_space<vmem>> -> memref<1x128x64xf32, #tpu.memory_space<vmem>>
      %dma_wait3A_146 = tpu.memref_squeeze %dma_wait3A_145 : memref<1x128x64xf32, #tpu.memory_space<vmem>> -> memref<128x64xf32, #tpu.memory_space<vmem>>
      %dma_wait3A_147 = arith.constant 0 : i32
      %dma_wait3A_148 = tpu.memref_slice %arg6[%add3A_106, %dma_wait3A_147] : memref<40x128xi32, #tpu.memory_space<vmem>> -> memref<1x128xi32, #tpu.memory_space<vmem>>
      %dma_wait3A_149 = tpu.memref_squeeze %dma_wait3A_148 : memref<1x128xi32, #tpu.memory_space<vmem>> -> memref<128xi32, #tpu.memory_space<vmem>>
      %dma_wait3A_150 = arith.constant 0 : i32
      %dma_wait3A_151 = arith.constant 0 : i32
      %dma_wait3A_152 = tpu.memref_slice %arg2[%dma_wait3A_150, %dma_wait3A_151] : memref<10000x64xf32, #tpu.memory_space<hbm>> -> memref<10000x64xf32, #tpu.memory_space<hbm>>
      tpu.wait_indirect_dma semaphore(%arg11 : memref<!tpu.dma_semaphore, #tpu.memory_space<semaphore_mem>>) src(%dma_wait3A_152 : memref<10000x64xf32, #tpu.memory_space<hbm>>) dst(%dma_wait3A_146 : memref<128x64xf32, #tpu.memory_space<vmem>>)
      %add3A_153 = arith.constant 1 : i32
      %add3A_154 = arith.addi %mul3A_85, %add3A_153 : i32
      %dma_start3A_155 = arith.constant 1 : i32
      %dma_start3A_156 = arith.constant 0 : i32
      %dma_start3A_157 = arith.constant 0 : i32
      %dma_start3A_158 = tpu.memref_slice %arg8[%dma_start3A_155, %dma_start3A_156, %dma_start3A_157] : memref<2x128x64xf32, #tpu.memory_space<vmem>> -> memref<1x128x64xf32, #tpu.memory_space<vmem>>
      %dma_start3A_159 = tpu.memref_squeeze %dma_start3A_158 : memref<1x128x64xf32, #tpu.memory_space<vmem>> -> memref<128x64xf32, #tpu.memory_space<vmem>>
      %dma_start3A_160 = arith.constant 0 : i32
      %dma_start3A_161 = tpu.memref_slice %arg7[%add3A_154, %dma_start3A_160] : memref<40x128xi32, #tpu.memory_space<vmem>> -> memref<1x128xi32, #tpu.memory_space<vmem>>
      %dma_start3A_162 = tpu.memref_squeeze %dma_start3A_161 : memref<1x128xi32, #tpu.memory_space<vmem>> -> memref<128xi32, #tpu.memory_space<vmem>>
      %dma_start3A_163 = arith.constant 0 : i32
      %dma_start3A_164 = arith.constant 0 : i32
      %dma_start3A_165 = tpu.memref_slice %arg9[%dma_start3A_163, %dma_start3A_164] : memref<10112x64xf32, #tpu.memory_space<vmem_shared>> -> memref<10112x64xf32, #tpu.memory_space<vmem_shared>>
      tpu.enqueue_indirect_dma source(%dma_start3A_159 : memref<128x64xf32, #tpu.memory_space<vmem>>) target(%dma_start3A_165 : memref<10112x64xf32, #tpu.memory_space<vmem_shared>>) offsets(%dma_start3A_162 : memref<128xi32, #tpu.memory_space<vmem>>) semaphore(%arg13 : memref<!tpu.dma_semaphore, #tpu.memory_space<semaphore_mem>>) {add = true}
    }
    %scan3A_28 = arith.constant 20 : i32
    %dma_wait3A = arith.constant 0 : i32
    %dma_wait3A_29 = arith.constant 38 : i32
    %dma_wait3A_30 = arith.constant 0 : i32
    %dma_wait3A_31 = arith.constant 0 : i32
    %dma_wait3A_32 = tpu.memref_slice %arg8[%dma_wait3A, %dma_wait3A_30, %dma_wait3A_31] : memref<2x128x64xf32, #tpu.memory_space<vmem>> -> memref<1x128x64xf32, #tpu.memory_space<vmem>>
    %dma_wait3A_33 = tpu.memref_squeeze %dma_wait3A_32 : memref<1x128x64xf32, #tpu.memory_space<vmem>> -> memref<128x64xf32, #tpu.memory_space<vmem>>
    %dma_wait3A_34 = arith.constant 0 : i32
    %dma_wait3A_35 = tpu.memref_slice %arg7[%dma_wait3A_29, %dma_wait3A_34] : memref<40x128xi32, #tpu.memory_space<vmem>> -> memref<1x128xi32, #tpu.memory_space<vmem>>
    %dma_wait3A_36 = tpu.memref_squeeze %dma_wait3A_35 : memref<1x128xi32, #tpu.memory_space<vmem>> -> memref<128xi32, #tpu.memory_space<vmem>>
    %dma_wait3A_37 = arith.constant 0 : i32
    %dma_wait3A_38 = arith.constant 0 : i32
    %dma_wait3A_39 = tpu.memref_slice %arg9[%dma_wait3A_37, %dma_wait3A_38] : memref<10112x64xf32, #tpu.memory_space<vmem_shared>> -> memref<10112x64xf32, #tpu.memory_space<vmem_shared>>
    tpu.wait_indirect_dma semaphore(%arg12 : memref<!tpu.dma_semaphore, #tpu.memory_space<semaphore_mem>>) src(%dma_wait3A_33 : memref<128x64xf32, #tpu.memory_space<vmem>>) dst(%dma_wait3A_39 : memref<10112x64xf32, #tpu.memory_space<vmem_shared>>)
    %dma_wait3A_40 = arith.constant 1 : i32
    %dma_wait3A_41 = arith.constant 39 : i32
    %dma_wait3A_42 = arith.constant 0 : i32
    %dma_wait3A_43 = arith.constant 0 : i32
    %dma_wait3A_44 = tpu.memref_slice %arg8[%dma_wait3A_40, %dma_wait3A_42, %dma_wait3A_43] : memref<2x128x64xf32, #tpu.memory_space<vmem>> -> memref<1x128x64xf32, #tpu.memory_space<vmem>>
    %dma_wait3A_45 = tpu.memref_squeeze %dma_wait3A_44 : memref<1x128x64xf32, #tpu.memory_space<vmem>> -> memref<128x64xf32, #tpu.memory_space<vmem>>
    %dma_wait3A_46 = arith.constant 0 : i32
    %dma_wait3A_47 = tpu.memref_slice %arg7[%dma_wait3A_41, %dma_wait3A_46] : memref<40x128xi32, #tpu.memory_space<vmem>> -> memref<1x128xi32, #tpu.memory_space<vmem>>
    %dma_wait3A_48 = tpu.memref_squeeze %dma_wait3A_47 : memref<1x128xi32, #tpu.memory_space<vmem>> -> memref<128xi32, #tpu.memory_space<vmem>>
    %dma_wait3A_49 = arith.constant 0 : i32
    %dma_wait3A_50 = arith.constant 0 : i32
    %dma_wait3A_51 = tpu.memref_slice %arg9[%dma_wait3A_49, %dma_wait3A_50] : memref<10112x64xf32, #tpu.memory_space<vmem_shared>> -> memref<10112x64xf32, #tpu.memory_space<vmem_shared>>
    tpu.wait_indirect_dma semaphore(%arg13 : memref<!tpu.dma_semaphore, #tpu.memory_space<semaphore_mem>>) src(%dma_wait3A_45 : memref<128x64xf32, #tpu.memory_space<vmem>>) dst(%dma_wait3A_51 : memref<10112x64xf32, #tpu.memory_space<vmem_shared>>)
    "tpu.region"() ({
      %run_scoped3A_83 = tpu.sem_alloc : memref<!tpu.dma_semaphore, #tpu.memory_space<semaphore_mem>>
      %dma_start3A = arith.constant 40 : i32
      %dma_start3A_84 = arith.constant 0 : i32
      %dma_start3A_85 = tpu.memref_slice %arg3[%add3A, %dma_start3A, %dma_start3A_84] : memref<32x80x128xi32, #tpu.memory_space<hbm>> -> memref<1x40x128xi32, #tpu.memory_space<hbm>>
      %dma_start3A_86 = tpu.memref_squeeze %dma_start3A_85 : memref<1x40x128xi32, #tpu.memory_space<hbm>> -> memref<40x128xi32, #tpu.memory_space<hbm>>
      %dma_start3A_87 = arith.constant 40 : i32
      %dma_start3A_88 = arith.constant 0 : i32
      %dma_start3A_89 = tpu.memref_slice %arg3[%add3A, %dma_start3A_87, %dma_start3A_88] : memref<32x80x128xi32, #tpu.memory_space<hbm>> -> memref<1x40x128xi32, #tpu.memory_space<hbm>>
      %dma_start3A_90 = tpu.memref_squeeze %dma_start3A_89 : memref<1x40x128xi32, #tpu.memory_space<hbm>> -> memref<40x128xi32, #tpu.memory_space<hbm>>
      tpu.enqueue_dma source(%dma_start3A_90 : memref<40x128xi32, #tpu.memory_space<hbm>>) target(%arg6 : memref<40x128xi32, #tpu.memory_space<vmem>>) target_semaphore(%run_scoped3A_83 : memref<!tpu.dma_semaphore, #tpu.memory_space<semaphore_mem>>)
      %dma_wait3A_91 = arith.constant 40 : i32
      %dma_wait3A_92 = arith.constant 0 : i32
      %dma_wait3A_93 = tpu.memref_slice %arg3[%add3A, %dma_wait3A_91, %dma_wait3A_92] : memref<32x80x128xi32, #tpu.memory_space<hbm>> -> memref<1x40x128xi32, #tpu.memory_space<hbm>>
      %dma_wait3A_94 = tpu.memref_squeeze %dma_wait3A_93 : memref<1x40x128xi32, #tpu.memory_space<hbm>> -> memref<40x128xi32, #tpu.memory_space<hbm>>
      %dma_wait3A_95 = arith.constant 40 : i32
      %dma_wait3A_96 = arith.constant 0 : i32
      %dma_wait3A_97 = tpu.memref_slice %arg3[%add3A, %dma_wait3A_95, %dma_wait3A_96] : memref<32x80x128xi32, #tpu.memory_space<hbm>> -> memref<1x40x128xi32, #tpu.memory_space<hbm>>
      %dma_wait3A_98 = tpu.memref_squeeze %dma_wait3A_97 : memref<1x40x128xi32, #tpu.memory_space<hbm>> -> memref<40x128xi32, #tpu.memory_space<hbm>>
      tpu.wait_dma2 semaphore(%run_scoped3A_83 : memref<!tpu.dma_semaphore, #tpu.memory_space<semaphore_mem>>) src(%dma_wait3A_98 : memref<40x128xi32, #tpu.memory_space<hbm>>) dst(%arg6 : memref<40x128xi32, #tpu.memory_space<vmem>>)
      tpu.yield
    }) : () -> ()
    "tpu.region"() ({
      %run_scoped3A_83 = tpu.sem_alloc : memref<!tpu.dma_semaphore, #tpu.memory_space<semaphore_mem>>
      %dma_start3A = arith.constant 40 : i32
      %dma_start3A_84 = arith.constant 0 : i32
      %dma_start3A_85 = tpu.memref_slice %arg4[%add3A, %dma_start3A, %dma_start3A_84] : memref<32x80x128xi32, #tpu.memory_space<hbm>> -> memref<1x40x128xi32, #tpu.memory_space<hbm>>
      %dma_start3A_86 = tpu.memref_squeeze %dma_start3A_85 : memref<1x40x128xi32, #tpu.memory_space<hbm>> -> memref<40x128xi32, #tpu.memory_space<hbm>>
      %dma_start3A_87 = arith.constant 40 : i32
      %dma_start3A_88 = arith.constant 0 : i32
      %dma_start3A_89 = tpu.memref_slice %arg4[%add3A, %dma_start3A_87, %dma_start3A_88] : memref<32x80x128xi32, #tpu.memory_space<hbm>> -> memref<1x40x128xi32, #tpu.memory_space<hbm>>
      %dma_start3A_90 = tpu.memref_squeeze %dma_start3A_89 : memref<1x40x128xi32, #tpu.memory_space<hbm>> -> memref<40x128xi32, #tpu.memory_space<hbm>>
      tpu.enqueue_dma source(%dma_start3A_90 : memref<40x128xi32, #tpu.memory_space<hbm>>) target(%arg7 : memref<40x128xi32, #tpu.memory_space<vmem>>) target_semaphore(%run_scoped3A_83 : memref<!tpu.dma_semaphore, #tpu.memory_space<semaphore_mem>>)
      %dma_wait3A_91 = arith.constant 40 : i32
      %dma_wait3A_92 = arith.constant 0 : i32
      %dma_wait3A_93 = tpu.memref_slice %arg4[%add3A, %dma_wait3A_91, %dma_wait3A_92] : memref<32x80x128xi32, #tpu.memory_space<hbm>> -> memref<1x40x128xi32, #tpu.memory_space<hbm>>
      %dma_wait3A_94 = tpu.memref_squeeze %dma_wait3A_93 : memref<1x40x128xi32, #tpu.memory_space<hbm>> -> memref<40x128xi32, #tpu.memory_space<hbm>>
      %dma_wait3A_95 = arith.constant 40 : i32
      %dma_wait3A_96 = arith.constant 0 : i32
      %dma_wait3A_97 = tpu.memref_slice %arg4[%add3A, %dma_wait3A_95, %dma_wait3A_96] : memref<32x80x128xi32, #tpu.memory_space<hbm>> -> memref<1x40x128xi32, #tpu.memory_space<hbm>>
      %dma_wait3A_98 = tpu.memref_squeeze %dma_wait3A_97 : memref<1x40x128xi32, #tpu.memory_space<hbm>> -> memref<40x128xi32, #tpu.memory_space<hbm>>
      tpu.wait_dma2 semaphore(%run_scoped3A_83 : memref<!tpu.dma_semaphore, #tpu.memory_space<semaphore_mem>>) src(%dma_wait3A_98 : memref<40x128xi32, #tpu.memory_space<hbm>>) dst(%arg7 : memref<40x128xi32, #tpu.memory_space<vmem>>)
      tpu.yield
    }) : () -> ()
    %scan3A_52 = arith.constant 0 : i32
    %scan3A_53 = arith.constant 0 : i32
    %scan3A_54 = arith.constant 20 : i32
    %scan3A_55 = arith.addi %scan3A_53, %scan3A_54 : i32
    %scan3A_56 = arith.constant 1 : i32
    scf.for %scan3A_83 = %scan3A_53 to %scan3A_55 step %scan3A_56  : i32 {
      %mul3A_84 = arith.constant 2 : i32
      %mul3A_85 = arith.muli %scan3A_83, %mul3A_84 : i32
      %gt3A = arith.constant 0 : i32
      %gt3A_86 = arith.cmpi sgt, %scan3A_83, %gt3A : i32
      %convert_element_type3A = arith.extui %gt3A_86 : i1 to i32
      %cond3A = arith.constant 0 : i32
      %cond3A_87 = arith.cmpi ne, %convert_element_type3A, %cond3A : i32
      scf.if %cond3A_87 {
        %sub3A_166 = arith.constant 2 : i32
        %sub3A_167 = arith.subi %mul3A_85, %sub3A_166 : i32
        %add3A_168 = arith.constant 0 : i32
        %add3A_169 = arith.addi %sub3A_167, %add3A_168 : i32
        %dma_wait3A_170 = arith.constant 0 : i32
        %dma_wait3A_171 = arith.constant 0 : i32
        %dma_wait3A_172 = arith.constant 0 : i32
        %dma_wait3A_173 = tpu.memref_slice %arg8[%dma_wait3A_170, %dma_wait3A_171, %dma_wait3A_172] : memref<2x128x64xf32, #tpu.memory_space<vmem>> -> memref<1x128x64xf32, #tpu.memory_space<vmem>>
        %dma_wait3A_174 = tpu.memref_squeeze %dma_wait3A_173 : memref<1x128x64xf32, #tpu.memory_space<vmem>> -> memref<128x64xf32, #tpu.memory_space<vmem>>
        %dma_wait3A_175 = arith.constant 0 : i32
        %dma_wait3A_176 = tpu.memref_slice %arg7[%add3A_169, %dma_wait3A_175] : memref<40x128xi32, #tpu.memory_space<vmem>> -> memref<1x128xi32, #tpu.memory_space<vmem>>
        %dma_wait3A_177 = tpu.memref_squeeze %dma_wait3A_176 : memref<1x128xi32, #tpu.memory_space<vmem>> -> memref<128xi32, #tpu.memory_space<vmem>>
        %dma_wait3A_178 = arith.constant 0 : i32
        %dma_wait3A_179 = arith.constant 0 : i32
        %dma_wait3A_180 = tpu.memref_slice %arg9[%dma_wait3A_178, %dma_wait3A_179] : memref<10112x64xf32, #tpu.memory_space<vmem_shared>> -> memref<10112x64xf32, #tpu.memory_space<vmem_shared>>
        tpu.wait_indirect_dma semaphore(%arg12 : memref<!tpu.dma_semaphore, #tpu.memory_space<semaphore_mem>>) src(%dma_wait3A_174 : memref<128x64xf32, #tpu.memory_space<vmem>>) dst(%dma_wait3A_180 : memref<10112x64xf32, #tpu.memory_space<vmem_shared>>)
      } else {
      }
      %add3A_88 = arith.constant 0 : i32
      %add3A_89 = arith.addi %mul3A_85, %add3A_88 : i32
      %dma_start3A = arith.constant 0 : i32
      %dma_start3A_90 = arith.constant 0 : i32
      %dma_start3A_91 = arith.constant 0 : i32
      %dma_start3A_92 = tpu.memref_slice %arg8[%dma_start3A, %dma_start3A_90, %dma_start3A_91] : memref<2x128x64xf32, #tpu.memory_space<vmem>> -> memref<1x128x64xf32, #tpu.memory_space<vmem>>
      %dma_start3A_93 = tpu.memref_squeeze %dma_start3A_92 : memref<1x128x64xf32, #tpu.memory_space<vmem>> -> memref<128x64xf32, #tpu.memory_space<vmem>>
      %dma_start3A_94 = arith.constant 0 : i32
      %dma_start3A_95 = tpu.memref_slice %arg6[%add3A_89, %dma_start3A_94] : memref<40x128xi32, #tpu.memory_space<vmem>> -> memref<1x128xi32, #tpu.memory_space<vmem>>
      %dma_start3A_96 = tpu.memref_squeeze %dma_start3A_95 : memref<1x128xi32, #tpu.memory_space<vmem>> -> memref<128xi32, #tpu.memory_space<vmem>>
      %dma_start3A_97 = arith.constant 0 : i32
      %dma_start3A_98 = arith.constant 0 : i32
      %dma_start3A_99 = tpu.memref_slice %arg2[%dma_start3A_97, %dma_start3A_98] : memref<10000x64xf32, #tpu.memory_space<hbm>> -> memref<10000x64xf32, #tpu.memory_space<hbm>>
      tpu.enqueue_indirect_dma source(%dma_start3A_99 : memref<10000x64xf32, #tpu.memory_space<hbm>>) target(%dma_start3A_93 : memref<128x64xf32, #tpu.memory_space<vmem>>) offsets(%dma_start3A_96 : memref<128xi32, #tpu.memory_space<vmem>>) semaphore(%arg10 : memref<!tpu.dma_semaphore, #tpu.memory_space<semaphore_mem>>)
      %gt3A_100 = arith.constant 0 : i32
      %gt3A_101 = arith.cmpi sgt, %scan3A_83, %gt3A_100 : i32
      %convert_element_type3A_102 = arith.extui %gt3A_101 : i1 to i32
      %cond3A_103 = arith.constant 0 : i32
      %cond3A_104 = arith.cmpi ne, %convert_element_type3A_102, %cond3A_103 : i32
      scf.if %cond3A_104 {
        %sub3A_166 = arith.constant 2 : i32
        %sub3A_167 = arith.subi %mul3A_85, %sub3A_166 : i32
        %add3A_168 = arith.constant 1 : i32
        %add3A_169 = arith.addi %sub3A_167, %add3A_168 : i32
        %dma_wait3A_170 = arith.constant 1 : i32
        %dma_wait3A_171 = arith.constant 0 : i32
        %dma_wait3A_172 = arith.constant 0 : i32
        %dma_wait3A_173 = tpu.memref_slice %arg8[%dma_wait3A_170, %dma_wait3A_171, %dma_wait3A_172] : memref<2x128x64xf32, #tpu.memory_space<vmem>> -> memref<1x128x64xf32, #tpu.memory_space<vmem>>
        %dma_wait3A_174 = tpu.memref_squeeze %dma_wait3A_173 : memref<1x128x64xf32, #tpu.memory_space<vmem>> -> memref<128x64xf32, #tpu.memory_space<vmem>>
        %dma_wait3A_175 = arith.constant 0 : i32
        %dma_wait3A_176 = tpu.memref_slice %arg7[%add3A_169, %dma_wait3A_175] : memref<40x128xi32, #tpu.memory_space<vmem>> -> memref<1x128xi32, #tpu.memory_space<vmem>>
        %dma_wait3A_177 = tpu.memref_squeeze %dma_wait3A_176 : memref<1x128xi32, #tpu.memory_space<vmem>> -> memref<128xi32, #tpu.memory_space<vmem>>
        %dma_wait3A_178 = arith.constant 0 : i32
        %dma_wait3A_179 = arith.constant 0 : i32
        %dma_wait3A_180 = tpu.memref_slice %arg9[%dma_wait3A_178, %dma_wait3A_179] : memref<10112x64xf32, #tpu.memory_space<vmem_shared>> -> memref<10112x64xf32, #tpu.memory_space<vmem_shared>>
        tpu.wait_indirect_dma semaphore(%arg13 : memref<!tpu.dma_semaphore, #tpu.memory_space<semaphore_mem>>) src(%dma_wait3A_174 : memref<128x64xf32, #tpu.memory_space<vmem>>) dst(%dma_wait3A_180 : memref<10112x64xf32, #tpu.memory_space<vmem_shared>>)
      } else {
      }
      %add3A_105 = arith.constant 1 : i32
      %add3A_106 = arith.addi %mul3A_85, %add3A_105 : i32
      %dma_start3A_107 = arith.constant 1 : i32
      %dma_start3A_108 = arith.constant 0 : i32
      %dma_start3A_109 = arith.constant 0 : i32
      %dma_start3A_110 = tpu.memref_slice %arg8[%dma_start3A_107, %dma_start3A_108, %dma_start3A_109] : memref<2x128x64xf32, #tpu.memory_space<vmem>> -> memref<1x128x64xf32, #tpu.memory_space<vmem>>
      %dma_start3A_111 = tpu.memref_squeeze %dma_start3A_110 : memref<1x128x64xf32, #tpu.memory_space<vmem>> -> memref<128x64xf32, #tpu.memory_space<vmem>>
      %dma_start3A_112 = arith.constant 0 : i32
      %dma_start3A_113 = tpu.memref_slice %arg6[%add3A_106, %dma_start3A_112] : memref<40x128xi32, #tpu.memory_space<vmem>> -> memref<1x128xi32, #tpu.memory_space<vmem>>
      %dma_start3A_114 = tpu.memref_squeeze %dma_start3A_113 : memref<1x128xi32, #tpu.memory_space<vmem>> -> memref<128xi32, #tpu.memory_space<vmem>>
      %dma_start3A_115 = arith.constant 0 : i32
      %dma_start3A_116 = arith.constant 0 : i32
      %dma_start3A_117 = tpu.memref_slice %arg2[%dma_start3A_115, %dma_start3A_116] : memref<10000x64xf32, #tpu.memory_space<hbm>> -> memref<10000x64xf32, #tpu.memory_space<hbm>>
      tpu.enqueue_indirect_dma source(%dma_start3A_117 : memref<10000x64xf32, #tpu.memory_space<hbm>>) target(%dma_start3A_111 : memref<128x64xf32, #tpu.memory_space<vmem>>) offsets(%dma_start3A_114 : memref<128xi32, #tpu.memory_space<vmem>>) semaphore(%arg11 : memref<!tpu.dma_semaphore, #tpu.memory_space<semaphore_mem>>)
      %dma_wait3A_118 = arith.constant 0 : i32
      %dma_wait3A_119 = arith.constant 0 : i32
      %dma_wait3A_120 = arith.constant 0 : i32
      %dma_wait3A_121 = tpu.memref_slice %arg8[%dma_wait3A_118, %dma_wait3A_119, %dma_wait3A_120] : memref<2x128x64xf32, #tpu.memory_space<vmem>> -> memref<1x128x64xf32, #tpu.memory_space<vmem>>
      %dma_wait3A_122 = tpu.memref_squeeze %dma_wait3A_121 : memref<1x128x64xf32, #tpu.memory_space<vmem>> -> memref<128x64xf32, #tpu.memory_space<vmem>>
      %dma_wait3A_123 = arith.constant 0 : i32
      %dma_wait3A_124 = tpu.memref_slice %arg6[%add3A_89, %dma_wait3A_123] : memref<40x128xi32, #tpu.memory_space<vmem>> -> memref<1x128xi32, #tpu.memory_space<vmem>>
      %dma_wait3A_125 = tpu.memref_squeeze %dma_wait3A_124 : memref<1x128xi32, #tpu.memory_space<vmem>> -> memref<128xi32, #tpu.memory_space<vmem>>
      %dma_wait3A_126 = arith.constant 0 : i32
      %dma_wait3A_127 = arith.constant 0 : i32
      %dma_wait3A_128 = tpu.memref_slice %arg2[%dma_wait3A_126, %dma_wait3A_127] : memref<10000x64xf32, #tpu.memory_space<hbm>> -> memref<10000x64xf32, #tpu.memory_space<hbm>>
      tpu.wait_indirect_dma semaphore(%arg10 : memref<!tpu.dma_semaphore, #tpu.memory_space<semaphore_mem>>) src(%dma_wait3A_128 : memref<10000x64xf32, #tpu.memory_space<hbm>>) dst(%dma_wait3A_122 : memref<128x64xf32, #tpu.memory_space<vmem>>)
      %add3A_129 = arith.constant 0 : i32
      %add3A_130 = arith.addi %mul3A_85, %add3A_129 : i32
      %dma_start3A_131 = arith.constant 0 : i32
      %dma_start3A_132 = arith.constant 0 : i32
      %dma_start3A_133 = arith.constant 0 : i32
      %dma_start3A_134 = tpu.memref_slice %arg8[%dma_start3A_131, %dma_start3A_132, %dma_start3A_133] : memref<2x128x64xf32, #tpu.memory_space<vmem>> -> memref<1x128x64xf32, #tpu.memory_space<vmem>>
      %dma_start3A_135 = tpu.memref_squeeze %dma_start3A_134 : memref<1x128x64xf32, #tpu.memory_space<vmem>> -> memref<128x64xf32, #tpu.memory_space<vmem>>
      %dma_start3A_136 = arith.constant 0 : i32
      %dma_start3A_137 = tpu.memref_slice %arg7[%add3A_130, %dma_start3A_136] : memref<40x128xi32, #tpu.memory_space<vmem>> -> memref<1x128xi32, #tpu.memory_space<vmem>>
      %dma_start3A_138 = tpu.memref_squeeze %dma_start3A_137 : memref<1x128xi32, #tpu.memory_space<vmem>> -> memref<128xi32, #tpu.memory_space<vmem>>
      %dma_start3A_139 = arith.constant 0 : i32
      %dma_start3A_140 = arith.constant 0 : i32
      %dma_start3A_141 = tpu.memref_slice %arg9[%dma_start3A_139, %dma_start3A_140] : memref<10112x64xf32, #tpu.memory_space<vmem_shared>> -> memref<10112x64xf32, #tpu.memory_space<vmem_shared>>
      tpu.enqueue_indirect_dma source(%dma_start3A_135 : memref<128x64xf32, #tpu.memory_space<vmem>>) target(%dma_start3A_141 : memref<10112x64xf32, #tpu.memory_space<vmem_shared>>) offsets(%dma_start3A_138 : memref<128xi32, #tpu.memory_space<vmem>>) semaphore(%arg12 : memref<!tpu.dma_semaphore, #tpu.memory_space<semaphore_mem>>) {add = true}
      %dma_wait3A_142 = arith.constant 1 : i32
      %dma_wait3A_143 = arith.constant 0 : i32
      %dma_wait3A_144 = arith.constant 0 : i32
      %dma_wait3A_145 = tpu.memref_slice %arg8[%dma_wait3A_142, %dma_wait3A_143, %dma_wait3A_144] : memref<2x128x64xf32, #tpu.memory_space<vmem>> -> memref<1x128x64xf32, #tpu.memory_space<vmem>>
      %dma_wait3A_146 = tpu.memref_squeeze %dma_wait3A_145 : memref<1x128x64xf32, #tpu.memory_space<vmem>> -> memref<128x64xf32, #tpu.memory_space<vmem>>
      %dma_wait3A_147 = arith.constant 0 : i32
      %dma_wait3A_148 = tpu.memref_slice %arg6[%add3A_106, %dma_wait3A_147] : memref<40x128xi32, #tpu.memory_space<vmem>> -> memref<1x128xi32, #tpu.memory_space<vmem>>
      %dma_wait3A_149 = tpu.memref_squeeze %dma_wait3A_148 : memref<1x128xi32, #tpu.memory_space<vmem>> -> memref<128xi32, #tpu.memory_space<vmem>>
      %dma_wait3A_150 = arith.constant 0 : i32
      %dma_wait3A_151 = arith.constant 0 : i32
      %dma_wait3A_152 = tpu.memref_slice %arg2[%dma_wait3A_150, %dma_wait3A_151] : memref<10000x64xf32, #tpu.memory_space<hbm>> -> memref<10000x64xf32, #tpu.memory_space<hbm>>
      tpu.wait_indirect_dma semaphore(%arg11 : memref<!tpu.dma_semaphore, #tpu.memory_space<semaphore_mem>>) src(%dma_wait3A_152 : memref<10000x64xf32, #tpu.memory_space<hbm>>) dst(%dma_wait3A_146 : memref<128x64xf32, #tpu.memory_space<vmem>>)
      %add3A_153 = arith.constant 1 : i32
      %add3A_154 = arith.addi %mul3A_85, %add3A_153 : i32
      %dma_start3A_155 = arith.constant 1 : i32
      %dma_start3A_156 = arith.constant 0 : i32
      %dma_start3A_157 = arith.constant 0 : i32
      %dma_start3A_158 = tpu.memref_slice %arg8[%dma_start3A_155, %dma_start3A_156, %dma_start3A_157] : memref<2x128x64xf32, #tpu.memory_space<vmem>> -> memref<1x128x64xf32, #tpu.memory_space<vmem>>
      %dma_start3A_159 = tpu.memref_squeeze %dma_start3A_158 : memref<1x128x64xf32, #tpu.memory_space<vmem>> -> memref<128x64xf32, #tpu.memory_space<vmem>>
      %dma_start3A_160 = arith.constant 0 : i32
      %dma_start3A_161 = tpu.memref_slice %arg7[%add3A_154, %dma_start3A_160] : memref<40x128xi32, #tpu.memory_space<vmem>> -> memref<1x128xi32, #tpu.memory_space<vmem>>
      %dma_start3A_162 = tpu.memref_squeeze %dma_start3A_161 : memref<1x128xi32, #tpu.memory_space<vmem>> -> memref<128xi32, #tpu.memory_space<vmem>>
      %dma_start3A_163 = arith.constant 0 : i32
      %dma_start3A_164 = arith.constant 0 : i32
      %dma_start3A_165 = tpu.memref_slice %arg9[%dma_start3A_163, %dma_start3A_164] : memref<10112x64xf32, #tpu.memory_space<vmem_shared>> -> memref<10112x64xf32, #tpu.memory_space<vmem_shared>>
      tpu.enqueue_indirect_dma source(%dma_start3A_159 : memref<128x64xf32, #tpu.memory_space<vmem>>) target(%dma_start3A_165 : memref<10112x64xf32, #tpu.memory_space<vmem_shared>>) offsets(%dma_start3A_162 : memref<128xi32, #tpu.memory_space<vmem>>) semaphore(%arg13 : memref<!tpu.dma_semaphore, #tpu.memory_space<semaphore_mem>>) {add = true}
    }
    %scan3A_57 = arith.constant 20 : i32
    %dma_wait3A_58 = arith.constant 0 : i32
    %dma_wait3A_59 = arith.constant 38 : i32
    %dma_wait3A_60 = arith.constant 0 : i32
    %dma_wait3A_61 = arith.constant 0 : i32
    %dma_wait3A_62 = tpu.memref_slice %arg8[%dma_wait3A_58, %dma_wait3A_60, %dma_wait3A_61] : memref<2x128x64xf32, #tpu.memory_space<vmem>> -> memref<1x128x64xf32, #tpu.memory_space<vmem>>
    %dma_wait3A_63 = tpu.memref_squeeze %dma_wait3A_62 : memref<1x128x64xf32, #tpu.memory_space<vmem>> -> memref<128x64xf32, #tpu.memory_space<vmem>>
    %dma_wait3A_64 = arith.constant 0 : i32
    %dma_wait3A_65 = tpu.memref_slice %arg7[%dma_wait3A_59, %dma_wait3A_64] : memref<40x128xi32, #tpu.memory_space<vmem>> -> memref<1x128xi32, #tpu.memory_space<vmem>>
    %dma_wait3A_66 = tpu.memref_squeeze %dma_wait3A_65 : memref<1x128xi32, #tpu.memory_space<vmem>> -> memref<128xi32, #tpu.memory_space<vmem>>
    %dma_wait3A_67 = arith.constant 0 : i32
    %dma_wait3A_68 = arith.constant 0 : i32
    %dma_wait3A_69 = tpu.memref_slice %arg9[%dma_wait3A_67, %dma_wait3A_68] : memref<10112x64xf32, #tpu.memory_space<vmem_shared>> -> memref<10112x64xf32, #tpu.memory_space<vmem_shared>>
    tpu.wait_indirect_dma semaphore(%arg12 : memref<!tpu.dma_semaphore, #tpu.memory_space<semaphore_mem>>) src(%dma_wait3A_63 : memref<128x64xf32, #tpu.memory_space<vmem>>) dst(%dma_wait3A_69 : memref<10112x64xf32, #tpu.memory_space<vmem_shared>>)
    %dma_wait3A_70 = arith.constant 1 : i32
    %dma_wait3A_71 = arith.constant 39 : i32
    %dma_wait3A_72 = arith.constant 0 : i32
    %dma_wait3A_73 = arith.constant 0 : i32
    %dma_wait3A_74 = tpu.memref_slice %arg8[%dma_wait3A_70, %dma_wait3A_72, %dma_wait3A_73] : memref<2x128x64xf32, #tpu.memory_space<vmem>> -> memref<1x128x64xf32, #tpu.memory_space<vmem>>
    %dma_wait3A_75 = tpu.memref_squeeze %dma_wait3A_74 : memref<1x128x64xf32, #tpu.memory_space<vmem>> -> memref<128x64xf32, #tpu.memory_space<vmem>>
    %dma_wait3A_76 = arith.constant 0 : i32
    %dma_wait3A_77 = tpu.memref_slice %arg7[%dma_wait3A_71, %dma_wait3A_76] : memref<40x128xi32, #tpu.memory_space<vmem>> -> memref<1x128xi32, #tpu.memory_space<vmem>>
    %dma_wait3A_78 = tpu.memref_squeeze %dma_wait3A_77 : memref<1x128xi32, #tpu.memory_space<vmem>> -> memref<128xi32, #tpu.memory_space<vmem>>
    %dma_wait3A_79 = arith.constant 0 : i32
    %dma_wait3A_80 = arith.constant 0 : i32
    %dma_wait3A_81 = tpu.memref_slice %arg9[%dma_wait3A_79, %dma_wait3A_80] : memref<10112x64xf32, #tpu.memory_space<vmem_shared>> -> memref<10112x64xf32, #tpu.memory_space<vmem_shared>>
    tpu.wait_indirect_dma semaphore(%arg13 : memref<!tpu.dma_semaphore, #tpu.memory_space<semaphore_mem>>) src(%dma_wait3A_75 : memref<128x64xf32, #tpu.memory_space<vmem>>) dst(%dma_wait3A_81 : memref<10112x64xf32, #tpu.memory_space<vmem_shared>>)
    %barrier3A_82 = arith.constant 0 : index
    tpu.barrier barrier_id(%barrier3A_82)
    "tpu.region"() ({
      %run_scoped3A_83 = tpu.sem_alloc : memref<!tpu.dma_semaphore, #tpu.memory_space<semaphore_mem>>
      %dma_start3A = arith.constant 0 : i32
      %dma_start3A_84 = tpu.memref_slice %arg5[%arg0, %mul3A_2, %dma_start3A] : memref<2x10112x64xf32, #tpu.memory_space<hbm>> -> memref<1x632x64xf32, #tpu.memory_space<hbm>>
      %dma_start3A_85 = tpu.memref_squeeze %dma_start3A_84 : memref<1x632x64xf32, #tpu.memory_space<hbm>> -> memref<632x64xf32, #tpu.memory_space<hbm>>
      %dma_start3A_86 = arith.constant 0 : i32
      %dma_start3A_87 = tpu.memref_slice %arg9[%mul3A_2, %dma_start3A_86] : memref<10112x64xf32, #tpu.memory_space<vmem_shared>> -> memref<632x64xf32, #tpu.memory_space<vmem_shared>>
      tpu.enqueue_dma source(%dma_start3A_87 : memref<632x64xf32, #tpu.memory_space<vmem_shared>>) target(%dma_start3A_85 : memref<632x64xf32, #tpu.memory_space<hbm>>) target_semaphore(%run_scoped3A_83 : memref<!tpu.dma_semaphore, #tpu.memory_space<semaphore_mem>>)
      %dma_wait3A_88 = arith.constant 0 : i32
      %dma_wait3A_89 = tpu.memref_slice %arg5[%arg0, %mul3A_2, %dma_wait3A_88] : memref<2x10112x64xf32, #tpu.memory_space<hbm>> -> memref<1x632x64xf32, #tpu.memory_space<hbm>>
      %dma_wait3A_90 = tpu.memref_squeeze %dma_wait3A_89 : memref<1x632x64xf32, #tpu.memory_space<hbm>> -> memref<632x64xf32, #tpu.memory_space<hbm>>
      %dma_wait3A_91 = arith.constant 0 : i32
      %dma_wait3A_92 = tpu.memref_slice %arg9[%mul3A_2, %dma_wait3A_91] : memref<10112x64xf32, #tpu.memory_space<vmem_shared>> -> memref<632x64xf32, #tpu.memory_space<vmem_shared>>
      tpu.wait_dma2 semaphore(%run_scoped3A_83 : memref<!tpu.dma_semaphore, #tpu.memory_space<semaphore_mem>>) src(%dma_wait3A_92 : memref<632x64xf32, #tpu.memory_space<vmem_shared>>) dst(%dma_wait3A_90 : memref<632x64xf32, #tpu.memory_space<hbm>>)
      tpu.yield
    }) : () -> ()
    return
  }
}

#map = affine_map<(d0, d1) -> (0, 0)>
#map1 = affine_map<(d0, d1) -> (0, 0, 0)>
module attributes {stable_mosaic.version = 14 : i64} {
  func.func @agg(%arg0: i32, %arg1: i32, %arg2: memref<10000x128xf32, #tpu.memory_space<hbm>>, %arg3: memref<32x80x128xi32, #tpu.memory_space<hbm>>, %arg4: memref<32x80x128xi32, #tpu.memory_space<hbm>>, %arg5: memref<2x10112x128xf32, #tpu.memory_space<hbm>>, %arg6: memref<40x128xi32, #tpu.memory_space<vmem>>, %arg7: memref<40x128xi32, #tpu.memory_space<vmem>>, %arg8: memref<2x128x128xf32, #tpu.memory_space<vmem>>, %arg9: memref<10112x128xf32, #tpu.memory_space<vmem_shared>>, %arg10: memref<!tpu.dma_semaphore, #tpu.memory_space<semaphore_mem>>, %arg11: memref<!tpu.dma_semaphore, #tpu.memory_space<semaphore_mem>>, %arg12: memref<!tpu.dma_semaphore, #tpu.memory_space<semaphore_mem>>, %arg13: memref<!tpu.dma_semaphore, #tpu.memory_space<semaphore_mem>>) attributes {dimension_semantics = [#tpu.dimension_semantics<core_parallel>, #tpu.dimension_semantics<subcore_parallel>], iteration_bounds = array<i64: 2, 16>, scalar_prefetch = 0 : i64, scratch_operands = 8 : i64, tpu.core_type = #tpu.core_type<sc_vector_subcore>, window_params = [{transform_indices = #map}, {transform_indices = #map1}, {transform_indices = #map1}, {transform_indices = #map1}]} {
    %mul3A = arith.constant 16 : i32
    %mul3A_0 = arith.muli %arg0, %mul3A : i32
    %add3A = arith.addi %mul3A_0, %arg1 : i32
    %mul3A_1 = arith.constant 632 : i32
    %mul3A_2 = arith.muli %arg1, %mul3A_1 : i32
    %scan3A = arith.constant 0 : i32
    %scan3A_3 = arith.constant 0 : i32
    %scan3A_4 = arith.constant 128 : i32
    %scan3A_5 = arith.addi %scan3A_3, %scan3A_4 : i32
    %scan3A_6 = arith.constant 1 : i32
    scf.for %scan3A_83 = %scan3A_3 to %scan3A_5 step %scan3A_6  : i32 {
      %broadcast_in_dim3A = arith.constant 0.000000e+00 : f32
      %broadcast_in_dim3A_84 = vector.broadcast %broadcast_in_dim3A : f32 to vector<16xf32>
      %swap3A = arith.constant 0 : i32
      %swap3A_85 = arith.index_cast %swap3A : i32 to index
      %swap3A_86 = arith.index_cast %scan3A_83 : i32 to index
      %swap3A_87 = arith.constant 0 : index
      %swap3A_88 = tpu.vector_load %arg8[%swap3A_85, %swap3A_86, %swap3A_87] {strides = array<i32>} : memref<2x128x128xf32, #tpu.memory_space<vmem>>, vector<1x1x16xf32>,
      %swap3A_89 = vector.shape_cast %swap3A_88 : vector<1x1x16xf32> to vector<16xf32>
      %swap3A_90 = vector.shape_cast %broadcast_in_dim3A_84 : vector<16xf32> to vector<1x1x16xf32>
      tpu.vector_store %arg8[%swap3A_85, %swap3A_86, %swap3A_87], %swap3A_90 {strides = array<i32>} : memref<2x128x128xf32, #tpu.memory_space<vmem>>, vector<1x1x16xf32>,
      %broadcast_in_dim3A_91 = arith.constant 0.000000e+00 : f32
      %broadcast_in_dim3A_92 = vector.broadcast %broadcast_in_dim3A_91 : f32 to vector<16xf32>
      %swap3A_93 = arith.constant 0 : i32
      %swap3A_94 = arith.index_cast %swap3A_93 : i32 to index
      %swap3A_95 = arith.index_cast %scan3A_83 : i32 to index
      %swap3A_96 = arith.constant 16 : index
      %swap3A_97 = tpu.vector_load %arg8[%swap3A_94, %swap3A_95, %swap3A_96] {strides = array<i32>} : memref<2x128x128xf32, #tpu.memory_space<vmem>>, vector<1x1x16xf32>,
      %swap3A_98 = vector.shape_cast %swap3A_97 : vector<1x1x16xf32> to vector<16xf32>
      %swap3A_99 = vector.shape_cast %broadcast_in_dim3A_92 : vector<16xf32> to vector<1x1x16xf32>
      tpu.vector_store %arg8[%swap3A_94, %swap3A_95, %swap3A_96], %swap3A_99 {strides = array<i32>} : memref<2x128x128xf32, #tpu.memory_space<vmem>>, vector<1x1x16xf32>,
      %broadcast_in_dim3A_100 = arith.constant 0.000000e+00 : f32
      %broadcast_in_dim3A_101 = vector.broadcast %broadcast_in_dim3A_100 : f32 to vector<16xf32>
      %swap3A_102 = arith.constant 0 : i32
      %swap3A_103 = arith.index_cast %swap3A_102 : i32 to index
      %swap3A_104 = arith.index_cast %scan3A_83 : i32 to index
      %swap3A_105 = arith.constant 32 : index
      %swap3A_106 = tpu.vector_load %arg8[%swap3A_103, %swap3A_104, %swap3A_105] {strides = array<i32>} : memref<2x128x128xf32, #tpu.memory_space<vmem>>, vector<1x1x16xf32>,
      %swap3A_107 = vector.shape_cast %swap3A_106 : vector<1x1x16xf32> to vector<16xf32>
      %swap3A_108 = vector.shape_cast %broadcast_in_dim3A_101 : vector<16xf32> to vector<1x1x16xf32>
      tpu.vector_store %arg8[%swap3A_103, %swap3A_104, %swap3A_105], %swap3A_108 {strides = array<i32>} : memref<2x128x128xf32, #tpu.memory_space<vmem>>, vector<1x1x16xf32>,
      %broadcast_in_dim3A_109 = arith.constant 0.000000e+00 : f32
      %broadcast_in_dim3A_110 = vector.broadcast %broadcast_in_dim3A_109 : f32 to vector<16xf32>
      %swap3A_111 = arith.constant 0 : i32
      %swap3A_112 = arith.index_cast %swap3A_111 : i32 to index
      %swap3A_113 = arith.index_cast %scan3A_83 : i32 to index
      %swap3A_114 = arith.constant 48 : index
      %swap3A_115 = tpu.vector_load %arg8[%swap3A_112, %swap3A_113, %swap3A_114] {strides = array<i32>} : memref<2x128x128xf32, #tpu.memory_space<vmem>>, vector<1x1x16xf32>,
      %swap3A_116 = vector.shape_cast %swap3A_115 : vector<1x1x16xf32> to vector<16xf32>
      %swap3A_117 = vector.shape_cast %broadcast_in_dim3A_110 : vector<16xf32> to vector<1x1x16xf32>
      tpu.vector_store %arg8[%swap3A_112, %swap3A_113, %swap3A_114], %swap3A_117 {strides = array<i32>} : memref<2x128x128xf32, #tpu.memory_space<vmem>>, vector<1x1x16xf32>,
      %broadcast_in_dim3A_118 = arith.constant 0.000000e+00 : f32
      %broadcast_in_dim3A_119 = vector.broadcast %broadcast_in_dim3A_118 : f32 to vector<16xf32>
      %swap3A_120 = arith.constant 0 : i32
      %swap3A_121 = arith.index_cast %swap3A_120 : i32 to index
      %swap3A_122 = arith.index_cast %scan3A_83 : i32 to index
      %swap3A_123 = arith.constant 64 : index
      %swap3A_124 = tpu.vector_load %arg8[%swap3A_121, %swap3A_122, %swap3A_123] {strides = array<i32>} : memref<2x128x128xf32, #tpu.memory_space<vmem>>, vector<1x1x16xf32>,
      %swap3A_125 = vector.shape_cast %swap3A_124 : vector<1x1x16xf32> to vector<16xf32>
      %swap3A_126 = vector.shape_cast %broadcast_in_dim3A_119 : vector<16xf32> to vector<1x1x16xf32>
      tpu.vector_store %arg8[%swap3A_121, %swap3A_122, %swap3A_123], %swap3A_126 {strides = array<i32>} : memref<2x128x128xf32, #tpu.memory_space<vmem>>, vector<1x1x16xf32>,
      %broadcast_in_dim3A_127 = arith.constant 0.000000e+00 : f32
      %broadcast_in_dim3A_128 = vector.broadcast %broadcast_in_dim3A_127 : f32 to vector<16xf32>
      %swap3A_129 = arith.constant 0 : i32
      %swap3A_130 = arith.index_cast %swap3A_129 : i32 to index
      %swap3A_131 = arith.index_cast %scan3A_83 : i32 to index
      %swap3A_132 = arith.constant 80 : index
      %swap3A_133 = tpu.vector_load %arg8[%swap3A_130, %swap3A_131, %swap3A_132] {strides = array<i32>} : memref<2x128x128xf32, #tpu.memory_space<vmem>>, vector<1x1x16xf32>,
      %swap3A_134 = vector.shape_cast %swap3A_133 : vector<1x1x16xf32> to vector<16xf32>
      %swap3A_135 = vector.shape_cast %broadcast_in_dim3A_128 : vector<16xf32> to vector<1x1x16xf32>
      tpu.vector_store %arg8[%swap3A_130, %swap3A_131, %swap3A_132], %swap3A_135 {strides = array<i32>} : memref<2x128x128xf32, #tpu.memory_space<vmem>>, vector<1x1x16xf32>,
      %broadcast_in_dim3A_136 = arith.constant 0.000000e+00 : f32
      %broadcast_in_dim3A_137 = vector.broadcast %broadcast_in_dim3A_136 : f32 to vector<16xf32>
      %swap3A_138 = arith.constant 0 : i32
      %swap3A_139 = arith.index_cast %swap3A_138 : i32 to index
      %swap3A_140 = arith.index_cast %scan3A_83 : i32 to index
      %swap3A_141 = arith.constant 96 : index
      %swap3A_142 = tpu.vector_load %arg8[%swap3A_139, %swap3A_140, %swap3A_141] {strides = array<i32>} : memref<2x128x128xf32, #tpu.memory_space<vmem>>, vector<1x1x16xf32>,
      %swap3A_143 = vector.shape_cast %swap3A_142 : vector<1x1x16xf32> to vector<16xf32>
      %swap3A_144 = vector.shape_cast %broadcast_in_dim3A_137 : vector<16xf32> to vector<1x1x16xf32>
      tpu.vector_store %arg8[%swap3A_139, %swap3A_140, %swap3A_141], %swap3A_144 {strides = array<i32>} : memref<2x128x128xf32, #tpu.memory_space<vmem>>, vector<1x1x16xf32>,
      %broadcast_in_dim3A_145 = arith.constant 0.000000e+00 : f32
      %broadcast_in_dim3A_146 = vector.broadcast %broadcast_in_dim3A_145 : f32 to vector<16xf32>
      %swap3A_147 = arith.constant 0 : i32
      %swap3A_148 = arith.index_cast %swap3A_147 : i32 to index
      %swap3A_149 = arith.index_cast %scan3A_83 : i32 to index
      %swap3A_150 = arith.constant 112 : index
      %swap3A_151 = tpu.vector_load %arg8[%swap3A_148, %swap3A_149, %swap3A_150] {strides = array<i32>} : memref<2x128x128xf32, #tpu.memory_space<vmem>>, vector<1x1x16xf32>,
      %swap3A_152 = vector.shape_cast %swap3A_151 : vector<1x1x16xf32> to vector<16xf32>
      %swap3A_153 = vector.shape_cast %broadcast_in_dim3A_146 : vector<16xf32> to vector<1x1x16xf32>
      tpu.vector_store %arg8[%swap3A_148, %swap3A_149, %swap3A_150], %swap3A_153 {strides = array<i32>} : memref<2x128x128xf32, #tpu.memory_space<vmem>>, vector<1x1x16xf32>,
    }
    %scan3A_7 = arith.constant 128 : i32
    %add3A_8 = arith.constant 0 : i32
    %add3A_9 = arith.addi %mul3A_2, %add3A_8 : i32
    %run_scoped3A = arith.constant 0 : i32
    "tpu.region"() ({
      %run_scoped3A_83 = tpu.sem_alloc : memref<!tpu.dma_semaphore, #tpu.memory_space<semaphore_mem>>
      %dma_start3A = arith.constant 0 : i32
      %dma_start3A_84 = arith.constant 0 : i32
      %dma_start3A_85 = tpu.memref_slice %arg8[%run_scoped3A, %dma_start3A, %dma_start3A_84] : memref<2x128x128xf32, #tpu.memory_space<vmem>> -> memref<1x128x128xf32, #tpu.memory_space<vmem>>
      %dma_start3A_86 = tpu.memref_squeeze %dma_start3A_85 : memref<1x128x128xf32, #tpu.memory_space<vmem>> -> memref<128x128xf32, #tpu.memory_space<vmem>>
      %dma_start3A_87 = arith.constant 0 : i32
      %dma_start3A_88 = tpu.memref_slice %arg9[%add3A_9, %dma_start3A_87] : memref<10112x128xf32, #tpu.memory_space<vmem_shared>> -> memref<128x128xf32, #tpu.memory_space<vmem_shared>>
      %dma_start3A_89 = arith.constant 0 : i32
      %dma_start3A_90 = tpu.memref_slice %arg9[%add3A_9, %dma_start3A_89] : memref<10112x128xf32, #tpu.memory_space<vmem_shared>> -> memref<128x128xf32, #tpu.memory_space<vmem_shared>>
      %dma_start3A_91 = arith.constant 0 : i32
      %dma_start3A_92 = arith.constant 0 : i32
      %dma_start3A_93 = tpu.memref_slice %arg8[%run_scoped3A, %dma_start3A_91, %dma_start3A_92] : memref<2x128x128xf32, #tpu.memory_space<vmem>> -> memref<1x128x128xf32, #tpu.memory_space<vmem>>
      %dma_start3A_94 = tpu.memref_squeeze %dma_start3A_93 : memref<1x128x128xf32, #tpu.memory_space<vmem>> -> memref<128x128xf32, #tpu.memory_space<vmem>>
      tpu.enqueue_dma source(%dma_start3A_94 : memref<128x128xf32, #tpu.memory_space<vmem>>) target(%dma_start3A_90 : memref<128x128xf32, #tpu.memory_space<vmem_shared>>) target_semaphore(%run_scoped3A_83 : memref<!tpu.dma_semaphore, #tpu.memory_space<semaphore_mem>>)
      %dma_wait3A_95 = arith.constant 0 : i32
      %dma_wait3A_96 = arith.constant 0 : i32
      %dma_wait3A_97 = tpu.memref_slice %arg8[%run_scoped3A, %dma_wait3A_95, %dma_wait3A_96] : memref<2x128x128xf32, #tpu.memory_space<vmem>> -> memref<1x128x128xf32, #tpu.memory_space<vmem>>
      %dma_wait3A_98 = tpu.memref_squeeze %dma_wait3A_97 : memref<1x128x128xf32, #tpu.memory_space<vmem>> -> memref<128x128xf32, #tpu.memory_space<vmem>>
      %dma_wait3A_99 = arith.constant 0 : i32
      %dma_wait3A_100 = tpu.memref_slice %arg9[%add3A_9, %dma_wait3A_99] : memref<10112x128xf32, #tpu.memory_space<vmem_shared>> -> memref<128x128xf32, #tpu.memory_space<vmem_shared>>
      %dma_wait3A_101 = arith.constant 0 : i32
      %dma_wait3A_102 = tpu.memref_slice %arg9[%add3A_9, %dma_wait3A_101] : memref<10112x128xf32, #tpu.memory_space<vmem_shared>> -> memref<128x128xf32, #tpu.memory_space<vmem_shared>>
      %dma_wait3A_103 = arith.constant 0 : i32
      %dma_wait3A_104 = arith.constant 0 : i32
      %dma_wait3A_105 = tpu.memref_slice %arg8[%run_scoped3A, %dma_wait3A_103, %dma_wait3A_104] : memref<2x128x128xf32, #tpu.memory_space<vmem>> -> memref<1x128x128xf32, #tpu.memory_space<vmem>>
      %dma_wait3A_106 = tpu.memref_squeeze %dma_wait3A_105 : memref<1x128x128xf32, #tpu.memory_space<vmem>> -> memref<128x128xf32, #tpu.memory_space<vmem>>
      tpu.wait_dma2 semaphore(%run_scoped3A_83 : memref<!tpu.dma_semaphore, #tpu.memory_space<semaphore_mem>>) src(%dma_wait3A_106 : memref<128x128xf32, #tpu.memory_space<vmem>>) dst(%dma_wait3A_102 : memref<128x128xf32, #tpu.memory_space<vmem_shared>>)
      tpu.yield
    }) : () -> ()
    %add3A_10 = arith.constant 128 : i32
    %add3A_11 = arith.addi %mul3A_2, %add3A_10 : i32
    %run_scoped3A_12 = arith.constant 0 : i32
    "tpu.region"() ({
      %run_scoped3A_83 = tpu.sem_alloc : memref<!tpu.dma_semaphore, #tpu.memory_space<semaphore_mem>>
      %dma_start3A = arith.constant 0 : i32
      %dma_start3A_84 = arith.constant 0 : i32
      %dma_start3A_85 = tpu.memref_slice %arg8[%run_scoped3A_12, %dma_start3A, %dma_start3A_84] : memref<2x128x128xf32, #tpu.memory_space<vmem>> -> memref<1x128x128xf32, #tpu.memory_space<vmem>>
      %dma_start3A_86 = tpu.memref_squeeze %dma_start3A_85 : memref<1x128x128xf32, #tpu.memory_space<vmem>> -> memref<128x128xf32, #tpu.memory_space<vmem>>
      %dma_start3A_87 = arith.constant 0 : i32
      %dma_start3A_88 = tpu.memref_slice %arg9[%add3A_11, %dma_start3A_87] : memref<10112x128xf32, #tpu.memory_space<vmem_shared>> -> memref<128x128xf32, #tpu.memory_space<vmem_shared>>
      %dma_start3A_89 = arith.constant 0 : i32
      %dma_start3A_90 = tpu.memref_slice %arg9[%add3A_11, %dma_start3A_89] : memref<10112x128xf32, #tpu.memory_space<vmem_shared>> -> memref<128x128xf32, #tpu.memory_space<vmem_shared>>
      %dma_start3A_91 = arith.constant 0 : i32
      %dma_start3A_92 = arith.constant 0 : i32
      %dma_start3A_93 = tpu.memref_slice %arg8[%run_scoped3A_12, %dma_start3A_91, %dma_start3A_92] : memref<2x128x128xf32, #tpu.memory_space<vmem>> -> memref<1x128x128xf32, #tpu.memory_space<vmem>>
      %dma_start3A_94 = tpu.memref_squeeze %dma_start3A_93 : memref<1x128x128xf32, #tpu.memory_space<vmem>> -> memref<128x128xf32, #tpu.memory_space<vmem>>
      tpu.enqueue_dma source(%dma_start3A_94 : memref<128x128xf32, #tpu.memory_space<vmem>>) target(%dma_start3A_90 : memref<128x128xf32, #tpu.memory_space<vmem_shared>>) target_semaphore(%run_scoped3A_83 : memref<!tpu.dma_semaphore, #tpu.memory_space<semaphore_mem>>)
      %dma_wait3A_95 = arith.constant 0 : i32
      %dma_wait3A_96 = arith.constant 0 : i32
      %dma_wait3A_97 = tpu.memref_slice %arg8[%run_scoped3A_12, %dma_wait3A_95, %dma_wait3A_96] : memref<2x128x128xf32, #tpu.memory_space<vmem>> -> memref<1x128x128xf32, #tpu.memory_space<vmem>>
      %dma_wait3A_98 = tpu.memref_squeeze %dma_wait3A_97 : memref<1x128x128xf32, #tpu.memory_space<vmem>> -> memref<128x128xf32, #tpu.memory_space<vmem>>
      %dma_wait3A_99 = arith.constant 0 : i32
      %dma_wait3A_100 = tpu.memref_slice %arg9[%add3A_11, %dma_wait3A_99] : memref<10112x128xf32, #tpu.memory_space<vmem_shared>> -> memref<128x128xf32, #tpu.memory_space<vmem_shared>>
      %dma_wait3A_101 = arith.constant 0 : i32
      %dma_wait3A_102 = tpu.memref_slice %arg9[%add3A_11, %dma_wait3A_101] : memref<10112x128xf32, #tpu.memory_space<vmem_shared>> -> memref<128x128xf32, #tpu.memory_space<vmem_shared>>
      %dma_wait3A_103 = arith.constant 0 : i32
      %dma_wait3A_104 = arith.constant 0 : i32
      %dma_wait3A_105 = tpu.memref_slice %arg8[%run_scoped3A_12, %dma_wait3A_103, %dma_wait3A_104] : memref<2x128x128xf32, #tpu.memory_space<vmem>> -> memref<1x128x128xf32, #tpu.memory_space<vmem>>
      %dma_wait3A_106 = tpu.memref_squeeze %dma_wait3A_105 : memref<1x128x128xf32, #tpu.memory_space<vmem>> -> memref<128x128xf32, #tpu.memory_space<vmem>>
      tpu.wait_dma2 semaphore(%run_scoped3A_83 : memref<!tpu.dma_semaphore, #tpu.memory_space<semaphore_mem>>) src(%dma_wait3A_106 : memref<128x128xf32, #tpu.memory_space<vmem>>) dst(%dma_wait3A_102 : memref<128x128xf32, #tpu.memory_space<vmem_shared>>)
      tpu.yield
    }) : () -> ()
    %add3A_13 = arith.constant 256 : i32
    %add3A_14 = arith.addi %mul3A_2, %add3A_13 : i32
    %run_scoped3A_15 = arith.constant 0 : i32
    "tpu.region"() ({
      %run_scoped3A_83 = tpu.sem_alloc : memref<!tpu.dma_semaphore, #tpu.memory_space<semaphore_mem>>
      %dma_start3A = arith.constant 0 : i32
      %dma_start3A_84 = arith.constant 0 : i32
      %dma_start3A_85 = tpu.memref_slice %arg8[%run_scoped3A_15, %dma_start3A, %dma_start3A_84] : memref<2x128x128xf32, #tpu.memory_space<vmem>> -> memref<1x128x128xf32, #tpu.memory_space<vmem>>
      %dma_start3A_86 = tpu.memref_squeeze %dma_start3A_85 : memref<1x128x128xf32, #tpu.memory_space<vmem>> -> memref<128x128xf32, #tpu.memory_space<vmem>>
      %dma_start3A_87 = arith.constant 0 : i32
      %dma_start3A_88 = tpu.memref_slice %arg9[%add3A_14, %dma_start3A_87] : memref<10112x128xf32, #tpu.memory_space<vmem_shared>> -> memref<128x128xf32, #tpu.memory_space<vmem_shared>>
      %dma_start3A_89 = arith.constant 0 : i32
      %dma_start3A_90 = tpu.memref_slice %arg9[%add3A_14, %dma_start3A_89] : memref<10112x128xf32, #tpu.memory_space<vmem_shared>> -> memref<128x128xf32, #tpu.memory_space<vmem_shared>>
      %dma_start3A_91 = arith.constant 0 : i32
      %dma_start3A_92 = arith.constant 0 : i32
      %dma_start3A_93 = tpu.memref_slice %arg8[%run_scoped3A_15, %dma_start3A_91, %dma_start3A_92] : memref<2x128x128xf32, #tpu.memory_space<vmem>> -> memref<1x128x128xf32, #tpu.memory_space<vmem>>
      %dma_start3A_94 = tpu.memref_squeeze %dma_start3A_93 : memref<1x128x128xf32, #tpu.memory_space<vmem>> -> memref<128x128xf32, #tpu.memory_space<vmem>>
      tpu.enqueue_dma source(%dma_start3A_94 : memref<128x128xf32, #tpu.memory_space<vmem>>) target(%dma_start3A_90 : memref<128x128xf32, #tpu.memory_space<vmem_shared>>) target_semaphore(%run_scoped3A_83 : memref<!tpu.dma_semaphore, #tpu.memory_space<semaphore_mem>>)
      %dma_wait3A_95 = arith.constant 0 : i32
      %dma_wait3A_96 = arith.constant 0 : i32
      %dma_wait3A_97 = tpu.memref_slice %arg8[%run_scoped3A_15, %dma_wait3A_95, %dma_wait3A_96] : memref<2x128x128xf32, #tpu.memory_space<vmem>> -> memref<1x128x128xf32, #tpu.memory_space<vmem>>
      %dma_wait3A_98 = tpu.memref_squeeze %dma_wait3A_97 : memref<1x128x128xf32, #tpu.memory_space<vmem>> -> memref<128x128xf32, #tpu.memory_space<vmem>>
      %dma_wait3A_99 = arith.constant 0 : i32
      %dma_wait3A_100 = tpu.memref_slice %arg9[%add3A_14, %dma_wait3A_99] : memref<10112x128xf32, #tpu.memory_space<vmem_shared>> -> memref<128x128xf32, #tpu.memory_space<vmem_shared>>
      %dma_wait3A_101 = arith.constant 0 : i32
      %dma_wait3A_102 = tpu.memref_slice %arg9[%add3A_14, %dma_wait3A_101] : memref<10112x128xf32, #tpu.memory_space<vmem_shared>> -> memref<128x128xf32, #tpu.memory_space<vmem_shared>>
      %dma_wait3A_103 = arith.constant 0 : i32
      %dma_wait3A_104 = arith.constant 0 : i32
      %dma_wait3A_105 = tpu.memref_slice %arg8[%run_scoped3A_15, %dma_wait3A_103, %dma_wait3A_104] : memref<2x128x128xf32, #tpu.memory_space<vmem>> -> memref<1x128x128xf32, #tpu.memory_space<vmem>>
      %dma_wait3A_106 = tpu.memref_squeeze %dma_wait3A_105 : memref<1x128x128xf32, #tpu.memory_space<vmem>> -> memref<128x128xf32, #tpu.memory_space<vmem>>
      tpu.wait_dma2 semaphore(%run_scoped3A_83 : memref<!tpu.dma_semaphore, #tpu.memory_space<semaphore_mem>>) src(%dma_wait3A_106 : memref<128x128xf32, #tpu.memory_space<vmem>>) dst(%dma_wait3A_102 : memref<128x128xf32, #tpu.memory_space<vmem_shared>>)
      tpu.yield
    }) : () -> ()
    %add3A_16 = arith.constant 384 : i32
    %add3A_17 = arith.addi %mul3A_2, %add3A_16 : i32
    %run_scoped3A_18 = arith.constant 0 : i32
    "tpu.region"() ({
      %run_scoped3A_83 = tpu.sem_alloc : memref<!tpu.dma_semaphore, #tpu.memory_space<semaphore_mem>>
      %dma_start3A = arith.constant 0 : i32
      %dma_start3A_84 = arith.constant 0 : i32
      %dma_start3A_85 = tpu.memref_slice %arg8[%run_scoped3A_18, %dma_start3A, %dma_start3A_84] : memref<2x128x128xf32, #tpu.memory_space<vmem>> -> memref<1x128x128xf32, #tpu.memory_space<vmem>>
      %dma_start3A_86 = tpu.memref_squeeze %dma_start3A_85 : memref<1x128x128xf32, #tpu.memory_space<vmem>> -> memref<128x128xf32, #tpu.memory_space<vmem>>
      %dma_start3A_87 = arith.constant 0 : i32
      %dma_start3A_88 = tpu.memref_slice %arg9[%add3A_17, %dma_start3A_87] : memref<10112x128xf32, #tpu.memory_space<vmem_shared>> -> memref<128x128xf32, #tpu.memory_space<vmem_shared>>
      %dma_start3A_89 = arith.constant 0 : i32
      %dma_start3A_90 = tpu.memref_slice %arg9[%add3A_17, %dma_start3A_89] : memref<10112x128xf32, #tpu.memory_space<vmem_shared>> -> memref<128x128xf32, #tpu.memory_space<vmem_shared>>
      %dma_start3A_91 = arith.constant 0 : i32
      %dma_start3A_92 = arith.constant 0 : i32
      %dma_start3A_93 = tpu.memref_slice %arg8[%run_scoped3A_18, %dma_start3A_91, %dma_start3A_92] : memref<2x128x128xf32, #tpu.memory_space<vmem>> -> memref<1x128x128xf32, #tpu.memory_space<vmem>>
      %dma_start3A_94 = tpu.memref_squeeze %dma_start3A_93 : memref<1x128x128xf32, #tpu.memory_space<vmem>> -> memref<128x128xf32, #tpu.memory_space<vmem>>
      tpu.enqueue_dma source(%dma_start3A_94 : memref<128x128xf32, #tpu.memory_space<vmem>>) target(%dma_start3A_90 : memref<128x128xf32, #tpu.memory_space<vmem_shared>>) target_semaphore(%run_scoped3A_83 : memref<!tpu.dma_semaphore, #tpu.memory_space<semaphore_mem>>)
      %dma_wait3A_95 = arith.constant 0 : i32
      %dma_wait3A_96 = arith.constant 0 : i32
      %dma_wait3A_97 = tpu.memref_slice %arg8[%run_scoped3A_18, %dma_wait3A_95, %dma_wait3A_96] : memref<2x128x128xf32, #tpu.memory_space<vmem>> -> memref<1x128x128xf32, #tpu.memory_space<vmem>>
      %dma_wait3A_98 = tpu.memref_squeeze %dma_wait3A_97 : memref<1x128x128xf32, #tpu.memory_space<vmem>> -> memref<128x128xf32, #tpu.memory_space<vmem>>
      %dma_wait3A_99 = arith.constant 0 : i32
      %dma_wait3A_100 = tpu.memref_slice %arg9[%add3A_17, %dma_wait3A_99] : memref<10112x128xf32, #tpu.memory_space<vmem_shared>> -> memref<128x128xf32, #tpu.memory_space<vmem_shared>>
      %dma_wait3A_101 = arith.constant 0 : i32
      %dma_wait3A_102 = tpu.memref_slice %arg9[%add3A_17, %dma_wait3A_101] : memref<10112x128xf32, #tpu.memory_space<vmem_shared>> -> memref<128x128xf32, #tpu.memory_space<vmem_shared>>
      %dma_wait3A_103 = arith.constant 0 : i32
      %dma_wait3A_104 = arith.constant 0 : i32
      %dma_wait3A_105 = tpu.memref_slice %arg8[%run_scoped3A_18, %dma_wait3A_103, %dma_wait3A_104] : memref<2x128x128xf32, #tpu.memory_space<vmem>> -> memref<1x128x128xf32, #tpu.memory_space<vmem>>
      %dma_wait3A_106 = tpu.memref_squeeze %dma_wait3A_105 : memref<1x128x128xf32, #tpu.memory_space<vmem>> -> memref<128x128xf32, #tpu.memory_space<vmem>>
      tpu.wait_dma2 semaphore(%run_scoped3A_83 : memref<!tpu.dma_semaphore, #tpu.memory_space<semaphore_mem>>) src(%dma_wait3A_106 : memref<128x128xf32, #tpu.memory_space<vmem>>) dst(%dma_wait3A_102 : memref<128x128xf32, #tpu.memory_space<vmem_shared>>)
      tpu.yield
    }) : () -> ()
    %add3A_19 = arith.constant 632 : i32
    %add3A_20 = arith.addi %mul3A_2, %add3A_19 : i32
    %sub3A = arith.constant 120 : i32
    %sub3A_21 = arith.subi %add3A_20, %sub3A : i32
    %run_scoped3A_22 = arith.constant 0 : i32
    "tpu.region"() ({
      %run_scoped3A_83 = tpu.sem_alloc : memref<!tpu.dma_semaphore, #tpu.memory_space<semaphore_mem>>
      %dma_start3A = arith.constant 0 : i32
      %dma_start3A_84 = arith.constant 0 : i32
      %dma_start3A_85 = tpu.memref_slice %arg8[%run_scoped3A_22, %dma_start3A, %dma_start3A_84] : memref<2x128x128xf32, #tpu.memory_space<vmem>> -> memref<1x120x128xf32, #tpu.memory_space<vmem>>
      %dma_start3A_86 = tpu.memref_squeeze %dma_start3A_85 : memref<1x120x128xf32, #tpu.memory_space<vmem>> -> memref<120x128xf32, #tpu.memory_space<vmem>>
      %dma_start3A_87 = arith.constant 0 : i32
      %dma_start3A_88 = tpu.memref_slice %arg9[%sub3A_21, %dma_start3A_87] : memref<10112x128xf32, #tpu.memory_space<vmem_shared>> -> memref<120x128xf32, #tpu.memory_space<vmem_shared>>
      %dma_start3A_89 = arith.constant 0 : i32
      %dma_start3A_90 = tpu.memref_slice %arg9[%sub3A_21, %dma_start3A_89] : memref<10112x128xf32, #tpu.memory_space<vmem_shared>> -> memref<120x128xf32, #tpu.memory_space<vmem_shared>>
      %dma_start3A_91 = arith.constant 0 : i32
      %dma_start3A_92 = arith.constant 0 : i32
      %dma_start3A_93 = tpu.memref_slice %arg8[%run_scoped3A_22, %dma_start3A_91, %dma_start3A_92] : memref<2x128x128xf32, #tpu.memory_space<vmem>> -> memref<1x120x128xf32, #tpu.memory_space<vmem>>
      %dma_start3A_94 = tpu.memref_squeeze %dma_start3A_93 : memref<1x120x128xf32, #tpu.memory_space<vmem>> -> memref<120x128xf32, #tpu.memory_space<vmem>>
      tpu.enqueue_dma source(%dma_start3A_94 : memref<120x128xf32, #tpu.memory_space<vmem>>) target(%dma_start3A_90 : memref<120x128xf32, #tpu.memory_space<vmem_shared>>) target_semaphore(%run_scoped3A_83 : memref<!tpu.dma_semaphore, #tpu.memory_space<semaphore_mem>>)
      %dma_wait3A_95 = arith.constant 0 : i32
      %dma_wait3A_96 = arith.constant 0 : i32
      %dma_wait3A_97 = tpu.memref_slice %arg8[%run_scoped3A_22, %dma_wait3A_95, %dma_wait3A_96] : memref<2x128x128xf32, #tpu.memory_space<vmem>> -> memref<1x120x128xf32, #tpu.memory_space<vmem>>
      %dma_wait3A_98 = tpu.memref_squeeze %dma_wait3A_97 : memref<1x120x128xf32, #tpu.memory_space<vmem>> -> memref<120x128xf32, #tpu.memory_space<vmem>>
      %dma_wait3A_99 = arith.constant 0 : i32
      %dma_wait3A_100 = tpu.memref_slice %arg9[%sub3A_21, %dma_wait3A_99] : memref<10112x128xf32, #tpu.memory_space<vmem_shared>> -> memref<120x128xf32, #tpu.memory_space<vmem_shared>>
      %dma_wait3A_101 = arith.constant 0 : i32
      %dma_wait3A_102 = tpu.memref_slice %arg9[%sub3A_21, %dma_wait3A_101] : memref<10112x128xf32, #tpu.memory_space<vmem_shared>> -> memref<120x128xf32, #tpu.memory_space<vmem_shared>>
      %dma_wait3A_103 = arith.constant 0 : i32
      %dma_wait3A_104 = arith.constant 0 : i32
      %dma_wait3A_105 = tpu.memref_slice %arg8[%run_scoped3A_22, %dma_wait3A_103, %dma_wait3A_104] : memref<2x128x128xf32, #tpu.memory_space<vmem>> -> memref<1x120x128xf32, #tpu.memory_space<vmem>>
      %dma_wait3A_106 = tpu.memref_squeeze %dma_wait3A_105 : memref<1x120x128xf32, #tpu.memory_space<vmem>> -> memref<120x128xf32, #tpu.memory_space<vmem>>
      tpu.wait_dma2 semaphore(%run_scoped3A_83 : memref<!tpu.dma_semaphore, #tpu.memory_space<semaphore_mem>>) src(%dma_wait3A_106 : memref<120x128xf32, #tpu.memory_space<vmem>>) dst(%dma_wait3A_102 : memref<120x128xf32, #tpu.memory_space<vmem_shared>>)
      tpu.yield
    }) : () -> ()
    %barrier3A = arith.constant 0 : index
    tpu.barrier barrier_id(%barrier3A)
    "tpu.region"() ({
      %run_scoped3A_83 = tpu.sem_alloc : memref<!tpu.dma_semaphore, #tpu.memory_space<semaphore_mem>>
      %dma_start3A = arith.constant 0 : i32
      %dma_start3A_84 = arith.constant 0 : i32
      %dma_start3A_85 = tpu.memref_slice %arg3[%add3A, %dma_start3A, %dma_start3A_84] : memref<32x80x128xi32, #tpu.memory_space<hbm>> -> memref<1x40x128xi32, #tpu.memory_space<hbm>>
      %dma_start3A_86 = tpu.memref_squeeze %dma_start3A_85 : memref<1x40x128xi32, #tpu.memory_space<hbm>> -> memref<40x128xi32, #tpu.memory_space<hbm>>
      %dma_start3A_87 = arith.constant 0 : i32
      %dma_start3A_88 = arith.constant 0 : i32
      %dma_start3A_89 = tpu.memref_slice %arg3[%add3A, %dma_start3A_87, %dma_start3A_88] : memref<32x80x128xi32, #tpu.memory_space<hbm>> -> memref<1x40x128xi32, #tpu.memory_space<hbm>>
      %dma_start3A_90 = tpu.memref_squeeze %dma_start3A_89 : memref<1x40x128xi32, #tpu.memory_space<hbm>> -> memref<40x128xi32, #tpu.memory_space<hbm>>
      tpu.enqueue_dma source(%dma_start3A_90 : memref<40x128xi32, #tpu.memory_space<hbm>>) target(%arg6 : memref<40x128xi32, #tpu.memory_space<vmem>>) target_semaphore(%run_scoped3A_83 : memref<!tpu.dma_semaphore, #tpu.memory_space<semaphore_mem>>)
      %dma_wait3A_91 = arith.constant 0 : i32
      %dma_wait3A_92 = arith.constant 0 : i32
      %dma_wait3A_93 = tpu.memref_slice %arg3[%add3A, %dma_wait3A_91, %dma_wait3A_92] : memref<32x80x128xi32, #tpu.memory_space<hbm>> -> memref<1x40x128xi32, #tpu.memory_space<hbm>>
      %dma_wait3A_94 = tpu.memref_squeeze %dma_wait3A_93 : memref<1x40x128xi32, #tpu.memory_space<hbm>> -> memref<40x128xi32, #tpu.memory_space<hbm>>
      %dma_wait3A_95 = arith.constant 0 : i32
      %dma_wait3A_96 = arith.constant 0 : i32
      %dma_wait3A_97 = tpu.memref_slice %arg3[%add3A, %dma_wait3A_95, %dma_wait3A_96] : memref<32x80x128xi32, #tpu.memory_space<hbm>> -> memref<1x40x128xi32, #tpu.memory_space<hbm>>
      %dma_wait3A_98 = tpu.memref_squeeze %dma_wait3A_97 : memref<1x40x128xi32, #tpu.memory_space<hbm>> -> memref<40x128xi32, #tpu.memory_space<hbm>>
      tpu.wait_dma2 semaphore(%run_scoped3A_83 : memref<!tpu.dma_semaphore, #tpu.memory_space<semaphore_mem>>) src(%dma_wait3A_98 : memref<40x128xi32, #tpu.memory_space<hbm>>) dst(%arg6 : memref<40x128xi32, #tpu.memory_space<vmem>>)
      tpu.yield
    }) : () -> ()
    "tpu.region"() ({
      %run_scoped3A_83 = tpu.sem_alloc : memref<!tpu.dma_semaphore, #tpu.memory_space<semaphore_mem>>
      %dma_start3A = arith.constant 0 : i32
      %dma_start3A_84 = arith.constant 0 : i32
      %dma_start3A_85 = tpu.memref_slice %arg4[%add3A, %dma_start3A, %dma_start3A_84] : memref<32x80x128xi32, #tpu.memory_space<hbm>> -> memref<1x40x128xi32, #tpu.memory_space<hbm>>
      %dma_start3A_86 = tpu.memref_squeeze %dma_start3A_85 : memref<1x40x128xi32, #tpu.memory_space<hbm>> -> memref<40x128xi32, #tpu.memory_space<hbm>>
      %dma_start3A_87 = arith.constant 0 : i32
      %dma_start3A_88 = arith.constant 0 : i32
      %dma_start3A_89 = tpu.memref_slice %arg4[%add3A, %dma_start3A_87, %dma_start3A_88] : memref<32x80x128xi32, #tpu.memory_space<hbm>> -> memref<1x40x128xi32, #tpu.memory_space<hbm>>
      %dma_start3A_90 = tpu.memref_squeeze %dma_start3A_89 : memref<1x40x128xi32, #tpu.memory_space<hbm>> -> memref<40x128xi32, #tpu.memory_space<hbm>>
      tpu.enqueue_dma source(%dma_start3A_90 : memref<40x128xi32, #tpu.memory_space<hbm>>) target(%arg7 : memref<40x128xi32, #tpu.memory_space<vmem>>) target_semaphore(%run_scoped3A_83 : memref<!tpu.dma_semaphore, #tpu.memory_space<semaphore_mem>>)
      %dma_wait3A_91 = arith.constant 0 : i32
      %dma_wait3A_92 = arith.constant 0 : i32
      %dma_wait3A_93 = tpu.memref_slice %arg4[%add3A, %dma_wait3A_91, %dma_wait3A_92] : memref<32x80x128xi32, #tpu.memory_space<hbm>> -> memref<1x40x128xi32, #tpu.memory_space<hbm>>
      %dma_wait3A_94 = tpu.memref_squeeze %dma_wait3A_93 : memref<1x40x128xi32, #tpu.memory_space<hbm>> -> memref<40x128xi32, #tpu.memory_space<hbm>>
      %dma_wait3A_95 = arith.constant 0 : i32
      %dma_wait3A_96 = arith.constant 0 : i32
      %dma_wait3A_97 = tpu.memref_slice %arg4[%add3A, %dma_wait3A_95, %dma_wait3A_96] : memref<32x80x128xi32, #tpu.memory_space<hbm>> -> memref<1x40x128xi32, #tpu.memory_space<hbm>>
      %dma_wait3A_98 = tpu.memref_squeeze %dma_wait3A_97 : memref<1x40x128xi32, #tpu.memory_space<hbm>> -> memref<40x128xi32, #tpu.memory_space<hbm>>
      tpu.wait_dma2 semaphore(%run_scoped3A_83 : memref<!tpu.dma_semaphore, #tpu.memory_space<semaphore_mem>>) src(%dma_wait3A_98 : memref<40x128xi32, #tpu.memory_space<hbm>>) dst(%arg7 : memref<40x128xi32, #tpu.memory_space<vmem>>)
      tpu.yield
    }) : () -> ()
    %scan3A_23 = arith.constant 0 : i32
    %scan3A_24 = arith.constant 0 : i32
    %scan3A_25 = arith.constant 20 : i32
    %scan3A_26 = arith.addi %scan3A_24, %scan3A_25 : i32
    %scan3A_27 = arith.constant 1 : i32
    scf.for %scan3A_83 = %scan3A_24 to %scan3A_26 step %scan3A_27  : i32 {
      %mul3A_84 = arith.constant 2 : i32
      %mul3A_85 = arith.muli %scan3A_83, %mul3A_84 : i32
      %gt3A = arith.constant 0 : i32
      %gt3A_86 = arith.cmpi sgt, %scan3A_83, %gt3A : i32
      %convert_element_type3A = arith.extui %gt3A_86 : i1 to i32
      %cond3A = arith.constant 0 : i32
      %cond3A_87 = arith.cmpi ne, %convert_element_type3A, %cond3A : i32
      scf.if %cond3A_87 {
        %sub3A_166 = arith.constant 2 : i32
        %sub3A_167 = arith.subi %mul3A_85, %sub3A_166 : i32
        %add3A_168 = arith.constant 0 : i32
        %add3A_169 = arith.addi %sub3A_167, %add3A_168 : i32
        %dma_wait3A_170 = arith.constant 0 : i32
        %dma_wait3A_171 = arith.constant 0 : i32
        %dma_wait3A_172 = arith.constant 0 : i32
        %dma_wait3A_173 = tpu.memref_slice %arg8[%dma_wait3A_170, %dma_wait3A_171, %dma_wait3A_172] : memref<2x128x128xf32, #tpu.memory_space<vmem>> -> memref<1x128x128xf32, #tpu.memory_space<vmem>>
        %dma_wait3A_174 = tpu.memref_squeeze %dma_wait3A_173 : memref<1x128x128xf32, #tpu.memory_space<vmem>> -> memref<128x128xf32, #tpu.memory_space<vmem>>
        %dma_wait3A_175 = arith.constant 0 : i32
        %dma_wait3A_176 = tpu.memref_slice %arg7[%add3A_169, %dma_wait3A_175] : memref<40x128xi32, #tpu.memory_space<vmem>> -> memref<1x128xi32, #tpu.memory_space<vmem>>
        %dma_wait3A_177 = tpu.memref_squeeze %dma_wait3A_176 : memref<1x128xi32, #tpu.memory_space<vmem>> -> memref<128xi32, #tpu.memory_space<vmem>>
        %dma_wait3A_178 = arith.constant 0 : i32
        %dma_wait3A_179 = arith.constant 0 : i32
        %dma_wait3A_180 = tpu.memref_slice %arg9[%dma_wait3A_178, %dma_wait3A_179] : memref<10112x128xf32, #tpu.memory_space<vmem_shared>> -> memref<10112x128xf32, #tpu.memory_space<vmem_shared>>
        tpu.wait_indirect_dma semaphore(%arg12 : memref<!tpu.dma_semaphore, #tpu.memory_space<semaphore_mem>>) src(%dma_wait3A_174 : memref<128x128xf32, #tpu.memory_space<vmem>>) dst(%dma_wait3A_180 : memref<10112x128xf32, #tpu.memory_space<vmem_shared>>)
      } else {
      }
      %add3A_88 = arith.constant 0 : i32
      %add3A_89 = arith.addi %mul3A_85, %add3A_88 : i32
      %dma_start3A = arith.constant 0 : i32
      %dma_start3A_90 = arith.constant 0 : i32
      %dma_start3A_91 = arith.constant 0 : i32
      %dma_start3A_92 = tpu.memref_slice %arg8[%dma_start3A, %dma_start3A_90, %dma_start3A_91] : memref<2x128x128xf32, #tpu.memory_space<vmem>> -> memref<1x128x128xf32, #tpu.memory_space<vmem>>
      %dma_start3A_93 = tpu.memref_squeeze %dma_start3A_92 : memref<1x128x128xf32, #tpu.memory_space<vmem>> -> memref<128x128xf32, #tpu.memory_space<vmem>>
      %dma_start3A_94 = arith.constant 0 : i32
      %dma_start3A_95 = tpu.memref_slice %arg6[%add3A_89, %dma_start3A_94] : memref<40x128xi32, #tpu.memory_space<vmem>> -> memref<1x128xi32, #tpu.memory_space<vmem>>
      %dma_start3A_96 = tpu.memref_squeeze %dma_start3A_95 : memref<1x128xi32, #tpu.memory_space<vmem>> -> memref<128xi32, #tpu.memory_space<vmem>>
      %dma_start3A_97 = arith.constant 0 : i32
      %dma_start3A_98 = arith.constant 0 : i32
      %dma_start3A_99 = tpu.memref_slice %arg2[%dma_start3A_97, %dma_start3A_98] : memref<10000x128xf32, #tpu.memory_space<hbm>> -> memref<10000x128xf32, #tpu.memory_space<hbm>>
      tpu.enqueue_indirect_dma source(%dma_start3A_99 : memref<10000x128xf32, #tpu.memory_space<hbm>>) target(%dma_start3A_93 : memref<128x128xf32, #tpu.memory_space<vmem>>) offsets(%dma_start3A_96 : memref<128xi32, #tpu.memory_space<vmem>>) semaphore(%arg10 : memref<!tpu.dma_semaphore, #tpu.memory_space<semaphore_mem>>)
      %gt3A_100 = arith.constant 0 : i32
      %gt3A_101 = arith.cmpi sgt, %scan3A_83, %gt3A_100 : i32
      %convert_element_type3A_102 = arith.extui %gt3A_101 : i1 to i32
      %cond3A_103 = arith.constant 0 : i32
      %cond3A_104 = arith.cmpi ne, %convert_element_type3A_102, %cond3A_103 : i32
      scf.if %cond3A_104 {
        %sub3A_166 = arith.constant 2 : i32
        %sub3A_167 = arith.subi %mul3A_85, %sub3A_166 : i32
        %add3A_168 = arith.constant 1 : i32
        %add3A_169 = arith.addi %sub3A_167, %add3A_168 : i32
        %dma_wait3A_170 = arith.constant 1 : i32
        %dma_wait3A_171 = arith.constant 0 : i32
        %dma_wait3A_172 = arith.constant 0 : i32
        %dma_wait3A_173 = tpu.memref_slice %arg8[%dma_wait3A_170, %dma_wait3A_171, %dma_wait3A_172] : memref<2x128x128xf32, #tpu.memory_space<vmem>> -> memref<1x128x128xf32, #tpu.memory_space<vmem>>
        %dma_wait3A_174 = tpu.memref_squeeze %dma_wait3A_173 : memref<1x128x128xf32, #tpu.memory_space<vmem>> -> memref<128x128xf32, #tpu.memory_space<vmem>>
        %dma_wait3A_175 = arith.constant 0 : i32
        %dma_wait3A_176 = tpu.memref_slice %arg7[%add3A_169, %dma_wait3A_175] : memref<40x128xi32, #tpu.memory_space<vmem>> -> memref<1x128xi32, #tpu.memory_space<vmem>>
        %dma_wait3A_177 = tpu.memref_squeeze %dma_wait3A_176 : memref<1x128xi32, #tpu.memory_space<vmem>> -> memref<128xi32, #tpu.memory_space<vmem>>
        %dma_wait3A_178 = arith.constant 0 : i32
        %dma_wait3A_179 = arith.constant 0 : i32
        %dma_wait3A_180 = tpu.memref_slice %arg9[%dma_wait3A_178, %dma_wait3A_179] : memref<10112x128xf32, #tpu.memory_space<vmem_shared>> -> memref<10112x128xf32, #tpu.memory_space<vmem_shared>>
        tpu.wait_indirect_dma semaphore(%arg13 : memref<!tpu.dma_semaphore, #tpu.memory_space<semaphore_mem>>) src(%dma_wait3A_174 : memref<128x128xf32, #tpu.memory_space<vmem>>) dst(%dma_wait3A_180 : memref<10112x128xf32, #tpu.memory_space<vmem_shared>>)
      } else {
      }
      %add3A_105 = arith.constant 1 : i32
      %add3A_106 = arith.addi %mul3A_85, %add3A_105 : i32
      %dma_start3A_107 = arith.constant 1 : i32
      %dma_start3A_108 = arith.constant 0 : i32
      %dma_start3A_109 = arith.constant 0 : i32
      %dma_start3A_110 = tpu.memref_slice %arg8[%dma_start3A_107, %dma_start3A_108, %dma_start3A_109] : memref<2x128x128xf32, #tpu.memory_space<vmem>> -> memref<1x128x128xf32, #tpu.memory_space<vmem>>
      %dma_start3A_111 = tpu.memref_squeeze %dma_start3A_110 : memref<1x128x128xf32, #tpu.memory_space<vmem>> -> memref<128x128xf32, #tpu.memory_space<vmem>>
      %dma_start3A_112 = arith.constant 0 : i32
      %dma_start3A_113 = tpu.memref_slice %arg6[%add3A_106, %dma_start3A_112] : memref<40x128xi32, #tpu.memory_space<vmem>> -> memref<1x128xi32, #tpu.memory_space<vmem>>
      %dma_start3A_114 = tpu.memref_squeeze %dma_start3A_113 : memref<1x128xi32, #tpu.memory_space<vmem>> -> memref<128xi32, #tpu.memory_space<vmem>>
      %dma_start3A_115 = arith.constant 0 : i32
      %dma_start3A_116 = arith.constant 0 : i32
      %dma_start3A_117 = tpu.memref_slice %arg2[%dma_start3A_115, %dma_start3A_116] : memref<10000x128xf32, #tpu.memory_space<hbm>> -> memref<10000x128xf32, #tpu.memory_space<hbm>>
      tpu.enqueue_indirect_dma source(%dma_start3A_117 : memref<10000x128xf32, #tpu.memory_space<hbm>>) target(%dma_start3A_111 : memref<128x128xf32, #tpu.memory_space<vmem>>) offsets(%dma_start3A_114 : memref<128xi32, #tpu.memory_space<vmem>>) semaphore(%arg11 : memref<!tpu.dma_semaphore, #tpu.memory_space<semaphore_mem>>)
      %dma_wait3A_118 = arith.constant 0 : i32
      %dma_wait3A_119 = arith.constant 0 : i32
      %dma_wait3A_120 = arith.constant 0 : i32
      %dma_wait3A_121 = tpu.memref_slice %arg8[%dma_wait3A_118, %dma_wait3A_119, %dma_wait3A_120] : memref<2x128x128xf32, #tpu.memory_space<vmem>> -> memref<1x128x128xf32, #tpu.memory_space<vmem>>
      %dma_wait3A_122 = tpu.memref_squeeze %dma_wait3A_121 : memref<1x128x128xf32, #tpu.memory_space<vmem>> -> memref<128x128xf32, #tpu.memory_space<vmem>>
      %dma_wait3A_123 = arith.constant 0 : i32
      %dma_wait3A_124 = tpu.memref_slice %arg6[%add3A_89, %dma_wait3A_123] : memref<40x128xi32, #tpu.memory_space<vmem>> -> memref<1x128xi32, #tpu.memory_space<vmem>>
      %dma_wait3A_125 = tpu.memref_squeeze %dma_wait3A_124 : memref<1x128xi32, #tpu.memory_space<vmem>> -> memref<128xi32, #tpu.memory_space<vmem>>
      %dma_wait3A_126 = arith.constant 0 : i32
      %dma_wait3A_127 = arith.constant 0 : i32
      %dma_wait3A_128 = tpu.memref_slice %arg2[%dma_wait3A_126, %dma_wait3A_127] : memref<10000x128xf32, #tpu.memory_space<hbm>> -> memref<10000x128xf32, #tpu.memory_space<hbm>>
      tpu.wait_indirect_dma semaphore(%arg10 : memref<!tpu.dma_semaphore, #tpu.memory_space<semaphore_mem>>) src(%dma_wait3A_128 : memref<10000x128xf32, #tpu.memory_space<hbm>>) dst(%dma_wait3A_122 : memref<128x128xf32, #tpu.memory_space<vmem>>)
      %add3A_129 = arith.constant 0 : i32
      %add3A_130 = arith.addi %mul3A_85, %add3A_129 : i32
      %dma_start3A_131 = arith.constant 0 : i32
      %dma_start3A_132 = arith.constant 0 : i32
      %dma_start3A_133 = arith.constant 0 : i32
      %dma_start3A_134 = tpu.memref_slice %arg8[%dma_start3A_131, %dma_start3A_132, %dma_start3A_133] : memref<2x128x128xf32, #tpu.memory_space<vmem>> -> memref<1x128x128xf32, #tpu.memory_space<vmem>>
      %dma_start3A_135 = tpu.memref_squeeze %dma_start3A_134 : memref<1x128x128xf32, #tpu.memory_space<vmem>> -> memref<128x128xf32, #tpu.memory_space<vmem>>
      %dma_start3A_136 = arith.constant 0 : i32
      %dma_start3A_137 = tpu.memref_slice %arg7[%add3A_130, %dma_start3A_136] : memref<40x128xi32, #tpu.memory_space<vmem>> -> memref<1x128xi32, #tpu.memory_space<vmem>>
      %dma_start3A_138 = tpu.memref_squeeze %dma_start3A_137 : memref<1x128xi32, #tpu.memory_space<vmem>> -> memref<128xi32, #tpu.memory_space<vmem>>
      %dma_start3A_139 = arith.constant 0 : i32
      %dma_start3A_140 = arith.constant 0 : i32
      %dma_start3A_141 = tpu.memref_slice %arg9[%dma_start3A_139, %dma_start3A_140] : memref<10112x128xf32, #tpu.memory_space<vmem_shared>> -> memref<10112x128xf32, #tpu.memory_space<vmem_shared>>
      tpu.enqueue_indirect_dma source(%dma_start3A_135 : memref<128x128xf32, #tpu.memory_space<vmem>>) target(%dma_start3A_141 : memref<10112x128xf32, #tpu.memory_space<vmem_shared>>) offsets(%dma_start3A_138 : memref<128xi32, #tpu.memory_space<vmem>>) semaphore(%arg12 : memref<!tpu.dma_semaphore, #tpu.memory_space<semaphore_mem>>) {add = true}
      %dma_wait3A_142 = arith.constant 1 : i32
      %dma_wait3A_143 = arith.constant 0 : i32
      %dma_wait3A_144 = arith.constant 0 : i32
      %dma_wait3A_145 = tpu.memref_slice %arg8[%dma_wait3A_142, %dma_wait3A_143, %dma_wait3A_144] : memref<2x128x128xf32, #tpu.memory_space<vmem>> -> memref<1x128x128xf32, #tpu.memory_space<vmem>>
      %dma_wait3A_146 = tpu.memref_squeeze %dma_wait3A_145 : memref<1x128x128xf32, #tpu.memory_space<vmem>> -> memref<128x128xf32, #tpu.memory_space<vmem>>
      %dma_wait3A_147 = arith.constant 0 : i32
      %dma_wait3A_148 = tpu.memref_slice %arg6[%add3A_106, %dma_wait3A_147] : memref<40x128xi32, #tpu.memory_space<vmem>> -> memref<1x128xi32, #tpu.memory_space<vmem>>
      %dma_wait3A_149 = tpu.memref_squeeze %dma_wait3A_148 : memref<1x128xi32, #tpu.memory_space<vmem>> -> memref<128xi32, #tpu.memory_space<vmem>>
      %dma_wait3A_150 = arith.constant 0 : i32
      %dma_wait3A_151 = arith.constant 0 : i32
      %dma_wait3A_152 = tpu.memref_slice %arg2[%dma_wait3A_150, %dma_wait3A_151] : memref<10000x128xf32, #tpu.memory_space<hbm>> -> memref<10000x128xf32, #tpu.memory_space<hbm>>
      tpu.wait_indirect_dma semaphore(%arg11 : memref<!tpu.dma_semaphore, #tpu.memory_space<semaphore_mem>>) src(%dma_wait3A_152 : memref<10000x128xf32, #tpu.memory_space<hbm>>) dst(%dma_wait3A_146 : memref<128x128xf32, #tpu.memory_space<vmem>>)
      %add3A_153 = arith.constant 1 : i32
      %add3A_154 = arith.addi %mul3A_85, %add3A_153 : i32
      %dma_start3A_155 = arith.constant 1 : i32
      %dma_start3A_156 = arith.constant 0 : i32
      %dma_start3A_157 = arith.constant 0 : i32
      %dma_start3A_158 = tpu.memref_slice %arg8[%dma_start3A_155, %dma_start3A_156, %dma_start3A_157] : memref<2x128x128xf32, #tpu.memory_space<vmem>> -> memref<1x128x128xf32, #tpu.memory_space<vmem>>
      %dma_start3A_159 = tpu.memref_squeeze %dma_start3A_158 : memref<1x128x128xf32, #tpu.memory_space<vmem>> -> memref<128x128xf32, #tpu.memory_space<vmem>>
      %dma_start3A_160 = arith.constant 0 : i32
      %dma_start3A_161 = tpu.memref_slice %arg7[%add3A_154, %dma_start3A_160] : memref<40x128xi32, #tpu.memory_space<vmem>> -> memref<1x128xi32, #tpu.memory_space<vmem>>
      %dma_start3A_162 = tpu.memref_squeeze %dma_start3A_161 : memref<1x128xi32, #tpu.memory_space<vmem>> -> memref<128xi32, #tpu.memory_space<vmem>>
      %dma_start3A_163 = arith.constant 0 : i32
      %dma_start3A_164 = arith.constant 0 : i32
      %dma_start3A_165 = tpu.memref_slice %arg9[%dma_start3A_163, %dma_start3A_164] : memref<10112x128xf32, #tpu.memory_space<vmem_shared>> -> memref<10112x128xf32, #tpu.memory_space<vmem_shared>>
      tpu.enqueue_indirect_dma source(%dma_start3A_159 : memref<128x128xf32, #tpu.memory_space<vmem>>) target(%dma_start3A_165 : memref<10112x128xf32, #tpu.memory_space<vmem_shared>>) offsets(%dma_start3A_162 : memref<128xi32, #tpu.memory_space<vmem>>) semaphore(%arg13 : memref<!tpu.dma_semaphore, #tpu.memory_space<semaphore_mem>>) {add = true}
    }
    %scan3A_28 = arith.constant 20 : i32
    %dma_wait3A = arith.constant 0 : i32
    %dma_wait3A_29 = arith.constant 38 : i32
    %dma_wait3A_30 = arith.constant 0 : i32
    %dma_wait3A_31 = arith.constant 0 : i32
    %dma_wait3A_32 = tpu.memref_slice %arg8[%dma_wait3A, %dma_wait3A_30, %dma_wait3A_31] : memref<2x128x128xf32, #tpu.memory_space<vmem>> -> memref<1x128x128xf32, #tpu.memory_space<vmem>>
    %dma_wait3A_33 = tpu.memref_squeeze %dma_wait3A_32 : memref<1x128x128xf32, #tpu.memory_space<vmem>> -> memref<128x128xf32, #tpu.memory_space<vmem>>
    %dma_wait3A_34 = arith.constant 0 : i32
    %dma_wait3A_35 = tpu.memref_slice %arg7[%dma_wait3A_29, %dma_wait3A_34] : memref<40x128xi32, #tpu.memory_space<vmem>> -> memref<1x128xi32, #tpu.memory_space<vmem>>
    %dma_wait3A_36 = tpu.memref_squeeze %dma_wait3A_35 : memref<1x128xi32, #tpu.memory_space<vmem>> -> memref<128xi32, #tpu.memory_space<vmem>>
    %dma_wait3A_37 = arith.constant 0 : i32
    %dma_wait3A_38 = arith.constant 0 : i32
    %dma_wait3A_39 = tpu.memref_slice %arg9[%dma_wait3A_37, %dma_wait3A_38] : memref<10112x128xf32, #tpu.memory_space<vmem_shared>> -> memref<10112x128xf32, #tpu.memory_space<vmem_shared>>
    tpu.wait_indirect_dma semaphore(%arg12 : memref<!tpu.dma_semaphore, #tpu.memory_space<semaphore_mem>>) src(%dma_wait3A_33 : memref<128x128xf32, #tpu.memory_space<vmem>>) dst(%dma_wait3A_39 : memref<10112x128xf32, #tpu.memory_space<vmem_shared>>)
    %dma_wait3A_40 = arith.constant 1 : i32
    %dma_wait3A_41 = arith.constant 39 : i32
    %dma_wait3A_42 = arith.constant 0 : i32
    %dma_wait3A_43 = arith.constant 0 : i32
    %dma_wait3A_44 = tpu.memref_slice %arg8[%dma_wait3A_40, %dma_wait3A_42, %dma_wait3A_43] : memref<2x128x128xf32, #tpu.memory_space<vmem>> -> memref<1x128x128xf32, #tpu.memory_space<vmem>>
    %dma_wait3A_45 = tpu.memref_squeeze %dma_wait3A_44 : memref<1x128x128xf32, #tpu.memory_space<vmem>> -> memref<128x128xf32, #tpu.memory_space<vmem>>
    %dma_wait3A_46 = arith.constant 0 : i32
    %dma_wait3A_47 = tpu.memref_slice %arg7[%dma_wait3A_41, %dma_wait3A_46] : memref<40x128xi32, #tpu.memory_space<vmem>> -> memref<1x128xi32, #tpu.memory_space<vmem>>
    %dma_wait3A_48 = tpu.memref_squeeze %dma_wait3A_47 : memref<1x128xi32, #tpu.memory_space<vmem>> -> memref<128xi32, #tpu.memory_space<vmem>>
    %dma_wait3A_49 = arith.constant 0 : i32
    %dma_wait3A_50 = arith.constant 0 : i32
    %dma_wait3A_51 = tpu.memref_slice %arg9[%dma_wait3A_49, %dma_wait3A_50] : memref<10112x128xf32, #tpu.memory_space<vmem_shared>> -> memref<10112x128xf32, #tpu.memory_space<vmem_shared>>
    tpu.wait_indirect_dma semaphore(%arg13 : memref<!tpu.dma_semaphore, #tpu.memory_space<semaphore_mem>>) src(%dma_wait3A_45 : memref<128x128xf32, #tpu.memory_space<vmem>>) dst(%dma_wait3A_51 : memref<10112x128xf32, #tpu.memory_space<vmem_shared>>)
    "tpu.region"() ({
      %run_scoped3A_83 = tpu.sem_alloc : memref<!tpu.dma_semaphore, #tpu.memory_space<semaphore_mem>>
      %dma_start3A = arith.constant 40 : i32
      %dma_start3A_84 = arith.constant 0 : i32
      %dma_start3A_85 = tpu.memref_slice %arg3[%add3A, %dma_start3A, %dma_start3A_84] : memref<32x80x128xi32, #tpu.memory_space<hbm>> -> memref<1x40x128xi32, #tpu.memory_space<hbm>>
      %dma_start3A_86 = tpu.memref_squeeze %dma_start3A_85 : memref<1x40x128xi32, #tpu.memory_space<hbm>> -> memref<40x128xi32, #tpu.memory_space<hbm>>
      %dma_start3A_87 = arith.constant 40 : i32
      %dma_start3A_88 = arith.constant 0 : i32
      %dma_start3A_89 = tpu.memref_slice %arg3[%add3A, %dma_start3A_87, %dma_start3A_88] : memref<32x80x128xi32, #tpu.memory_space<hbm>> -> memref<1x40x128xi32, #tpu.memory_space<hbm>>
      %dma_start3A_90 = tpu.memref_squeeze %dma_start3A_89 : memref<1x40x128xi32, #tpu.memory_space<hbm>> -> memref<40x128xi32, #tpu.memory_space<hbm>>
      tpu.enqueue_dma source(%dma_start3A_90 : memref<40x128xi32, #tpu.memory_space<hbm>>) target(%arg6 : memref<40x128xi32, #tpu.memory_space<vmem>>) target_semaphore(%run_scoped3A_83 : memref<!tpu.dma_semaphore, #tpu.memory_space<semaphore_mem>>)
      %dma_wait3A_91 = arith.constant 40 : i32
      %dma_wait3A_92 = arith.constant 0 : i32
      %dma_wait3A_93 = tpu.memref_slice %arg3[%add3A, %dma_wait3A_91, %dma_wait3A_92] : memref<32x80x128xi32, #tpu.memory_space<hbm>> -> memref<1x40x128xi32, #tpu.memory_space<hbm>>
      %dma_wait3A_94 = tpu.memref_squeeze %dma_wait3A_93 : memref<1x40x128xi32, #tpu.memory_space<hbm>> -> memref<40x128xi32, #tpu.memory_space<hbm>>
      %dma_wait3A_95 = arith.constant 40 : i32
      %dma_wait3A_96 = arith.constant 0 : i32
      %dma_wait3A_97 = tpu.memref_slice %arg3[%add3A, %dma_wait3A_95, %dma_wait3A_96] : memref<32x80x128xi32, #tpu.memory_space<hbm>> -> memref<1x40x128xi32, #tpu.memory_space<hbm>>
      %dma_wait3A_98 = tpu.memref_squeeze %dma_wait3A_97 : memref<1x40x128xi32, #tpu.memory_space<hbm>> -> memref<40x128xi32, #tpu.memory_space<hbm>>
      tpu.wait_dma2 semaphore(%run_scoped3A_83 : memref<!tpu.dma_semaphore, #tpu.memory_space<semaphore_mem>>) src(%dma_wait3A_98 : memref<40x128xi32, #tpu.memory_space<hbm>>) dst(%arg6 : memref<40x128xi32, #tpu.memory_space<vmem>>)
      tpu.yield
    }) : () -> ()
    "tpu.region"() ({
      %run_scoped3A_83 = tpu.sem_alloc : memref<!tpu.dma_semaphore, #tpu.memory_space<semaphore_mem>>
      %dma_start3A = arith.constant 40 : i32
      %dma_start3A_84 = arith.constant 0 : i32
      %dma_start3A_85 = tpu.memref_slice %arg4[%add3A, %dma_start3A, %dma_start3A_84] : memref<32x80x128xi32, #tpu.memory_space<hbm>> -> memref<1x40x128xi32, #tpu.memory_space<hbm>>
      %dma_start3A_86 = tpu.memref_squeeze %dma_start3A_85 : memref<1x40x128xi32, #tpu.memory_space<hbm>> -> memref<40x128xi32, #tpu.memory_space<hbm>>
      %dma_start3A_87 = arith.constant 40 : i32
      %dma_start3A_88 = arith.constant 0 : i32
      %dma_start3A_89 = tpu.memref_slice %arg4[%add3A, %dma_start3A_87, %dma_start3A_88] : memref<32x80x128xi32, #tpu.memory_space<hbm>> -> memref<1x40x128xi32, #tpu.memory_space<hbm>>
      %dma_start3A_90 = tpu.memref_squeeze %dma_start3A_89 : memref<1x40x128xi32, #tpu.memory_space<hbm>> -> memref<40x128xi32, #tpu.memory_space<hbm>>
      tpu.enqueue_dma source(%dma_start3A_90 : memref<40x128xi32, #tpu.memory_space<hbm>>) target(%arg7 : memref<40x128xi32, #tpu.memory_space<vmem>>) target_semaphore(%run_scoped3A_83 : memref<!tpu.dma_semaphore, #tpu.memory_space<semaphore_mem>>)
      %dma_wait3A_91 = arith.constant 40 : i32
      %dma_wait3A_92 = arith.constant 0 : i32
      %dma_wait3A_93 = tpu.memref_slice %arg4[%add3A, %dma_wait3A_91, %dma_wait3A_92] : memref<32x80x128xi32, #tpu.memory_space<hbm>> -> memref<1x40x128xi32, #tpu.memory_space<hbm>>
      %dma_wait3A_94 = tpu.memref_squeeze %dma_wait3A_93 : memref<1x40x128xi32, #tpu.memory_space<hbm>> -> memref<40x128xi32, #tpu.memory_space<hbm>>
      %dma_wait3A_95 = arith.constant 40 : i32
      %dma_wait3A_96 = arith.constant 0 : i32
      %dma_wait3A_97 = tpu.memref_slice %arg4[%add3A, %dma_wait3A_95, %dma_wait3A_96] : memref<32x80x128xi32, #tpu.memory_space<hbm>> -> memref<1x40x128xi32, #tpu.memory_space<hbm>>
      %dma_wait3A_98 = tpu.memref_squeeze %dma_wait3A_97 : memref<1x40x128xi32, #tpu.memory_space<hbm>> -> memref<40x128xi32, #tpu.memory_space<hbm>>
      tpu.wait_dma2 semaphore(%run_scoped3A_83 : memref<!tpu.dma_semaphore, #tpu.memory_space<semaphore_mem>>) src(%dma_wait3A_98 : memref<40x128xi32, #tpu.memory_space<hbm>>) dst(%arg7 : memref<40x128xi32, #tpu.memory_space<vmem>>)
      tpu.yield
    }) : () -> ()
    %scan3A_52 = arith.constant 0 : i32
    %scan3A_53 = arith.constant 0 : i32
    %scan3A_54 = arith.constant 20 : i32
    %scan3A_55 = arith.addi %scan3A_53, %scan3A_54 : i32
    %scan3A_56 = arith.constant 1 : i32
    scf.for %scan3A_83 = %scan3A_53 to %scan3A_55 step %scan3A_56  : i32 {
      %mul3A_84 = arith.constant 2 : i32
      %mul3A_85 = arith.muli %scan3A_83, %mul3A_84 : i32
      %gt3A = arith.constant 0 : i32
      %gt3A_86 = arith.cmpi sgt, %scan3A_83, %gt3A : i32
      %convert_element_type3A = arith.extui %gt3A_86 : i1 to i32
      %cond3A = arith.constant 0 : i32
      %cond3A_87 = arith.cmpi ne, %convert_element_type3A, %cond3A : i32
      scf.if %cond3A_87 {
        %sub3A_166 = arith.constant 2 : i32
        %sub3A_167 = arith.subi %mul3A_85, %sub3A_166 : i32
        %add3A_168 = arith.constant 0 : i32
        %add3A_169 = arith.addi %sub3A_167, %add3A_168 : i32
        %dma_wait3A_170 = arith.constant 0 : i32
        %dma_wait3A_171 = arith.constant 0 : i32
        %dma_wait3A_172 = arith.constant 0 : i32
        %dma_wait3A_173 = tpu.memref_slice %arg8[%dma_wait3A_170, %dma_wait3A_171, %dma_wait3A_172] : memref<2x128x128xf32, #tpu.memory_space<vmem>> -> memref<1x128x128xf32, #tpu.memory_space<vmem>>
        %dma_wait3A_174 = tpu.memref_squeeze %dma_wait3A_173 : memref<1x128x128xf32, #tpu.memory_space<vmem>> -> memref<128x128xf32, #tpu.memory_space<vmem>>
        %dma_wait3A_175 = arith.constant 0 : i32
        %dma_wait3A_176 = tpu.memref_slice %arg7[%add3A_169, %dma_wait3A_175] : memref<40x128xi32, #tpu.memory_space<vmem>> -> memref<1x128xi32, #tpu.memory_space<vmem>>
        %dma_wait3A_177 = tpu.memref_squeeze %dma_wait3A_176 : memref<1x128xi32, #tpu.memory_space<vmem>> -> memref<128xi32, #tpu.memory_space<vmem>>
        %dma_wait3A_178 = arith.constant 0 : i32
        %dma_wait3A_179 = arith.constant 0 : i32
        %dma_wait3A_180 = tpu.memref_slice %arg9[%dma_wait3A_178, %dma_wait3A_179] : memref<10112x128xf32, #tpu.memory_space<vmem_shared>> -> memref<10112x128xf32, #tpu.memory_space<vmem_shared>>
        tpu.wait_indirect_dma semaphore(%arg12 : memref<!tpu.dma_semaphore, #tpu.memory_space<semaphore_mem>>) src(%dma_wait3A_174 : memref<128x128xf32, #tpu.memory_space<vmem>>) dst(%dma_wait3A_180 : memref<10112x128xf32, #tpu.memory_space<vmem_shared>>)
      } else {
      }
      %add3A_88 = arith.constant 0 : i32
      %add3A_89 = arith.addi %mul3A_85, %add3A_88 : i32
      %dma_start3A = arith.constant 0 : i32
      %dma_start3A_90 = arith.constant 0 : i32
      %dma_start3A_91 = arith.constant 0 : i32
      %dma_start3A_92 = tpu.memref_slice %arg8[%dma_start3A, %dma_start3A_90, %dma_start3A_91] : memref<2x128x128xf32, #tpu.memory_space<vmem>> -> memref<1x128x128xf32, #tpu.memory_space<vmem>>
      %dma_start3A_93 = tpu.memref_squeeze %dma_start3A_92 : memref<1x128x128xf32, #tpu.memory_space<vmem>> -> memref<128x128xf32, #tpu.memory_space<vmem>>
      %dma_start3A_94 = arith.constant 0 : i32
      %dma_start3A_95 = tpu.memref_slice %arg6[%add3A_89, %dma_start3A_94] : memref<40x128xi32, #tpu.memory_space<vmem>> -> memref<1x128xi32, #tpu.memory_space<vmem>>
      %dma_start3A_96 = tpu.memref_squeeze %dma_start3A_95 : memref<1x128xi32, #tpu.memory_space<vmem>> -> memref<128xi32, #tpu.memory_space<vmem>>
      %dma_start3A_97 = arith.constant 0 : i32
      %dma_start3A_98 = arith.constant 0 : i32
      %dma_start3A_99 = tpu.memref_slice %arg2[%dma_start3A_97, %dma_start3A_98] : memref<10000x128xf32, #tpu.memory_space<hbm>> -> memref<10000x128xf32, #tpu.memory_space<hbm>>
      tpu.enqueue_indirect_dma source(%dma_start3A_99 : memref<10000x128xf32, #tpu.memory_space<hbm>>) target(%dma_start3A_93 : memref<128x128xf32, #tpu.memory_space<vmem>>) offsets(%dma_start3A_96 : memref<128xi32, #tpu.memory_space<vmem>>) semaphore(%arg10 : memref<!tpu.dma_semaphore, #tpu.memory_space<semaphore_mem>>)
      %gt3A_100 = arith.constant 0 : i32
      %gt3A_101 = arith.cmpi sgt, %scan3A_83, %gt3A_100 : i32
      %convert_element_type3A_102 = arith.extui %gt3A_101 : i1 to i32
      %cond3A_103 = arith.constant 0 : i32
      %cond3A_104 = arith.cmpi ne, %convert_element_type3A_102, %cond3A_103 : i32
      scf.if %cond3A_104 {
        %sub3A_166 = arith.constant 2 : i32
        %sub3A_167 = arith.subi %mul3A_85, %sub3A_166 : i32
        %add3A_168 = arith.constant 1 : i32
        %add3A_169 = arith.addi %sub3A_167, %add3A_168 : i32
        %dma_wait3A_170 = arith.constant 1 : i32
        %dma_wait3A_171 = arith.constant 0 : i32
        %dma_wait3A_172 = arith.constant 0 : i32
        %dma_wait3A_173 = tpu.memref_slice %arg8[%dma_wait3A_170, %dma_wait3A_171, %dma_wait3A_172] : memref<2x128x128xf32, #tpu.memory_space<vmem>> -> memref<1x128x128xf32, #tpu.memory_space<vmem>>
        %dma_wait3A_174 = tpu.memref_squeeze %dma_wait3A_173 : memref<1x128x128xf32, #tpu.memory_space<vmem>> -> memref<128x128xf32, #tpu.memory_space<vmem>>
        %dma_wait3A_175 = arith.constant 0 : i32
        %dma_wait3A_176 = tpu.memref_slice %arg7[%add3A_169, %dma_wait3A_175] : memref<40x128xi32, #tpu.memory_space<vmem>> -> memref<1x128xi32, #tpu.memory_space<vmem>>
        %dma_wait3A_177 = tpu.memref_squeeze %dma_wait3A_176 : memref<1x128xi32, #tpu.memory_space<vmem>> -> memref<128xi32, #tpu.memory_space<vmem>>
        %dma_wait3A_178 = arith.constant 0 : i32
        %dma_wait3A_179 = arith.constant 0 : i32
        %dma_wait3A_180 = tpu.memref_slice %arg9[%dma_wait3A_178, %dma_wait3A_179] : memref<10112x128xf32, #tpu.memory_space<vmem_shared>> -> memref<10112x128xf32, #tpu.memory_space<vmem_shared>>
        tpu.wait_indirect_dma semaphore(%arg13 : memref<!tpu.dma_semaphore, #tpu.memory_space<semaphore_mem>>) src(%dma_wait3A_174 : memref<128x128xf32, #tpu.memory_space<vmem>>) dst(%dma_wait3A_180 : memref<10112x128xf32, #tpu.memory_space<vmem_shared>>)
      } else {
      }
      %add3A_105 = arith.constant 1 : i32
      %add3A_106 = arith.addi %mul3A_85, %add3A_105 : i32
      %dma_start3A_107 = arith.constant 1 : i32
      %dma_start3A_108 = arith.constant 0 : i32
      %dma_start3A_109 = arith.constant 0 : i32
      %dma_start3A_110 = tpu.memref_slice %arg8[%dma_start3A_107, %dma_start3A_108, %dma_start3A_109] : memref<2x128x128xf32, #tpu.memory_space<vmem>> -> memref<1x128x128xf32, #tpu.memory_space<vmem>>
      %dma_start3A_111 = tpu.memref_squeeze %dma_start3A_110 : memref<1x128x128xf32, #tpu.memory_space<vmem>> -> memref<128x128xf32, #tpu.memory_space<vmem>>
      %dma_start3A_112 = arith.constant 0 : i32
      %dma_start3A_113 = tpu.memref_slice %arg6[%add3A_106, %dma_start3A_112] : memref<40x128xi32, #tpu.memory_space<vmem>> -> memref<1x128xi32, #tpu.memory_space<vmem>>
      %dma_start3A_114 = tpu.memref_squeeze %dma_start3A_113 : memref<1x128xi32, #tpu.memory_space<vmem>> -> memref<128xi32, #tpu.memory_space<vmem>>
      %dma_start3A_115 = arith.constant 0 : i32
      %dma_start3A_116 = arith.constant 0 : i32
      %dma_start3A_117 = tpu.memref_slice %arg2[%dma_start3A_115, %dma_start3A_116] : memref<10000x128xf32, #tpu.memory_space<hbm>> -> memref<10000x128xf32, #tpu.memory_space<hbm>>
      tpu.enqueue_indirect_dma source(%dma_start3A_117 : memref<10000x128xf32, #tpu.memory_space<hbm>>) target(%dma_start3A_111 : memref<128x128xf32, #tpu.memory_space<vmem>>) offsets(%dma_start3A_114 : memref<128xi32, #tpu.memory_space<vmem>>) semaphore(%arg11 : memref<!tpu.dma_semaphore, #tpu.memory_space<semaphore_mem>>)
      %dma_wait3A_118 = arith.constant 0 : i32
      %dma_wait3A_119 = arith.constant 0 : i32
      %dma_wait3A_120 = arith.constant 0 : i32
      %dma_wait3A_121 = tpu.memref_slice %arg8[%dma_wait3A_118, %dma_wait3A_119, %dma_wait3A_120] : memref<2x128x128xf32, #tpu.memory_space<vmem>> -> memref<1x128x128xf32, #tpu.memory_space<vmem>>
      %dma_wait3A_122 = tpu.memref_squeeze %dma_wait3A_121 : memref<1x128x128xf32, #tpu.memory_space<vmem>> -> memref<128x128xf32, #tpu.memory_space<vmem>>
      %dma_wait3A_123 = arith.constant 0 : i32
      %dma_wait3A_124 = tpu.memref_slice %arg6[%add3A_89, %dma_wait3A_123] : memref<40x128xi32, #tpu.memory_space<vmem>> -> memref<1x128xi32, #tpu.memory_space<vmem>>
      %dma_wait3A_125 = tpu.memref_squeeze %dma_wait3A_124 : memref<1x128xi32, #tpu.memory_space<vmem>> -> memref<128xi32, #tpu.memory_space<vmem>>
      %dma_wait3A_126 = arith.constant 0 : i32
      %dma_wait3A_127 = arith.constant 0 : i32
      %dma_wait3A_128 = tpu.memref_slice %arg2[%dma_wait3A_126, %dma_wait3A_127] : memref<10000x128xf32, #tpu.memory_space<hbm>> -> memref<10000x128xf32, #tpu.memory_space<hbm>>
      tpu.wait_indirect_dma semaphore(%arg10 : memref<!tpu.dma_semaphore, #tpu.memory_space<semaphore_mem>>) src(%dma_wait3A_128 : memref<10000x128xf32, #tpu.memory_space<hbm>>) dst(%dma_wait3A_122 : memref<128x128xf32, #tpu.memory_space<vmem>>)
      %add3A_129 = arith.constant 0 : i32
      %add3A_130 = arith.addi %mul3A_85, %add3A_129 : i32
      %dma_start3A_131 = arith.constant 0 : i32
      %dma_start3A_132 = arith.constant 0 : i32
      %dma_start3A_133 = arith.constant 0 : i32
      %dma_start3A_134 = tpu.memref_slice %arg8[%dma_start3A_131, %dma_start3A_132, %dma_start3A_133] : memref<2x128x128xf32, #tpu.memory_space<vmem>> -> memref<1x128x128xf32, #tpu.memory_space<vmem>>
      %dma_start3A_135 = tpu.memref_squeeze %dma_start3A_134 : memref<1x128x128xf32, #tpu.memory_space<vmem>> -> memref<128x128xf32, #tpu.memory_space<vmem>>
      %dma_start3A_136 = arith.constant 0 : i32
      %dma_start3A_137 = tpu.memref_slice %arg7[%add3A_130, %dma_start3A_136] : memref<40x128xi32, #tpu.memory_space<vmem>> -> memref<1x128xi32, #tpu.memory_space<vmem>>
      %dma_start3A_138 = tpu.memref_squeeze %dma_start3A_137 : memref<1x128xi32, #tpu.memory_space<vmem>> -> memref<128xi32, #tpu.memory_space<vmem>>
      %dma_start3A_139 = arith.constant 0 : i32
      %dma_start3A_140 = arith.constant 0 : i32
      %dma_start3A_141 = tpu.memref_slice %arg9[%dma_start3A_139, %dma_start3A_140] : memref<10112x128xf32, #tpu.memory_space<vmem_shared>> -> memref<10112x128xf32, #tpu.memory_space<vmem_shared>>
      tpu.enqueue_indirect_dma source(%dma_start3A_135 : memref<128x128xf32, #tpu.memory_space<vmem>>) target(%dma_start3A_141 : memref<10112x128xf32, #tpu.memory_space<vmem_shared>>) offsets(%dma_start3A_138 : memref<128xi32, #tpu.memory_space<vmem>>) semaphore(%arg12 : memref<!tpu.dma_semaphore, #tpu.memory_space<semaphore_mem>>) {add = true}
      %dma_wait3A_142 = arith.constant 1 : i32
      %dma_wait3A_143 = arith.constant 0 : i32
      %dma_wait3A_144 = arith.constant 0 : i32
      %dma_wait3A_145 = tpu.memref_slice %arg8[%dma_wait3A_142, %dma_wait3A_143, %dma_wait3A_144] : memref<2x128x128xf32, #tpu.memory_space<vmem>> -> memref<1x128x128xf32, #tpu.memory_space<vmem>>
      %dma_wait3A_146 = tpu.memref_squeeze %dma_wait3A_145 : memref<1x128x128xf32, #tpu.memory_space<vmem>> -> memref<128x128xf32, #tpu.memory_space<vmem>>
      %dma_wait3A_147 = arith.constant 0 : i32
      %dma_wait3A_148 = tpu.memref_slice %arg6[%add3A_106, %dma_wait3A_147] : memref<40x128xi32, #tpu.memory_space<vmem>> -> memref<1x128xi32, #tpu.memory_space<vmem>>
      %dma_wait3A_149 = tpu.memref_squeeze %dma_wait3A_148 : memref<1x128xi32, #tpu.memory_space<vmem>> -> memref<128xi32, #tpu.memory_space<vmem>>
      %dma_wait3A_150 = arith.constant 0 : i32
      %dma_wait3A_151 = arith.constant 0 : i32
      %dma_wait3A_152 = tpu.memref_slice %arg2[%dma_wait3A_150, %dma_wait3A_151] : memref<10000x128xf32, #tpu.memory_space<hbm>> -> memref<10000x128xf32, #tpu.memory_space<hbm>>
      tpu.wait_indirect_dma semaphore(%arg11 : memref<!tpu.dma_semaphore, #tpu.memory_space<semaphore_mem>>) src(%dma_wait3A_152 : memref<10000x128xf32, #tpu.memory_space<hbm>>) dst(%dma_wait3A_146 : memref<128x128xf32, #tpu.memory_space<vmem>>)
      %add3A_153 = arith.constant 1 : i32
      %add3A_154 = arith.addi %mul3A_85, %add3A_153 : i32
      %dma_start3A_155 = arith.constant 1 : i32
      %dma_start3A_156 = arith.constant 0 : i32
      %dma_start3A_157 = arith.constant 0 : i32
      %dma_start3A_158 = tpu.memref_slice %arg8[%dma_start3A_155, %dma_start3A_156, %dma_start3A_157] : memref<2x128x128xf32, #tpu.memory_space<vmem>> -> memref<1x128x128xf32, #tpu.memory_space<vmem>>
      %dma_start3A_159 = tpu.memref_squeeze %dma_start3A_158 : memref<1x128x128xf32, #tpu.memory_space<vmem>> -> memref<128x128xf32, #tpu.memory_space<vmem>>
      %dma_start3A_160 = arith.constant 0 : i32
      %dma_start3A_161 = tpu.memref_slice %arg7[%add3A_154, %dma_start3A_160] : memref<40x128xi32, #tpu.memory_space<vmem>> -> memref<1x128xi32, #tpu.memory_space<vmem>>
      %dma_start3A_162 = tpu.memref_squeeze %dma_start3A_161 : memref<1x128xi32, #tpu.memory_space<vmem>> -> memref<128xi32, #tpu.memory_space<vmem>>
      %dma_start3A_163 = arith.constant 0 : i32
      %dma_start3A_164 = arith.constant 0 : i32
      %dma_start3A_165 = tpu.memref_slice %arg9[%dma_start3A_163, %dma_start3A_164] : memref<10112x128xf32, #tpu.memory_space<vmem_shared>> -> memref<10112x128xf32, #tpu.memory_space<vmem_shared>>
      tpu.enqueue_indirect_dma source(%dma_start3A_159 : memref<128x128xf32, #tpu.memory_space<vmem>>) target(%dma_start3A_165 : memref<10112x128xf32, #tpu.memory_space<vmem_shared>>) offsets(%dma_start3A_162 : memref<128xi32, #tpu.memory_space<vmem>>) semaphore(%arg13 : memref<!tpu.dma_semaphore, #tpu.memory_space<semaphore_mem>>) {add = true}
    }
    %scan3A_57 = arith.constant 20 : i32
    %dma_wait3A_58 = arith.constant 0 : i32
    %dma_wait3A_59 = arith.constant 38 : i32
    %dma_wait3A_60 = arith.constant 0 : i32
    %dma_wait3A_61 = arith.constant 0 : i32
    %dma_wait3A_62 = tpu.memref_slice %arg8[%dma_wait3A_58, %dma_wait3A_60, %dma_wait3A_61] : memref<2x128x128xf32, #tpu.memory_space<vmem>> -> memref<1x128x128xf32, #tpu.memory_space<vmem>>
    %dma_wait3A_63 = tpu.memref_squeeze %dma_wait3A_62 : memref<1x128x128xf32, #tpu.memory_space<vmem>> -> memref<128x128xf32, #tpu.memory_space<vmem>>
    %dma_wait3A_64 = arith.constant 0 : i32
    %dma_wait3A_65 = tpu.memref_slice %arg7[%dma_wait3A_59, %dma_wait3A_64] : memref<40x128xi32, #tpu.memory_space<vmem>> -> memref<1x128xi32, #tpu.memory_space<vmem>>
    %dma_wait3A_66 = tpu.memref_squeeze %dma_wait3A_65 : memref<1x128xi32, #tpu.memory_space<vmem>> -> memref<128xi32, #tpu.memory_space<vmem>>
    %dma_wait3A_67 = arith.constant 0 : i32
    %dma_wait3A_68 = arith.constant 0 : i32
    %dma_wait3A_69 = tpu.memref_slice %arg9[%dma_wait3A_67, %dma_wait3A_68] : memref<10112x128xf32, #tpu.memory_space<vmem_shared>> -> memref<10112x128xf32, #tpu.memory_space<vmem_shared>>
    tpu.wait_indirect_dma semaphore(%arg12 : memref<!tpu.dma_semaphore, #tpu.memory_space<semaphore_mem>>) src(%dma_wait3A_63 : memref<128x128xf32, #tpu.memory_space<vmem>>) dst(%dma_wait3A_69 : memref<10112x128xf32, #tpu.memory_space<vmem_shared>>)
    %dma_wait3A_70 = arith.constant 1 : i32
    %dma_wait3A_71 = arith.constant 39 : i32
    %dma_wait3A_72 = arith.constant 0 : i32
    %dma_wait3A_73 = arith.constant 0 : i32
    %dma_wait3A_74 = tpu.memref_slice %arg8[%dma_wait3A_70, %dma_wait3A_72, %dma_wait3A_73] : memref<2x128x128xf32, #tpu.memory_space<vmem>> -> memref<1x128x128xf32, #tpu.memory_space<vmem>>
    %dma_wait3A_75 = tpu.memref_squeeze %dma_wait3A_74 : memref<1x128x128xf32, #tpu.memory_space<vmem>> -> memref<128x128xf32, #tpu.memory_space<vmem>>
    %dma_wait3A_76 = arith.constant 0 : i32
    %dma_wait3A_77 = tpu.memref_slice %arg7[%dma_wait3A_71, %dma_wait3A_76] : memref<40x128xi32, #tpu.memory_space<vmem>> -> memref<1x128xi32, #tpu.memory_space<vmem>>
    %dma_wait3A_78 = tpu.memref_squeeze %dma_wait3A_77 : memref<1x128xi32, #tpu.memory_space<vmem>> -> memref<128xi32, #tpu.memory_space<vmem>>
    %dma_wait3A_79 = arith.constant 0 : i32
    %dma_wait3A_80 = arith.constant 0 : i32
    %dma_wait3A_81 = tpu.memref_slice %arg9[%dma_wait3A_79, %dma_wait3A_80] : memref<10112x128xf32, #tpu.memory_space<vmem_shared>> -> memref<10112x128xf32, #tpu.memory_space<vmem_shared>>
    tpu.wait_indirect_dma semaphore(%arg13 : memref<!tpu.dma_semaphore, #tpu.memory_space<semaphore_mem>>) src(%dma_wait3A_75 : memref<128x128xf32, #tpu.memory_space<vmem>>) dst(%dma_wait3A_81 : memref<10112x128xf32, #tpu.memory_space<vmem_shared>>)
    %barrier3A_82 = arith.constant 0 : index
    tpu.barrier barrier_id(%barrier3A_82)
    "tpu.region"() ({
      %run_scoped3A_83 = tpu.sem_alloc : memref<!tpu.dma_semaphore, #tpu.memory_space<semaphore_mem>>
      %dma_start3A = arith.constant 0 : i32
      %dma_start3A_84 = tpu.memref_slice %arg5[%arg0, %mul3A_2, %dma_start3A] : memref<2x10112x128xf32, #tpu.memory_space<hbm>> -> memref<1x632x128xf32, #tpu.memory_space<hbm>>
      %dma_start3A_85 = tpu.memref_squeeze %dma_start3A_84 : memref<1x632x128xf32, #tpu.memory_space<hbm>> -> memref<632x128xf32, #tpu.memory_space<hbm>>
      %dma_start3A_86 = arith.constant 0 : i32
      %dma_start3A_87 = tpu.memref_slice %arg9[%mul3A_2, %dma_start3A_86] : memref<10112x128xf32, #tpu.memory_space<vmem_shared>> -> memref<632x128xf32, #tpu.memory_space<vmem_shared>>
      tpu.enqueue_dma source(%dma_start3A_87 : memref<632x128xf32, #tpu.memory_space<vmem_shared>>) target(%dma_start3A_85 : memref<632x128xf32, #tpu.memory_space<hbm>>) target_semaphore(%run_scoped3A_83 : memref<!tpu.dma_semaphore, #tpu.memory_space<semaphore_mem>>)
      %dma_wait3A_88 = arith.constant 0 : i32
      %dma_wait3A_89 = tpu.memref_slice %arg5[%arg0, %mul3A_2, %dma_wait3A_88] : memref<2x10112x128xf32, #tpu.memory_space<hbm>> -> memref<1x632x128xf32, #tpu.memory_space<hbm>>
      %dma_wait3A_90 = tpu.memref_squeeze %dma_wait3A_89 : memref<1x632x128xf32, #tpu.memory_space<hbm>> -> memref<632x128xf32, #tpu.memory_space<hbm>>
      %dma_wait3A_91 = arith.constant 0 : i32
      %dma_wait3A_92 = tpu.memref_slice %arg9[%mul3A_2, %dma_wait3A_91] : memref<10112x128xf32, #tpu.memory_space<vmem_shared>> -> memref<632x128xf32, #tpu.memory_space<vmem_shared>>
      tpu.wait_dma2 semaphore(%run_scoped3A_83 : memref<!tpu.dma_semaphore, #tpu.memory_space<semaphore_mem>>) src(%dma_wait3A_92 : memref<632x128xf32, #tpu.memory_space<vmem_shared>>) dst(%dma_wait3A_90 : memref<632x128xf32, #tpu.memory_space<hbm>>)
      tpu.yield
    }) : () -> ()
    return
  }
}

#map = affine_map<(d0, d1) -> (0, 0)>
#map1 = affine_map<(d0, d1) -> (0, 0, 0)>
module attributes {stable_mosaic.version = 14 : i64} {
  func.func @agg(%arg0: i32, %arg1: i32, %arg2: memref<10000x128xf32, #tpu.memory_space<hbm>>, %arg3: memref<32x80x128xi32, #tpu.memory_space<hbm>>, %arg4: memref<32x80x128xi32, #tpu.memory_space<hbm>>, %arg5: memref<2x10112x128xf32, #tpu.memory_space<hbm>>, %arg6: memref<40x128xi32, #tpu.memory_space<vmem>>, %arg7: memref<40x128xi32, #tpu.memory_space<vmem>>, %arg8: memref<2x128x128xf32, #tpu.memory_space<vmem>>, %arg9: memref<10112x128xf32, #tpu.memory_space<vmem_shared>>, %arg10: memref<!tpu.dma_semaphore, #tpu.memory_space<semaphore_mem>>, %arg11: memref<!tpu.dma_semaphore, #tpu.memory_space<semaphore_mem>>, %arg12: memref<!tpu.dma_semaphore, #tpu.memory_space<semaphore_mem>>, %arg13: memref<!tpu.dma_semaphore, #tpu.memory_space<semaphore_mem>>) attributes {dimension_semantics = [#tpu.dimension_semantics<core_parallel>, #tpu.dimension_semantics<subcore_parallel>], iteration_bounds = array<i64: 2, 16>, scalar_prefetch = 0 : i64, scratch_operands = 8 : i64, tpu.core_type = #tpu.core_type<sc_vector_subcore>, window_params = [{transform_indices = #map}, {transform_indices = #map1}, {transform_indices = #map1}, {transform_indices = #map1}]} {
    %mul3A = arith.constant 16 : i32
    %mul3A_0 = arith.muli %arg0, %mul3A : i32
    %add3A = arith.addi %mul3A_0, %arg1 : i32
    %mul3A_1 = arith.constant 632 : i32
    %mul3A_2 = arith.muli %arg1, %mul3A_1 : i32
    %scan3A = arith.constant 0 : i32
    %scan3A_3 = arith.constant 0 : i32
    %scan3A_4 = arith.constant 128 : i32
    %scan3A_5 = arith.addi %scan3A_3, %scan3A_4 : i32
    %scan3A_6 = arith.constant 1 : i32
    scf.for %scan3A_83 = %scan3A_3 to %scan3A_5 step %scan3A_6  : i32 {
      %broadcast_in_dim3A = arith.constant 0.000000e+00 : f32
      %broadcast_in_dim3A_84 = vector.broadcast %broadcast_in_dim3A : f32 to vector<16xf32>
      %swap3A = arith.constant 0 : i32
      %swap3A_85 = arith.index_cast %swap3A : i32 to index
      %swap3A_86 = arith.index_cast %scan3A_83 : i32 to index
      %swap3A_87 = arith.constant 0 : index
      %swap3A_88 = tpu.vector_load %arg8[%swap3A_85, %swap3A_86, %swap3A_87] {strides = array<i32>} : memref<2x128x128xf32, #tpu.memory_space<vmem>>, vector<1x1x16xf32>,
      %swap3A_89 = vector.shape_cast %swap3A_88 : vector<1x1x16xf32> to vector<16xf32>
      %swap3A_90 = vector.shape_cast %broadcast_in_dim3A_84 : vector<16xf32> to vector<1x1x16xf32>
      tpu.vector_store %arg8[%swap3A_85, %swap3A_86, %swap3A_87], %swap3A_90 {strides = array<i32>} : memref<2x128x128xf32, #tpu.memory_space<vmem>>, vector<1x1x16xf32>,
      %broadcast_in_dim3A_91 = arith.constant 0.000000e+00 : f32
      %broadcast_in_dim3A_92 = vector.broadcast %broadcast_in_dim3A_91 : f32 to vector<16xf32>
      %swap3A_93 = arith.constant 0 : i32
      %swap3A_94 = arith.index_cast %swap3A_93 : i32 to index
      %swap3A_95 = arith.index_cast %scan3A_83 : i32 to index
      %swap3A_96 = arith.constant 16 : index
      %swap3A_97 = tpu.vector_load %arg8[%swap3A_94, %swap3A_95, %swap3A_96] {strides = array<i32>} : memref<2x128x128xf32, #tpu.memory_space<vmem>>, vector<1x1x16xf32>,
      %swap3A_98 = vector.shape_cast %swap3A_97 : vector<1x1x16xf32> to vector<16xf32>
      %swap3A_99 = vector.shape_cast %broadcast_in_dim3A_92 : vector<16xf32> to vector<1x1x16xf32>
      tpu.vector_store %arg8[%swap3A_94, %swap3A_95, %swap3A_96], %swap3A_99 {strides = array<i32>} : memref<2x128x128xf32, #tpu.memory_space<vmem>>, vector<1x1x16xf32>,
      %broadcast_in_dim3A_100 = arith.constant 0.000000e+00 : f32
      %broadcast_in_dim3A_101 = vector.broadcast %broadcast_in_dim3A_100 : f32 to vector<16xf32>
      %swap3A_102 = arith.constant 0 : i32
      %swap3A_103 = arith.index_cast %swap3A_102 : i32 to index
      %swap3A_104 = arith.index_cast %scan3A_83 : i32 to index
      %swap3A_105 = arith.constant 32 : index
      %swap3A_106 = tpu.vector_load %arg8[%swap3A_103, %swap3A_104, %swap3A_105] {strides = array<i32>} : memref<2x128x128xf32, #tpu.memory_space<vmem>>, vector<1x1x16xf32>,
      %swap3A_107 = vector.shape_cast %swap3A_106 : vector<1x1x16xf32> to vector<16xf32>
      %swap3A_108 = vector.shape_cast %broadcast_in_dim3A_101 : vector<16xf32> to vector<1x1x16xf32>
      tpu.vector_store %arg8[%swap3A_103, %swap3A_104, %swap3A_105], %swap3A_108 {strides = array<i32>} : memref<2x128x128xf32, #tpu.memory_space<vmem>>, vector<1x1x16xf32>,
      %broadcast_in_dim3A_109 = arith.constant 0.000000e+00 : f32
      %broadcast_in_dim3A_110 = vector.broadcast %broadcast_in_dim3A_109 : f32 to vector<16xf32>
      %swap3A_111 = arith.constant 0 : i32
      %swap3A_112 = arith.index_cast %swap3A_111 : i32 to index
      %swap3A_113 = arith.index_cast %scan3A_83 : i32 to index
      %swap3A_114 = arith.constant 48 : index
      %swap3A_115 = tpu.vector_load %arg8[%swap3A_112, %swap3A_113, %swap3A_114] {strides = array<i32>} : memref<2x128x128xf32, #tpu.memory_space<vmem>>, vector<1x1x16xf32>,
      %swap3A_116 = vector.shape_cast %swap3A_115 : vector<1x1x16xf32> to vector<16xf32>
      %swap3A_117 = vector.shape_cast %broadcast_in_dim3A_110 : vector<16xf32> to vector<1x1x16xf32>
      tpu.vector_store %arg8[%swap3A_112, %swap3A_113, %swap3A_114], %swap3A_117 {strides = array<i32>} : memref<2x128x128xf32, #tpu.memory_space<vmem>>, vector<1x1x16xf32>,
      %broadcast_in_dim3A_118 = arith.constant 0.000000e+00 : f32
      %broadcast_in_dim3A_119 = vector.broadcast %broadcast_in_dim3A_118 : f32 to vector<16xf32>
      %swap3A_120 = arith.constant 0 : i32
      %swap3A_121 = arith.index_cast %swap3A_120 : i32 to index
      %swap3A_122 = arith.index_cast %scan3A_83 : i32 to index
      %swap3A_123 = arith.constant 64 : index
      %swap3A_124 = tpu.vector_load %arg8[%swap3A_121, %swap3A_122, %swap3A_123] {strides = array<i32>} : memref<2x128x128xf32, #tpu.memory_space<vmem>>, vector<1x1x16xf32>,
      %swap3A_125 = vector.shape_cast %swap3A_124 : vector<1x1x16xf32> to vector<16xf32>
      %swap3A_126 = vector.shape_cast %broadcast_in_dim3A_119 : vector<16xf32> to vector<1x1x16xf32>
      tpu.vector_store %arg8[%swap3A_121, %swap3A_122, %swap3A_123], %swap3A_126 {strides = array<i32>} : memref<2x128x128xf32, #tpu.memory_space<vmem>>, vector<1x1x16xf32>,
      %broadcast_in_dim3A_127 = arith.constant 0.000000e+00 : f32
      %broadcast_in_dim3A_128 = vector.broadcast %broadcast_in_dim3A_127 : f32 to vector<16xf32>
      %swap3A_129 = arith.constant 0 : i32
      %swap3A_130 = arith.index_cast %swap3A_129 : i32 to index
      %swap3A_131 = arith.index_cast %scan3A_83 : i32 to index
      %swap3A_132 = arith.constant 80 : index
      %swap3A_133 = tpu.vector_load %arg8[%swap3A_130, %swap3A_131, %swap3A_132] {strides = array<i32>} : memref<2x128x128xf32, #tpu.memory_space<vmem>>, vector<1x1x16xf32>,
      %swap3A_134 = vector.shape_cast %swap3A_133 : vector<1x1x16xf32> to vector<16xf32>
      %swap3A_135 = vector.shape_cast %broadcast_in_dim3A_128 : vector<16xf32> to vector<1x1x16xf32>
      tpu.vector_store %arg8[%swap3A_130, %swap3A_131, %swap3A_132], %swap3A_135 {strides = array<i32>} : memref<2x128x128xf32, #tpu.memory_space<vmem>>, vector<1x1x16xf32>,
      %broadcast_in_dim3A_136 = arith.constant 0.000000e+00 : f32
      %broadcast_in_dim3A_137 = vector.broadcast %broadcast_in_dim3A_136 : f32 to vector<16xf32>
      %swap3A_138 = arith.constant 0 : i32
      %swap3A_139 = arith.index_cast %swap3A_138 : i32 to index
      %swap3A_140 = arith.index_cast %scan3A_83 : i32 to index
      %swap3A_141 = arith.constant 96 : index
      %swap3A_142 = tpu.vector_load %arg8[%swap3A_139, %swap3A_140, %swap3A_141] {strides = array<i32>} : memref<2x128x128xf32, #tpu.memory_space<vmem>>, vector<1x1x16xf32>,
      %swap3A_143 = vector.shape_cast %swap3A_142 : vector<1x1x16xf32> to vector<16xf32>
      %swap3A_144 = vector.shape_cast %broadcast_in_dim3A_137 : vector<16xf32> to vector<1x1x16xf32>
      tpu.vector_store %arg8[%swap3A_139, %swap3A_140, %swap3A_141], %swap3A_144 {strides = array<i32>} : memref<2x128x128xf32, #tpu.memory_space<vmem>>, vector<1x1x16xf32>,
      %broadcast_in_dim3A_145 = arith.constant 0.000000e+00 : f32
      %broadcast_in_dim3A_146 = vector.broadcast %broadcast_in_dim3A_145 : f32 to vector<16xf32>
      %swap3A_147 = arith.constant 0 : i32
      %swap3A_148 = arith.index_cast %swap3A_147 : i32 to index
      %swap3A_149 = arith.index_cast %scan3A_83 : i32 to index
      %swap3A_150 = arith.constant 112 : index
      %swap3A_151 = tpu.vector_load %arg8[%swap3A_148, %swap3A_149, %swap3A_150] {strides = array<i32>} : memref<2x128x128xf32, #tpu.memory_space<vmem>>, vector<1x1x16xf32>,
      %swap3A_152 = vector.shape_cast %swap3A_151 : vector<1x1x16xf32> to vector<16xf32>
      %swap3A_153 = vector.shape_cast %broadcast_in_dim3A_146 : vector<16xf32> to vector<1x1x16xf32>
      tpu.vector_store %arg8[%swap3A_148, %swap3A_149, %swap3A_150], %swap3A_153 {strides = array<i32>} : memref<2x128x128xf32, #tpu.memory_space<vmem>>, vector<1x1x16xf32>,
    }
    %scan3A_7 = arith.constant 128 : i32
    %add3A_8 = arith.constant 0 : i32
    %add3A_9 = arith.addi %mul3A_2, %add3A_8 : i32
    %run_scoped3A = arith.constant 0 : i32
    "tpu.region"() ({
      %run_scoped3A_83 = tpu.sem_alloc : memref<!tpu.dma_semaphore, #tpu.memory_space<semaphore_mem>>
      %dma_start3A = arith.constant 0 : i32
      %dma_start3A_84 = arith.constant 0 : i32
      %dma_start3A_85 = tpu.memref_slice %arg8[%run_scoped3A, %dma_start3A, %dma_start3A_84] : memref<2x128x128xf32, #tpu.memory_space<vmem>> -> memref<1x128x128xf32, #tpu.memory_space<vmem>>
      %dma_start3A_86 = tpu.memref_squeeze %dma_start3A_85 : memref<1x128x128xf32, #tpu.memory_space<vmem>> -> memref<128x128xf32, #tpu.memory_space<vmem>>
      %dma_start3A_87 = arith.constant 0 : i32
      %dma_start3A_88 = tpu.memref_slice %arg9[%add3A_9, %dma_start3A_87] : memref<10112x128xf32, #tpu.memory_space<vmem_shared>> -> memref<128x128xf32, #tpu.memory_space<vmem_shared>>
      %dma_start3A_89 = arith.constant 0 : i32
      %dma_start3A_90 = tpu.memref_slice %arg9[%add3A_9, %dma_start3A_89] : memref<10112x128xf32, #tpu.memory_space<vmem_shared>> -> memref<128x128xf32, #tpu.memory_space<vmem_shared>>
      %dma_start3A_91 = arith.constant 0 : i32
      %dma_start3A_92 = arith.constant 0 : i32
      %dma_start3A_93 = tpu.memref_slice %arg8[%run_scoped3A, %dma_start3A_91, %dma_start3A_92] : memref<2x128x128xf32, #tpu.memory_space<vmem>> -> memref<1x128x128xf32, #tpu.memory_space<vmem>>
      %dma_start3A_94 = tpu.memref_squeeze %dma_start3A_93 : memref<1x128x128xf32, #tpu.memory_space<vmem>> -> memref<128x128xf32, #tpu.memory_space<vmem>>
      tpu.enqueue_dma source(%dma_start3A_94 : memref<128x128xf32, #tpu.memory_space<vmem>>) target(%dma_start3A_90 : memref<128x128xf32, #tpu.memory_space<vmem_shared>>) target_semaphore(%run_scoped3A_83 : memref<!tpu.dma_semaphore, #tpu.memory_space<semaphore_mem>>)
      %dma_wait3A_95 = arith.constant 0 : i32
      %dma_wait3A_96 = arith.constant 0 : i32
      %dma_wait3A_97 = tpu.memref_slice %arg8[%run_scoped3A, %dma_wait3A_95, %dma_wait3A_96] : memref<2x128x128xf32, #tpu.memory_space<vmem>> -> memref<1x128x128xf32, #tpu.memory_space<vmem>>
      %dma_wait3A_98 = tpu.memref_squeeze %dma_wait3A_97 : memref<1x128x128xf32, #tpu.memory_space<vmem>> -> memref<128x128xf32, #tpu.memory_space<vmem>>
      %dma_wait3A_99 = arith.constant 0 : i32
      %dma_wait3A_100 = tpu.memref_slice %arg9[%add3A_9, %dma_wait3A_99] : memref<10112x128xf32, #tpu.memory_space<vmem_shared>> -> memref<128x128xf32, #tpu.memory_space<vmem_shared>>
      %dma_wait3A_101 = arith.constant 0 : i32
      %dma_wait3A_102 = tpu.memref_slice %arg9[%add3A_9, %dma_wait3A_101] : memref<10112x128xf32, #tpu.memory_space<vmem_shared>> -> memref<128x128xf32, #tpu.memory_space<vmem_shared>>
      %dma_wait3A_103 = arith.constant 0 : i32
      %dma_wait3A_104 = arith.constant 0 : i32
      %dma_wait3A_105 = tpu.memref_slice %arg8[%run_scoped3A, %dma_wait3A_103, %dma_wait3A_104] : memref<2x128x128xf32, #tpu.memory_space<vmem>> -> memref<1x128x128xf32, #tpu.memory_space<vmem>>
      %dma_wait3A_106 = tpu.memref_squeeze %dma_wait3A_105 : memref<1x128x128xf32, #tpu.memory_space<vmem>> -> memref<128x128xf32, #tpu.memory_space<vmem>>
      tpu.wait_dma2 semaphore(%run_scoped3A_83 : memref<!tpu.dma_semaphore, #tpu.memory_space<semaphore_mem>>) src(%dma_wait3A_106 : memref<128x128xf32, #tpu.memory_space<vmem>>) dst(%dma_wait3A_102 : memref<128x128xf32, #tpu.memory_space<vmem_shared>>)
      tpu.yield
    }) : () -> ()
    %add3A_10 = arith.constant 128 : i32
    %add3A_11 = arith.addi %mul3A_2, %add3A_10 : i32
    %run_scoped3A_12 = arith.constant 0 : i32
    "tpu.region"() ({
      %run_scoped3A_83 = tpu.sem_alloc : memref<!tpu.dma_semaphore, #tpu.memory_space<semaphore_mem>>
      %dma_start3A = arith.constant 0 : i32
      %dma_start3A_84 = arith.constant 0 : i32
      %dma_start3A_85 = tpu.memref_slice %arg8[%run_scoped3A_12, %dma_start3A, %dma_start3A_84] : memref<2x128x128xf32, #tpu.memory_space<vmem>> -> memref<1x128x128xf32, #tpu.memory_space<vmem>>
      %dma_start3A_86 = tpu.memref_squeeze %dma_start3A_85 : memref<1x128x128xf32, #tpu.memory_space<vmem>> -> memref<128x128xf32, #tpu.memory_space<vmem>>
      %dma_start3A_87 = arith.constant 0 : i32
      %dma_start3A_88 = tpu.memref_slice %arg9[%add3A_11, %dma_start3A_87] : memref<10112x128xf32, #tpu.memory_space<vmem_shared>> -> memref<128x128xf32, #tpu.memory_space<vmem_shared>>
      %dma_start3A_89 = arith.constant 0 : i32
      %dma_start3A_90 = tpu.memref_slice %arg9[%add3A_11, %dma_start3A_89] : memref<10112x128xf32, #tpu.memory_space<vmem_shared>> -> memref<128x128xf32, #tpu.memory_space<vmem_shared>>
      %dma_start3A_91 = arith.constant 0 : i32
      %dma_start3A_92 = arith.constant 0 : i32
      %dma_start3A_93 = tpu.memref_slice %arg8[%run_scoped3A_12, %dma_start3A_91, %dma_start3A_92] : memref<2x128x128xf32, #tpu.memory_space<vmem>> -> memref<1x128x128xf32, #tpu.memory_space<vmem>>
      %dma_start3A_94 = tpu.memref_squeeze %dma_start3A_93 : memref<1x128x128xf32, #tpu.memory_space<vmem>> -> memref<128x128xf32, #tpu.memory_space<vmem>>
      tpu.enqueue_dma source(%dma_start3A_94 : memref<128x128xf32, #tpu.memory_space<vmem>>) target(%dma_start3A_90 : memref<128x128xf32, #tpu.memory_space<vmem_shared>>) target_semaphore(%run_scoped3A_83 : memref<!tpu.dma_semaphore, #tpu.memory_space<semaphore_mem>>)
      %dma_wait3A_95 = arith.constant 0 : i32
      %dma_wait3A_96 = arith.constant 0 : i32
      %dma_wait3A_97 = tpu.memref_slice %arg8[%run_scoped3A_12, %dma_wait3A_95, %dma_wait3A_96] : memref<2x128x128xf32, #tpu.memory_space<vmem>> -> memref<1x128x128xf32, #tpu.memory_space<vmem>>
      %dma_wait3A_98 = tpu.memref_squeeze %dma_wait3A_97 : memref<1x128x128xf32, #tpu.memory_space<vmem>> -> memref<128x128xf32, #tpu.memory_space<vmem>>
      %dma_wait3A_99 = arith.constant 0 : i32
      %dma_wait3A_100 = tpu.memref_slice %arg9[%add3A_11, %dma_wait3A_99] : memref<10112x128xf32, #tpu.memory_space<vmem_shared>> -> memref<128x128xf32, #tpu.memory_space<vmem_shared>>
      %dma_wait3A_101 = arith.constant 0 : i32
      %dma_wait3A_102 = tpu.memref_slice %arg9[%add3A_11, %dma_wait3A_101] : memref<10112x128xf32, #tpu.memory_space<vmem_shared>> -> memref<128x128xf32, #tpu.memory_space<vmem_shared>>
      %dma_wait3A_103 = arith.constant 0 : i32
      %dma_wait3A_104 = arith.constant 0 : i32
      %dma_wait3A_105 = tpu.memref_slice %arg8[%run_scoped3A_12, %dma_wait3A_103, %dma_wait3A_104] : memref<2x128x128xf32, #tpu.memory_space<vmem>> -> memref<1x128x128xf32, #tpu.memory_space<vmem>>
      %dma_wait3A_106 = tpu.memref_squeeze %dma_wait3A_105 : memref<1x128x128xf32, #tpu.memory_space<vmem>> -> memref<128x128xf32, #tpu.memory_space<vmem>>
      tpu.wait_dma2 semaphore(%run_scoped3A_83 : memref<!tpu.dma_semaphore, #tpu.memory_space<semaphore_mem>>) src(%dma_wait3A_106 : memref<128x128xf32, #tpu.memory_space<vmem>>) dst(%dma_wait3A_102 : memref<128x128xf32, #tpu.memory_space<vmem_shared>>)
      tpu.yield
    }) : () -> ()
    %add3A_13 = arith.constant 256 : i32
    %add3A_14 = arith.addi %mul3A_2, %add3A_13 : i32
    %run_scoped3A_15 = arith.constant 0 : i32
    "tpu.region"() ({
      %run_scoped3A_83 = tpu.sem_alloc : memref<!tpu.dma_semaphore, #tpu.memory_space<semaphore_mem>>
      %dma_start3A = arith.constant 0 : i32
      %dma_start3A_84 = arith.constant 0 : i32
      %dma_start3A_85 = tpu.memref_slice %arg8[%run_scoped3A_15, %dma_start3A, %dma_start3A_84] : memref<2x128x128xf32, #tpu.memory_space<vmem>> -> memref<1x128x128xf32, #tpu.memory_space<vmem>>
      %dma_start3A_86 = tpu.memref_squeeze %dma_start3A_85 : memref<1x128x128xf32, #tpu.memory_space<vmem>> -> memref<128x128xf32, #tpu.memory_space<vmem>>
      %dma_start3A_87 = arith.constant 0 : i32
      %dma_start3A_88 = tpu.memref_slice %arg9[%add3A_14, %dma_start3A_87] : memref<10112x128xf32, #tpu.memory_space<vmem_shared>> -> memref<128x128xf32, #tpu.memory_space<vmem_shared>>
      %dma_start3A_89 = arith.constant 0 : i32
      %dma_start3A_90 = tpu.memref_slice %arg9[%add3A_14, %dma_start3A_89] : memref<10112x128xf32, #tpu.memory_space<vmem_shared>> -> memref<128x128xf32, #tpu.memory_space<vmem_shared>>
      %dma_start3A_91 = arith.constant 0 : i32
      %dma_start3A_92 = arith.constant 0 : i32
      %dma_start3A_93 = tpu.memref_slice %arg8[%run_scoped3A_15, %dma_start3A_91, %dma_start3A_92] : memref<2x128x128xf32, #tpu.memory_space<vmem>> -> memref<1x128x128xf32, #tpu.memory_space<vmem>>
      %dma_start3A_94 = tpu.memref_squeeze %dma_start3A_93 : memref<1x128x128xf32, #tpu.memory_space<vmem>> -> memref<128x128xf32, #tpu.memory_space<vmem>>
      tpu.enqueue_dma source(%dma_start3A_94 : memref<128x128xf32, #tpu.memory_space<vmem>>) target(%dma_start3A_90 : memref<128x128xf32, #tpu.memory_space<vmem_shared>>) target_semaphore(%run_scoped3A_83 : memref<!tpu.dma_semaphore, #tpu.memory_space<semaphore_mem>>)
      %dma_wait3A_95 = arith.constant 0 : i32
      %dma_wait3A_96 = arith.constant 0 : i32
      %dma_wait3A_97 = tpu.memref_slice %arg8[%run_scoped3A_15, %dma_wait3A_95, %dma_wait3A_96] : memref<2x128x128xf32, #tpu.memory_space<vmem>> -> memref<1x128x128xf32, #tpu.memory_space<vmem>>
      %dma_wait3A_98 = tpu.memref_squeeze %dma_wait3A_97 : memref<1x128x128xf32, #tpu.memory_space<vmem>> -> memref<128x128xf32, #tpu.memory_space<vmem>>
      %dma_wait3A_99 = arith.constant 0 : i32
      %dma_wait3A_100 = tpu.memref_slice %arg9[%add3A_14, %dma_wait3A_99] : memref<10112x128xf32, #tpu.memory_space<vmem_shared>> -> memref<128x128xf32, #tpu.memory_space<vmem_shared>>
      %dma_wait3A_101 = arith.constant 0 : i32
      %dma_wait3A_102 = tpu.memref_slice %arg9[%add3A_14, %dma_wait3A_101] : memref<10112x128xf32, #tpu.memory_space<vmem_shared>> -> memref<128x128xf32, #tpu.memory_space<vmem_shared>>
      %dma_wait3A_103 = arith.constant 0 : i32
      %dma_wait3A_104 = arith.constant 0 : i32
      %dma_wait3A_105 = tpu.memref_slice %arg8[%run_scoped3A_15, %dma_wait3A_103, %dma_wait3A_104] : memref<2x128x128xf32, #tpu.memory_space<vmem>> -> memref<1x128x128xf32, #tpu.memory_space<vmem>>
      %dma_wait3A_106 = tpu.memref_squeeze %dma_wait3A_105 : memref<1x128x128xf32, #tpu.memory_space<vmem>> -> memref<128x128xf32, #tpu.memory_space<vmem>>
      tpu.wait_dma2 semaphore(%run_scoped3A_83 : memref<!tpu.dma_semaphore, #tpu.memory_space<semaphore_mem>>) src(%dma_wait3A_106 : memref<128x128xf32, #tpu.memory_space<vmem>>) dst(%dma_wait3A_102 : memref<128x128xf32, #tpu.memory_space<vmem_shared>>)
      tpu.yield
    }) : () -> ()
    %add3A_16 = arith.constant 384 : i32
    %add3A_17 = arith.addi %mul3A_2, %add3A_16 : i32
    %run_scoped3A_18 = arith.constant 0 : i32
    "tpu.region"() ({
      %run_scoped3A_83 = tpu.sem_alloc : memref<!tpu.dma_semaphore, #tpu.memory_space<semaphore_mem>>
      %dma_start3A = arith.constant 0 : i32
      %dma_start3A_84 = arith.constant 0 : i32
      %dma_start3A_85 = tpu.memref_slice %arg8[%run_scoped3A_18, %dma_start3A, %dma_start3A_84] : memref<2x128x128xf32, #tpu.memory_space<vmem>> -> memref<1x128x128xf32, #tpu.memory_space<vmem>>
      %dma_start3A_86 = tpu.memref_squeeze %dma_start3A_85 : memref<1x128x128xf32, #tpu.memory_space<vmem>> -> memref<128x128xf32, #tpu.memory_space<vmem>>
      %dma_start3A_87 = arith.constant 0 : i32
      %dma_start3A_88 = tpu.memref_slice %arg9[%add3A_17, %dma_start3A_87] : memref<10112x128xf32, #tpu.memory_space<vmem_shared>> -> memref<128x128xf32, #tpu.memory_space<vmem_shared>>
      %dma_start3A_89 = arith.constant 0 : i32
      %dma_start3A_90 = tpu.memref_slice %arg9[%add3A_17, %dma_start3A_89] : memref<10112x128xf32, #tpu.memory_space<vmem_shared>> -> memref<128x128xf32, #tpu.memory_space<vmem_shared>>
      %dma_start3A_91 = arith.constant 0 : i32
      %dma_start3A_92 = arith.constant 0 : i32
      %dma_start3A_93 = tpu.memref_slice %arg8[%run_scoped3A_18, %dma_start3A_91, %dma_start3A_92] : memref<2x128x128xf32, #tpu.memory_space<vmem>> -> memref<1x128x128xf32, #tpu.memory_space<vmem>>
      %dma_start3A_94 = tpu.memref_squeeze %dma_start3A_93 : memref<1x128x128xf32, #tpu.memory_space<vmem>> -> memref<128x128xf32, #tpu.memory_space<vmem>>
      tpu.enqueue_dma source(%dma_start3A_94 : memref<128x128xf32, #tpu.memory_space<vmem>>) target(%dma_start3A_90 : memref<128x128xf32, #tpu.memory_space<vmem_shared>>) target_semaphore(%run_scoped3A_83 : memref<!tpu.dma_semaphore, #tpu.memory_space<semaphore_mem>>)
      %dma_wait3A_95 = arith.constant 0 : i32
      %dma_wait3A_96 = arith.constant 0 : i32
      %dma_wait3A_97 = tpu.memref_slice %arg8[%run_scoped3A_18, %dma_wait3A_95, %dma_wait3A_96] : memref<2x128x128xf32, #tpu.memory_space<vmem>> -> memref<1x128x128xf32, #tpu.memory_space<vmem>>
      %dma_wait3A_98 = tpu.memref_squeeze %dma_wait3A_97 : memref<1x128x128xf32, #tpu.memory_space<vmem>> -> memref<128x128xf32, #tpu.memory_space<vmem>>
      %dma_wait3A_99 = arith.constant 0 : i32
      %dma_wait3A_100 = tpu.memref_slice %arg9[%add3A_17, %dma_wait3A_99] : memref<10112x128xf32, #tpu.memory_space<vmem_shared>> -> memref<128x128xf32, #tpu.memory_space<vmem_shared>>
      %dma_wait3A_101 = arith.constant 0 : i32
      %dma_wait3A_102 = tpu.memref_slice %arg9[%add3A_17, %dma_wait3A_101] : memref<10112x128xf32, #tpu.memory_space<vmem_shared>> -> memref<128x128xf32, #tpu.memory_space<vmem_shared>>
      %dma_wait3A_103 = arith.constant 0 : i32
      %dma_wait3A_104 = arith.constant 0 : i32
      %dma_wait3A_105 = tpu.memref_slice %arg8[%run_scoped3A_18, %dma_wait3A_103, %dma_wait3A_104] : memref<2x128x128xf32, #tpu.memory_space<vmem>> -> memref<1x128x128xf32, #tpu.memory_space<vmem>>
      %dma_wait3A_106 = tpu.memref_squeeze %dma_wait3A_105 : memref<1x128x128xf32, #tpu.memory_space<vmem>> -> memref<128x128xf32, #tpu.memory_space<vmem>>
      tpu.wait_dma2 semaphore(%run_scoped3A_83 : memref<!tpu.dma_semaphore, #tpu.memory_space<semaphore_mem>>) src(%dma_wait3A_106 : memref<128x128xf32, #tpu.memory_space<vmem>>) dst(%dma_wait3A_102 : memref<128x128xf32, #tpu.memory_space<vmem_shared>>)
      tpu.yield
    }) : () -> ()
    %add3A_19 = arith.constant 632 : i32
    %add3A_20 = arith.addi %mul3A_2, %add3A_19 : i32
    %sub3A = arith.constant 120 : i32
    %sub3A_21 = arith.subi %add3A_20, %sub3A : i32
    %run_scoped3A_22 = arith.constant 0 : i32
    "tpu.region"() ({
      %run_scoped3A_83 = tpu.sem_alloc : memref<!tpu.dma_semaphore, #tpu.memory_space<semaphore_mem>>
      %dma_start3A = arith.constant 0 : i32
      %dma_start3A_84 = arith.constant 0 : i32
      %dma_start3A_85 = tpu.memref_slice %arg8[%run_scoped3A_22, %dma_start3A, %dma_start3A_84] : memref<2x128x128xf32, #tpu.memory_space<vmem>> -> memref<1x120x128xf32, #tpu.memory_space<vmem>>
      %dma_start3A_86 = tpu.memref_squeeze %dma_start3A_85 : memref<1x120x128xf32, #tpu.memory_space<vmem>> -> memref<120x128xf32, #tpu.memory_space<vmem>>
      %dma_start3A_87 = arith.constant 0 : i32
      %dma_start3A_88 = tpu.memref_slice %arg9[%sub3A_21, %dma_start3A_87] : memref<10112x128xf32, #tpu.memory_space<vmem_shared>> -> memref<120x128xf32, #tpu.memory_space<vmem_shared>>
      %dma_start3A_89 = arith.constant 0 : i32
      %dma_start3A_90 = tpu.memref_slice %arg9[%sub3A_21, %dma_start3A_89] : memref<10112x128xf32, #tpu.memory_space<vmem_shared>> -> memref<120x128xf32, #tpu.memory_space<vmem_shared>>
      %dma_start3A_91 = arith.constant 0 : i32
      %dma_start3A_92 = arith.constant 0 : i32
      %dma_start3A_93 = tpu.memref_slice %arg8[%run_scoped3A_22, %dma_start3A_91, %dma_start3A_92] : memref<2x128x128xf32, #tpu.memory_space<vmem>> -> memref<1x120x128xf32, #tpu.memory_space<vmem>>
      %dma_start3A_94 = tpu.memref_squeeze %dma_start3A_93 : memref<1x120x128xf32, #tpu.memory_space<vmem>> -> memref<120x128xf32, #tpu.memory_space<vmem>>
      tpu.enqueue_dma source(%dma_start3A_94 : memref<120x128xf32, #tpu.memory_space<vmem>>) target(%dma_start3A_90 : memref<120x128xf32, #tpu.memory_space<vmem_shared>>) target_semaphore(%run_scoped3A_83 : memref<!tpu.dma_semaphore, #tpu.memory_space<semaphore_mem>>)
      %dma_wait3A_95 = arith.constant 0 : i32
      %dma_wait3A_96 = arith.constant 0 : i32
      %dma_wait3A_97 = tpu.memref_slice %arg8[%run_scoped3A_22, %dma_wait3A_95, %dma_wait3A_96] : memref<2x128x128xf32, #tpu.memory_space<vmem>> -> memref<1x120x128xf32, #tpu.memory_space<vmem>>
      %dma_wait3A_98 = tpu.memref_squeeze %dma_wait3A_97 : memref<1x120x128xf32, #tpu.memory_space<vmem>> -> memref<120x128xf32, #tpu.memory_space<vmem>>
      %dma_wait3A_99 = arith.constant 0 : i32
      %dma_wait3A_100 = tpu.memref_slice %arg9[%sub3A_21, %dma_wait3A_99] : memref<10112x128xf32, #tpu.memory_space<vmem_shared>> -> memref<120x128xf32, #tpu.memory_space<vmem_shared>>
      %dma_wait3A_101 = arith.constant 0 : i32
      %dma_wait3A_102 = tpu.memref_slice %arg9[%sub3A_21, %dma_wait3A_101] : memref<10112x128xf32, #tpu.memory_space<vmem_shared>> -> memref<120x128xf32, #tpu.memory_space<vmem_shared>>
      %dma_wait3A_103 = arith.constant 0 : i32
      %dma_wait3A_104 = arith.constant 0 : i32
      %dma_wait3A_105 = tpu.memref_slice %arg8[%run_scoped3A_22, %dma_wait3A_103, %dma_wait3A_104] : memref<2x128x128xf32, #tpu.memory_space<vmem>> -> memref<1x120x128xf32, #tpu.memory_space<vmem>>
      %dma_wait3A_106 = tpu.memref_squeeze %dma_wait3A_105 : memref<1x120x128xf32, #tpu.memory_space<vmem>> -> memref<120x128xf32, #tpu.memory_space<vmem>>
      tpu.wait_dma2 semaphore(%run_scoped3A_83 : memref<!tpu.dma_semaphore, #tpu.memory_space<semaphore_mem>>) src(%dma_wait3A_106 : memref<120x128xf32, #tpu.memory_space<vmem>>) dst(%dma_wait3A_102 : memref<120x128xf32, #tpu.memory_space<vmem_shared>>)
      tpu.yield
    }) : () -> ()
    %barrier3A = arith.constant 0 : index
    tpu.barrier barrier_id(%barrier3A)
    "tpu.region"() ({
      %run_scoped3A_83 = tpu.sem_alloc : memref<!tpu.dma_semaphore, #tpu.memory_space<semaphore_mem>>
      %dma_start3A = arith.constant 0 : i32
      %dma_start3A_84 = arith.constant 0 : i32
      %dma_start3A_85 = tpu.memref_slice %arg3[%add3A, %dma_start3A, %dma_start3A_84] : memref<32x80x128xi32, #tpu.memory_space<hbm>> -> memref<1x40x128xi32, #tpu.memory_space<hbm>>
      %dma_start3A_86 = tpu.memref_squeeze %dma_start3A_85 : memref<1x40x128xi32, #tpu.memory_space<hbm>> -> memref<40x128xi32, #tpu.memory_space<hbm>>
      %dma_start3A_87 = arith.constant 0 : i32
      %dma_start3A_88 = arith.constant 0 : i32
      %dma_start3A_89 = tpu.memref_slice %arg3[%add3A, %dma_start3A_87, %dma_start3A_88] : memref<32x80x128xi32, #tpu.memory_space<hbm>> -> memref<1x40x128xi32, #tpu.memory_space<hbm>>
      %dma_start3A_90 = tpu.memref_squeeze %dma_start3A_89 : memref<1x40x128xi32, #tpu.memory_space<hbm>> -> memref<40x128xi32, #tpu.memory_space<hbm>>
      tpu.enqueue_dma source(%dma_start3A_90 : memref<40x128xi32, #tpu.memory_space<hbm>>) target(%arg6 : memref<40x128xi32, #tpu.memory_space<vmem>>) target_semaphore(%run_scoped3A_83 : memref<!tpu.dma_semaphore, #tpu.memory_space<semaphore_mem>>)
      %dma_wait3A_91 = arith.constant 0 : i32
      %dma_wait3A_92 = arith.constant 0 : i32
      %dma_wait3A_93 = tpu.memref_slice %arg3[%add3A, %dma_wait3A_91, %dma_wait3A_92] : memref<32x80x128xi32, #tpu.memory_space<hbm>> -> memref<1x40x128xi32, #tpu.memory_space<hbm>>
      %dma_wait3A_94 = tpu.memref_squeeze %dma_wait3A_93 : memref<1x40x128xi32, #tpu.memory_space<hbm>> -> memref<40x128xi32, #tpu.memory_space<hbm>>
      %dma_wait3A_95 = arith.constant 0 : i32
      %dma_wait3A_96 = arith.constant 0 : i32
      %dma_wait3A_97 = tpu.memref_slice %arg3[%add3A, %dma_wait3A_95, %dma_wait3A_96] : memref<32x80x128xi32, #tpu.memory_space<hbm>> -> memref<1x40x128xi32, #tpu.memory_space<hbm>>
      %dma_wait3A_98 = tpu.memref_squeeze %dma_wait3A_97 : memref<1x40x128xi32, #tpu.memory_space<hbm>> -> memref<40x128xi32, #tpu.memory_space<hbm>>
      tpu.wait_dma2 semaphore(%run_scoped3A_83 : memref<!tpu.dma_semaphore, #tpu.memory_space<semaphore_mem>>) src(%dma_wait3A_98 : memref<40x128xi32, #tpu.memory_space<hbm>>) dst(%arg6 : memref<40x128xi32, #tpu.memory_space<vmem>>)
      tpu.yield
    }) : () -> ()
    "tpu.region"() ({
      %run_scoped3A_83 = tpu.sem_alloc : memref<!tpu.dma_semaphore, #tpu.memory_space<semaphore_mem>>
      %dma_start3A = arith.constant 0 : i32
      %dma_start3A_84 = arith.constant 0 : i32
      %dma_start3A_85 = tpu.memref_slice %arg4[%add3A, %dma_start3A, %dma_start3A_84] : memref<32x80x128xi32, #tpu.memory_space<hbm>> -> memref<1x40x128xi32, #tpu.memory_space<hbm>>
      %dma_start3A_86 = tpu.memref_squeeze %dma_start3A_85 : memref<1x40x128xi32, #tpu.memory_space<hbm>> -> memref<40x128xi32, #tpu.memory_space<hbm>>
      %dma_start3A_87 = arith.constant 0 : i32
      %dma_start3A_88 = arith.constant 0 : i32
      %dma_start3A_89 = tpu.memref_slice %arg4[%add3A, %dma_start3A_87, %dma_start3A_88] : memref<32x80x128xi32, #tpu.memory_space<hbm>> -> memref<1x40x128xi32, #tpu.memory_space<hbm>>
      %dma_start3A_90 = tpu.memref_squeeze %dma_start3A_89 : memref<1x40x128xi32, #tpu.memory_space<hbm>> -> memref<40x128xi32, #tpu.memory_space<hbm>>
      tpu.enqueue_dma source(%dma_start3A_90 : memref<40x128xi32, #tpu.memory_space<hbm>>) target(%arg7 : memref<40x128xi32, #tpu.memory_space<vmem>>) target_semaphore(%run_scoped3A_83 : memref<!tpu.dma_semaphore, #tpu.memory_space<semaphore_mem>>)
      %dma_wait3A_91 = arith.constant 0 : i32
      %dma_wait3A_92 = arith.constant 0 : i32
      %dma_wait3A_93 = tpu.memref_slice %arg4[%add3A, %dma_wait3A_91, %dma_wait3A_92] : memref<32x80x128xi32, #tpu.memory_space<hbm>> -> memref<1x40x128xi32, #tpu.memory_space<hbm>>
      %dma_wait3A_94 = tpu.memref_squeeze %dma_wait3A_93 : memref<1x40x128xi32, #tpu.memory_space<hbm>> -> memref<40x128xi32, #tpu.memory_space<hbm>>
      %dma_wait3A_95 = arith.constant 0 : i32
      %dma_wait3A_96 = arith.constant 0 : i32
      %dma_wait3A_97 = tpu.memref_slice %arg4[%add3A, %dma_wait3A_95, %dma_wait3A_96] : memref<32x80x128xi32, #tpu.memory_space<hbm>> -> memref<1x40x128xi32, #tpu.memory_space<hbm>>
      %dma_wait3A_98 = tpu.memref_squeeze %dma_wait3A_97 : memref<1x40x128xi32, #tpu.memory_space<hbm>> -> memref<40x128xi32, #tpu.memory_space<hbm>>
      tpu.wait_dma2 semaphore(%run_scoped3A_83 : memref<!tpu.dma_semaphore, #tpu.memory_space<semaphore_mem>>) src(%dma_wait3A_98 : memref<40x128xi32, #tpu.memory_space<hbm>>) dst(%arg7 : memref<40x128xi32, #tpu.memory_space<vmem>>)
      tpu.yield
    }) : () -> ()
    %scan3A_23 = arith.constant 0 : i32
    %scan3A_24 = arith.constant 0 : i32
    %scan3A_25 = arith.constant 20 : i32
    %scan3A_26 = arith.addi %scan3A_24, %scan3A_25 : i32
    %scan3A_27 = arith.constant 1 : i32
    scf.for %scan3A_83 = %scan3A_24 to %scan3A_26 step %scan3A_27  : i32 {
      %mul3A_84 = arith.constant 2 : i32
      %mul3A_85 = arith.muli %scan3A_83, %mul3A_84 : i32
      %gt3A = arith.constant 0 : i32
      %gt3A_86 = arith.cmpi sgt, %scan3A_83, %gt3A : i32
      %convert_element_type3A = arith.extui %gt3A_86 : i1 to i32
      %cond3A = arith.constant 0 : i32
      %cond3A_87 = arith.cmpi ne, %convert_element_type3A, %cond3A : i32
      scf.if %cond3A_87 {
        %sub3A_166 = arith.constant 2 : i32
        %sub3A_167 = arith.subi %mul3A_85, %sub3A_166 : i32
        %add3A_168 = arith.constant 0 : i32
        %add3A_169 = arith.addi %sub3A_167, %add3A_168 : i32
        %dma_wait3A_170 = arith.constant 0 : i32
        %dma_wait3A_171 = arith.constant 0 : i32
        %dma_wait3A_172 = arith.constant 0 : i32
        %dma_wait3A_173 = tpu.memref_slice %arg8[%dma_wait3A_170, %dma_wait3A_171, %dma_wait3A_172] : memref<2x128x128xf32, #tpu.memory_space<vmem>> -> memref<1x128x128xf32, #tpu.memory_space<vmem>>
        %dma_wait3A_174 = tpu.memref_squeeze %dma_wait3A_173 : memref<1x128x128xf32, #tpu.memory_space<vmem>> -> memref<128x128xf32, #tpu.memory_space<vmem>>
        %dma_wait3A_175 = arith.constant 0 : i32
        %dma_wait3A_176 = tpu.memref_slice %arg7[%add3A_169, %dma_wait3A_175] : memref<40x128xi32, #tpu.memory_space<vmem>> -> memref<1x128xi32, #tpu.memory_space<vmem>>
        %dma_wait3A_177 = tpu.memref_squeeze %dma_wait3A_176 : memref<1x128xi32, #tpu.memory_space<vmem>> -> memref<128xi32, #tpu.memory_space<vmem>>
        %dma_wait3A_178 = arith.constant 0 : i32
        %dma_wait3A_179 = arith.constant 0 : i32
        %dma_wait3A_180 = tpu.memref_slice %arg9[%dma_wait3A_178, %dma_wait3A_179] : memref<10112x128xf32, #tpu.memory_space<vmem_shared>> -> memref<10112x128xf32, #tpu.memory_space<vmem_shared>>
        tpu.wait_indirect_dma semaphore(%arg12 : memref<!tpu.dma_semaphore, #tpu.memory_space<semaphore_mem>>) src(%dma_wait3A_174 : memref<128x128xf32, #tpu.memory_space<vmem>>) dst(%dma_wait3A_180 : memref<10112x128xf32, #tpu.memory_space<vmem_shared>>)
      } else {
      }
      %add3A_88 = arith.constant 0 : i32
      %add3A_89 = arith.addi %mul3A_85, %add3A_88 : i32
      %dma_start3A = arith.constant 0 : i32
      %dma_start3A_90 = arith.constant 0 : i32
      %dma_start3A_91 = arith.constant 0 : i32
      %dma_start3A_92 = tpu.memref_slice %arg8[%dma_start3A, %dma_start3A_90, %dma_start3A_91] : memref<2x128x128xf32, #tpu.memory_space<vmem>> -> memref<1x128x128xf32, #tpu.memory_space<vmem>>
      %dma_start3A_93 = tpu.memref_squeeze %dma_start3A_92 : memref<1x128x128xf32, #tpu.memory_space<vmem>> -> memref<128x128xf32, #tpu.memory_space<vmem>>
      %dma_start3A_94 = arith.constant 0 : i32
      %dma_start3A_95 = tpu.memref_slice %arg6[%add3A_89, %dma_start3A_94] : memref<40x128xi32, #tpu.memory_space<vmem>> -> memref<1x128xi32, #tpu.memory_space<vmem>>
      %dma_start3A_96 = tpu.memref_squeeze %dma_start3A_95 : memref<1x128xi32, #tpu.memory_space<vmem>> -> memref<128xi32, #tpu.memory_space<vmem>>
      %dma_start3A_97 = arith.constant 0 : i32
      %dma_start3A_98 = arith.constant 0 : i32
      %dma_start3A_99 = tpu.memref_slice %arg2[%dma_start3A_97, %dma_start3A_98] : memref<10000x128xf32, #tpu.memory_space<hbm>> -> memref<10000x128xf32, #tpu.memory_space<hbm>>
      tpu.enqueue_indirect_dma source(%dma_start3A_99 : memref<10000x128xf32, #tpu.memory_space<hbm>>) target(%dma_start3A_93 : memref<128x128xf32, #tpu.memory_space<vmem>>) offsets(%dma_start3A_96 : memref<128xi32, #tpu.memory_space<vmem>>) semaphore(%arg10 : memref<!tpu.dma_semaphore, #tpu.memory_space<semaphore_mem>>)
      %gt3A_100 = arith.constant 0 : i32
      %gt3A_101 = arith.cmpi sgt, %scan3A_83, %gt3A_100 : i32
      %convert_element_type3A_102 = arith.extui %gt3A_101 : i1 to i32
      %cond3A_103 = arith.constant 0 : i32
      %cond3A_104 = arith.cmpi ne, %convert_element_type3A_102, %cond3A_103 : i32
      scf.if %cond3A_104 {
        %sub3A_166 = arith.constant 2 : i32
        %sub3A_167 = arith.subi %mul3A_85, %sub3A_166 : i32
        %add3A_168 = arith.constant 1 : i32
        %add3A_169 = arith.addi %sub3A_167, %add3A_168 : i32
        %dma_wait3A_170 = arith.constant 1 : i32
        %dma_wait3A_171 = arith.constant 0 : i32
        %dma_wait3A_172 = arith.constant 0 : i32
        %dma_wait3A_173 = tpu.memref_slice %arg8[%dma_wait3A_170, %dma_wait3A_171, %dma_wait3A_172] : memref<2x128x128xf32, #tpu.memory_space<vmem>> -> memref<1x128x128xf32, #tpu.memory_space<vmem>>
        %dma_wait3A_174 = tpu.memref_squeeze %dma_wait3A_173 : memref<1x128x128xf32, #tpu.memory_space<vmem>> -> memref<128x128xf32, #tpu.memory_space<vmem>>
        %dma_wait3A_175 = arith.constant 0 : i32
        %dma_wait3A_176 = tpu.memref_slice %arg7[%add3A_169, %dma_wait3A_175] : memref<40x128xi32, #tpu.memory_space<vmem>> -> memref<1x128xi32, #tpu.memory_space<vmem>>
        %dma_wait3A_177 = tpu.memref_squeeze %dma_wait3A_176 : memref<1x128xi32, #tpu.memory_space<vmem>> -> memref<128xi32, #tpu.memory_space<vmem>>
        %dma_wait3A_178 = arith.constant 0 : i32
        %dma_wait3A_179 = arith.constant 0 : i32
        %dma_wait3A_180 = tpu.memref_slice %arg9[%dma_wait3A_178, %dma_wait3A_179] : memref<10112x128xf32, #tpu.memory_space<vmem_shared>> -> memref<10112x128xf32, #tpu.memory_space<vmem_shared>>
        tpu.wait_indirect_dma semaphore(%arg13 : memref<!tpu.dma_semaphore, #tpu.memory_space<semaphore_mem>>) src(%dma_wait3A_174 : memref<128x128xf32, #tpu.memory_space<vmem>>) dst(%dma_wait3A_180 : memref<10112x128xf32, #tpu.memory_space<vmem_shared>>)
      } else {
      }
      %add3A_105 = arith.constant 1 : i32
      %add3A_106 = arith.addi %mul3A_85, %add3A_105 : i32
      %dma_start3A_107 = arith.constant 1 : i32
      %dma_start3A_108 = arith.constant 0 : i32
      %dma_start3A_109 = arith.constant 0 : i32
      %dma_start3A_110 = tpu.memref_slice %arg8[%dma_start3A_107, %dma_start3A_108, %dma_start3A_109] : memref<2x128x128xf32, #tpu.memory_space<vmem>> -> memref<1x128x128xf32, #tpu.memory_space<vmem>>
      %dma_start3A_111 = tpu.memref_squeeze %dma_start3A_110 : memref<1x128x128xf32, #tpu.memory_space<vmem>> -> memref<128x128xf32, #tpu.memory_space<vmem>>
      %dma_start3A_112 = arith.constant 0 : i32
      %dma_start3A_113 = tpu.memref_slice %arg6[%add3A_106, %dma_start3A_112] : memref<40x128xi32, #tpu.memory_space<vmem>> -> memref<1x128xi32, #tpu.memory_space<vmem>>
      %dma_start3A_114 = tpu.memref_squeeze %dma_start3A_113 : memref<1x128xi32, #tpu.memory_space<vmem>> -> memref<128xi32, #tpu.memory_space<vmem>>
      %dma_start3A_115 = arith.constant 0 : i32
      %dma_start3A_116 = arith.constant 0 : i32
      %dma_start3A_117 = tpu.memref_slice %arg2[%dma_start3A_115, %dma_start3A_116] : memref<10000x128xf32, #tpu.memory_space<hbm>> -> memref<10000x128xf32, #tpu.memory_space<hbm>>
      tpu.enqueue_indirect_dma source(%dma_start3A_117 : memref<10000x128xf32, #tpu.memory_space<hbm>>) target(%dma_start3A_111 : memref<128x128xf32, #tpu.memory_space<vmem>>) offsets(%dma_start3A_114 : memref<128xi32, #tpu.memory_space<vmem>>) semaphore(%arg11 : memref<!tpu.dma_semaphore, #tpu.memory_space<semaphore_mem>>)
      %dma_wait3A_118 = arith.constant 0 : i32
      %dma_wait3A_119 = arith.constant 0 : i32
      %dma_wait3A_120 = arith.constant 0 : i32
      %dma_wait3A_121 = tpu.memref_slice %arg8[%dma_wait3A_118, %dma_wait3A_119, %dma_wait3A_120] : memref<2x128x128xf32, #tpu.memory_space<vmem>> -> memref<1x128x128xf32, #tpu.memory_space<vmem>>
      %dma_wait3A_122 = tpu.memref_squeeze %dma_wait3A_121 : memref<1x128x128xf32, #tpu.memory_space<vmem>> -> memref<128x128xf32, #tpu.memory_space<vmem>>
      %dma_wait3A_123 = arith.constant 0 : i32
      %dma_wait3A_124 = tpu.memref_slice %arg6[%add3A_89, %dma_wait3A_123] : memref<40x128xi32, #tpu.memory_space<vmem>> -> memref<1x128xi32, #tpu.memory_space<vmem>>
      %dma_wait3A_125 = tpu.memref_squeeze %dma_wait3A_124 : memref<1x128xi32, #tpu.memory_space<vmem>> -> memref<128xi32, #tpu.memory_space<vmem>>
      %dma_wait3A_126 = arith.constant 0 : i32
      %dma_wait3A_127 = arith.constant 0 : i32
      %dma_wait3A_128 = tpu.memref_slice %arg2[%dma_wait3A_126, %dma_wait3A_127] : memref<10000x128xf32, #tpu.memory_space<hbm>> -> memref<10000x128xf32, #tpu.memory_space<hbm>>
      tpu.wait_indirect_dma semaphore(%arg10 : memref<!tpu.dma_semaphore, #tpu.memory_space<semaphore_mem>>) src(%dma_wait3A_128 : memref<10000x128xf32, #tpu.memory_space<hbm>>) dst(%dma_wait3A_122 : memref<128x128xf32, #tpu.memory_space<vmem>>)
      %add3A_129 = arith.constant 0 : i32
      %add3A_130 = arith.addi %mul3A_85, %add3A_129 : i32
      %dma_start3A_131 = arith.constant 0 : i32
      %dma_start3A_132 = arith.constant 0 : i32
      %dma_start3A_133 = arith.constant 0 : i32
      %dma_start3A_134 = tpu.memref_slice %arg8[%dma_start3A_131, %dma_start3A_132, %dma_start3A_133] : memref<2x128x128xf32, #tpu.memory_space<vmem>> -> memref<1x128x128xf32, #tpu.memory_space<vmem>>
      %dma_start3A_135 = tpu.memref_squeeze %dma_start3A_134 : memref<1x128x128xf32, #tpu.memory_space<vmem>> -> memref<128x128xf32, #tpu.memory_space<vmem>>
      %dma_start3A_136 = arith.constant 0 : i32
      %dma_start3A_137 = tpu.memref_slice %arg7[%add3A_130, %dma_start3A_136] : memref<40x128xi32, #tpu.memory_space<vmem>> -> memref<1x128xi32, #tpu.memory_space<vmem>>
      %dma_start3A_138 = tpu.memref_squeeze %dma_start3A_137 : memref<1x128xi32, #tpu.memory_space<vmem>> -> memref<128xi32, #tpu.memory_space<vmem>>
      %dma_start3A_139 = arith.constant 0 : i32
      %dma_start3A_140 = arith.constant 0 : i32
      %dma_start3A_141 = tpu.memref_slice %arg9[%dma_start3A_139, %dma_start3A_140] : memref<10112x128xf32, #tpu.memory_space<vmem_shared>> -> memref<10112x128xf32, #tpu.memory_space<vmem_shared>>
      tpu.enqueue_indirect_dma source(%dma_start3A_135 : memref<128x128xf32, #tpu.memory_space<vmem>>) target(%dma_start3A_141 : memref<10112x128xf32, #tpu.memory_space<vmem_shared>>) offsets(%dma_start3A_138 : memref<128xi32, #tpu.memory_space<vmem>>) semaphore(%arg12 : memref<!tpu.dma_semaphore, #tpu.memory_space<semaphore_mem>>) {add = true}
      %dma_wait3A_142 = arith.constant 1 : i32
      %dma_wait3A_143 = arith.constant 0 : i32
      %dma_wait3A_144 = arith.constant 0 : i32
      %dma_wait3A_145 = tpu.memref_slice %arg8[%dma_wait3A_142, %dma_wait3A_143, %dma_wait3A_144] : memref<2x128x128xf32, #tpu.memory_space<vmem>> -> memref<1x128x128xf32, #tpu.memory_space<vmem>>
      %dma_wait3A_146 = tpu.memref_squeeze %dma_wait3A_145 : memref<1x128x128xf32, #tpu.memory_space<vmem>> -> memref<128x128xf32, #tpu.memory_space<vmem>>
      %dma_wait3A_147 = arith.constant 0 : i32
      %dma_wait3A_148 = tpu.memref_slice %arg6[%add3A_106, %dma_wait3A_147] : memref<40x128xi32, #tpu.memory_space<vmem>> -> memref<1x128xi32, #tpu.memory_space<vmem>>
      %dma_wait3A_149 = tpu.memref_squeeze %dma_wait3A_148 : memref<1x128xi32, #tpu.memory_space<vmem>> -> memref<128xi32, #tpu.memory_space<vmem>>
      %dma_wait3A_150 = arith.constant 0 : i32
      %dma_wait3A_151 = arith.constant 0 : i32
      %dma_wait3A_152 = tpu.memref_slice %arg2[%dma_wait3A_150, %dma_wait3A_151] : memref<10000x128xf32, #tpu.memory_space<hbm>> -> memref<10000x128xf32, #tpu.memory_space<hbm>>
      tpu.wait_indirect_dma semaphore(%arg11 : memref<!tpu.dma_semaphore, #tpu.memory_space<semaphore_mem>>) src(%dma_wait3A_152 : memref<10000x128xf32, #tpu.memory_space<hbm>>) dst(%dma_wait3A_146 : memref<128x128xf32, #tpu.memory_space<vmem>>)
      %add3A_153 = arith.constant 1 : i32
      %add3A_154 = arith.addi %mul3A_85, %add3A_153 : i32
      %dma_start3A_155 = arith.constant 1 : i32
      %dma_start3A_156 = arith.constant 0 : i32
      %dma_start3A_157 = arith.constant 0 : i32
      %dma_start3A_158 = tpu.memref_slice %arg8[%dma_start3A_155, %dma_start3A_156, %dma_start3A_157] : memref<2x128x128xf32, #tpu.memory_space<vmem>> -> memref<1x128x128xf32, #tpu.memory_space<vmem>>
      %dma_start3A_159 = tpu.memref_squeeze %dma_start3A_158 : memref<1x128x128xf32, #tpu.memory_space<vmem>> -> memref<128x128xf32, #tpu.memory_space<vmem>>
      %dma_start3A_160 = arith.constant 0 : i32
      %dma_start3A_161 = tpu.memref_slice %arg7[%add3A_154, %dma_start3A_160] : memref<40x128xi32, #tpu.memory_space<vmem>> -> memref<1x128xi32, #tpu.memory_space<vmem>>
      %dma_start3A_162 = tpu.memref_squeeze %dma_start3A_161 : memref<1x128xi32, #tpu.memory_space<vmem>> -> memref<128xi32, #tpu.memory_space<vmem>>
      %dma_start3A_163 = arith.constant 0 : i32
      %dma_start3A_164 = arith.constant 0 : i32
      %dma_start3A_165 = tpu.memref_slice %arg9[%dma_start3A_163, %dma_start3A_164] : memref<10112x128xf32, #tpu.memory_space<vmem_shared>> -> memref<10112x128xf32, #tpu.memory_space<vmem_shared>>
      tpu.enqueue_indirect_dma source(%dma_start3A_159 : memref<128x128xf32, #tpu.memory_space<vmem>>) target(%dma_start3A_165 : memref<10112x128xf32, #tpu.memory_space<vmem_shared>>) offsets(%dma_start3A_162 : memref<128xi32, #tpu.memory_space<vmem>>) semaphore(%arg13 : memref<!tpu.dma_semaphore, #tpu.memory_space<semaphore_mem>>) {add = true}
    }
    %scan3A_28 = arith.constant 20 : i32
    %dma_wait3A = arith.constant 0 : i32
    %dma_wait3A_29 = arith.constant 38 : i32
    %dma_wait3A_30 = arith.constant 0 : i32
    %dma_wait3A_31 = arith.constant 0 : i32
    %dma_wait3A_32 = tpu.memref_slice %arg8[%dma_wait3A, %dma_wait3A_30, %dma_wait3A_31] : memref<2x128x128xf32, #tpu.memory_space<vmem>> -> memref<1x128x128xf32, #tpu.memory_space<vmem>>
    %dma_wait3A_33 = tpu.memref_squeeze %dma_wait3A_32 : memref<1x128x128xf32, #tpu.memory_space<vmem>> -> memref<128x128xf32, #tpu.memory_space<vmem>>
    %dma_wait3A_34 = arith.constant 0 : i32
    %dma_wait3A_35 = tpu.memref_slice %arg7[%dma_wait3A_29, %dma_wait3A_34] : memref<40x128xi32, #tpu.memory_space<vmem>> -> memref<1x128xi32, #tpu.memory_space<vmem>>
    %dma_wait3A_36 = tpu.memref_squeeze %dma_wait3A_35 : memref<1x128xi32, #tpu.memory_space<vmem>> -> memref<128xi32, #tpu.memory_space<vmem>>
    %dma_wait3A_37 = arith.constant 0 : i32
    %dma_wait3A_38 = arith.constant 0 : i32
    %dma_wait3A_39 = tpu.memref_slice %arg9[%dma_wait3A_37, %dma_wait3A_38] : memref<10112x128xf32, #tpu.memory_space<vmem_shared>> -> memref<10112x128xf32, #tpu.memory_space<vmem_shared>>
    tpu.wait_indirect_dma semaphore(%arg12 : memref<!tpu.dma_semaphore, #tpu.memory_space<semaphore_mem>>) src(%dma_wait3A_33 : memref<128x128xf32, #tpu.memory_space<vmem>>) dst(%dma_wait3A_39 : memref<10112x128xf32, #tpu.memory_space<vmem_shared>>)
    %dma_wait3A_40 = arith.constant 1 : i32
    %dma_wait3A_41 = arith.constant 39 : i32
    %dma_wait3A_42 = arith.constant 0 : i32
    %dma_wait3A_43 = arith.constant 0 : i32
    %dma_wait3A_44 = tpu.memref_slice %arg8[%dma_wait3A_40, %dma_wait3A_42, %dma_wait3A_43] : memref<2x128x128xf32, #tpu.memory_space<vmem>> -> memref<1x128x128xf32, #tpu.memory_space<vmem>>
    %dma_wait3A_45 = tpu.memref_squeeze %dma_wait3A_44 : memref<1x128x128xf32, #tpu.memory_space<vmem>> -> memref<128x128xf32, #tpu.memory_space<vmem>>
    %dma_wait3A_46 = arith.constant 0 : i32
    %dma_wait3A_47 = tpu.memref_slice %arg7[%dma_wait3A_41, %dma_wait3A_46] : memref<40x128xi32, #tpu.memory_space<vmem>> -> memref<1x128xi32, #tpu.memory_space<vmem>>
    %dma_wait3A_48 = tpu.memref_squeeze %dma_wait3A_47 : memref<1x128xi32, #tpu.memory_space<vmem>> -> memref<128xi32, #tpu.memory_space<vmem>>
    %dma_wait3A_49 = arith.constant 0 : i32
    %dma_wait3A_50 = arith.constant 0 : i32
    %dma_wait3A_51 = tpu.memref_slice %arg9[%dma_wait3A_49, %dma_wait3A_50] : memref<10112x128xf32, #tpu.memory_space<vmem_shared>> -> memref<10112x128xf32, #tpu.memory_space<vmem_shared>>
    tpu.wait_indirect_dma semaphore(%arg13 : memref<!tpu.dma_semaphore, #tpu.memory_space<semaphore_mem>>) src(%dma_wait3A_45 : memref<128x128xf32, #tpu.memory_space<vmem>>) dst(%dma_wait3A_51 : memref<10112x128xf32, #tpu.memory_space<vmem_shared>>)
    "tpu.region"() ({
      %run_scoped3A_83 = tpu.sem_alloc : memref<!tpu.dma_semaphore, #tpu.memory_space<semaphore_mem>>
      %dma_start3A = arith.constant 40 : i32
      %dma_start3A_84 = arith.constant 0 : i32
      %dma_start3A_85 = tpu.memref_slice %arg3[%add3A, %dma_start3A, %dma_start3A_84] : memref<32x80x128xi32, #tpu.memory_space<hbm>> -> memref<1x40x128xi32, #tpu.memory_space<hbm>>
      %dma_start3A_86 = tpu.memref_squeeze %dma_start3A_85 : memref<1x40x128xi32, #tpu.memory_space<hbm>> -> memref<40x128xi32, #tpu.memory_space<hbm>>
      %dma_start3A_87 = arith.constant 40 : i32
      %dma_start3A_88 = arith.constant 0 : i32
      %dma_start3A_89 = tpu.memref_slice %arg3[%add3A, %dma_start3A_87, %dma_start3A_88] : memref<32x80x128xi32, #tpu.memory_space<hbm>> -> memref<1x40x128xi32, #tpu.memory_space<hbm>>
      %dma_start3A_90 = tpu.memref_squeeze %dma_start3A_89 : memref<1x40x128xi32, #tpu.memory_space<hbm>> -> memref<40x128xi32, #tpu.memory_space<hbm>>
      tpu.enqueue_dma source(%dma_start3A_90 : memref<40x128xi32, #tpu.memory_space<hbm>>) target(%arg6 : memref<40x128xi32, #tpu.memory_space<vmem>>) target_semaphore(%run_scoped3A_83 : memref<!tpu.dma_semaphore, #tpu.memory_space<semaphore_mem>>)
      %dma_wait3A_91 = arith.constant 40 : i32
      %dma_wait3A_92 = arith.constant 0 : i32
      %dma_wait3A_93 = tpu.memref_slice %arg3[%add3A, %dma_wait3A_91, %dma_wait3A_92] : memref<32x80x128xi32, #tpu.memory_space<hbm>> -> memref<1x40x128xi32, #tpu.memory_space<hbm>>
      %dma_wait3A_94 = tpu.memref_squeeze %dma_wait3A_93 : memref<1x40x128xi32, #tpu.memory_space<hbm>> -> memref<40x128xi32, #tpu.memory_space<hbm>>
      %dma_wait3A_95 = arith.constant 40 : i32
      %dma_wait3A_96 = arith.constant 0 : i32
      %dma_wait3A_97 = tpu.memref_slice %arg3[%add3A, %dma_wait3A_95, %dma_wait3A_96] : memref<32x80x128xi32, #tpu.memory_space<hbm>> -> memref<1x40x128xi32, #tpu.memory_space<hbm>>
      %dma_wait3A_98 = tpu.memref_squeeze %dma_wait3A_97 : memref<1x40x128xi32, #tpu.memory_space<hbm>> -> memref<40x128xi32, #tpu.memory_space<hbm>>
      tpu.wait_dma2 semaphore(%run_scoped3A_83 : memref<!tpu.dma_semaphore, #tpu.memory_space<semaphore_mem>>) src(%dma_wait3A_98 : memref<40x128xi32, #tpu.memory_space<hbm>>) dst(%arg6 : memref<40x128xi32, #tpu.memory_space<vmem>>)
      tpu.yield
    }) : () -> ()
    "tpu.region"() ({
      %run_scoped3A_83 = tpu.sem_alloc : memref<!tpu.dma_semaphore, #tpu.memory_space<semaphore_mem>>
      %dma_start3A = arith.constant 40 : i32
      %dma_start3A_84 = arith.constant 0 : i32
      %dma_start3A_85 = tpu.memref_slice %arg4[%add3A, %dma_start3A, %dma_start3A_84] : memref<32x80x128xi32, #tpu.memory_space<hbm>> -> memref<1x40x128xi32, #tpu.memory_space<hbm>>
      %dma_start3A_86 = tpu.memref_squeeze %dma_start3A_85 : memref<1x40x128xi32, #tpu.memory_space<hbm>> -> memref<40x128xi32, #tpu.memory_space<hbm>>
      %dma_start3A_87 = arith.constant 40 : i32
      %dma_start3A_88 = arith.constant 0 : i32
      %dma_start3A_89 = tpu.memref_slice %arg4[%add3A, %dma_start3A_87, %dma_start3A_88] : memref<32x80x128xi32, #tpu.memory_space<hbm>> -> memref<1x40x128xi32, #tpu.memory_space<hbm>>
      %dma_start3A_90 = tpu.memref_squeeze %dma_start3A_89 : memref<1x40x128xi32, #tpu.memory_space<hbm>> -> memref<40x128xi32, #tpu.memory_space<hbm>>
      tpu.enqueue_dma source(%dma_start3A_90 : memref<40x128xi32, #tpu.memory_space<hbm>>) target(%arg7 : memref<40x128xi32, #tpu.memory_space<vmem>>) target_semaphore(%run_scoped3A_83 : memref<!tpu.dma_semaphore, #tpu.memory_space<semaphore_mem>>)
      %dma_wait3A_91 = arith.constant 40 : i32
      %dma_wait3A_92 = arith.constant 0 : i32
      %dma_wait3A_93 = tpu.memref_slice %arg4[%add3A, %dma_wait3A_91, %dma_wait3A_92] : memref<32x80x128xi32, #tpu.memory_space<hbm>> -> memref<1x40x128xi32, #tpu.memory_space<hbm>>
      %dma_wait3A_94 = tpu.memref_squeeze %dma_wait3A_93 : memref<1x40x128xi32, #tpu.memory_space<hbm>> -> memref<40x128xi32, #tpu.memory_space<hbm>>
      %dma_wait3A_95 = arith.constant 40 : i32
      %dma_wait3A_96 = arith.constant 0 : i32
      %dma_wait3A_97 = tpu.memref_slice %arg4[%add3A, %dma_wait3A_95, %dma_wait3A_96] : memref<32x80x128xi32, #tpu.memory_space<hbm>> -> memref<1x40x128xi32, #tpu.memory_space<hbm>>
      %dma_wait3A_98 = tpu.memref_squeeze %dma_wait3A_97 : memref<1x40x128xi32, #tpu.memory_space<hbm>> -> memref<40x128xi32, #tpu.memory_space<hbm>>
      tpu.wait_dma2 semaphore(%run_scoped3A_83 : memref<!tpu.dma_semaphore, #tpu.memory_space<semaphore_mem>>) src(%dma_wait3A_98 : memref<40x128xi32, #tpu.memory_space<hbm>>) dst(%arg7 : memref<40x128xi32, #tpu.memory_space<vmem>>)
      tpu.yield
    }) : () -> ()
    %scan3A_52 = arith.constant 0 : i32
    %scan3A_53 = arith.constant 0 : i32
    %scan3A_54 = arith.constant 20 : i32
    %scan3A_55 = arith.addi %scan3A_53, %scan3A_54 : i32
    %scan3A_56 = arith.constant 1 : i32
    scf.for %scan3A_83 = %scan3A_53 to %scan3A_55 step %scan3A_56  : i32 {
      %mul3A_84 = arith.constant 2 : i32
      %mul3A_85 = arith.muli %scan3A_83, %mul3A_84 : i32
      %gt3A = arith.constant 0 : i32
      %gt3A_86 = arith.cmpi sgt, %scan3A_83, %gt3A : i32
      %convert_element_type3A = arith.extui %gt3A_86 : i1 to i32
      %cond3A = arith.constant 0 : i32
      %cond3A_87 = arith.cmpi ne, %convert_element_type3A, %cond3A : i32
      scf.if %cond3A_87 {
        %sub3A_166 = arith.constant 2 : i32
        %sub3A_167 = arith.subi %mul3A_85, %sub3A_166 : i32
        %add3A_168 = arith.constant 0 : i32
        %add3A_169 = arith.addi %sub3A_167, %add3A_168 : i32
        %dma_wait3A_170 = arith.constant 0 : i32
        %dma_wait3A_171 = arith.constant 0 : i32
        %dma_wait3A_172 = arith.constant 0 : i32
        %dma_wait3A_173 = tpu.memref_slice %arg8[%dma_wait3A_170, %dma_wait3A_171, %dma_wait3A_172] : memref<2x128x128xf32, #tpu.memory_space<vmem>> -> memref<1x128x128xf32, #tpu.memory_space<vmem>>
        %dma_wait3A_174 = tpu.memref_squeeze %dma_wait3A_173 : memref<1x128x128xf32, #tpu.memory_space<vmem>> -> memref<128x128xf32, #tpu.memory_space<vmem>>
        %dma_wait3A_175 = arith.constant 0 : i32
        %dma_wait3A_176 = tpu.memref_slice %arg7[%add3A_169, %dma_wait3A_175] : memref<40x128xi32, #tpu.memory_space<vmem>> -> memref<1x128xi32, #tpu.memory_space<vmem>>
        %dma_wait3A_177 = tpu.memref_squeeze %dma_wait3A_176 : memref<1x128xi32, #tpu.memory_space<vmem>> -> memref<128xi32, #tpu.memory_space<vmem>>
        %dma_wait3A_178 = arith.constant 0 : i32
        %dma_wait3A_179 = arith.constant 0 : i32
        %dma_wait3A_180 = tpu.memref_slice %arg9[%dma_wait3A_178, %dma_wait3A_179] : memref<10112x128xf32, #tpu.memory_space<vmem_shared>> -> memref<10112x128xf32, #tpu.memory_space<vmem_shared>>
        tpu.wait_indirect_dma semaphore(%arg12 : memref<!tpu.dma_semaphore, #tpu.memory_space<semaphore_mem>>) src(%dma_wait3A_174 : memref<128x128xf32, #tpu.memory_space<vmem>>) dst(%dma_wait3A_180 : memref<10112x128xf32, #tpu.memory_space<vmem_shared>>)
      } else {
      }
      %add3A_88 = arith.constant 0 : i32
      %add3A_89 = arith.addi %mul3A_85, %add3A_88 : i32
      %dma_start3A = arith.constant 0 : i32
      %dma_start3A_90 = arith.constant 0 : i32
      %dma_start3A_91 = arith.constant 0 : i32
      %dma_start3A_92 = tpu.memref_slice %arg8[%dma_start3A, %dma_start3A_90, %dma_start3A_91] : memref<2x128x128xf32, #tpu.memory_space<vmem>> -> memref<1x128x128xf32, #tpu.memory_space<vmem>>
      %dma_start3A_93 = tpu.memref_squeeze %dma_start3A_92 : memref<1x128x128xf32, #tpu.memory_space<vmem>> -> memref<128x128xf32, #tpu.memory_space<vmem>>
      %dma_start3A_94 = arith.constant 0 : i32
      %dma_start3A_95 = tpu.memref_slice %arg6[%add3A_89, %dma_start3A_94] : memref<40x128xi32, #tpu.memory_space<vmem>> -> memref<1x128xi32, #tpu.memory_space<vmem>>
      %dma_start3A_96 = tpu.memref_squeeze %dma_start3A_95 : memref<1x128xi32, #tpu.memory_space<vmem>> -> memref<128xi32, #tpu.memory_space<vmem>>
      %dma_start3A_97 = arith.constant 0 : i32
      %dma_start3A_98 = arith.constant 0 : i32
      %dma_start3A_99 = tpu.memref_slice %arg2[%dma_start3A_97, %dma_start3A_98] : memref<10000x128xf32, #tpu.memory_space<hbm>> -> memref<10000x128xf32, #tpu.memory_space<hbm>>
      tpu.enqueue_indirect_dma source(%dma_start3A_99 : memref<10000x128xf32, #tpu.memory_space<hbm>>) target(%dma_start3A_93 : memref<128x128xf32, #tpu.memory_space<vmem>>) offsets(%dma_start3A_96 : memref<128xi32, #tpu.memory_space<vmem>>) semaphore(%arg10 : memref<!tpu.dma_semaphore, #tpu.memory_space<semaphore_mem>>)
      %gt3A_100 = arith.constant 0 : i32
      %gt3A_101 = arith.cmpi sgt, %scan3A_83, %gt3A_100 : i32
      %convert_element_type3A_102 = arith.extui %gt3A_101 : i1 to i32
      %cond3A_103 = arith.constant 0 : i32
      %cond3A_104 = arith.cmpi ne, %convert_element_type3A_102, %cond3A_103 : i32
      scf.if %cond3A_104 {
        %sub3A_166 = arith.constant 2 : i32
        %sub3A_167 = arith.subi %mul3A_85, %sub3A_166 : i32
        %add3A_168 = arith.constant 1 : i32
        %add3A_169 = arith.addi %sub3A_167, %add3A_168 : i32
        %dma_wait3A_170 = arith.constant 1 : i32
        %dma_wait3A_171 = arith.constant 0 : i32
        %dma_wait3A_172 = arith.constant 0 : i32
        %dma_wait3A_173 = tpu.memref_slice %arg8[%dma_wait3A_170, %dma_wait3A_171, %dma_wait3A_172] : memref<2x128x128xf32, #tpu.memory_space<vmem>> -> memref<1x128x128xf32, #tpu.memory_space<vmem>>
        %dma_wait3A_174 = tpu.memref_squeeze %dma_wait3A_173 : memref<1x128x128xf32, #tpu.memory_space<vmem>> -> memref<128x128xf32, #tpu.memory_space<vmem>>
        %dma_wait3A_175 = arith.constant 0 : i32
        %dma_wait3A_176 = tpu.memref_slice %arg7[%add3A_169, %dma_wait3A_175] : memref<40x128xi32, #tpu.memory_space<vmem>> -> memref<1x128xi32, #tpu.memory_space<vmem>>
        %dma_wait3A_177 = tpu.memref_squeeze %dma_wait3A_176 : memref<1x128xi32, #tpu.memory_space<vmem>> -> memref<128xi32, #tpu.memory_space<vmem>>
        %dma_wait3A_178 = arith.constant 0 : i32
        %dma_wait3A_179 = arith.constant 0 : i32
        %dma_wait3A_180 = tpu.memref_slice %arg9[%dma_wait3A_178, %dma_wait3A_179] : memref<10112x128xf32, #tpu.memory_space<vmem_shared>> -> memref<10112x128xf32, #tpu.memory_space<vmem_shared>>
        tpu.wait_indirect_dma semaphore(%arg13 : memref<!tpu.dma_semaphore, #tpu.memory_space<semaphore_mem>>) src(%dma_wait3A_174 : memref<128x128xf32, #tpu.memory_space<vmem>>) dst(%dma_wait3A_180 : memref<10112x128xf32, #tpu.memory_space<vmem_shared>>)
      } else {
      }
      %add3A_105 = arith.constant 1 : i32
      %add3A_106 = arith.addi %mul3A_85, %add3A_105 : i32
      %dma_start3A_107 = arith.constant 1 : i32
      %dma_start3A_108 = arith.constant 0 : i32
      %dma_start3A_109 = arith.constant 0 : i32
      %dma_start3A_110 = tpu.memref_slice %arg8[%dma_start3A_107, %dma_start3A_108, %dma_start3A_109] : memref<2x128x128xf32, #tpu.memory_space<vmem>> -> memref<1x128x128xf32, #tpu.memory_space<vmem>>
      %dma_start3A_111 = tpu.memref_squeeze %dma_start3A_110 : memref<1x128x128xf32, #tpu.memory_space<vmem>> -> memref<128x128xf32, #tpu.memory_space<vmem>>
      %dma_start3A_112 = arith.constant 0 : i32
      %dma_start3A_113 = tpu.memref_slice %arg6[%add3A_106, %dma_start3A_112] : memref<40x128xi32, #tpu.memory_space<vmem>> -> memref<1x128xi32, #tpu.memory_space<vmem>>
      %dma_start3A_114 = tpu.memref_squeeze %dma_start3A_113 : memref<1x128xi32, #tpu.memory_space<vmem>> -> memref<128xi32, #tpu.memory_space<vmem>>
      %dma_start3A_115 = arith.constant 0 : i32
      %dma_start3A_116 = arith.constant 0 : i32
      %dma_start3A_117 = tpu.memref_slice %arg2[%dma_start3A_115, %dma_start3A_116] : memref<10000x128xf32, #tpu.memory_space<hbm>> -> memref<10000x128xf32, #tpu.memory_space<hbm>>
      tpu.enqueue_indirect_dma source(%dma_start3A_117 : memref<10000x128xf32, #tpu.memory_space<hbm>>) target(%dma_start3A_111 : memref<128x128xf32, #tpu.memory_space<vmem>>) offsets(%dma_start3A_114 : memref<128xi32, #tpu.memory_space<vmem>>) semaphore(%arg11 : memref<!tpu.dma_semaphore, #tpu.memory_space<semaphore_mem>>)
      %dma_wait3A_118 = arith.constant 0 : i32
      %dma_wait3A_119 = arith.constant 0 : i32
      %dma_wait3A_120 = arith.constant 0 : i32
      %dma_wait3A_121 = tpu.memref_slice %arg8[%dma_wait3A_118, %dma_wait3A_119, %dma_wait3A_120] : memref<2x128x128xf32, #tpu.memory_space<vmem>> -> memref<1x128x128xf32, #tpu.memory_space<vmem>>
      %dma_wait3A_122 = tpu.memref_squeeze %dma_wait3A_121 : memref<1x128x128xf32, #tpu.memory_space<vmem>> -> memref<128x128xf32, #tpu.memory_space<vmem>>
      %dma_wait3A_123 = arith.constant 0 : i32
      %dma_wait3A_124 = tpu.memref_slice %arg6[%add3A_89, %dma_wait3A_123] : memref<40x128xi32, #tpu.memory_space<vmem>> -> memref<1x128xi32, #tpu.memory_space<vmem>>
      %dma_wait3A_125 = tpu.memref_squeeze %dma_wait3A_124 : memref<1x128xi32, #tpu.memory_space<vmem>> -> memref<128xi32, #tpu.memory_space<vmem>>
      %dma_wait3A_126 = arith.constant 0 : i32
      %dma_wait3A_127 = arith.constant 0 : i32
      %dma_wait3A_128 = tpu.memref_slice %arg2[%dma_wait3A_126, %dma_wait3A_127] : memref<10000x128xf32, #tpu.memory_space<hbm>> -> memref<10000x128xf32, #tpu.memory_space<hbm>>
      tpu.wait_indirect_dma semaphore(%arg10 : memref<!tpu.dma_semaphore, #tpu.memory_space<semaphore_mem>>) src(%dma_wait3A_128 : memref<10000x128xf32, #tpu.memory_space<hbm>>) dst(%dma_wait3A_122 : memref<128x128xf32, #tpu.memory_space<vmem>>)
      %add3A_129 = arith.constant 0 : i32
      %add3A_130 = arith.addi %mul3A_85, %add3A_129 : i32
      %dma_start3A_131 = arith.constant 0 : i32
      %dma_start3A_132 = arith.constant 0 : i32
      %dma_start3A_133 = arith.constant 0 : i32
      %dma_start3A_134 = tpu.memref_slice %arg8[%dma_start3A_131, %dma_start3A_132, %dma_start3A_133] : memref<2x128x128xf32, #tpu.memory_space<vmem>> -> memref<1x128x128xf32, #tpu.memory_space<vmem>>
      %dma_start3A_135 = tpu.memref_squeeze %dma_start3A_134 : memref<1x128x128xf32, #tpu.memory_space<vmem>> -> memref<128x128xf32, #tpu.memory_space<vmem>>
      %dma_start3A_136 = arith.constant 0 : i32
      %dma_start3A_137 = tpu.memref_slice %arg7[%add3A_130, %dma_start3A_136] : memref<40x128xi32, #tpu.memory_space<vmem>> -> memref<1x128xi32, #tpu.memory_space<vmem>>
      %dma_start3A_138 = tpu.memref_squeeze %dma_start3A_137 : memref<1x128xi32, #tpu.memory_space<vmem>> -> memref<128xi32, #tpu.memory_space<vmem>>
      %dma_start3A_139 = arith.constant 0 : i32
      %dma_start3A_140 = arith.constant 0 : i32
      %dma_start3A_141 = tpu.memref_slice %arg9[%dma_start3A_139, %dma_start3A_140] : memref<10112x128xf32, #tpu.memory_space<vmem_shared>> -> memref<10112x128xf32, #tpu.memory_space<vmem_shared>>
      tpu.enqueue_indirect_dma source(%dma_start3A_135 : memref<128x128xf32, #tpu.memory_space<vmem>>) target(%dma_start3A_141 : memref<10112x128xf32, #tpu.memory_space<vmem_shared>>) offsets(%dma_start3A_138 : memref<128xi32, #tpu.memory_space<vmem>>) semaphore(%arg12 : memref<!tpu.dma_semaphore, #tpu.memory_space<semaphore_mem>>) {add = true}
      %dma_wait3A_142 = arith.constant 1 : i32
      %dma_wait3A_143 = arith.constant 0 : i32
      %dma_wait3A_144 = arith.constant 0 : i32
      %dma_wait3A_145 = tpu.memref_slice %arg8[%dma_wait3A_142, %dma_wait3A_143, %dma_wait3A_144] : memref<2x128x128xf32, #tpu.memory_space<vmem>> -> memref<1x128x128xf32, #tpu.memory_space<vmem>>
      %dma_wait3A_146 = tpu.memref_squeeze %dma_wait3A_145 : memref<1x128x128xf32, #tpu.memory_space<vmem>> -> memref<128x128xf32, #tpu.memory_space<vmem>>
      %dma_wait3A_147 = arith.constant 0 : i32
      %dma_wait3A_148 = tpu.memref_slice %arg6[%add3A_106, %dma_wait3A_147] : memref<40x128xi32, #tpu.memory_space<vmem>> -> memref<1x128xi32, #tpu.memory_space<vmem>>
      %dma_wait3A_149 = tpu.memref_squeeze %dma_wait3A_148 : memref<1x128xi32, #tpu.memory_space<vmem>> -> memref<128xi32, #tpu.memory_space<vmem>>
      %dma_wait3A_150 = arith.constant 0 : i32
      %dma_wait3A_151 = arith.constant 0 : i32
      %dma_wait3A_152 = tpu.memref_slice %arg2[%dma_wait3A_150, %dma_wait3A_151] : memref<10000x128xf32, #tpu.memory_space<hbm>> -> memref<10000x128xf32, #tpu.memory_space<hbm>>
      tpu.wait_indirect_dma semaphore(%arg11 : memref<!tpu.dma_semaphore, #tpu.memory_space<semaphore_mem>>) src(%dma_wait3A_152 : memref<10000x128xf32, #tpu.memory_space<hbm>>) dst(%dma_wait3A_146 : memref<128x128xf32, #tpu.memory_space<vmem>>)
      %add3A_153 = arith.constant 1 : i32
      %add3A_154 = arith.addi %mul3A_85, %add3A_153 : i32
      %dma_start3A_155 = arith.constant 1 : i32
      %dma_start3A_156 = arith.constant 0 : i32
      %dma_start3A_157 = arith.constant 0 : i32
      %dma_start3A_158 = tpu.memref_slice %arg8[%dma_start3A_155, %dma_start3A_156, %dma_start3A_157] : memref<2x128x128xf32, #tpu.memory_space<vmem>> -> memref<1x128x128xf32, #tpu.memory_space<vmem>>
      %dma_start3A_159 = tpu.memref_squeeze %dma_start3A_158 : memref<1x128x128xf32, #tpu.memory_space<vmem>> -> memref<128x128xf32, #tpu.memory_space<vmem>>
      %dma_start3A_160 = arith.constant 0 : i32
      %dma_start3A_161 = tpu.memref_slice %arg7[%add3A_154, %dma_start3A_160] : memref<40x128xi32, #tpu.memory_space<vmem>> -> memref<1x128xi32, #tpu.memory_space<vmem>>
      %dma_start3A_162 = tpu.memref_squeeze %dma_start3A_161 : memref<1x128xi32, #tpu.memory_space<vmem>> -> memref<128xi32, #tpu.memory_space<vmem>>
      %dma_start3A_163 = arith.constant 0 : i32
      %dma_start3A_164 = arith.constant 0 : i32
      %dma_start3A_165 = tpu.memref_slice %arg9[%dma_start3A_163, %dma_start3A_164] : memref<10112x128xf32, #tpu.memory_space<vmem_shared>> -> memref<10112x128xf32, #tpu.memory_space<vmem_shared>>
      tpu.enqueue_indirect_dma source(%dma_start3A_159 : memref<128x128xf32, #tpu.memory_space<vmem>>) target(%dma_start3A_165 : memref<10112x128xf32, #tpu.memory_space<vmem_shared>>) offsets(%dma_start3A_162 : memref<128xi32, #tpu.memory_space<vmem>>) semaphore(%arg13 : memref<!tpu.dma_semaphore, #tpu.memory_space<semaphore_mem>>) {add = true}
    }
    %scan3A_57 = arith.constant 20 : i32
    %dma_wait3A_58 = arith.constant 0 : i32
    %dma_wait3A_59 = arith.constant 38 : i32
    %dma_wait3A_60 = arith.constant 0 : i32
    %dma_wait3A_61 = arith.constant 0 : i32
    %dma_wait3A_62 = tpu.memref_slice %arg8[%dma_wait3A_58, %dma_wait3A_60, %dma_wait3A_61] : memref<2x128x128xf32, #tpu.memory_space<vmem>> -> memref<1x128x128xf32, #tpu.memory_space<vmem>>
    %dma_wait3A_63 = tpu.memref_squeeze %dma_wait3A_62 : memref<1x128x128xf32, #tpu.memory_space<vmem>> -> memref<128x128xf32, #tpu.memory_space<vmem>>
    %dma_wait3A_64 = arith.constant 0 : i32
    %dma_wait3A_65 = tpu.memref_slice %arg7[%dma_wait3A_59, %dma_wait3A_64] : memref<40x128xi32, #tpu.memory_space<vmem>> -> memref<1x128xi32, #tpu.memory_space<vmem>>
    %dma_wait3A_66 = tpu.memref_squeeze %dma_wait3A_65 : memref<1x128xi32, #tpu.memory_space<vmem>> -> memref<128xi32, #tpu.memory_space<vmem>>
    %dma_wait3A_67 = arith.constant 0 : i32
    %dma_wait3A_68 = arith.constant 0 : i32
    %dma_wait3A_69 = tpu.memref_slice %arg9[%dma_wait3A_67, %dma_wait3A_68] : memref<10112x128xf32, #tpu.memory_space<vmem_shared>> -> memref<10112x128xf32, #tpu.memory_space<vmem_shared>>
    tpu.wait_indirect_dma semaphore(%arg12 : memref<!tpu.dma_semaphore, #tpu.memory_space<semaphore_mem>>) src(%dma_wait3A_63 : memref<128x128xf32, #tpu.memory_space<vmem>>) dst(%dma_wait3A_69 : memref<10112x128xf32, #tpu.memory_space<vmem_shared>>)
    %dma_wait3A_70 = arith.constant 1 : i32
    %dma_wait3A_71 = arith.constant 39 : i32
    %dma_wait3A_72 = arith.constant 0 : i32
    %dma_wait3A_73 = arith.constant 0 : i32
    %dma_wait3A_74 = tpu.memref_slice %arg8[%dma_wait3A_70, %dma_wait3A_72, %dma_wait3A_73] : memref<2x128x128xf32, #tpu.memory_space<vmem>> -> memref<1x128x128xf32, #tpu.memory_space<vmem>>
    %dma_wait3A_75 = tpu.memref_squeeze %dma_wait3A_74 : memref<1x128x128xf32, #tpu.memory_space<vmem>> -> memref<128x128xf32, #tpu.memory_space<vmem>>
    %dma_wait3A_76 = arith.constant 0 : i32
    %dma_wait3A_77 = tpu.memref_slice %arg7[%dma_wait3A_71, %dma_wait3A_76] : memref<40x128xi32, #tpu.memory_space<vmem>> -> memref<1x128xi32, #tpu.memory_space<vmem>>
    %dma_wait3A_78 = tpu.memref_squeeze %dma_wait3A_77 : memref<1x128xi32, #tpu.memory_space<vmem>> -> memref<128xi32, #tpu.memory_space<vmem>>
    %dma_wait3A_79 = arith.constant 0 : i32
    %dma_wait3A_80 = arith.constant 0 : i32
    %dma_wait3A_81 = tpu.memref_slice %arg9[%dma_wait3A_79, %dma_wait3A_80] : memref<10112x128xf32, #tpu.memory_space<vmem_shared>> -> memref<10112x128xf32, #tpu.memory_space<vmem_shared>>
    tpu.wait_indirect_dma semaphore(%arg13 : memref<!tpu.dma_semaphore, #tpu.memory_space<semaphore_mem>>) src(%dma_wait3A_75 : memref<128x128xf32, #tpu.memory_space<vmem>>) dst(%dma_wait3A_81 : memref<10112x128xf32, #tpu.memory_space<vmem_shared>>)
    %barrier3A_82 = arith.constant 0 : index
    tpu.barrier barrier_id(%barrier3A_82)
    "tpu.region"() ({
      %run_scoped3A_83 = tpu.sem_alloc : memref<!tpu.dma_semaphore, #tpu.memory_space<semaphore_mem>>
      %dma_start3A = arith.constant 0 : i32
      %dma_start3A_84 = tpu.memref_slice %arg5[%arg0, %mul3A_2, %dma_start3A] : memref<2x10112x128xf32, #tpu.memory_space<hbm>> -> memref<1x632x128xf32, #tpu.memory_space<hbm>>
      %dma_start3A_85 = tpu.memref_squeeze %dma_start3A_84 : memref<1x632x128xf32, #tpu.memory_space<hbm>> -> memref<632x128xf32, #tpu.memory_space<hbm>>
      %dma_start3A_86 = arith.constant 0 : i32
      %dma_start3A_87 = tpu.memref_slice %arg9[%mul3A_2, %dma_start3A_86] : memref<10112x128xf32, #tpu.memory_space<vmem_shared>> -> memref<632x128xf32, #tpu.memory_space<vmem_shared>>
      tpu.enqueue_dma source(%dma_start3A_87 : memref<632x128xf32, #tpu.memory_space<vmem_shared>>) target(%dma_start3A_85 : memref<632x128xf32, #tpu.memory_space<hbm>>) target_semaphore(%run_scoped3A_83 : memref<!tpu.dma_semaphore, #tpu.memory_space<semaphore_mem>>)
      %dma_wait3A_88 = arith.constant 0 : i32
      %dma_wait3A_89 = tpu.memref_slice %arg5[%arg0, %mul3A_2, %dma_wait3A_88] : memref<2x10112x128xf32, #tpu.memory_space<hbm>> -> memref<1x632x128xf32, #tpu.memory_space<hbm>>
      %dma_wait3A_90 = tpu.memref_squeeze %dma_wait3A_89 : memref<1x632x128xf32, #tpu.memory_space<hbm>> -> memref<632x128xf32, #tpu.memory_space<hbm>>
      %dma_wait3A_91 = arith.constant 0 : i32
      %dma_wait3A_92 = tpu.memref_slice %arg9[%mul3A_2, %dma_wait3A_91] : memref<10112x128xf32, #tpu.memory_space<vmem_shared>> -> memref<632x128xf32, #tpu.memory_space<vmem_shared>>
      tpu.wait_dma2 semaphore(%run_scoped3A_83 : memref<!tpu.dma_semaphore, #tpu.memory_space<semaphore_mem>>) src(%dma_wait3A_92 : memref<632x128xf32, #tpu.memory_space<vmem_shared>>) dst(%dma_wait3A_90 : memref<632x128xf32, #tpu.memory_space<hbm>>)
      tpu.yield
    }) : () -> ()
    return
  }
}

module attributes {stable_mosaic.version = 14 : i64} {
  func.func @body(%arg0: i32, %arg1: memref<1000x128xf32, #tpu.memory_space<vmem>>, %arg2: memref<2x1000x1xf32, #tpu.memory_space<vmem>>, %arg3: memref<128x128xf32, #tpu.memory_space<vmem>>, %arg4: memref<1000x128xf32, #tpu.memory_space<vmem>>, %arg5: memref<1000x1xf32, #tpu.memory_space<vmem>>) attributes {dimension_semantics = [#tpu.dimension_semantics<arbitrary>], iteration_bounds = array<i64: 10>, scalar_prefetch = 0 : i64, scratch_operands = 0 : i64, tpu.core_type = #tpu.core_type<tc>, window_params = [{transform_indices = @transform_0, window_bounds = array<i64: 1000, 128>}, {transform_indices = @transform_1, window_bounds = array<i64: 2, 1000, 1>}, {pipeline_mode = #tpu.pipeline_mode<synchronous>, transform_indices = @transform_2, window_bounds = array<i64: 128, 128>}, {transform_indices = @transform_3, window_bounds = array<i64: 1000, 128>}, {transform_indices = @transform_4, window_bounds = array<i64: 1000, 1>}]} {
    %get3A = arith.constant 0 : index
    %get3A_0 = arith.constant 0 : index
    %get3A_1 = arith.constant 0 : index
    %get3A_2 = vector.load %arg2[%get3A, %get3A_0, %get3A_1] : memref<2x1000x1xf32, #tpu.memory_space<vmem>>, vector<1x1000x1xf32>
    %get3A_3 = vector.shape_cast %get3A_2 : vector<1x1000x1xf32> to vector<1000x1xf32>
    %get3A_4 = arith.constant 1 : index
    %get3A_5 = arith.constant 0 : index
    %get3A_6 = arith.constant 0 : index
    %get3A_7 = vector.load %arg2[%get3A_4, %get3A_5, %get3A_6] : memref<2x1000x1xf32, #tpu.memory_space<vmem>>, vector<1x1000x1xf32>
    %get3A_8 = vector.shape_cast %get3A_7 : vector<1x1000x1xf32> to vector<1000x1xf32>
    %add3A = arith.addf %get3A_3, %get3A_8 : vector<1000x1xf32>
    %gt3A = arith.constant 0.000000e+00 : f32
    %gt3A_9 = vector.broadcast %gt3A : f32 to vector<1000x1xf32>
    %gt3A_10 = arith.cmpf ogt, %add3A, %gt3A_9 : vector<1000x1xf32>
    %max3A = arith.constant 1.000000e+00 : f32
    %max3A_11 = vector.broadcast %max3A : f32 to vector<1000x1xf32>
    %max3A_12 = arith.maximumf %add3A, %max3A_11 : vector<1000x1xf32>
    %rsqrt3A = math.rsqrt %max3A_12 : vector<1000x1xf32>
    %jit3A = arith.constant 0.000000e+00 : f32
    %broadcast_in_dim3A = vector.broadcast %jit3A : f32 to vector<1000x1xf32>
    %select_n3A = arith.select %gt3A_10, %rsqrt3A, %broadcast_in_dim3A : vector<1000x1xi1>, vector<1000x1xf32>
    %get3A_13 = arith.constant 0 : index
    %get3A_14 = arith.constant 0 : index
    %get3A_15 = vector.load %arg1[%get3A_13, %get3A_14] : memref<1000x128xf32, #tpu.memory_space<vmem>>, vector<1000x128xf32>
    %mul3A = vector.broadcast %select_n3A : vector<1000x1xf32> to vector<1000x128xf32>
    %mul3A_16 = arith.mulf %get3A_15, %mul3A : vector<1000x128xf32>
    %get3A_17 = arith.constant 0 : index
    %get3A_18 = arith.constant 0 : index
    %get3A_19 = vector.load %arg3[%get3A_17, %get3A_18] : memref<128x128xf32, #tpu.memory_space<vmem>>, vector<128x128xf32>
    %dot_general3A = arith.constant dense<0.000000e+00> : vector<1000x128xf32>
    %dot_general3A_20 = tpu.matmul %mul3A_16, %get3A_19, %dot_general3A {dimension_numbers = #tpu.dot_dimension_numbers<[1], [0], [0], [1], [0, 0, 1, 1], [], []>, transpose_lhs_hint = false} : vector<1000x128xf32>, vector<128x128xf32>, vector<1000x128xf32> -> vector<1000x128xf32>
    %swap3A = arith.constant 0 : index
    %swap3A_21 = arith.constant 0 : index
    %swap3A_22 = vector.load %arg4[%swap3A, %swap3A_21] : memref<1000x128xf32, #tpu.memory_space<vmem>>, vector<1000x128xf32>
    tpu.vector_store %arg4[%swap3A, %swap3A_21], %dot_general3A_20 {strides = array<i32>} : memref<1000x128xf32, #tpu.memory_space<vmem>>, vector<1000x128xf32>,
    %swap3A_23 = arith.constant 0 : index
    %swap3A_24 = arith.constant 0 : index
    %swap3A_25 = vector.load %arg5[%swap3A_23, %swap3A_24] : memref<1000x1xf32, #tpu.memory_space<vmem>>, vector<1000x1xf32>
    tpu.vector_store %arg5[%swap3A_23, %swap3A_24], %select_n3A {strides = array<i32>} : memref<1000x1xf32, #tpu.memory_space<vmem>>, vector<1000x1xf32>,
    return
  }
  func.func @transform_0(%arg0: i32) -> (i32, i32) {
    %c0_i32 = arith.constant 0 : i32
    %c0_i32_0 = arith.constant 0 : i32
    return %arg0, %c0_i32 : i32, i32
  }
  func.func @transform_1(%arg0: i32) -> (i32, i32, i32) {
    %c0_i32 = arith.constant 0 : i32
    %c0_i32_0 = arith.constant 0 : i32
    %c0_i32_1 = arith.constant 0 : i32
    return %c0_i32, %arg0, %c0_i32_0 : i32, i32, i32
  }
  func.func @transform_2(%arg0: i32) -> (i32, i32) {
    %c0_i32 = arith.constant 0 : i32
    %c0_i32_0 = arith.constant 0 : i32
    %c0_i32_1 = arith.constant 0 : i32
    return %c0_i32, %c0_i32_0 : i32, i32
  }
  func.func @transform_3(%arg0: i32) -> (i32, i32) {
    %c0_i32 = arith.constant 0 : i32
    %c0_i32_0 = arith.constant 0 : i32
    return %arg0, %c0_i32 : i32, i32
  }
  func.func @transform_4(%arg0: i32) -> (i32, i32) {
    %c0_i32 = arith.constant 0 : i32
    %c0_i32_0 = arith.constant 0 : i32
    return %arg0, %c0_i32 : i32, i32
  }
}

module attributes {stable_mosaic.version = 14 : i64} {
  func.func @body(%arg0: i32, %arg1: memref<2x1000x128xf32, #tpu.memory_space<vmem>>, %arg2: memref<1000x1xf32, #tpu.memory_space<vmem>>, %arg3: memref<1x128xf32, #tpu.memory_space<vmem>>, %arg4: memref<128x128xf32, #tpu.memory_space<vmem>>, %arg5: memref<1000x128xf32, #tpu.memory_space<vmem>>) attributes {dimension_semantics = [#tpu.dimension_semantics<arbitrary>], iteration_bounds = array<i64: 10>, scalar_prefetch = 0 : i64, scratch_operands = 0 : i64, tpu.core_type = #tpu.core_type<tc>, window_params = [{transform_indices = @transform_0, window_bounds = array<i64: 2, 1000, 128>}, {transform_indices = @transform_1, window_bounds = array<i64: 1000, 1>}, {pipeline_mode = #tpu.pipeline_mode<synchronous>, transform_indices = @transform_2, window_bounds = array<i64: 1, 128>}, {pipeline_mode = #tpu.pipeline_mode<synchronous>, transform_indices = @transform_3, window_bounds = array<i64: 128, 128>}, {transform_indices = @transform_4, window_bounds = array<i64: 1000, 128>}]} {
    %get3A = arith.constant 0 : index
    %get3A_0 = arith.constant 0 : index
    %get3A_1 = vector.load %arg2[%get3A, %get3A_0] : memref<1000x1xf32, #tpu.memory_space<vmem>>, vector<1000x1xf32>
    %get3A_2 = arith.constant 0 : index
    %get3A_3 = arith.constant 0 : index
    %get3A_4 = arith.constant 0 : index
    %get3A_5 = vector.load %arg1[%get3A_2, %get3A_3, %get3A_4] : memref<2x1000x128xf32, #tpu.memory_space<vmem>>, vector<1x1000x128xf32>
    %get3A_6 = vector.shape_cast %get3A_5 : vector<1x1000x128xf32> to vector<1000x128xf32>
    %get3A_7 = arith.constant 1 : index
    %get3A_8 = arith.constant 0 : index
    %get3A_9 = arith.constant 0 : index
    %get3A_10 = vector.load %arg1[%get3A_7, %get3A_8, %get3A_9] : memref<2x1000x128xf32, #tpu.memory_space<vmem>>, vector<1x1000x128xf32>
    %get3A_11 = vector.shape_cast %get3A_10 : vector<1x1000x128xf32> to vector<1000x128xf32>
    %add3A = arith.addf %get3A_6, %get3A_11 : vector<1000x128xf32>
    %mul3A = vector.broadcast %get3A_1 : vector<1000x1xf32> to vector<1000x128xf32>
    %mul3A_12 = arith.mulf %add3A, %mul3A : vector<1000x128xf32>
    %get3A_13 = arith.constant 0 : index
    %get3A_14 = arith.constant 0 : index
    %get3A_15 = vector.load %arg3[%get3A_13, %get3A_14] : memref<1x128xf32, #tpu.memory_space<vmem>>, vector<1x128xf32>
    %add3A_16 = vector.broadcast %get3A_15 : vector<1x128xf32> to vector<1000x128xf32>
    %add3A_17 = arith.addf %mul3A_12, %add3A_16 : vector<1000x128xf32>
    %max3A = arith.constant 0.000000e+00 : f32
    %max3A_18 = vector.broadcast %max3A : f32 to vector<1000x128xf32>
    %max3A_19 = arith.maximumf %add3A_17, %max3A_18 : vector<1000x128xf32>
    %mul3A_20 = vector.broadcast %get3A_1 : vector<1000x1xf32> to vector<1000x128xf32>
    %mul3A_21 = arith.mulf %max3A_19, %mul3A_20 : vector<1000x128xf32>
    %get3A_22 = arith.constant 0 : index
    %get3A_23 = arith.constant 0 : index
    %get3A_24 = vector.load %arg4[%get3A_22, %get3A_23] : memref<128x128xf32, #tpu.memory_space<vmem>>, vector<128x128xf32>
    %dot_general3A = arith.constant dense<0.000000e+00> : vector<1000x128xf32>
    %dot_general3A_25 = tpu.matmul %mul3A_21, %get3A_24, %dot_general3A {dimension_numbers = #tpu.dot_dimension_numbers<[1], [0], [0], [1], [0, 0, 1, 1], [], []>, transpose_lhs_hint = false} : vector<1000x128xf32>, vector<128x128xf32>, vector<1000x128xf32> -> vector<1000x128xf32>
    %swap3A = arith.constant 0 : index
    %swap3A_26 = arith.constant 0 : index
    %swap3A_27 = vector.load %arg5[%swap3A, %swap3A_26] : memref<1000x128xf32, #tpu.memory_space<vmem>>, vector<1000x128xf32>
    tpu.vector_store %arg5[%swap3A, %swap3A_26], %dot_general3A_25 {strides = array<i32>} : memref<1000x128xf32, #tpu.memory_space<vmem>>, vector<1000x128xf32>,
    return
  }
  func.func @transform_0(%arg0: i32) -> (i32, i32, i32) {
    %c0_i32 = arith.constant 0 : i32
    %c0_i32_0 = arith.constant 0 : i32
    %c0_i32_1 = arith.constant 0 : i32
    return %c0_i32, %arg0, %c0_i32_0 : i32, i32, i32
  }
  func.func @transform_1(%arg0: i32) -> (i32, i32) {
    %c0_i32 = arith.constant 0 : i32
    %c0_i32_0 = arith.constant 0 : i32
    return %arg0, %c0_i32 : i32, i32
  }
  func.func @transform_2(%arg0: i32) -> (i32, i32) {
    %c0_i32 = arith.constant 0 : i32
    %c0_i32_0 = arith.constant 0 : i32
    %c0_i32_1 = arith.constant 0 : i32
    return %c0_i32, %c0_i32_0 : i32, i32
  }
  func.func @transform_3(%arg0: i32) -> (i32, i32) {
    %c0_i32 = arith.constant 0 : i32
    %c0_i32_0 = arith.constant 0 : i32
    %c0_i32_1 = arith.constant 0 : i32
    return %c0_i32, %c0_i32_0 : i32, i32
  }
  func.func @transform_4(%arg0: i32) -> (i32, i32) {
    %c0_i32 = arith.constant 0 : i32
    %c0_i32_0 = arith.constant 0 : i32
    return %arg0, %c0_i32 : i32, i32
  }
}

module attributes {stable_mosaic.version = 14 : i64} {
  func.func @body(%arg0: i32, %arg1: memref<2x1000x128xf32, #tpu.memory_space<vmem>>, %arg2: memref<1000x1xf32, #tpu.memory_space<vmem>>, %arg3: memref<1x128xf32, #tpu.memory_space<vmem>>, %arg4: memref<128x64xf32, #tpu.memory_space<vmem>>, %arg5: memref<1000x64xf32, #tpu.memory_space<vmem>>) attributes {dimension_semantics = [#tpu.dimension_semantics<arbitrary>], iteration_bounds = array<i64: 10>, scalar_prefetch = 0 : i64, scratch_operands = 0 : i64, tpu.core_type = #tpu.core_type<tc>, window_params = [{transform_indices = @transform_0, window_bounds = array<i64: 2, 1000, 128>}, {transform_indices = @transform_1, window_bounds = array<i64: 1000, 1>}, {pipeline_mode = #tpu.pipeline_mode<synchronous>, transform_indices = @transform_2, window_bounds = array<i64: 1, 128>}, {pipeline_mode = #tpu.pipeline_mode<synchronous>, transform_indices = @transform_3, window_bounds = array<i64: 128, 64>}, {transform_indices = @transform_4, window_bounds = array<i64: 1000, 64>}]} {
    %get3A = arith.constant 0 : index
    %get3A_0 = arith.constant 0 : index
    %get3A_1 = vector.load %arg2[%get3A, %get3A_0] : memref<1000x1xf32, #tpu.memory_space<vmem>>, vector<1000x1xf32>
    %get3A_2 = arith.constant 0 : index
    %get3A_3 = arith.constant 0 : index
    %get3A_4 = arith.constant 0 : index
    %get3A_5 = vector.load %arg1[%get3A_2, %get3A_3, %get3A_4] : memref<2x1000x128xf32, #tpu.memory_space<vmem>>, vector<1x1000x128xf32>
    %get3A_6 = vector.shape_cast %get3A_5 : vector<1x1000x128xf32> to vector<1000x128xf32>
    %get3A_7 = arith.constant 1 : index
    %get3A_8 = arith.constant 0 : index
    %get3A_9 = arith.constant 0 : index
    %get3A_10 = vector.load %arg1[%get3A_7, %get3A_8, %get3A_9] : memref<2x1000x128xf32, #tpu.memory_space<vmem>>, vector<1x1000x128xf32>
    %get3A_11 = vector.shape_cast %get3A_10 : vector<1x1000x128xf32> to vector<1000x128xf32>
    %add3A = arith.addf %get3A_6, %get3A_11 : vector<1000x128xf32>
    %mul3A = vector.broadcast %get3A_1 : vector<1000x1xf32> to vector<1000x128xf32>
    %mul3A_12 = arith.mulf %add3A, %mul3A : vector<1000x128xf32>
    %get3A_13 = arith.constant 0 : index
    %get3A_14 = arith.constant 0 : index
    %get3A_15 = vector.load %arg3[%get3A_13, %get3A_14] : memref<1x128xf32, #tpu.memory_space<vmem>>, vector<1x128xf32>
    %add3A_16 = vector.broadcast %get3A_15 : vector<1x128xf32> to vector<1000x128xf32>
    %add3A_17 = arith.addf %mul3A_12, %add3A_16 : vector<1000x128xf32>
    %max3A = arith.constant 0.000000e+00 : f32
    %max3A_18 = vector.broadcast %max3A : f32 to vector<1000x128xf32>
    %max3A_19 = arith.maximumf %add3A_17, %max3A_18 : vector<1000x128xf32>
    %mul3A_20 = vector.broadcast %get3A_1 : vector<1000x1xf32> to vector<1000x128xf32>
    %mul3A_21 = arith.mulf %max3A_19, %mul3A_20 : vector<1000x128xf32>
    %get3A_22 = arith.constant 0 : index
    %get3A_23 = arith.constant 0 : index
    %get3A_24 = vector.load %arg4[%get3A_22, %get3A_23] : memref<128x64xf32, #tpu.memory_space<vmem>>, vector<128x64xf32>
    %dot_general3A = arith.constant dense<0.000000e+00> : vector<1000x64xf32>
    %dot_general3A_25 = tpu.matmul %mul3A_21, %get3A_24, %dot_general3A {dimension_numbers = #tpu.dot_dimension_numbers<[1], [0], [0], [1], [0, 0, 1, 1], [], []>, transpose_lhs_hint = false} : vector<1000x128xf32>, vector<128x64xf32>, vector<1000x64xf32> -> vector<1000x64xf32>
    %swap3A = arith.constant 0 : index
    %swap3A_26 = arith.constant 0 : index
    %swap3A_27 = vector.load %arg5[%swap3A, %swap3A_26] : memref<1000x64xf32, #tpu.memory_space<vmem>>, vector<1000x64xf32>
    tpu.vector_store %arg5[%swap3A, %swap3A_26], %dot_general3A_25 {strides = array<i32>} : memref<1000x64xf32, #tpu.memory_space<vmem>>, vector<1000x64xf32>,
    return
  }
  func.func @transform_0(%arg0: i32) -> (i32, i32, i32) {
    %c0_i32 = arith.constant 0 : i32
    %c0_i32_0 = arith.constant 0 : i32
    %c0_i32_1 = arith.constant 0 : i32
    return %c0_i32, %arg0, %c0_i32_0 : i32, i32, i32
  }
  func.func @transform_1(%arg0: i32) -> (i32, i32) {
    %c0_i32 = arith.constant 0 : i32
    %c0_i32_0 = arith.constant 0 : i32
    return %arg0, %c0_i32 : i32, i32
  }
  func.func @transform_2(%arg0: i32) -> (i32, i32) {
    %c0_i32 = arith.constant 0 : i32
    %c0_i32_0 = arith.constant 0 : i32
    %c0_i32_1 = arith.constant 0 : i32
    return %c0_i32, %c0_i32_0 : i32, i32
  }
  func.func @transform_3(%arg0: i32) -> (i32, i32) {
    %c0_i32 = arith.constant 0 : i32
    %c0_i32_0 = arith.constant 0 : i32
    %c0_i32_1 = arith.constant 0 : i32
    return %c0_i32, %c0_i32_0 : i32, i32
  }
  func.func @transform_4(%arg0: i32) -> (i32, i32) {
    %c0_i32 = arith.constant 0 : i32
    %c0_i32_0 = arith.constant 0 : i32
    return %arg0, %c0_i32 : i32, i32
  }
}

module attributes {stable_mosaic.version = 14 : i64} {
  func.func @body(%arg0: i32, %arg1: memref<2x1000x64xf32, #tpu.memory_space<vmem>>, %arg2: memref<1000x1xf32, #tpu.memory_space<vmem>>, %arg3: memref<1x64xf32, #tpu.memory_space<vmem>>, %arg4: memref<1000x64xf32, #tpu.memory_space<vmem>>) attributes {dimension_semantics = [#tpu.dimension_semantics<arbitrary>], iteration_bounds = array<i64: 10>, scalar_prefetch = 0 : i64, scratch_operands = 0 : i64, tpu.core_type = #tpu.core_type<tc>, window_params = [{transform_indices = @transform_0, window_bounds = array<i64: 2, 1000, 64>}, {transform_indices = @transform_1, window_bounds = array<i64: 1000, 1>}, {pipeline_mode = #tpu.pipeline_mode<synchronous>, transform_indices = @transform_2, window_bounds = array<i64: 1, 64>}, {transform_indices = @transform_3, window_bounds = array<i64: 1000, 64>}]} {
    %get3A = arith.constant 0 : index
    %get3A_0 = arith.constant 0 : index
    %get3A_1 = arith.constant 0 : index
    %get3A_2 = vector.load %arg1[%get3A, %get3A_0, %get3A_1] : memref<2x1000x64xf32, #tpu.memory_space<vmem>>, vector<1x1000x64xf32>
    %get3A_3 = vector.shape_cast %get3A_2 : vector<1x1000x64xf32> to vector<1000x64xf32>
    %get3A_4 = arith.constant 1 : index
    %get3A_5 = arith.constant 0 : index
    %get3A_6 = arith.constant 0 : index
    %get3A_7 = vector.load %arg1[%get3A_4, %get3A_5, %get3A_6] : memref<2x1000x64xf32, #tpu.memory_space<vmem>>, vector<1x1000x64xf32>
    %get3A_8 = vector.shape_cast %get3A_7 : vector<1x1000x64xf32> to vector<1000x64xf32>
    %add3A = arith.addf %get3A_3, %get3A_8 : vector<1000x64xf32>
    %get3A_9 = arith.constant 0 : index
    %get3A_10 = arith.constant 0 : index
    %get3A_11 = vector.load %arg2[%get3A_9, %get3A_10] : memref<1000x1xf32, #tpu.memory_space<vmem>>, vector<1000x1xf32>
    %mul3A = vector.broadcast %get3A_11 : vector<1000x1xf32> to vector<1000x64xf32>
    %mul3A_12 = arith.mulf %add3A, %mul3A : vector<1000x64xf32>
    %get3A_13 = arith.constant 0 : index
    %get3A_14 = arith.constant 0 : index
    %get3A_15 = vector.load %arg3[%get3A_13, %get3A_14] : memref<1x64xf32, #tpu.memory_space<vmem>>, vector<1x64xf32>
    %add3A_16 = vector.broadcast %get3A_15 : vector<1x64xf32> to vector<1000x64xf32>
    %add3A_17 = arith.addf %mul3A_12, %add3A_16 : vector<1000x64xf32>
    %swap3A = arith.constant 0 : index
    %swap3A_18 = arith.constant 0 : index
    %swap3A_19 = vector.load %arg4[%swap3A, %swap3A_18] : memref<1000x64xf32, #tpu.memory_space<vmem>>, vector<1000x64xf32>
    tpu.vector_store %arg4[%swap3A, %swap3A_18], %add3A_17 {strides = array<i32>} : memref<1000x64xf32, #tpu.memory_space<vmem>>, vector<1000x64xf32>,
    return
  }
  func.func @transform_0(%arg0: i32) -> (i32, i32, i32) {
    %c0_i32 = arith.constant 0 : i32
    %c0_i32_0 = arith.constant 0 : i32
    %c0_i32_1 = arith.constant 0 : i32
    return %c0_i32, %arg0, %c0_i32_0 : i32, i32, i32
  }
  func.func @transform_1(%arg0: i32) -> (i32, i32) {
    %c0_i32 = arith.constant 0 : i32
    %c0_i32_0 = arith.constant 0 : i32
    return %arg0, %c0_i32 : i32, i32
  }
  func.func @transform_2(%arg0: i32) -> (i32, i32) {
    %c0_i32 = arith.constant 0 : i32
    %c0_i32_0 = arith.constant 0 : i32
    %c0_i32_1 = arith.constant 0 : i32
    return %c0_i32, %c0_i32_0 : i32, i32
  }
  func.func @transform_3(%arg0: i32) -> (i32, i32) {
    %c0_i32 = arith.constant 0 : i32
    %c0_i32_0 = arith.constant 0 : i32
    return %arg0, %c0_i32 : i32, i32
  }
}

</mosaic_0001>

<sc_bundles>
// kernel: kernel.10.cloned.1.call-start
scs
__scs_entry_jumppad:
0x0: {  	(pc) =	sbr.rel $0x88, $3  }
0x1: {  	(tag) =	ssettag $0x0;
	lr =	simm.s32 $0x1  }
0x2: {  	[smem:$0x3F99] =	sst lr;
	_ =	strace $0xD0000000  }
0x3: {  	_ = 	snop  }
0x4: {  	_ = 	snop  }
0x5: {  	_ = 	snop  }
0x6: {  	_ = 	snop  }
0x7: {  	_ = 	snop  }
__scs_overlays_trampoline_lowered:
0x8: {  	[smem:$0x3FA8] =	sst s0  }
0x9: {  	[smem:$0x3FA9] =	sst s1  }
0xa: {  	[smem:$0x3FAA] =	sst s2  }
0xb: {  	[smem:$0x3FAB] =	sst s3  }
0xc: {  	[smem:$0x3FAC] =	sst s4  }
0xd: {  	[smem:$0x3FAD] =	sst s5  }
0xe: {  	[smem:$0x3FAE] =	sst s6  }
0xf: {  	[smem:$0x3FAF] =	sst s7  }
0x10: {  	[smem:$0x3FB0] =	sst s8  }
0x11: {  	[smem:$0x3FB1] =	sst s9;
	s0 =	simm.s32 @!p0 $0x0  }
0x12: {  	s1 =	sld [smem:$0x3F97];
	s0 =	simm.s32 @p0 $0x1  }
0x13: {  	[smem:$0x3FB2] =	sst s0;
	s0 =	simm.s32 @!p1 $0x0  }
0x14: {  	s2 =	sld [smem:$0x3F96];
	s0 =	simm.s32 @p1 $0x1  }
0x15: {  	[smem:$0x3FB3] =	sst s0;
	s0 =	simm.s32 @!p2 $0x0  }
0x16: {  	s3 =	sld [smem:$0x3FDB];
	s0 =	simm.s32 @p2 $0x1  }
0x17: {  	s4 =	simm.s32 $0x1BF5;
	[smem:$0x3FB5] =	sst s0  }
0x18: {  	s0 =	sld [smem:$0x3F98];
	_ =	swait.ge [sflag:s4], $0x0  }
0x19: {  	s7 =	sld [smem:$0x3F99]  }
0x1a: {  	s8 =	sadd.s32 $0xFFFFE003, lr  }
0x1b: {  	s9 =	sadd.s32 $0xFFFFFEF7, lr;
	s5 =	simm.s32 $0xFFFFFFFF;
	p2 =	slt.u32 s8, $0xFFFFF086  }
0x1c: {  	p1 =	slt.u32 s9, $0xF7A;
	s5 =	simm.s32 @!p2 $0x0  }
0x1d: {  	s5 =	simm.s32 @p1 $0x1;
	p0 =	seq.s32 s7, s2  }
0x1e: {  	s7 =	smul.u32 @!p0 $0xF7A, s2;
	p2 =	seq.s32 @!p0 s5, $0x0  }
0x1f: {  	s9 =	smul.u32 $0xF7A, s1;
	s8 =	simm.s32 @!p0 $0x1BF5;
	p2 =	por !p2, p0  }
0x20: {  	[sflag:s8] =	ssyncset.s32 @!p0 $0xFFFFF086;
	s6 =	sadd.s32 @!p0 s3, s7;
	s7 =	simm.s32 @!p0 $0x108  }
0x21: {  	s3 =	sadd.s32 s3, s9;
	s6 =	sadd.s32 @!p0 $0x88, s6;
	s7 =	simm.s32 @p2 $0x1082  }
0x22: {  	[simem:s7], [sflag:s8] =	dma.local @!p0 [hbm:s6], $0xF7A  }
0x23: {  	s9 =	sor.u32 $0xD0000000, s2;
	s6 =	simm.s32 $0x108;
	_ =	swait.ge @!p0 [sflag:s8], $0x0  }
0x24: {  	s3 =	sadd.s32 $0x88, s3;
	s6 =	simm.s32 @!p1 $0x1082;
	[sflag:s4] =	ssyncset.s32 $0xFFFFF086  }
0x25: {  	[simem:s6], [sflag:s4] =	dma.local [hbm:s3], $0xF7A  }
0x26: {  	[smem:$0x3F99] =	sst s1;
	(tag) =	ssettag s2;
	_ =	strace s9  }
0x27: {  	s1 =	sld [smem:$0x3FA9]  }
0x28: {  	s2 =	sld [smem:$0x3FAA]  }
0x29: {  	s4 =	sld [smem:$0x3FAC]  }
0x2a: {  	p0 =	seq.s32 s5, $0x0;
	s5 =	sld [smem:$0x3FAD]  }
0x2b: {  	s6 =	sld [smem:$0x3FAE]  }
0x2c: {  	s7 =	sld [smem:$0x3FAF]  }
0x2d: {  	s3 =	simm.s32 $0x108;
	s8 =	sld [smem:$0x3FB0]  }
0x2e: {  	s3 =	simm.s32 @!p0 $0x1082;
	s9 =	sld [smem:$0x3FB1]  }
0x2f: {  	lr =	sadd.s32 s0, s3;
	s0 =	sld [smem:$0x3FA8]  }
0x30: {  	s3 =	sld [smem:$0x3FAB]  }
0x31: {  	[smem:$0x3FB4] =	sst s10  }
0x32: {  	s10 =	sld [smem:$0x3FB2];
	_ =	sdelay $0x3  }
0x33: {  	p0 =	seq.s32 s10, $0x1;
	s10 =	sld [smem:$0x3FB4];
	_ =	sdelay $0x3  }
0x34: {  	[smem:$0x3FB4] =	sst s10  }
0x35: {  	s10 =	sld [smem:$0x3FB3];
	_ =	sdelay $0x3  }
0x36: {  	p1 =	seq.s32 s10, $0x1;
	s10 =	sld [smem:$0x3FB4];
	_ =	sdelay $0x3  }
0x37: {  	[smem:$0x3FB4] =	sst s10  }
0x38: {  	s10 =	sld [smem:$0x3FB5]  }
0x39: {  	_ = 	snop;
	(pc) =	sbr.ind lr, $3  }
0x3a: {  	_ = 	snop  }
0x3b: {  	_ = 	snop  }
0x3c: {  	p2 =	seq.s32 s10, $0x1;
	s10 =	sld [smem:$0x3FB4]  }
0x3d: {  	_ =	shalt  }
0x3e: {  	_ =	shalt  }
0x3f: {  	_ =	shalt  }
0x40: {  	_ =	shalt  }
0x41: {  	_ =	shalt  }
0x42: {  	_ =	shalt  }
0x43: {  	_ =	shalt  }
0x44: {  	_ =	shalt  }
0x45: {  	_ =	shalt  }
0x46: {  	_ =	shalt  }
0x47: {  	_ =	shalt  }
0x48: {  	_ =	shalt  }
0x49: {  	_ =	shalt  }
0x4a: {  	_ =	shalt  }
0x4b: {  	_ =	shalt  }
0x4c: {  	_ =	shalt  }
0x4d: {  	_ =	shalt  }
0x4e: {  	_ =	shalt  }
0x4f: {  	_ =	shalt  }
0x50: {  	_ =	shalt  }
0x51: {  	_ =	shalt  }
0x52: {  	_ =	shalt  }
0x53: {  	_ =	shalt  }
0x54: {  	_ =	shalt  }
0x55: {  	_ =	shalt  }
0x56: {  	_ =	shalt  }
0x57: {  	_ =	shalt  }
0x58: {  	_ =	shalt  }
0x59: {  	_ =	shalt  }
0x5a: {  	_ =	shalt  }
0x5b: {  	_ =	shalt  }
0x5c: {  	_ =	shalt  }
0x5d: {  	_ =	shalt  }
0x5e: {  	_ =	shalt  }
0x5f: {  	_ =	shalt  }
0x60: {  	_ =	shalt  }
0x61: {  	_ =	shalt  }
0x62: {  	_ =	shalt  }
0x63: {  	_ =	shalt  }
0x64: {  	_ =	shalt  }
0x65: {  	_ =	shalt  }
0x66: {  	_ =	shalt  }
0x67: {  	_ =	shalt  }
0x68: {  	_ =	shalt  }
0x69: {  	_ =	shalt  }
0x6a: {  	_ =	shalt  }
0x6b: {  	_ =	shalt  }
0x6c: {  	_ =	shalt  }
0x6d: {  	_ =	shalt  }
0x6e: {  	_ =	shalt  }
0x6f: {  	_ =	shalt  }
0x70: {  	_ =	shalt  }
0x71: {  	_ =	shalt  }
0x72: {  	_ =	shalt  }
0x73: {  	_ =	shalt  }
0x74: {  	_ =	shalt  }
0x75: {  	_ =	shalt  }
0x76: {  	_ =	shalt  }
0x77: {  	_ =	shalt  }
0x78: {  	_ =	shalt  }
0x79: {  	_ =	shalt  }
0x7a: {  	_ =	shalt  }
0x7b: {  	_ =	shalt  }
0x7c: {  	_ =	shalt  }
0x7d: {  	_ =	shalt  }
0x7e: {  	_ =	shalt  }
0x7f: {  	_ =	shalt  }
0x80: {  	_ =	shalt  }
0x81: {  	_ =	shalt  }
0x82: {  	_ =	shalt  }
0x83: {  	_ =	shalt  }
0x84: {  	_ =	shalt  }
0x85: {  	_ =	shalt  }
0x86: {  	_ =	shalt  }
0x87: {  	_ =	shalt  }
.Lfunc_end0:
.L_simem_size_0:
called_computation_lowered:
.L_overlay_start_0:
0x88: {  	s2 =	sld [smem:$0x3FD9]  }
0x89: {  	s3 =	sld [smem:$0x3FFE];
	_ =	sdelay $0x1  }
0x8a: {  	s1 =	srdreg.scid  }
0x8b: {  	s0 =	sand.u32 $0x1, s1  }
0x8c: {  	s17 =	sshll.u32 s0, $0xA;
	s2 =	sadd.s32 s3, s2  }
0x8d: {  	s2 =	sadd.s32 s2, s17  }
0x8e: {  	[smem:$0x3FC0] =	sst s2  }
0x8f: {  	_ = 	snop  }
0x90: {  	s2 =	sld [smem:$0x3FD0];
	(tm) =	ssettm $0x1  }
0x91: {  	s18 =	sld [smem:$0x3FFB];
	_ =	sdelay $0x3  }
0x92: {  	_ =	strace s18  }
0x93: {  	s3 =	sld [smem:$0x3FFC];
	_ =	sdelay $0x3  }
0x94: {  	_ =	strace s3  }
0x95: {  	s3 =	sld [smem:$0x3FFD];
	_ =	sdelay $0x3  }
0x96: {  	_ =	strace s3  }
0x97: {  	_ =	strace $0x8FFFFFFF  }
0x98: {  	s19 =	sld [smem:$0x3FDB];
	_ =	sdelay $0x1  }
0x99: {  	s4 =	simm.s32 $_scs_section_size  }
0x9a: {  	s5 =	simm.s32 $_size__tile_overlayer_lowered;
	s6 =	simm.s32 $_tile_overlayer_lowered  }
0x9b: {  	s22 =	simm.s32 $0x1BFF;
	s21 =	sshll.u32 s6, $0x1;
	s3 =	sadd.s32 s4, s19  }
0x9c: {  	s7 =	simm.s32 $0x0;
	s20 =	sshll.u32 s5, $0x1;
	s5 =	sadd.s32 s21, s3  }
0x9d: {  	[timem:s7], [sflag:s22] =	dma.local [hbm:s5], s20  }
0x9e: {  	_ =	swait.ge [sflag:s22], s20  }
0x9f: {  	s4 =	ssub.s32 $0x0, s20;
	[sflag:s22] =	ssyncset.done $0x0  }
0xa0: {  	[sflag:s22] =	ssyncadd.s32 s4;
	_ =	sdelay $0x1  }
0xa1: {  	s23 =	simm.s32 $0x1B8B  }
0xa2: {  	_ =	swait.ge [sflag:s23], $0x1  }
0xa3: {  	[sflag:s23] =	ssyncset.done $0x0  }
0xa4: {  	s25 =	simm.s32 $0x1B8E;
	s24 =	sld [smem:$0x3FFE];
	[sflag:s23] =	ssyncadd.s32 $0xFFFFFFFF  }
0xa5: {  	s26 =	simm.s32 $execute0_lowered;
	[smem:$0x3FD2] =	sst s25  }
0xa6: {  	s5 =	sshll.u32 s26, $0x1;
	_ =	strace $0x80000046;
	[dreg:$0x1] =	wrdreg $0xFFFFFFFF  }
0xa7: {  	s28 =	simm.s32 $_size_execute0_lowered;
	s3 =	sadd.s32 s3, s5;
	[dreg:$0x0] =	wrdreg $0x0  }
0xa8: {  	s5 =	sshll.u32 s28, $0x1;
	[dreg:$0x2] =	wrdreg s3  }
0xa9: {  	[dreg:$0x3] =	wrdreg s5  }
0xaa: {  	[dreg:$0x4] =	wrdreg $0xC0  }
0xab: {  	_ =	task [dreg:s7], $0x5FFFF  }
0xac: {  	[dreg:$0x1] =	wrdreg $0xFFFFFFFF  }
0xad: {  	[dreg:$0x0] =	wrdreg $0x60  }
0xae: {  	[dreg:$0x2] =	wrdreg s24  }
0xaf: {  	[dreg:$0x3] =	wrdreg s2  }
0xb0: {  	[dreg:$0x4] =	wrdreg $0x2B000  }
0xb1: {  	[dreg:$0x5] =	wrdreg $0x9  }
0xb2: {  	_ =	task.clear_ibuf [dreg:s7], $0x6FFFF;
	_ =	strace $0x90000046  }
0xb3: {  	s29 =	simm.s32 $0x9;
	_ =	strace $0x80000048  }
0xb4: {  	_ =	swait.ge [sflag:s29], $0x1  }
0xb5: {  	[sflag:s29] =	ssyncadd.s32 $0xFFFFFFFF  }
0xb6: {  	_ =	strace $0x90000048  }
0xb7: {  	_ =	sfence  }
0xb8: {  	s30 =	sld [smem:$0x0];
	_ =	sdelay $0x2  }
0xb9: {  	s31 =	sshll.u32 s1, $0xD;
	s1 =	sshrl.u32 s1, $0x2  }
0xba: {  	s3 =	sand.u32 $0x4000, s31;
	s1 =	sadd.s32 s1, s30  }
0xbb: {  	s0 =	sor.u32 s3, s0;
	s1 =	sshll.u32 s1, $0x11  }
0xbc: {  	s0 =	sor.u32 s1, s0  }
0xbd: {  	s0 =	sadd.s32 $0x8F2B, s0  }
0xbe: {  	[sflag:s0] =	ssyncadd.remote.s32 $0x1  }
0xbf: {  	_ =	sfence.sel $0xFFFF  }
0xc0: {  	[dreg:$0x0] =	wrdreg $0xFFFFFFFF;
	(pc) =	sbr.abs _section_cstart, $3  }
0xc1: {  	[dreg:$0x1] =	wrdreg $0xFFFFFFFF  }
0xc2: {  	_ =	task.clear_ibuf [dreg:s7], $0x2FFFF;
	_ =	strace $0x9FFFFFFF  }
0xc3: {  	(tm) =	ssettm $0x7FFFFFFF  }
tec
execute0_lowered:
.L_overlay_start_1:
0x0: {  	(tag) =	ssettag $0x1  }
0x1: {  	s5 =	rddreg [dreg:$0x0]  }
0x2: {  	s6 =	rddreg [dreg:$0x1]  }
0x3: {  	s0 =	srdreg.scid;
	s2 =	rddreg [dreg:$0x2];
	s3 =	simm.s32 $0x0  }
0x4: {  	s11 =	simm.s32 $0x2800;
	s12 =	simm.s32 $0x1;
	s13 =	simm.s32 $0x2  }
0x5: {  	s14 =	simm.s32 $0x0;
	s4 =	sand.u32 $0x1, s0;
	s0 =	stileid.u32  }
0x6: {  	[smem:$0x7FF] =	sst s3;
	s1 =	sshll.u32 s4, $0x4;
	s8 =	smul.u32 $0x280, s0  }
0x7: {  	s9 =	ssub.s32 $0x2, s4;
	s4 =	smul.u32 $0x2800, s4;
	s1 =	sor.u32 s0, s1  }
0x8: {  	s10 =	sshrl.u32 s9, $0x1;
	s7 =	smul.u32 $0x500, s1;
	s1 =	rddreg [dreg:$0x3]  }
0x9: {  	_ =	strace $0x80000047;
	s29 =	ssub.s32 s9, s10;
	s30 =	sadd.s32 s8, s4  }
0xa: {  	s4 =	sadd.s32 s8, s2;
	s8 =	simm.s32 $0x2880;
	s9 =	simm.s32 $0x3  }
0xb: {  	s10 =	simm.s32 $0x80;
	s31 =	sshrl.u32 s30, $0x3;
	s5 =	sadd.s32 s7, s5  }
0xc: {  	v0 =	vimm.f32 $0.0e+00;
	v1 =	vimm.f32 $1.000000000e+00;
	s6 =	sadd.s32 s6, s31;
	s7 =	smax.u32 s29, $0x1;
	s5 =	sadd.s32 $0x2800, s5  }
.LBB2_1:
0xd: {  	[tilespmem:$0x2880] =	vst v0  }
0xe: {  	[tilespmem:$0x2890] =	vst v0  }
0xf: {  	[tilespmem:$0x28A0] =	vst v0  }
0x10: {  	[tilespmem:$0x28B0] =	vst v0  }
0x11: {  	[tilespmem:$0x28C0] =	vst v0  }
0x12: {  	[tilespmem:$0x28D0] =	vst v0  }
0x13: {  	[tilespmem:$0x28E0] =	vst v0  }
0x14: {  	[tilespmem:$0x28F0] =	vst v0  }
0x15: {  	[tilespmem:$0x2900] =	vst v0  }
0x16: {  	[tilespmem:$0x2910] =	vst v0  }
0x17: {  	[tilespmem:$0x2920] =	vst v0  }
0x18: {  	[tilespmem:$0x2930] =	vst v0  }
0x19: {  	[tilespmem:$0x2940] =	vst v0  }
0x1a: {  	[tilespmem:$0x2950] =	vst v0  }
0x1b: {  	[tilespmem:$0x2960] =	vst v0  }
0x1c: {  	[tilespmem:$0x2970] =	vst v0  }
0x1d: {  	[tilespmem:$0x2980] =	vst v0  }
0x1e: {  	[tilespmem:$0x2990] =	vst v0  }
0x1f: {  	[tilespmem:$0x29A0] =	vst v0  }
0x20: {  	[tilespmem:$0x29B0] =	vst v0  }
0x21: {  	[tilespmem:$0x29C0] =	vst v0  }
0x22: {  	[tilespmem:$0x29D0] =	vst v0  }
0x23: {  	[tilespmem:$0x29E0] =	vst v0  }
0x24: {  	[tilespmem:$0x29F0] =	vst v0  }
0x25: {  	[tilespmem:$0x2A00] =	vst v0  }
0x26: {  	[tilespmem:$0x2A10] =	vst v0  }
0x27: {  	[tilespmem:$0x2A20] =	vst v0  }
0x28: {  	[tilespmem:$0x2A30] =	vst v0  }
0x29: {  	[tilespmem:$0x2A40] =	vst v0  }
0x2a: {  	[tilespmem:$0x2A50] =	vst v0  }
0x2b: {  	[tilespmem:$0x2A60] =	vst v0  }
0x2c: {  	[tilespmem:$0x2A70] =	vst v0  }
0x2d: {  	[tilespmem:$0x2A80] =	vst v0  }
0x2e: {  	[tilespmem:$0x2A90] =	vst v0  }
0x2f: {  	[tilespmem:$0x2AA0] =	vst v0  }
0x30: {  	[tilespmem:$0x2AB0] =	vst v0  }
0x31: {  	[tilespmem:$0x2AC0] =	vst v0  }
0x32: {  	[tilespmem:$0x2AD0] =	vst v0  }
0x33: {  	[tilespmem:$0x2AE0] =	vst v0  }
0x34: {  	[tilespmem:$0x2AF0] =	vst v0  }
0x35: {  	[spmem:s4] =	stream.linear.scatter [tilespmem:s8], [sflag:$0x3], $0x280, $0x38;
	[tilespmem:$0x2D80] =	vst v63  }
0x36: {  	_ =	swait.ge [sflag:s9], $0x280  }
0x37: {  	[sflag:s9] =	ssyncset.done $0x0  }
0x38: {  	[sflag:s9] =	ssyncadd.s32 $0xFFFFFD80  }
0x39: {  	[tilespmem:$0x2800] =	vst v1  }
0x3a: {  	[tilespmem:$0x2810] =	vst v1  }
0x3b: {  	[tilespmem:$0x2820] =	vst v1  }
0x3c: {  	[tilespmem:$0x2830] =	vst v1  }
0x3d: {  	[tilespmem:$0x2840] =	vst v1  }
0x3e: {  	[tilespmem:$0x2850] =	vst v1  }
0x3f: {  	[tilespmem:$0x2860] =	vst v1  }
0x40: {  	[tilespmem:$0x2870] =	vst v1  }
0x41: {  	[tilespmem:s3], [sflag:$0x3] =	stream.linear.gather [hbm4b:s5+s3], $0x2800, $0x38;
	[tilespmem:$0x2D80] =	vst v63  }
0x42: {  	_ =	swait.ge [sflag:s9], $0x2800  }
0x43: {  	[sflag:s9] =	ssyncset.done $0x0  }
0x44: {  	[sflag:s9] =	ssyncadd.s32 $0xFFFFD800  }
0x45: {  	[bflag:$0x0] =	sbarrier.arrive $0xFFFF  }
0x46: {  	[spmem:s2] =	stream.indirect.scatter.add.f32 [tilespmem:s11], [sflag:$0x1], $0x1, s3, s10, $0xb8;
	[tilespmem:$0x2D80] =	vst v63  }
0x47: {  	_ = 	snop  }
0x48: {  	[spmem:s2] =	stream.indirect.scatter.add.f32 [tilespmem:s11], [sflag:$0x2], $0x1, s10, s10, $0xb8;
	[tilespmem:$0x2D80] =	vst v63  }
0x49: {  	_ =	swait.ge [sflag:s12], $0x80  }
0x4a: {  	[sflag:s12] =	ssyncset.done $0x0  }
0x4b: {  	s15 =	simm.s32 $0x100;
	[sflag:s12] =	ssyncadd.s32 $0xFFFFFF80  }
0x4c: {  	[spmem:s2] =	stream.indirect.scatter.add.f32 [tilespmem:s11], [sflag:$0x1], $0x1, s15, s10, $0xb8;
	[tilespmem:$0x2D80] =	vst v63  }
0x4d: {  	_ =	swait.ge [sflag:s13], $0x80  }
0x4e: {  	[sflag:s13] =	ssyncset.done $0x0  }
0x4f: {  	s16 =	simm.s32 $0x180;
	s15 =	simm.s32 $0xFFFF6800;
	[sflag:s13] =	ssyncadd.s32 $0xFFFFFF80  }
.LBB2_2:
0x50: {  	[spmem:s2] =	stream.indirect.scatter.add.f32 [tilespmem:s11], [sflag:$0x2], $0x1, s16, s10, $0xb8;
	[tilespmem:$0x2D80] =	vst v63  }
0x51: {  	s16 =	smov.u32 s15  }
0x52: {  	p0 =	sne.s32 s15, $0xFFFFFC00;
	s15 =	sadd.s32 $0x400, s15;
	_ =	swait.ge [sflag:s12], $0x80  }
0x53: {  	s16 =	sshra.s32 s16, $0x2;
	[sflag:s12] =	ssyncset.done $0x0  }
.Ltmp0:
0x54: {  	s17 =	sadd.s32 $0x2800, s16;
	[sflag:s12] =	ssyncadd.s32 $0xFFFFFF80;
	(pc) =	sbr.rel @p0 .LBB2_2-.Ltmp0, $4  }
0x55: {  	[spmem:s2] =	stream.indirect.scatter.add.f32 [tilespmem:s11], [sflag:$0x1], $0x1, s17, s10, $0xb8;
	[tilespmem:$0x2D80] =	vst v63  }
0x56: {  	_ =	swait.ge [sflag:s13], $0x80  }
0x57: {  	[sflag:s13] =	ssyncset.done $0x0  }
0x58: {  	s16 =	sadd.s32 $0x2880, s16;
	[sflag:s13] =	ssyncadd.s32 $0xFFFFFF80  }
0x59: {  	[spmem:s2] =	stream.indirect.scatter.add.f32 [tilespmem:s11], [sflag:$0x2], $0x1, s16, s10, $0xb8;
	[tilespmem:$0x2D80] =	vst v63  }
0x5a: {  	_ =	swait.ge [sflag:s12], $0x80  }
0x5b: {  	[sflag:s12] =	ssyncset.done $0x0  }
0x5c: {  	[sflag:s12] =	ssyncadd.s32 $0xFFFFFF80  }
0x5d: {  	_ =	swait.ge [sflag:s13], $0x80  }
0x5e: {  	[sflag:s13] =	ssyncset.done $0x0  }
0x5f: {  	[sflag:s13] =	ssyncadd.s32 $0xFFFFFF80  }
0x60: {  	[bflag:$0x0] =	sbarrier.arrive $0xFFFF  }
0x61: {  	[tilespmem:s8], [sflag:$0x3] =	stream.linear.gather [spmem:s4], $0x280, $0x38;
	[tilespmem:$0x2D80] =	vst v63  }
0x62: {  	s14 =	sadd.s32 $0x1, s14;
	_ =	swait.ge [sflag:s9], $0x280  }
0x63: {  	p0 =	sne.s32 s14, s7;
	[sflag:s9] =	ssyncset.done $0x0  }
.Ltmp1:
0x64: {  	[sflag:s9] =	ssyncadd.s32 $0xFFFFFD80;
	(pc) =	sbr.rel @p0 .LBB2_1-.Ltmp1, $4  }
0x65: {  	[hbm4b:s6+s3] =	stream.linear.scatter [tilespmem:s8], [sflag:$0x3], $0x280, $0x38;
	[tilespmem:$0x2D80] =	vst v63  }
0x66: {  	_ =	swait.ge [sflag:s9], $0x280  }
0x67: {  	[sflag:s9] =	ssyncset.done $0x0  }
0x68: {  	[sflag:s9] =	ssyncadd.s32 $0xFFFFFD80  }
0x69: {  	_ =	sfence.sel $0x180000  }
0x6a: {  	[bflag:$0x0] =	sbarrier.arrive $0xFFFF  }
0x6b: {  	p0 =	sne.s32 s0, $0x0;
	_ =	strace $0x90000047  }
0x6c: {  	s0 =	sadd.s32 @!p0 $0x100000, s1;
	[bflag:$0x2] =	sbarrier.arrive $0xFFFF  }
0x6d: {  	[sflag:s0] =	ssyncadd.tile.s32 @!p0 $0x1;
	_ =	shalt  }
.Lfunc_end2:
_tile_overlayer_lowered:
.L_overlay_start_2:
0x6e: {  	(tag) =	ssettag $0x2  }
0x6f: {  	s0 =	rddreg [dreg:$0x0];
	s2 =	stileid.u32  }
0x70: {  	s1 =	rddreg [dreg:$0x1];
	p0 =	sne.s32 s2, $0x0  }
0x71: {  	s3 =	rddreg [dreg:$0x2];
	[bflag:$0x3] =	sbarrier.arrive $0xFFFF;
	s2 =	simm.s32 @!p0 $0x1C03  }
0x72: {  	[timem:s3], [sflag:s2] =	dma.local @!p0 [hbm:s0], s1  }
0x73: {  	s0 =	simm.s32 @!p0 $0x3  }
0x74: {  	_ =	swait.ge @!p0 [sflag:s0], s1  }
0x75: {  	s1 =	ssub.s32 @!p0 $0x0, s1;
	[sflag:s0] =	ssyncset.done @!p0 $0x0  }
0x76: {  	[sflag:s0] =	ssyncadd.s32 @!p0 s1  }
0x77: {  	[bflag:$0x3] =	sbarrier.arrive $0xFFFF  }
0x78: {  	_ =	shalt  }

// kernel: kernel.13.cloned.1.call-start
scs
__scs_entry_jumppad:
0x0: {  	(pc) =	sbr.rel $0x88, $3  }
0x1: {  	(tag) =	ssettag $0x0;
	lr =	simm.s32 $0x1  }
0x2: {  	[smem:$0x3F99] =	sst lr;
	_ =	strace $0xD0000000  }
0x3: {  	_ = 	snop  }
0x4: {  	_ = 	snop  }
0x5: {  	_ = 	snop  }
0x6: {  	_ = 	snop  }
0x7: {  	_ = 	snop  }
__scs_overlays_trampoline_lowered:
0x8: {  	[smem:$0x3FA8] =	sst s0  }
0x9: {  	[smem:$0x3FA9] =	sst s1  }
0xa: {  	[smem:$0x3FAA] =	sst s2  }
0xb: {  	[smem:$0x3FAB] =	sst s3  }
0xc: {  	[smem:$0x3FAC] =	sst s4  }
0xd: {  	[smem:$0x3FAD] =	sst s5  }
0xe: {  	[smem:$0x3FAE] =	sst s6  }
0xf: {  	[smem:$0x3FAF] =	sst s7  }
0x10: {  	[smem:$0x3FB0] =	sst s8  }
0x11: {  	[smem:$0x3FB1] =	sst s9;
	s0 =	simm.s32 @!p0 $0x0  }
0x12: {  	s1 =	sld [smem:$0x3F97];
	s0 =	simm.s32 @p0 $0x1  }
0x13: {  	[smem:$0x3FB2] =	sst s0;
	s0 =	simm.s32 @!p1 $0x0  }
0x14: {  	s2 =	sld [smem:$0x3F96];
	s0 =	simm.s32 @p1 $0x1  }
0x15: {  	[smem:$0x3FB3] =	sst s0;
	s0 =	simm.s32 @!p2 $0x0  }
0x16: {  	s3 =	sld [smem:$0x3FDB];
	s0 =	simm.s32 @p2 $0x1  }
0x17: {  	s4 =	simm.s32 $0x1BF5;
	[smem:$0x3FB5] =	sst s0  }
0x18: {  	s0 =	sld [smem:$0x3F98];
	_ =	swait.ge [sflag:s4], $0x0  }
0x19: {  	s7 =	sld [smem:$0x3F99]  }
0x1a: {  	s8 =	sadd.s32 $0xFFFFE003, lr  }
0x1b: {  	s9 =	sadd.s32 $0xFFFFFEF7, lr;
	s5 =	simm.s32 $0xFFFFFFFF;
	p2 =	slt.u32 s8, $0xFFFFF086  }
0x1c: {  	p1 =	slt.u32 s9, $0xF7A;
	s5 =	simm.s32 @!p2 $0x0  }
0x1d: {  	s5 =	simm.s32 @p1 $0x1;
	p0 =	seq.s32 s7, s2  }
0x1e: {  	s7 =	smul.u32 @!p0 $0xF7A, s2;
	p2 =	seq.s32 @!p0 s5, $0x0  }
0x1f: {  	s9 =	smul.u32 $0xF7A, s1;
	s8 =	simm.s32 @!p0 $0x1BF5;
	p2 =	por !p2, p0  }
0x20: {  	[sflag:s8] =	ssyncset.s32 @!p0 $0xFFFFF086;
	s6 =	sadd.s32 @!p0 s3, s7;
	s7 =	simm.s32 @!p0 $0x108  }
0x21: {  	s3 =	sadd.s32 s3, s9;
	s6 =	sadd.s32 @!p0 $0x88, s6;
	s7 =	simm.s32 @p2 $0x1082  }
0x22: {  	[simem:s7], [sflag:s8] =	dma.local @!p0 [hbm:s6], $0xF7A  }
0x23: {  	s9 =	sor.u32 $0xD0000000, s2;
	s6 =	simm.s32 $0x108;
	_ =	swait.ge @!p0 [sflag:s8], $0x0  }
0x24: {  	s3 =	sadd.s32 $0x88, s3;
	s6 =	simm.s32 @!p1 $0x1082;
	[sflag:s4] =	ssyncset.s32 $0xFFFFF086  }
0x25: {  	[simem:s6], [sflag:s4] =	dma.local [hbm:s3], $0xF7A  }
0x26: {  	[smem:$0x3F99] =	sst s1;
	(tag) =	ssettag s2;
	_ =	strace s9  }
0x27: {  	s1 =	sld [smem:$0x3FA9]  }
0x28: {  	s2 =	sld [smem:$0x3FAA]  }
0x29: {  	s4 =	sld [smem:$0x3FAC]  }
0x2a: {  	p0 =	seq.s32 s5, $0x0;
	s5 =	sld [smem:$0x3FAD]  }
0x2b: {  	s6 =	sld [smem:$0x3FAE]  }
0x2c: {  	s7 =	sld [smem:$0x3FAF]  }
0x2d: {  	s3 =	simm.s32 $0x108;
	s8 =	sld [smem:$0x3FB0]  }
0x2e: {  	s3 =	simm.s32 @!p0 $0x1082;
	s9 =	sld [smem:$0x3FB1]  }
0x2f: {  	lr =	sadd.s32 s0, s3;
	s0 =	sld [smem:$0x3FA8]  }
0x30: {  	s3 =	sld [smem:$0x3FAB]  }
0x31: {  	[smem:$0x3FB4] =	sst s10  }
0x32: {  	s10 =	sld [smem:$0x3FB2];
	_ =	sdelay $0x3  }
0x33: {  	p0 =	seq.s32 s10, $0x1;
	s10 =	sld [smem:$0x3FB4];
	_ =	sdelay $0x3  }
0x34: {  	[smem:$0x3FB4] =	sst s10  }
0x35: {  	s10 =	sld [smem:$0x3FB3];
	_ =	sdelay $0x3  }
0x36: {  	p1 =	seq.s32 s10, $0x1;
	s10 =	sld [smem:$0x3FB4];
	_ =	sdelay $0x3  }
0x37: {  	[smem:$0x3FB4] =	sst s10  }
0x38: {  	s10 =	sld [smem:$0x3FB5]  }
0x39: {  	_ = 	snop;
	(pc) =	sbr.ind lr, $3  }
0x3a: {  	_ = 	snop  }
0x3b: {  	_ = 	snop  }
0x3c: {  	p2 =	seq.s32 s10, $0x1;
	s10 =	sld [smem:$0x3FB4]  }
0x3d: {  	_ =	shalt  }
0x3e: {  	_ =	shalt  }
0x3f: {  	_ =	shalt  }
0x40: {  	_ =	shalt  }
0x41: {  	_ =	shalt  }
0x42: {  	_ =	shalt  }
0x43: {  	_ =	shalt  }
0x44: {  	_ =	shalt  }
0x45: {  	_ =	shalt  }
0x46: {  	_ =	shalt  }
0x47: {  	_ =	shalt  }
0x48: {  	_ =	shalt  }
0x49: {  	_ =	shalt  }
0x4a: {  	_ =	shalt  }
0x4b: {  	_ =	shalt  }
0x4c: {  	_ =	shalt  }
0x4d: {  	_ =	shalt  }
0x4e: {  	_ =	shalt  }
0x4f: {  	_ =	shalt  }
0x50: {  	_ =	shalt  }
0x51: {  	_ =	shalt  }
0x52: {  	_ =	shalt  }
0x53: {  	_ =	shalt  }
0x54: {  	_ =	shalt  }
0x55: {  	_ =	shalt  }
0x56: {  	_ =	shalt  }
0x57: {  	_ =	shalt  }
0x58: {  	_ =	shalt  }
0x59: {  	_ =	shalt  }
0x5a: {  	_ =	shalt  }
0x5b: {  	_ =	shalt  }
0x5c: {  	_ =	shalt  }
0x5d: {  	_ =	shalt  }
0x5e: {  	_ =	shalt  }
0x5f: {  	_ =	shalt  }
0x60: {  	_ =	shalt  }
0x61: {  	_ =	shalt  }
0x62: {  	_ =	shalt  }
0x63: {  	_ =	shalt  }
0x64: {  	_ =	shalt  }
0x65: {  	_ =	shalt  }
0x66: {  	_ =	shalt  }
0x67: {  	_ =	shalt  }
0x68: {  	_ =	shalt  }
0x69: {  	_ =	shalt  }
0x6a: {  	_ =	shalt  }
0x6b: {  	_ =	shalt  }
0x6c: {  	_ =	shalt  }
0x6d: {  	_ =	shalt  }
0x6e: {  	_ =	shalt  }
0x6f: {  	_ =	shalt  }
0x70: {  	_ =	shalt  }
0x71: {  	_ =	shalt  }
0x72: {  	_ =	shalt  }
0x73: {  	_ =	shalt  }
0x74: {  	_ =	shalt  }
0x75: {  	_ =	shalt  }
0x76: {  	_ =	shalt  }
0x77: {  	_ =	shalt  }
0x78: {  	_ =	shalt  }
0x79: {  	_ =	shalt  }
0x7a: {  	_ =	shalt  }
0x7b: {  	_ =	shalt  }
0x7c: {  	_ =	shalt  }
0x7d: {  	_ =	shalt  }
0x7e: {  	_ =	shalt  }
0x7f: {  	_ =	shalt  }
0x80: {  	_ =	shalt  }
0x81: {  	_ =	shalt  }
0x82: {  	_ =	shalt  }
0x83: {  	_ =	shalt  }
0x84: {  	_ =	shalt  }
0x85: {  	_ =	shalt  }
0x86: {  	_ =	shalt  }
0x87: {  	_ =	shalt  }
.Lfunc_end0:
.L_simem_size_0:
called_computation.1_lowered:
.L_overlay_start_0:
0x88: {  	s2 =	sld [smem:$0x3FD9]  }
0x89: {  	s3 =	sld [smem:$0x3FFE];
	_ =	sdelay $0x1  }
0x8a: {  	s1 =	srdreg.scid  }
0x8b: {  	s0 =	sand.u32 $0x1, s1  }
0x8c: {  	s16 =	sshll.u32 s0, $0xA;
	s2 =	sadd.s32 s3, s2  }
0x8d: {  	s2 =	sadd.s32 s2, s16  }
0x8e: {  	[smem:$0x3FC0] =	sst s2  }
0x8f: {  	_ = 	snop  }
0x90: {  	(tm) =	ssettm $0x1  }
0x91: {  	s17 =	sld [smem:$0x3FFB];
	_ =	sdelay $0x3  }
0x92: {  	_ =	strace s17  }
0x93: {  	s2 =	sld [smem:$0x3FFC];
	_ =	sdelay $0x3  }
0x94: {  	_ =	strace s2  }
0x95: {  	s2 =	sld [smem:$0x3FFD];
	_ =	sdelay $0x3  }
0x96: {  	_ =	strace s2  }
0x97: {  	_ =	strace $0x8FFFFFFF  }
0x98: {  	s18 =	sld [smem:$0x3FDB];
	_ =	sdelay $0x1  }
0x99: {  	s19 =	simm.s32 $_scs_section_size  }
0x9a: {  	s4 =	simm.s32 $_size__tile_overlayer_lowered;
	s5 =	simm.s32 $_tile_overlayer_lowered  }
0x9b: {  	s22 =	simm.s32 $0x1BFF;
	s21 =	sshll.u32 s5, $0x1;
	s2 =	sadd.s32 s19, s18  }
0x9c: {  	s6 =	simm.s32 $0x0;
	s20 =	sshll.u32 s4, $0x1;
	s4 =	sadd.s32 s21, s2  }
0x9d: {  	[timem:s6], [sflag:s22] =	dma.local [hbm:s4], s20  }
0x9e: {  	_ =	swait.ge [sflag:s22], s20  }
0x9f: {  	s3 =	ssub.s32 $0x0, s20;
	[sflag:s22] =	ssyncset.done $0x0  }
0xa0: {  	[sflag:s22] =	ssyncadd.s32 s3;
	_ =	sdelay $0x1  }
0xa1: {  	s23 =	simm.s32 $0x1B8B  }
0xa2: {  	_ =	swait.ge [sflag:s23], $0x1  }
0xa3: {  	[sflag:s23] =	ssyncset.done $0x0  }
0xa4: {  	s25 =	simm.s32 $0x1B8E;
	s24 =	sld [smem:$0x3FFE];
	[sflag:s23] =	ssyncadd.s32 $0xFFFFFFFF  }
0xa5: {  	s26 =	simm.s32 $execute0_lowered;
	[smem:$0x3FD2] =	sst s25  }
0xa6: {  	s4 =	sshll.u32 s26, $0x1;
	_ =	strace $0x80000049;
	[dreg:$0x1] =	wrdreg $0xFFFFFFFF  }
0xa7: {  	s28 =	simm.s32 $_size_execute0_lowered;
	s2 =	sadd.s32 s2, s4;
	[dreg:$0x0] =	wrdreg $0x0  }
0xa8: {  	s4 =	sshll.u32 s28, $0x1;
	[dreg:$0x2] =	wrdreg s2  }
0xa9: {  	[dreg:$0x3] =	wrdreg s4  }
0xaa: {  	[dreg:$0x4] =	wrdreg $0xC0  }
0xab: {  	_ =	task [dreg:s6], $0x5FFFF  }
0xac: {  	[dreg:$0x1] =	wrdreg $0xFFFFFFFF  }
0xad: {  	[dreg:$0x0] =	wrdreg $0x60  }
0xae: {  	[dreg:$0x2] =	wrdreg s24  }
0xaf: {  	[dreg:$0x3] =	wrdreg $0xA8000  }
0xb0: {  	[dreg:$0x4] =	wrdreg $0x9  }
0xb1: {  	_ =	task.clear_ibuf [dreg:s6], $0x5FFFF;
	_ =	strace $0x90000049  }
0xb2: {  	s29 =	simm.s32 $0x9;
	_ =	strace $0x8000004B  }
0xb3: {  	_ =	swait.ge [sflag:s29], $0x1  }
0xb4: {  	[sflag:s29] =	ssyncadd.s32 $0xFFFFFFFF  }
0xb5: {  	_ =	strace $0x9000004B  }
0xb6: {  	_ =	sfence  }
0xb7: {  	s30 =	sld [smem:$0x0];
	_ =	sdelay $0x2  }
0xb8: {  	s31 =	sshll.u32 s1, $0xD;
	s1 =	sshrl.u32 s1, $0x2  }
0xb9: {  	s3 =	sand.u32 $0x4000, s31;
	s1 =	sadd.s32 s1, s30  }
0xba: {  	s0 =	sor.u32 s3, s0;
	s1 =	sshll.u32 s1, $0x11  }
0xbb: {  	s0 =	sor.u32 s1, s0  }
0xbc: {  	s0 =	sadd.s32 $0x8F2B, s0  }
0xbd: {  	[sflag:s0] =	ssyncadd.remote.s32 $0x1  }
0xbe: {  	_ =	sfence.sel $0xFFFF  }
0xbf: {  	[dreg:$0x0] =	wrdreg $0xFFFFFFFF;
	(pc) =	sbr.abs _section_cstart, $3  }
0xc0: {  	[dreg:$0x1] =	wrdreg $0xFFFFFFFF  }
0xc1: {  	_ =	task.clear_ibuf [dreg:s6], $0x2FFFF;
	_ =	strace $0x9FFFFFFF  }
0xc2: {  	(tm) =	ssettm $0x7FFFFFFF  }
0xc3: {  	_ =	shalt  }
tec
execute0_lowered:
.L_overlay_start_1:
0x0: {  	(tag) =	ssettag $0x1  }
0x1: {  	s5 =	rddreg [dreg:$0x0];
	s0 =	srdreg.scid  }
0x2: {  	s2 =	rddreg [dreg:$0x1];
	s1 =	stileid.u32  }
0x3: {  	s3 =	simm.s32 $0x0;
	s17 =	simm.s32 $0x5;
	s18 =	simm.s32 $0x1400  }
0x4: {  	s19 =	simm.s32 $0x80;
	s20 =	simm.s32 $0x6800;
	s21 =	simm.s32 $0x1  }
0x5: {  	s22 =	simm.s32 $0x2;
	s23 =	simm.s32 $0x1480;
	s24 =	simm.s32 $0x3  }
0x6: {  	s25 =	simm.s32 $0x4;
	s6 =	sand.u32 $0x1, s0;
	s0 =	rddreg [dreg:$0x2]  }
0x7: {  	s8 =	smul.u32 $0x13C00, s1;
	[smem:$0x7FF] =	sst s3;
	s4 =	sadd.s32 $0x16800, s5  }
0x8: {  	s12 =	sadd.s32 $0xC800, s5;
	s26 =	smul.u32 $0x4F000, s1;
	s13 =	sadd.s32 $0x2800, s5  }
0x9: {  	s7 =	smul.u32 $0x13C000, s6;
	_ =	strace $0x8000004A;
	s28 =	sshll.u32 s6, $0x4  }
0xa: {  	s6 =	ssub.s32 $0x2, s6;
	s29 =	sor.u32 s1, s28;
	s30 =	sshrl.u32 s26, $0x2  }
0xb: {  	s31 =	sshrl.u32 s6, $0x1;
	s26 =	simm.s32 $0x0;
	s7 =	sadd.s32 s8, s7  }
0xc: {  	s10 =	smul.u32 $0x2800, s29;
	s15 =	ssub.s32 s6, s31;
	s7 =	sshrl.u32 s7, $0x3  }
0xd: {  	s15 =	smax.u32 s15, $0x1;
	s14 =	sadd.s32 s7, s5;
	s5 =	sadd.s32 s30, s2  }
0xe: {  	s16 =	sshrl.u32 s10, $0x3;
	s6 =	sadd.s32 $0x4000, s5;
	s7 =	sadd.s32 $0x8000, s5  }
0xf: {  	s8 =	sadd.s32 $0xC000, s5;
	s9 =	sadd.s32 $0x10000, s5;
	s10 =	sadd.s32 s12, s16  }
0x10: {  	s11 =	sadd.s32 s13, s16;
	s16 =	sadd.s32 $0x280, s16;
	s14 =	sadd.s32 $0x3DA00, s14  }
0x11: {  	v0 =	vimm.f32 $0.0e+00;
	s12 =	sadd.s32 s12, s16;
	s13 =	sadd.s32 s13, s16;
	s16 =	simm.s32 $0x2800  }
.LBB2_1:
0x12: {  	s28 =	simm.s32 $0x0;
	s29 =	simm.s32 $0x200  }
.LBB2_2:
0x13: {  	p0 =	sne.s32 s29, $0xFE00;
	[tilespmem:s28+$0x2870] =	vst v0  }
0x14: {  	[tilespmem:s28+$0x2800] =	vst v0  }
0x15: {  	[tilespmem:s28+$0x2810] =	vst v0  }
.Ltmp0:
0x16: {  	[tilespmem:s28+$0x2820] =	vst v0;
	(pc) =	sbr.rel @p0 .LBB2_2-.Ltmp0, $4  }
0x17: {  	[tilespmem:s28+$0x2830] =	vst v0  }
0x18: {  	[tilespmem:s28+$0x2840] =	vst v0  }
0x19: {  	[tilespmem:s28+$0x2850] =	vst v0  }
0x1a: {  	[tilespmem:s28+$0x2860] =	vst v0;
	s28 =	sshra.s32 s29, $0x2;
	s29 =	sadd.s32 $0x200, s29  }
0x1b: {  	[tilespmem:s28+$0x2870] =	vst v0  }
0x1c: {  	[tilespmem:s28+$0x2800] =	vst v0  }
0x1d: {  	[tilespmem:s28+$0x2810] =	vst v0  }
0x1e: {  	[tilespmem:s28+$0x2820] =	vst v0  }
0x1f: {  	[tilespmem:s28+$0x2830] =	vst v0  }
0x20: {  	[tilespmem:s28+$0x2840] =	vst v0  }
0x21: {  	[tilespmem:s28+$0x2850] =	vst v0  }
0x22: {  	[tilespmem:s28+$0x2860] =	vst v0  }
0x23: {  	[spmem:s5] =	stream.linear.scatter [tilespmem:s16], [sflag:$0x5], $0x4000, $0x38;
	[tilespmem:$0x1E400] =	vst v63  }
0x24: {  	_ =	swait.ge [sflag:s17], $0x4000  }
0x25: {  	[sflag:s17] =	ssyncset.done $0x0  }
0x26: {  	[sflag:s17] =	ssyncadd.s32 $0xFFFFC000  }
0x27: {  	[spmem:s6] =	stream.linear.scatter [tilespmem:s16], [sflag:$0x5], $0x4000, $0x38;
	[tilespmem:$0x1E400] =	vst v63  }
0x28: {  	_ =	swait.ge [sflag:s17], $0x4000  }
0x29: {  	[sflag:s17] =	ssyncset.done $0x0  }
0x2a: {  	[sflag:s17] =	ssyncadd.s32 $0xFFFFC000  }
0x2b: {  	[spmem:s7] =	stream.linear.scatter [tilespmem:s16], [sflag:$0x5], $0x4000, $0x38;
	[tilespmem:$0x1E400] =	vst v63  }
0x2c: {  	_ =	swait.ge [sflag:s17], $0x4000  }
0x2d: {  	[sflag:s17] =	ssyncset.done $0x0  }
0x2e: {  	[sflag:s17] =	ssyncadd.s32 $0xFFFFC000  }
0x2f: {  	[spmem:s8] =	stream.linear.scatter [tilespmem:s16], [sflag:$0x5], $0x4000, $0x38;
	[tilespmem:$0x1E400] =	vst v63  }
0x30: {  	_ =	swait.ge [sflag:s17], $0x4000  }
0x31: {  	[sflag:s17] =	ssyncset.done $0x0  }
0x32: {  	[sflag:s17] =	ssyncadd.s32 $0xFFFFC000  }
0x33: {  	[spmem:s9] =	stream.linear.scatter [tilespmem:s16], [sflag:$0x5], $0x3C00, $0x38;
	[tilespmem:$0x1E400] =	vst v63  }
0x34: {  	_ =	swait.ge [sflag:s17], $0x3C00  }
0x35: {  	[sflag:s17] =	ssyncset.done $0x0  }
0x36: {  	[sflag:s17] =	ssyncadd.s32 $0xFFFFC400  }
0x37: {  	[bflag:$0x0] =	sbarrier.arrive $0xFFFF  }
0x38: {  	[tilespmem:s3], [sflag:$0x5] =	stream.linear.gather [hbm4b:s10+s3], $0x1400, $0x38;
	[tilespmem:$0x1E400] =	vst v63  }
0x39: {  	_ =	swait.ge [sflag:s17], $0x1400  }
0x3a: {  	[sflag:s17] =	ssyncset.done $0x0  }
0x3b: {  	[sflag:s17] =	ssyncadd.s32 $0xFFFFEC00  }
0x3c: {  	[tilespmem:s18], [sflag:$0x5] =	stream.linear.gather [hbm4b:s11+s3], $0x1400, $0x38;
	[tilespmem:$0x1E400] =	vst v63  }
0x3d: {  	_ =	swait.ge [sflag:s17], $0x1400  }
0x3e: {  	[sflag:s17] =	ssyncset.done $0x0  }
0x3f: {  	[sflag:s17] =	ssyncadd.s32 $0xFFFFEC00  }
0x40: {  	[tilespmem:s16], [sflag:$0x1] =	stream.indirect.gather [hbm4b:s4+s19], $0x80, s3, s19, $0xb8;
	[tilespmem:$0x1E400] =	vst v63  }
0x41: {  	_ = 	snop  }
0x42: {  	[tilespmem:s20], [sflag:$0x2] =	stream.indirect.gather [hbm4b:s4+s19], $0x80, s19, s19, $0xb8;
	[tilespmem:$0x1E400] =	vst v63  }
0x43: {  	_ =	swait.ge [sflag:s21], $0x4000  }
0x44: {  	[sflag:s21] =	ssyncset.done $0x0  }
0x45: {  	[sflag:s21] =	ssyncadd.s32 $0xFFFFC000  }
0x46: {  	[spmem:s2] =	stream.indirect.scatter.add.f32 [tilespmem:s16], [sflag:$0x3], $0x80, s18, s19, $0xb8;
	[tilespmem:$0x1E400] =	vst v63  }
0x47: {  	_ =	swait.ge [sflag:s22], $0x4000  }
0x48: {  	[sflag:s22] =	ssyncset.done $0x0  }
0x49: {  	[sflag:s22] =	ssyncadd.s32 $0xFFFFC000  }
0x4a: {  	[spmem:s2] =	stream.indirect.scatter.add.f32 [tilespmem:s20], [sflag:$0x4], $0x80, s23, s19, $0xb8;
	[tilespmem:$0x1E400] =	vst v63  }
0x4b: {  	_ =	swait.ge [sflag:s24], $0x4000  }
0x4c: {  	[sflag:s24] =	ssyncset.done $0x0  }
0x4d: {  	s28 =	simm.s32 $0x100;
	[sflag:s24] =	ssyncadd.s32 $0xFFFFC000  }
0x4e: {  	[tilespmem:s16], [sflag:$0x1] =	stream.indirect.gather [hbm4b:s4+s19], $0x80, s28, s19, $0xb8;
	[tilespmem:$0x1E400] =	vst v63  }
0x4f: {  	_ =	swait.ge [sflag:s25], $0x4000  }
0x50: {  	[sflag:s25] =	ssyncset.done $0x0  }
0x51: {  	s28 =	simm.s32 $0x180;
	[sflag:s25] =	ssyncadd.s32 $0xFFFFC000  }
0x52: {  	[tilespmem:s20], [sflag:$0x2] =	stream.indirect.gather [hbm4b:s4+s19], $0x80, s28, s19, $0xb8;
	[tilespmem:$0x1E400] =	vst v63  }
0x53: {  	_ =	swait.ge [sflag:s21], $0x4000  }
0x54: {  	[sflag:s21] =	ssyncset.done $0x0  }
0x55: {  	s28 =	simm.s32 $0x1500;
	[sflag:s21] =	ssyncadd.s32 $0xFFFFC000  }
0x56: {  	[spmem:s2] =	stream.indirect.scatter.add.f32 [tilespmem:s16], [sflag:$0x3], $0x80, s28, s19, $0xb8;
	[tilespmem:$0x1E400] =	vst v63  }
0x57: {  	_ =	swait.ge [sflag:s22], $0x4000  }
0x58: {  	[sflag:s22] =	ssyncset.done $0x0  }
0x59: {  	s29 =	simm.s32 $0x1580;
	s28 =	simm.s32 $0xFFFFB800;
	[sflag:s22] =	ssyncadd.s32 $0xFFFFC000  }
.LBB2_4:
0x5a: {  	[spmem:s2] =	stream.indirect.scatter.add.f32 [tilespmem:s20], [sflag:$0x4], $0x80, s29, s19, $0xb8;
	[tilespmem:$0x1E400] =	vst v63  }
0x5b: {  	s29 =	smov.u32 s28  }
0x5c: {  	p0 =	sne.s32 s28, $0xFFFFFC00;
	s28 =	sadd.s32 $0x400, s28;
	_ =	swait.ge [sflag:s24], $0x4000  }
0x5d: {  	s29 =	sshra.s32 s29, $0x2;
	[sflag:s24] =	ssyncset.done $0x0  }
0x5e: {  	s30 =	sadd.s32 $0x1400, s29;
	[sflag:s24] =	ssyncadd.s32 $0xFFFFC000  }
0x5f: {  	[tilespmem:s16], [sflag:$0x1] =	stream.indirect.gather [hbm4b:s4+s19], $0x80, s30, s19, $0xb8;
	[tilespmem:$0x1E400] =	vst v63  }
0x60: {  	_ =	swait.ge [sflag:s25], $0x4000  }
0x61: {  	[sflag:s25] =	ssyncset.done $0x0  }
0x62: {  	s30 =	sadd.s32 $0x1480, s29;
	[sflag:s25] =	ssyncadd.s32 $0xFFFFC000  }
0x63: {  	[tilespmem:s20], [sflag:$0x2] =	stream.indirect.gather [hbm4b:s4+s19], $0x80, s30, s19, $0xb8;
	[tilespmem:$0x1E400] =	vst v63  }
0x64: {  	_ =	swait.ge [sflag:s21], $0x4000  }
0x65: {  	[sflag:s21] =	ssyncset.done $0x0  }
.Ltmp1:
0x66: {  	s30 =	sadd.s32 $0x2800, s29;
	[sflag:s21] =	ssyncadd.s32 $0xFFFFC000;
	(pc) =	sbr.rel @p0 .LBB2_4-.Ltmp1, $4  }
0x67: {  	[spmem:s2] =	stream.indirect.scatter.add.f32 [tilespmem:s16], [sflag:$0x3], $0x80, s30, s19, $0xb8;
	[tilespmem:$0x1E400] =	vst v63  }
0x68: {  	_ =	swait.ge [sflag:s22], $0x4000  }
0x69: {  	[sflag:s22] =	ssyncset.done $0x0  }
0x6a: {  	s29 =	sadd.s32 $0x2880, s29;
	[sflag:s22] =	ssyncadd.s32 $0xFFFFC000  }
0x6b: {  	[spmem:s2] =	stream.indirect.scatter.add.f32 [tilespmem:s20], [sflag:$0x4], $0x80, s29, s19, $0xb8;
	[tilespmem:$0x1E400] =	vst v63  }
0x6c: {  	_ =	swait.ge [sflag:s24], $0x4000  }
0x6d: {  	[sflag:s24] =	ssyncset.done $0x0  }
0x6e: {  	[sflag:s24] =	ssyncadd.s32 $0xFFFFC000  }
0x6f: {  	_ =	swait.ge [sflag:s25], $0x4000  }
0x70: {  	[sflag:s25] =	ssyncset.done $0x0  }
0x71: {  	[sflag:s25] =	ssyncadd.s32 $0xFFFFC000  }
0x72: {  	[tilespmem:s3], [sflag:$0x5] =	stream.linear.gather [hbm4b:s12+s3], $0x1400, $0x38;
	[tilespmem:$0x1E400] =	vst v63  }
0x73: {  	_ =	swait.ge [sflag:s17], $0x1400  }
0x74: {  	[sflag:s17] =	ssyncset.done $0x0  }
0x75: {  	[sflag:s17] =	ssyncadd.s32 $0xFFFFEC00  }
0x76: {  	[tilespmem:s18], [sflag:$0x5] =	stream.linear.gather [hbm4b:s13+s3], $0x1400, $0x38;
	[tilespmem:$0x1E400] =	vst v63  }
0x77: {  	_ =	swait.ge [sflag:s17], $0x1400  }
0x78: {  	[sflag:s17] =	ssyncset.done $0x0  }
0x79: {  	[sflag:s17] =	ssyncadd.s32 $0xFFFFEC00  }
0x7a: {  	[tilespmem:s16], [sflag:$0x1] =	stream.indirect.gather [hbm4b:s4+s19], $0x80, s3, s19, $0xb8;
	[tilespmem:$0x1E400] =	vst v63  }
0x7b: {  	_ = 	snop  }
0x7c: {  	[tilespmem:s20], [sflag:$0x2] =	stream.indirect.gather [hbm4b:s4+s19], $0x80, s19, s19, $0xb8;
	[tilespmem:$0x1E400] =	vst v63  }
0x7d: {  	_ =	swait.ge [sflag:s21], $0x4000  }
0x7e: {  	[sflag:s21] =	ssyncset.done $0x0  }
0x7f: {  	[sflag:s21] =	ssyncadd.s32 $0xFFFFC000  }
0x80: {  	[spmem:s2] =	stream.indirect.scatter.add.f32 [tilespmem:s16], [sflag:$0x3], $0x80, s18, s19, $0xb8;
	[tilespmem:$0x1E400] =	vst v63  }
0x81: {  	_ =	swait.ge [sflag:s22], $0x4000  }
0x82: {  	[sflag:s22] =	ssyncset.done $0x0  }
0x83: {  	[sflag:s22] =	ssyncadd.s32 $0xFFFFC000  }
0x84: {  	[spmem:s2] =	stream.indirect.scatter.add.f32 [tilespmem:s20], [sflag:$0x4], $0x80, s23, s19, $0xb8;
	[tilespmem:$0x1E400] =	vst v63  }
0x85: {  	_ =	swait.ge [sflag:s24], $0x4000  }
0x86: {  	[sflag:s24] =	ssyncset.done $0x0  }
0x87: {  	s28 =	simm.s32 $0x100;
	[sflag:s24] =	ssyncadd.s32 $0xFFFFC000  }
0x88: {  	[tilespmem:s16], [sflag:$0x1] =	stream.indirect.gather [hbm4b:s4+s19], $0x80, s28, s19, $0xb8;
	[tilespmem:$0x1E400] =	vst v63  }
0x89: {  	_ =	swait.ge [sflag:s25], $0x4000  }
0x8a: {  	[sflag:s25] =	ssyncset.done $0x0  }
0x8b: {  	s28 =	simm.s32 $0x180;
	[sflag:s25] =	ssyncadd.s32 $0xFFFFC000  }
0x8c: {  	[tilespmem:s20], [sflag:$0x2] =	stream.indirect.gather [hbm4b:s4+s19], $0x80, s28, s19, $0xb8;
	[tilespmem:$0x1E400] =	vst v63  }
0x8d: {  	_ =	swait.ge [sflag:s21], $0x4000  }
0x8e: {  	[sflag:s21] =	ssyncset.done $0x0  }
0x8f: {  	s28 =	simm.s32 $0x1500;
	[sflag:s21] =	ssyncadd.s32 $0xFFFFC000  }
0x90: {  	[spmem:s2] =	stream.indirect.scatter.add.f32 [tilespmem:s16], [sflag:$0x3], $0x80, s28, s19, $0xb8;
	[tilespmem:$0x1E400] =	vst v63  }
0x91: {  	_ =	swait.ge [sflag:s22], $0x4000  }
0x92: {  	[sflag:s22] =	ssyncset.done $0x0  }
0x93: {  	s29 =	simm.s32 $0x1580;
	s28 =	simm.s32 $0xFFFFB800;
	[sflag:s22] =	ssyncadd.s32 $0xFFFFC000  }
.LBB2_6:
0x94: {  	[spmem:s2] =	stream.indirect.scatter.add.f32 [tilespmem:s20], [sflag:$0x4], $0x80, s29, s19, $0xb8;
	[tilespmem:$0x1E400] =	vst v63  }
0x95: {  	s29 =	smov.u32 s28  }
0x96: {  	p0 =	sne.s32 s28, $0xFFFFFC00;
	s28 =	sadd.s32 $0x400, s28;
	_ =	swait.ge [sflag:s24], $0x4000  }
0x97: {  	s29 =	sshra.s32 s29, $0x2;
	[sflag:s24] =	ssyncset.done $0x0  }
0x98: {  	s30 =	sadd.s32 $0x1400, s29;
	[sflag:s24] =	ssyncadd.s32 $0xFFFFC000  }
0x99: {  	[tilespmem:s16], [sflag:$0x1] =	stream.indirect.gather [hbm4b:s4+s19], $0x80, s30, s19, $0xb8;
	[tilespmem:$0x1E400] =	vst v63  }
0x9a: {  	_ =	swait.ge [sflag:s25], $0x4000  }
0x9b: {  	[sflag:s25] =	ssyncset.done $0x0  }
0x9c: {  	s30 =	sadd.s32 $0x1480, s29;
	[sflag:s25] =	ssyncadd.s32 $0xFFFFC000  }
0x9d: {  	[tilespmem:s20], [sflag:$0x2] =	stream.indirect.gather [hbm4b:s4+s19], $0x80, s30, s19, $0xb8;
	[tilespmem:$0x1E400] =	vst v63  }
0x9e: {  	_ =	swait.ge [sflag:s21], $0x4000  }
0x9f: {  	[sflag:s21] =	ssyncset.done $0x0  }
.Ltmp2:
0xa0: {  	s30 =	sadd.s32 $0x2800, s29;
	[sflag:s21] =	ssyncadd.s32 $0xFFFFC000;
	(pc) =	sbr.rel @p0 .LBB2_6-.Ltmp2, $4  }
0xa1: {  	[spmem:s2] =	stream.indirect.scatter.add.f32 [tilespmem:s16], [sflag:$0x3], $0x80, s30, s19, $0xb8;
	[tilespmem:$0x1E400] =	vst v63  }
0xa2: {  	_ =	swait.ge [sflag:s22], $0x4000  }
0xa3: {  	[sflag:s22] =	ssyncset.done $0x0  }
0xa4: {  	s29 =	sadd.s32 $0x2880, s29;
	[sflag:s22] =	ssyncadd.s32 $0xFFFFC000  }
0xa5: {  	[spmem:s2] =	stream.indirect.scatter.add.f32 [tilespmem:s20], [sflag:$0x4], $0x80, s29, s19, $0xb8;
	[tilespmem:$0x1E400] =	vst v63  }
0xa6: {  	_ =	swait.ge [sflag:s24], $0x4000  }
0xa7: {  	[sflag:s24] =	ssyncset.done $0x0  }
0xa8: {  	[sflag:s24] =	ssyncadd.s32 $0xFFFFC000  }
0xa9: {  	_ =	swait.ge [sflag:s25], $0x4000  }
0xaa: {  	s28 =	sshll.u32 s1, $0x6;
	s26 =	sadd.s32 $0x1, s26;
	[sflag:s25] =	ssyncset.done $0x0  }
0xab: {  	s31 =	sshrl.u32 s5, $0x3;
	p0 =	sne.s32 s26, s15;
	[sflag:s25] =	ssyncadd.s32 $0xFFFFC000  }
.Ltmp3:
0xac: {  	s28 =	sor.u32 $0x1C05, s28;
	[bflag:$0x0] =	sbarrier.arrive $0xFFFF;
	(pc) =	sbr.rel @p0 .LBB2_1-.Ltmp3, $4  }
0xad: {  	[hbm:s14], [sflag:s28] =	dma.local [spmem:s31], $0x2780  }
0xae: {  	_ =	swait.ge [sflag:s17], $0x2780  }
0xaf: {  	[sflag:s17] =	ssyncset.done $0x0  }
0xb0: {  	[sflag:s17] =	ssyncadd.s32 $0xFFFFD880  }
0xb1: {  	_ =	sfence.sel $0x180000  }
0xb2: {  	[bflag:$0x0] =	sbarrier.arrive $0xFFFF  }
0xb3: {  	p0 =	sne.s32 s1, $0x0;
	_ =	strace $0x9000004A  }
0xb4: {  	s0 =	sadd.s32 @!p0 $0x100000, s0;
	[bflag:$0x2] =	sbarrier.arrive $0xFFFF  }
0xb5: {  	[sflag:s0] =	ssyncadd.tile.s32 @!p0 $0x1;
	_ =	shalt  }
.Lfunc_end2:
_tile_overlayer_lowered:
.L_overlay_start_2:
0xb6: {  	(tag) =	ssettag $0x2  }
0xb7: {  	s0 =	rddreg [dreg:$0x0];
	s2 =	stileid.u32  }
0xb8: {  	s1 =	rddreg [dreg:$0x1];
	p0 =	sne.s32 s2, $0x0  }
0xb9: {  	s3 =	rddreg [dreg:$0x2];
	[bflag:$0x3] =	sbarrier.arrive $0xFFFF;
	s2 =	simm.s32 @!p0 $0x1C05  }
0xba: {  	[timem:s3], [sflag:s2] =	dma.local @!p0 [hbm:s0], s1  }
0xbb: {  	s0 =	simm.s32 @!p0 $0x5  }
0xbc: {  	_ =	swait.ge @!p0 [sflag:s0], s1  }
0xbd: {  	s1 =	ssub.s32 @!p0 $0x0, s1;
	[sflag:s0] =	ssyncset.done @!p0 $0x0  }
0xbe: {  	[sflag:s0] =	ssyncadd.s32 @!p0 s1  }
0xbf: {  	[bflag:$0x3] =	sbarrier.arrive $0xFFFF  }
0xc0: {  	_ =	shalt  }

// kernel: kernel.16.cloned.1.call-start
scs
__scs_entry_jumppad:
0x0: {  	(pc) =	sbr.rel $0x88, $3  }
0x1: {  	(tag) =	ssettag $0x0;
	lr =	simm.s32 $0x1  }
0x2: {  	[smem:$0x3F99] =	sst lr;
	_ =	strace $0xD0000000  }
0x3: {  	_ = 	snop  }
0x4: {  	_ = 	snop  }
0x5: {  	_ = 	snop  }
0x6: {  	_ = 	snop  }
0x7: {  	_ = 	snop  }
__scs_overlays_trampoline_lowered:
0x8: {  	[smem:$0x3FA8] =	sst s0  }
0x9: {  	[smem:$0x3FA9] =	sst s1  }
0xa: {  	[smem:$0x3FAA] =	sst s2  }
0xb: {  	[smem:$0x3FAB] =	sst s3  }
0xc: {  	[smem:$0x3FAC] =	sst s4  }
0xd: {  	[smem:$0x3FAD] =	sst s5  }
0xe: {  	[smem:$0x3FAE] =	sst s6  }
0xf: {  	[smem:$0x3FAF] =	sst s7  }
0x10: {  	[smem:$0x3FB0] =	sst s8  }
0x11: {  	[smem:$0x3FB1] =	sst s9;
	s0 =	simm.s32 @!p0 $0x0  }
0x12: {  	s1 =	sld [smem:$0x3F97];
	s0 =	simm.s32 @p0 $0x1  }
0x13: {  	[smem:$0x3FB2] =	sst s0;
	s0 =	simm.s32 @!p1 $0x0  }
0x14: {  	s2 =	sld [smem:$0x3F96];
	s0 =	simm.s32 @p1 $0x1  }
0x15: {  	[smem:$0x3FB3] =	sst s0;
	s0 =	simm.s32 @!p2 $0x0  }
0x16: {  	s3 =	sld [smem:$0x3FDB];
	s0 =	simm.s32 @p2 $0x1  }
0x17: {  	s4 =	simm.s32 $0x1BF5;
	[smem:$0x3FB5] =	sst s0  }
0x18: {  	s0 =	sld [smem:$0x3F98];
	_ =	swait.ge [sflag:s4], $0x0  }
0x19: {  	s7 =	sld [smem:$0x3F99]  }
0x1a: {  	s8 =	sadd.s32 $0xFFFFE003, lr  }
0x1b: {  	s9 =	sadd.s32 $0xFFFFFEF7, lr;
	s5 =	simm.s32 $0xFFFFFFFF;
	p2 =	slt.u32 s8, $0xFFFFF086  }
0x1c: {  	p1 =	slt.u32 s9, $0xF7A;
	s5 =	simm.s32 @!p2 $0x0  }
0x1d: {  	s5 =	simm.s32 @p1 $0x1;
	p0 =	seq.s32 s7, s2  }
0x1e: {  	s7 =	smul.u32 @!p0 $0xF7A, s2;
	p2 =	seq.s32 @!p0 s5, $0x0  }
0x1f: {  	s9 =	smul.u32 $0xF7A, s1;
	s8 =	simm.s32 @!p0 $0x1BF5;
	p2 =	por !p2, p0  }
0x20: {  	[sflag:s8] =	ssyncset.s32 @!p0 $0xFFFFF086;
	s6 =	sadd.s32 @!p0 s3, s7;
	s7 =	simm.s32 @!p0 $0x108  }
0x21: {  	s3 =	sadd.s32 s3, s9;
	s6 =	sadd.s32 @!p0 $0x88, s6;
	s7 =	simm.s32 @p2 $0x1082  }
0x22: {  	[simem:s7], [sflag:s8] =	dma.local @!p0 [hbm:s6], $0xF7A  }
0x23: {  	s9 =	sor.u32 $0xD0000000, s2;
	s6 =	simm.s32 $0x108;
	_ =	swait.ge @!p0 [sflag:s8], $0x0  }
0x24: {  	s3 =	sadd.s32 $0x88, s3;
	s6 =	simm.s32 @!p1 $0x1082;
	[sflag:s4] =	ssyncset.s32 $0xFFFFF086  }
0x25: {  	[simem:s6], [sflag:s4] =	dma.local [hbm:s3], $0xF7A  }
0x26: {  	[smem:$0x3F99] =	sst s1;
	(tag) =	ssettag s2;
	_ =	strace s9  }
0x27: {  	s1 =	sld [smem:$0x3FA9]  }
0x28: {  	s2 =	sld [smem:$0x3FAA]  }
0x29: {  	s4 =	sld [smem:$0x3FAC]  }
0x2a: {  	p0 =	seq.s32 s5, $0x0;
	s5 =	sld [smem:$0x3FAD]  }
0x2b: {  	s6 =	sld [smem:$0x3FAE]  }
0x2c: {  	s7 =	sld [smem:$0x3FAF]  }
0x2d: {  	s3 =	simm.s32 $0x108;
	s8 =	sld [smem:$0x3FB0]  }
0x2e: {  	s3 =	simm.s32 @!p0 $0x1082;
	s9 =	sld [smem:$0x3FB1]  }
0x2f: {  	lr =	sadd.s32 s0, s3;
	s0 =	sld [smem:$0x3FA8]  }
0x30: {  	s3 =	sld [smem:$0x3FAB]  }
0x31: {  	[smem:$0x3FB4] =	sst s10  }
0x32: {  	s10 =	sld [smem:$0x3FB2];
	_ =	sdelay $0x3  }
0x33: {  	p0 =	seq.s32 s10, $0x1;
	s10 =	sld [smem:$0x3FB4];
	_ =	sdelay $0x3  }
0x34: {  	[smem:$0x3FB4] =	sst s10  }
0x35: {  	s10 =	sld [smem:$0x3FB3];
	_ =	sdelay $0x3  }
0x36: {  	p1 =	seq.s32 s10, $0x1;
	s10 =	sld [smem:$0x3FB4];
	_ =	sdelay $0x3  }
0x37: {  	[smem:$0x3FB4] =	sst s10  }
0x38: {  	s10 =	sld [smem:$0x3FB5]  }
0x39: {  	_ = 	snop;
	(pc) =	sbr.ind lr, $3  }
0x3a: {  	_ = 	snop  }
0x3b: {  	_ = 	snop  }
0x3c: {  	p2 =	seq.s32 s10, $0x1;
	s10 =	sld [smem:$0x3FB4]  }
0x3d: {  	_ =	shalt  }
0x3e: {  	_ =	shalt  }
0x3f: {  	_ =	shalt  }
0x40: {  	_ =	shalt  }
0x41: {  	_ =	shalt  }
0x42: {  	_ =	shalt  }
0x43: {  	_ =	shalt  }
0x44: {  	_ =	shalt  }
0x45: {  	_ =	shalt  }
0x46: {  	_ =	shalt  }
0x47: {  	_ =	shalt  }
0x48: {  	_ =	shalt  }
0x49: {  	_ =	shalt  }
0x4a: {  	_ =	shalt  }
0x4b: {  	_ =	shalt  }
0x4c: {  	_ =	shalt  }
0x4d: {  	_ =	shalt  }
0x4e: {  	_ =	shalt  }
0x4f: {  	_ =	shalt  }
0x50: {  	_ =	shalt  }
0x51: {  	_ =	shalt  }
0x52: {  	_ =	shalt  }
0x53: {  	_ =	shalt  }
0x54: {  	_ =	shalt  }
0x55: {  	_ =	shalt  }
0x56: {  	_ =	shalt  }
0x57: {  	_ =	shalt  }
0x58: {  	_ =	shalt  }
0x59: {  	_ =	shalt  }
0x5a: {  	_ =	shalt  }
0x5b: {  	_ =	shalt  }
0x5c: {  	_ =	shalt  }
0x5d: {  	_ =	shalt  }
0x5e: {  	_ =	shalt  }
0x5f: {  	_ =	shalt  }
0x60: {  	_ =	shalt  }
0x61: {  	_ =	shalt  }
0x62: {  	_ =	shalt  }
0x63: {  	_ =	shalt  }
0x64: {  	_ =	shalt  }
0x65: {  	_ =	shalt  }
0x66: {  	_ =	shalt  }
0x67: {  	_ =	shalt  }
0x68: {  	_ =	shalt  }
0x69: {  	_ =	shalt  }
0x6a: {  	_ =	shalt  }
0x6b: {  	_ =	shalt  }
0x6c: {  	_ =	shalt  }
0x6d: {  	_ =	shalt  }
0x6e: {  	_ =	shalt  }
0x6f: {  	_ =	shalt  }
0x70: {  	_ =	shalt  }
0x71: {  	_ =	shalt  }
0x72: {  	_ =	shalt  }
0x73: {  	_ =	shalt  }
0x74: {  	_ =	shalt  }
0x75: {  	_ =	shalt  }
0x76: {  	_ =	shalt  }
0x77: {  	_ =	shalt  }
0x78: {  	_ =	shalt  }
0x79: {  	_ =	shalt  }
0x7a: {  	_ =	shalt  }
0x7b: {  	_ =	shalt  }
0x7c: {  	_ =	shalt  }
0x7d: {  	_ =	shalt  }
0x7e: {  	_ =	shalt  }
0x7f: {  	_ =	shalt  }
0x80: {  	_ =	shalt  }
0x81: {  	_ =	shalt  }
0x82: {  	_ =	shalt  }
0x83: {  	_ =	shalt  }
0x84: {  	_ =	shalt  }
0x85: {  	_ =	shalt  }
0x86: {  	_ =	shalt  }
0x87: {  	_ =	shalt  }
.Lfunc_end0:
.L_simem_size_0:
called_computation.2_lowered:
.L_overlay_start_0:
0x88: {  	s2 =	sld [smem:$0x3FD9]  }
0x89: {  	s3 =	sld [smem:$0x3FFE];
	_ =	sdelay $0x1  }
0x8a: {  	s1 =	srdreg.scid  }
0x8b: {  	s0 =	sand.u32 $0x1, s1  }
0x8c: {  	s16 =	sshll.u32 s0, $0xA;
	s2 =	sadd.s32 s3, s2  }
0x8d: {  	s2 =	sadd.s32 s2, s16  }
0x8e: {  	[smem:$0x3FC0] =	sst s2  }
0x8f: {  	_ = 	snop  }
0x90: {  	(tm) =	ssettm $0x1  }
0x91: {  	s17 =	sld [smem:$0x3FFB];
	_ =	sdelay $0x3  }
0x92: {  	_ =	strace s17  }
0x93: {  	s2 =	sld [smem:$0x3FFC];
	_ =	sdelay $0x3  }
0x94: {  	_ =	strace s2  }
0x95: {  	s2 =	sld [smem:$0x3FFD];
	_ =	sdelay $0x3  }
0x96: {  	_ =	strace s2  }
0x97: {  	_ =	strace $0x8FFFFFFF  }
0x98: {  	s18 =	sld [smem:$0x3FDB];
	_ =	sdelay $0x1  }
0x99: {  	s19 =	simm.s32 $_scs_section_size  }
0x9a: {  	s4 =	simm.s32 $_size__tile_overlayer_lowered;
	s5 =	simm.s32 $_tile_overlayer_lowered  }
0x9b: {  	s22 =	simm.s32 $0x1BFF;
	s21 =	sshll.u32 s5, $0x1;
	s2 =	sadd.s32 s19, s18  }
0x9c: {  	s6 =	simm.s32 $0x0;
	s20 =	sshll.u32 s4, $0x1;
	s4 =	sadd.s32 s21, s2  }
0x9d: {  	[timem:s6], [sflag:s22] =	dma.local [hbm:s4], s20  }
0x9e: {  	_ =	swait.ge [sflag:s22], s20  }
0x9f: {  	s3 =	ssub.s32 $0x0, s20;
	[sflag:s22] =	ssyncset.done $0x0  }
0xa0: {  	[sflag:s22] =	ssyncadd.s32 s3;
	_ =	sdelay $0x1  }
0xa1: {  	s23 =	simm.s32 $0x1B8B  }
0xa2: {  	_ =	swait.ge [sflag:s23], $0x1  }
0xa3: {  	[sflag:s23] =	ssyncset.done $0x0  }
0xa4: {  	s25 =	simm.s32 $0x1B8E;
	s24 =	sld [smem:$0x3FFE];
	[sflag:s23] =	ssyncadd.s32 $0xFFFFFFFF  }
0xa5: {  	s26 =	simm.s32 $execute0_lowered;
	[smem:$0x3FD2] =	sst s25  }
0xa6: {  	s4 =	sshll.u32 s26, $0x1;
	_ =	strace $0x8000004C;
	[dreg:$0x1] =	wrdreg $0xFFFFFFFF  }
0xa7: {  	s28 =	simm.s32 $_size_execute0_lowered;
	s2 =	sadd.s32 s2, s4;
	[dreg:$0x0] =	wrdreg $0x0  }
0xa8: {  	s4 =	sshll.u32 s28, $0x1;
	[dreg:$0x2] =	wrdreg s2  }
0xa9: {  	[dreg:$0x3] =	wrdreg s4  }
0xaa: {  	[dreg:$0x4] =	wrdreg $0xC0  }
0xab: {  	_ =	task [dreg:s6], $0x5FFFF  }
0xac: {  	[dreg:$0x1] =	wrdreg $0xFFFFFFFF  }
0xad: {  	[dreg:$0x0] =	wrdreg $0x60  }
0xae: {  	[dreg:$0x2] =	wrdreg s24  }
0xaf: {  	[dreg:$0x3] =	wrdreg $0xA8000  }
0xb0: {  	[dreg:$0x4] =	wrdreg $0x9  }
0xb1: {  	_ =	task.clear_ibuf [dreg:s6], $0x5FFFF;
	_ =	strace $0x9000004C  }
0xb2: {  	s29 =	simm.s32 $0x9;
	_ =	strace $0x8000004E  }
0xb3: {  	_ =	swait.ge [sflag:s29], $0x1  }
0xb4: {  	[sflag:s29] =	ssyncadd.s32 $0xFFFFFFFF  }
0xb5: {  	_ =	strace $0x9000004E  }
0xb6: {  	_ =	sfence  }
0xb7: {  	s30 =	sld [smem:$0x0];
	_ =	sdelay $0x2  }
0xb8: {  	s31 =	sshll.u32 s1, $0xD;
	s1 =	sshrl.u32 s1, $0x2  }
0xb9: {  	s3 =	sand.u32 $0x4000, s31;
	s1 =	sadd.s32 s1, s30  }
0xba: {  	s0 =	sor.u32 s3, s0;
	s1 =	sshll.u32 s1, $0x11  }
0xbb: {  	s0 =	sor.u32 s1, s0  }
0xbc: {  	s0 =	sadd.s32 $0x8F2B, s0  }
0xbd: {  	[sflag:s0] =	ssyncadd.remote.s32 $0x1  }
0xbe: {  	_ =	sfence.sel $0xFFFF  }
0xbf: {  	[dreg:$0x0] =	wrdreg $0xFFFFFFFF;
	(pc) =	sbr.abs _section_cstart, $3  }
0xc0: {  	[dreg:$0x1] =	wrdreg $0xFFFFFFFF  }
0xc1: {  	_ =	task.clear_ibuf [dreg:s6], $0x2FFFF;
	_ =	strace $0x9FFFFFFF  }
0xc2: {  	(tm) =	ssettm $0x7FFFFFFF  }
0xc3: {  	_ =	shalt  }
tec
execute0_lowered:
.L_overlay_start_1:
0x0: {  	(tag) =	ssettag $0x1  }
0x1: {  	s5 =	rddreg [dreg:$0x0];
	s0 =	srdreg.scid  }
0x2: {  	s2 =	rddreg [dreg:$0x1];
	s1 =	stileid.u32  }
0x3: {  	s3 =	simm.s32 $0x0;
	s17 =	simm.s32 $0x5;
	s18 =	simm.s32 $0x1400  }
0x4: {  	s19 =	simm.s32 $0x80;
	s20 =	simm.s32 $0x6800;
	s21 =	simm.s32 $0x1  }
0x5: {  	s22 =	simm.s32 $0x2;
	s23 =	simm.s32 $0x1480;
	s24 =	simm.s32 $0x3  }
0x6: {  	s25 =	simm.s32 $0x4;
	s6 =	sand.u32 $0x1, s0;
	s0 =	rddreg [dreg:$0x2]  }
0x7: {  	s8 =	smul.u32 $0x13C00, s1;
	[smem:$0x7FF] =	sst s3;
	s4 =	sadd.s32 $0x16800, s5  }
0x8: {  	s12 =	sadd.s32 $0xC800, s5;
	s26 =	smul.u32 $0x4F000, s1;
	s13 =	sadd.s32 $0x2800, s5  }
0x9: {  	s7 =	smul.u32 $0x13C000, s6;
	_ =	strace $0x8000004D;
	s28 =	sshll.u32 s6, $0x4  }
0xa: {  	s6 =	ssub.s32 $0x2, s6;
	s29 =	sor.u32 s1, s28;
	s30 =	sshrl.u32 s26, $0x2  }
0xb: {  	s31 =	sshrl.u32 s6, $0x1;
	s26 =	simm.s32 $0x0;
	s7 =	sadd.s32 s8, s7  }
0xc: {  	s10 =	smul.u32 $0x2800, s29;
	s15 =	ssub.s32 s6, s31;
	s7 =	sshrl.u32 s7, $0x3  }
0xd: {  	s15 =	smax.u32 s15, $0x1;
	s14 =	sadd.s32 s7, s5;
	s5 =	sadd.s32 s30, s2  }
0xe: {  	s16 =	sshrl.u32 s10, $0x3;
	s6 =	sadd.s32 $0x4000, s5;
	s7 =	sadd.s32 $0x8000, s5  }
0xf: {  	s8 =	sadd.s32 $0xC000, s5;
	s9 =	sadd.s32 $0x10000, s5;
	s10 =	sadd.s32 s12, s16  }
0x10: {  	s11 =	sadd.s32 s13, s16;
	s16 =	sadd.s32 $0x280, s16;
	s14 =	sadd.s32 $0x3DA00, s14  }
0x11: {  	v0 =	vimm.f32 $0.0e+00;
	s12 =	sadd.s32 s12, s16;
	s13 =	sadd.s32 s13, s16;
	s16 =	simm.s32 $0x2800  }
.LBB2_1:
0x12: {  	s28 =	simm.s32 $0x0;
	s29 =	simm.s32 $0x200  }
.LBB2_2:
0x13: {  	p0 =	sne.s32 s29, $0xFE00;
	[tilespmem:s28+$0x2870] =	vst v0  }
0x14: {  	[tilespmem:s28+$0x2800] =	vst v0  }
0x15: {  	[tilespmem:s28+$0x2810] =	vst v0  }
.Ltmp0:
0x16: {  	[tilespmem:s28+$0x2820] =	vst v0;
	(pc) =	sbr.rel @p0 .LBB2_2-.Ltmp0, $4  }
0x17: {  	[tilespmem:s28+$0x2830] =	vst v0  }
0x18: {  	[tilespmem:s28+$0x2840] =	vst v0  }
0x19: {  	[tilespmem:s28+$0x2850] =	vst v0  }
0x1a: {  	[tilespmem:s28+$0x2860] =	vst v0;
	s28 =	sshra.s32 s29, $0x2;
	s29 =	sadd.s32 $0x200, s29  }
0x1b: {  	[tilespmem:s28+$0x2870] =	vst v0  }
0x1c: {  	[tilespmem:s28+$0x2800] =	vst v0  }
0x1d: {  	[tilespmem:s28+$0x2810] =	vst v0  }
0x1e: {  	[tilespmem:s28+$0x2820] =	vst v0  }
0x1f: {  	[tilespmem:s28+$0x2830] =	vst v0  }
0x20: {  	[tilespmem:s28+$0x2840] =	vst v0  }
0x21: {  	[tilespmem:s28+$0x2850] =	vst v0  }
0x22: {  	[tilespmem:s28+$0x2860] =	vst v0  }
0x23: {  	[spmem:s5] =	stream.linear.scatter [tilespmem:s16], [sflag:$0x5], $0x4000, $0x38;
	[tilespmem:$0x1E400] =	vst v63  }
0x24: {  	_ =	swait.ge [sflag:s17], $0x4000  }
0x25: {  	[sflag:s17] =	ssyncset.done $0x0  }
0x26: {  	[sflag:s17] =	ssyncadd.s32 $0xFFFFC000  }
0x27: {  	[spmem:s6] =	stream.linear.scatter [tilespmem:s16], [sflag:$0x5], $0x4000, $0x38;
	[tilespmem:$0x1E400] =	vst v63  }
0x28: {  	_ =	swait.ge [sflag:s17], $0x4000  }
0x29: {  	[sflag:s17] =	ssyncset.done $0x0  }
0x2a: {  	[sflag:s17] =	ssyncadd.s32 $0xFFFFC000  }
0x2b: {  	[spmem:s7] =	stream.linear.scatter [tilespmem:s16], [sflag:$0x5], $0x4000, $0x38;
	[tilespmem:$0x1E400] =	vst v63  }
0x2c: {  	_ =	swait.ge [sflag:s17], $0x4000  }
0x2d: {  	[sflag:s17] =	ssyncset.done $0x0  }
0x2e: {  	[sflag:s17] =	ssyncadd.s32 $0xFFFFC000  }
0x2f: {  	[spmem:s8] =	stream.linear.scatter [tilespmem:s16], [sflag:$0x5], $0x4000, $0x38;
	[tilespmem:$0x1E400] =	vst v63  }
0x30: {  	_ =	swait.ge [sflag:s17], $0x4000  }
0x31: {  	[sflag:s17] =	ssyncset.done $0x0  }
0x32: {  	[sflag:s17] =	ssyncadd.s32 $0xFFFFC000  }
0x33: {  	[spmem:s9] =	stream.linear.scatter [tilespmem:s16], [sflag:$0x5], $0x3C00, $0x38;
	[tilespmem:$0x1E400] =	vst v63  }
0x34: {  	_ =	swait.ge [sflag:s17], $0x3C00  }
0x35: {  	[sflag:s17] =	ssyncset.done $0x0  }
0x36: {  	[sflag:s17] =	ssyncadd.s32 $0xFFFFC400  }
0x37: {  	[bflag:$0x0] =	sbarrier.arrive $0xFFFF  }
0x38: {  	[tilespmem:s3], [sflag:$0x5] =	stream.linear.gather [hbm4b:s10+s3], $0x1400, $0x38;
	[tilespmem:$0x1E400] =	vst v63  }
0x39: {  	_ =	swait.ge [sflag:s17], $0x1400  }
0x3a: {  	[sflag:s17] =	ssyncset.done $0x0  }
0x3b: {  	[sflag:s17] =	ssyncadd.s32 $0xFFFFEC00  }
0x3c: {  	[tilespmem:s18], [sflag:$0x5] =	stream.linear.gather [hbm4b:s11+s3], $0x1400, $0x38;
	[tilespmem:$0x1E400] =	vst v63  }
0x3d: {  	_ =	swait.ge [sflag:s17], $0x1400  }
0x3e: {  	[sflag:s17] =	ssyncset.done $0x0  }
0x3f: {  	[sflag:s17] =	ssyncadd.s32 $0xFFFFEC00  }
0x40: {  	[tilespmem:s16], [sflag:$0x1] =	stream.indirect.gather [hbm4b:s4+s19], $0x80, s3, s19, $0xb8;
	[tilespmem:$0x1E400] =	vst v63  }
0x41: {  	_ = 	snop  }
0x42: {  	[tilespmem:s20], [sflag:$0x2] =	stream.indirect.gather [hbm4b:s4+s19], $0x80, s19, s19, $0xb8;
	[tilespmem:$0x1E400] =	vst v63  }
0x43: {  	_ =	swait.ge [sflag:s21], $0x4000  }
0x44: {  	[sflag:s21] =	ssyncset.done $0x0  }
0x45: {  	[sflag:s21] =	ssyncadd.s32 $0xFFFFC000  }
0x46: {  	[spmem:s2] =	stream.indirect.scatter.add.f32 [tilespmem:s16], [sflag:$0x3], $0x80, s18, s19, $0xb8;
	[tilespmem:$0x1E400] =	vst v63  }
0x47: {  	_ =	swait.ge [sflag:s22], $0x4000  }
0x48: {  	[sflag:s22] =	ssyncset.done $0x0  }
0x49: {  	[sflag:s22] =	ssyncadd.s32 $0xFFFFC000  }
0x4a: {  	[spmem:s2] =	stream.indirect.scatter.add.f32 [tilespmem:s20], [sflag:$0x4], $0x80, s23, s19, $0xb8;
	[tilespmem:$0x1E400] =	vst v63  }
0x4b: {  	_ =	swait.ge [sflag:s24], $0x4000  }
0x4c: {  	[sflag:s24] =	ssyncset.done $0x0  }
0x4d: {  	s28 =	simm.s32 $0x100;
	[sflag:s24] =	ssyncadd.s32 $0xFFFFC000  }
0x4e: {  	[tilespmem:s16], [sflag:$0x1] =	stream.indirect.gather [hbm4b:s4+s19], $0x80, s28, s19, $0xb8;
	[tilespmem:$0x1E400] =	vst v63  }
0x4f: {  	_ =	swait.ge [sflag:s25], $0x4000  }
0x50: {  	[sflag:s25] =	ssyncset.done $0x0  }
0x51: {  	s28 =	simm.s32 $0x180;
	[sflag:s25] =	ssyncadd.s32 $0xFFFFC000  }
0x52: {  	[tilespmem:s20], [sflag:$0x2] =	stream.indirect.gather [hbm4b:s4+s19], $0x80, s28, s19, $0xb8;
	[tilespmem:$0x1E400] =	vst v63  }
0x53: {  	_ =	swait.ge [sflag:s21], $0x4000  }
0x54: {  	[sflag:s21] =	ssyncset.done $0x0  }
0x55: {  	s28 =	simm.s32 $0x1500;
	[sflag:s21] =	ssyncadd.s32 $0xFFFFC000  }
0x56: {  	[spmem:s2] =	stream.indirect.scatter.add.f32 [tilespmem:s16], [sflag:$0x3], $0x80, s28, s19, $0xb8;
	[tilespmem:$0x1E400] =	vst v63  }
0x57: {  	_ =	swait.ge [sflag:s22], $0x4000  }
0x58: {  	[sflag:s22] =	ssyncset.done $0x0  }
0x59: {  	s29 =	simm.s32 $0x1580;
	s28 =	simm.s32 $0xFFFFB800;
	[sflag:s22] =	ssyncadd.s32 $0xFFFFC000  }
.LBB2_4:
0x5a: {  	[spmem:s2] =	stream.indirect.scatter.add.f32 [tilespmem:s20], [sflag:$0x4], $0x80, s29, s19, $0xb8;
	[tilespmem:$0x1E400] =	vst v63  }
0x5b: {  	s29 =	smov.u32 s28  }
0x5c: {  	p0 =	sne.s32 s28, $0xFFFFFC00;
	s28 =	sadd.s32 $0x400, s28;
	_ =	swait.ge [sflag:s24], $0x4000  }
0x5d: {  	s29 =	sshra.s32 s29, $0x2;
	[sflag:s24] =	ssyncset.done $0x0  }
0x5e: {  	s30 =	sadd.s32 $0x1400, s29;
	[sflag:s24] =	ssyncadd.s32 $0xFFFFC000  }
0x5f: {  	[tilespmem:s16], [sflag:$0x1] =	stream.indirect.gather [hbm4b:s4+s19], $0x80, s30, s19, $0xb8;
	[tilespmem:$0x1E400] =	vst v63  }
0x60: {  	_ =	swait.ge [sflag:s25], $0x4000  }
0x61: {  	[sflag:s25] =	ssyncset.done $0x0  }
0x62: {  	s30 =	sadd.s32 $0x1480, s29;
	[sflag:s25] =	ssyncadd.s32 $0xFFFFC000  }
0x63: {  	[tilespmem:s20], [sflag:$0x2] =	stream.indirect.gather [hbm4b:s4+s19], $0x80, s30, s19, $0xb8;
	[tilespmem:$0x1E400] =	vst v63  }
0x64: {  	_ =	swait.ge [sflag:s21], $0x4000  }
0x65: {  	[sflag:s21] =	ssyncset.done $0x0  }
.Ltmp1:
0x66: {  	s30 =	sadd.s32 $0x2800, s29;
	[sflag:s21] =	ssyncadd.s32 $0xFFFFC000;
	(pc) =	sbr.rel @p0 .LBB2_4-.Ltmp1, $4  }
0x67: {  	[spmem:s2] =	stream.indirect.scatter.add.f32 [tilespmem:s16], [sflag:$0x3], $0x80, s30, s19, $0xb8;
	[tilespmem:$0x1E400] =	vst v63  }
0x68: {  	_ =	swait.ge [sflag:s22], $0x4000  }
0x69: {  	[sflag:s22] =	ssyncset.done $0x0  }
0x6a: {  	s29 =	sadd.s32 $0x2880, s29;
	[sflag:s22] =	ssyncadd.s32 $0xFFFFC000  }
0x6b: {  	[spmem:s2] =	stream.indirect.scatter.add.f32 [tilespmem:s20], [sflag:$0x4], $0x80, s29, s19, $0xb8;
	[tilespmem:$0x1E400] =	vst v63  }
0x6c: {  	_ =	swait.ge [sflag:s24], $0x4000  }
0x6d: {  	[sflag:s24] =	ssyncset.done $0x0  }
0x6e: {  	[sflag:s24] =	ssyncadd.s32 $0xFFFFC000  }
0x6f: {  	_ =	swait.ge [sflag:s25], $0x4000  }
0x70: {  	[sflag:s25] =	ssyncset.done $0x0  }
0x71: {  	[sflag:s25] =	ssyncadd.s32 $0xFFFFC000  }
0x72: {  	[tilespmem:s3], [sflag:$0x5] =	stream.linear.gather [hbm4b:s12+s3], $0x1400, $0x38;
	[tilespmem:$0x1E400] =	vst v63  }
0x73: {  	_ =	swait.ge [sflag:s17], $0x1400  }
0x74: {  	[sflag:s17] =	ssyncset.done $0x0  }
0x75: {  	[sflag:s17] =	ssyncadd.s32 $0xFFFFEC00  }
0x76: {  	[tilespmem:s18], [sflag:$0x5] =	stream.linear.gather [hbm4b:s13+s3], $0x1400, $0x38;
	[tilespmem:$0x1E400] =	vst v63  }
0x77: {  	_ =	swait.ge [sflag:s17], $0x1400  }
0x78: {  	[sflag:s17] =	ssyncset.done $0x0  }
0x79: {  	[sflag:s17] =	ssyncadd.s32 $0xFFFFEC00  }
0x7a: {  	[tilespmem:s16], [sflag:$0x1] =	stream.indirect.gather [hbm4b:s4+s19], $0x80, s3, s19, $0xb8;
	[tilespmem:$0x1E400] =	vst v63  }
0x7b: {  	_ = 	snop  }
0x7c: {  	[tilespmem:s20], [sflag:$0x2] =	stream.indirect.gather [hbm4b:s4+s19], $0x80, s19, s19, $0xb8;
	[tilespmem:$0x1E400] =	vst v63  }
0x7d: {  	_ =	swait.ge [sflag:s21], $0x4000  }
0x7e: {  	[sflag:s21] =	ssyncset.done $0x0  }
0x7f: {  	[sflag:s21] =	ssyncadd.s32 $0xFFFFC000  }
0x80: {  	[spmem:s2] =	stream.indirect.scatter.add.f32 [tilespmem:s16], [sflag:$0x3], $0x80, s18, s19, $0xb8;
	[tilespmem:$0x1E400] =	vst v63  }
0x81: {  	_ =	swait.ge [sflag:s22], $0x4000  }
0x82: {  	[sflag:s22] =	ssyncset.done $0x0  }
0x83: {  	[sflag:s22] =	ssyncadd.s32 $0xFFFFC000  }
0x84: {  	[spmem:s2] =	stream.indirect.scatter.add.f32 [tilespmem:s20], [sflag:$0x4], $0x80, s23, s19, $0xb8;
	[tilespmem:$0x1E400] =	vst v63  }
0x85: {  	_ =	swait.ge [sflag:s24], $0x4000  }
0x86: {  	[sflag:s24] =	ssyncset.done $0x0  }
0x87: {  	s28 =	simm.s32 $0x100;
	[sflag:s24] =	ssyncadd.s32 $0xFFFFC000  }
0x88: {  	[tilespmem:s16], [sflag:$0x1] =	stream.indirect.gather [hbm4b:s4+s19], $0x80, s28, s19, $0xb8;
	[tilespmem:$0x1E400] =	vst v63  }
0x89: {  	_ =	swait.ge [sflag:s25], $0x4000  }
0x8a: {  	[sflag:s25] =	ssyncset.done $0x0  }
0x8b: {  	s28 =	simm.s32 $0x180;
	[sflag:s25] =	ssyncadd.s32 $0xFFFFC000  }
0x8c: {  	[tilespmem:s20], [sflag:$0x2] =	stream.indirect.gather [hbm4b:s4+s19], $0x80, s28, s19, $0xb8;
	[tilespmem:$0x1E400] =	vst v63  }
0x8d: {  	_ =	swait.ge [sflag:s21], $0x4000  }
0x8e: {  	[sflag:s21] =	ssyncset.done $0x0  }
0x8f: {  	s28 =	simm.s32 $0x1500;
	[sflag:s21] =	ssyncadd.s32 $0xFFFFC000  }
0x90: {  	[spmem:s2] =	stream.indirect.scatter.add.f32 [tilespmem:s16], [sflag:$0x3], $0x80, s28, s19, $0xb8;
	[tilespmem:$0x1E400] =	vst v63  }
0x91: {  	_ =	swait.ge [sflag:s22], $0x4000  }
0x92: {  	[sflag:s22] =	ssyncset.done $0x0  }
0x93: {  	s29 =	simm.s32 $0x1580;
	s28 =	simm.s32 $0xFFFFB800;
	[sflag:s22] =	ssyncadd.s32 $0xFFFFC000  }
.LBB2_6:
0x94: {  	[spmem:s2] =	stream.indirect.scatter.add.f32 [tilespmem:s20], [sflag:$0x4], $0x80, s29, s19, $0xb8;
	[tilespmem:$0x1E400] =	vst v63  }
0x95: {  	s29 =	smov.u32 s28  }
0x96: {  	p0 =	sne.s32 s28, $0xFFFFFC00;
	s28 =	sadd.s32 $0x400, s28;
	_ =	swait.ge [sflag:s24], $0x4000  }
0x97: {  	s29 =	sshra.s32 s29, $0x2;
	[sflag:s24] =	ssyncset.done $0x0  }
0x98: {  	s30 =	sadd.s32 $0x1400, s29;
	[sflag:s24] =	ssyncadd.s32 $0xFFFFC000  }
0x99: {  	[tilespmem:s16], [sflag:$0x1] =	stream.indirect.gather [hbm4b:s4+s19], $0x80, s30, s19, $0xb8;
	[tilespmem:$0x1E400] =	vst v63  }
0x9a: {  	_ =	swait.ge [sflag:s25], $0x4000  }
0x9b: {  	[sflag:s25] =	ssyncset.done $0x0  }
0x9c: {  	s30 =	sadd.s32 $0x1480, s29;
	[sflag:s25] =	ssyncadd.s32 $0xFFFFC000  }
0x9d: {  	[tilespmem:s20], [sflag:$0x2] =	stream.indirect.gather [hbm4b:s4+s19], $0x80, s30, s19, $0xb8;
	[tilespmem:$0x1E400] =	vst v63  }
0x9e: {  	_ =	swait.ge [sflag:s21], $0x4000  }
0x9f: {  	[sflag:s21] =	ssyncset.done $0x0  }
.Ltmp2:
0xa0: {  	s30 =	sadd.s32 $0x2800, s29;
	[sflag:s21] =	ssyncadd.s32 $0xFFFFC000;
	(pc) =	sbr.rel @p0 .LBB2_6-.Ltmp2, $4  }
0xa1: {  	[spmem:s2] =	stream.indirect.scatter.add.f32 [tilespmem:s16], [sflag:$0x3], $0x80, s30, s19, $0xb8;
	[tilespmem:$0x1E400] =	vst v63  }
0xa2: {  	_ =	swait.ge [sflag:s22], $0x4000  }
0xa3: {  	[sflag:s22] =	ssyncset.done $0x0  }
0xa4: {  	s29 =	sadd.s32 $0x2880, s29;
	[sflag:s22] =	ssyncadd.s32 $0xFFFFC000  }
0xa5: {  	[spmem:s2] =	stream.indirect.scatter.add.f32 [tilespmem:s20], [sflag:$0x4], $0x80, s29, s19, $0xb8;
	[tilespmem:$0x1E400] =	vst v63  }
0xa6: {  	_ =	swait.ge [sflag:s24], $0x4000  }
0xa7: {  	[sflag:s24] =	ssyncset.done $0x0  }
0xa8: {  	[sflag:s24] =	ssyncadd.s32 $0xFFFFC000  }
0xa9: {  	_ =	swait.ge [sflag:s25], $0x4000  }
0xaa: {  	s28 =	sshll.u32 s1, $0x6;
	s26 =	sadd.s32 $0x1, s26;
	[sflag:s25] =	ssyncset.done $0x0  }
0xab: {  	s31 =	sshrl.u32 s5, $0x3;
	p0 =	sne.s32 s26, s15;
	[sflag:s25] =	ssyncadd.s32 $0xFFFFC000  }
.Ltmp3:
0xac: {  	s28 =	sor.u32 $0x1C05, s28;
	[bflag:$0x0] =	sbarrier.arrive $0xFFFF;
	(pc) =	sbr.rel @p0 .LBB2_1-.Ltmp3, $4  }
0xad: {  	[hbm:s14], [sflag:s28] =	dma.local [spmem:s31], $0x2780  }
0xae: {  	_ =	swait.ge [sflag:s17], $0x2780  }
0xaf: {  	[sflag:s17] =	ssyncset.done $0x0  }
0xb0: {  	[sflag:s17] =	ssyncadd.s32 $0xFFFFD880  }
0xb1: {  	_ =	sfence.sel $0x180000  }
0xb2: {  	[bflag:$0x0] =	sbarrier.arrive $0xFFFF  }
0xb3: {  	p0 =	sne.s32 s1, $0x0;
	_ =	strace $0x9000004D  }
0xb4: {  	s0 =	sadd.s32 @!p0 $0x100000, s0;
	[bflag:$0x2] =	sbarrier.arrive $0xFFFF  }
0xb5: {  	[sflag:s0] =	ssyncadd.tile.s32 @!p0 $0x1;
	_ =	shalt  }
.Lfunc_end2:
_tile_overlayer_lowered:
.L_overlay_start_2:
0xb6: {  	(tag) =	ssettag $0x2  }
0xb7: {  	s0 =	rddreg [dreg:$0x0];
	s2 =	stileid.u32  }
0xb8: {  	s1 =	rddreg [dreg:$0x1];
	p0 =	sne.s32 s2, $0x0  }
0xb9: {  	s3 =	rddreg [dreg:$0x2];
	[bflag:$0x3] =	sbarrier.arrive $0xFFFF;
	s2 =	simm.s32 @!p0 $0x1C05  }
0xba: {  	[timem:s3], [sflag:s2] =	dma.local @!p0 [hbm:s0], s1  }
0xbb: {  	s0 =	simm.s32 @!p0 $0x5  }
0xbc: {  	_ =	swait.ge @!p0 [sflag:s0], s1  }
0xbd: {  	s1 =	ssub.s32 @!p0 $0x0, s1;
	[sflag:s0] =	ssyncset.done @!p0 $0x0  }
0xbe: {  	[sflag:s0] =	ssyncadd.s32 @!p0 s1  }
0xbf: {  	[bflag:$0x3] =	sbarrier.arrive $0xFFFF  }
0xc0: {  	_ =	shalt  }

// kernel: kernel.19.cloned.1.call-start
scs
__scs_entry_jumppad:
0x0: {  	(pc) =	sbr.rel $0x88, $3  }
0x1: {  	(tag) =	ssettag $0x0;
	lr =	simm.s32 $0x1  }
0x2: {  	[smem:$0x3F99] =	sst lr;
	_ =	strace $0xD0000000  }
0x3: {  	_ = 	snop  }
0x4: {  	_ = 	snop  }
0x5: {  	_ = 	snop  }
0x6: {  	_ = 	snop  }
0x7: {  	_ = 	snop  }
__scs_overlays_trampoline_lowered:
0x8: {  	[smem:$0x3FA8] =	sst s0  }
0x9: {  	[smem:$0x3FA9] =	sst s1  }
0xa: {  	[smem:$0x3FAA] =	sst s2  }
0xb: {  	[smem:$0x3FAB] =	sst s3  }
0xc: {  	[smem:$0x3FAC] =	sst s4  }
0xd: {  	[smem:$0x3FAD] =	sst s5  }
0xe: {  	[smem:$0x3FAE] =	sst s6  }
0xf: {  	[smem:$0x3FAF] =	sst s7  }
0x10: {  	[smem:$0x3FB0] =	sst s8  }
0x11: {  	[smem:$0x3FB1] =	sst s9;
	s0 =	simm.s32 @!p0 $0x0  }
0x12: {  	s1 =	sld [smem:$0x3F97];
	s0 =	simm.s32 @p0 $0x1  }
0x13: {  	[smem:$0x3FB2] =	sst s0;
	s0 =	simm.s32 @!p1 $0x0  }
0x14: {  	s2 =	sld [smem:$0x3F96];
	s0 =	simm.s32 @p1 $0x1  }
0x15: {  	[smem:$0x3FB3] =	sst s0;
	s0 =	simm.s32 @!p2 $0x0  }
0x16: {  	s3 =	sld [smem:$0x3FDB];
	s0 =	simm.s32 @p2 $0x1  }
0x17: {  	s4 =	simm.s32 $0x1BF5;
	[smem:$0x3FB5] =	sst s0  }
0x18: {  	s0 =	sld [smem:$0x3F98];
	_ =	swait.ge [sflag:s4], $0x0  }
0x19: {  	s7 =	sld [smem:$0x3F99]  }
0x1a: {  	s8 =	sadd.s32 $0xFFFFE003, lr  }
0x1b: {  	s9 =	sadd.s32 $0xFFFFFEF7, lr;
	s5 =	simm.s32 $0xFFFFFFFF;
	p2 =	slt.u32 s8, $0xFFFFF086  }
0x1c: {  	p1 =	slt.u32 s9, $0xF7A;
	s5 =	simm.s32 @!p2 $0x0  }
0x1d: {  	s5 =	simm.s32 @p1 $0x1;
	p0 =	seq.s32 s7, s2  }
0x1e: {  	s7 =	smul.u32 @!p0 $0xF7A, s2;
	p2 =	seq.s32 @!p0 s5, $0x0  }
0x1f: {  	s9 =	smul.u32 $0xF7A, s1;
	s8 =	simm.s32 @!p0 $0x1BF5;
	p2 =	por !p2, p0  }
0x20: {  	[sflag:s8] =	ssyncset.s32 @!p0 $0xFFFFF086;
	s6 =	sadd.s32 @!p0 s3, s7;
	s7 =	simm.s32 @!p0 $0x108  }
0x21: {  	s3 =	sadd.s32 s3, s9;
	s6 =	sadd.s32 @!p0 $0x88, s6;
	s7 =	simm.s32 @p2 $0x1082  }
0x22: {  	[simem:s7], [sflag:s8] =	dma.local @!p0 [hbm:s6], $0xF7A  }
0x23: {  	s9 =	sor.u32 $0xD0000000, s2;
	s6 =	simm.s32 $0x108;
	_ =	swait.ge @!p0 [sflag:s8], $0x0  }
0x24: {  	s3 =	sadd.s32 $0x88, s3;
	s6 =	simm.s32 @!p1 $0x1082;
	[sflag:s4] =	ssyncset.s32 $0xFFFFF086  }
0x25: {  	[simem:s6], [sflag:s4] =	dma.local [hbm:s3], $0xF7A  }
0x26: {  	[smem:$0x3F99] =	sst s1;
	(tag) =	ssettag s2;
	_ =	strace s9  }
0x27: {  	s1 =	sld [smem:$0x3FA9]  }
0x28: {  	s2 =	sld [smem:$0x3FAA]  }
0x29: {  	s4 =	sld [smem:$0x3FAC]  }
0x2a: {  	p0 =	seq.s32 s5, $0x0;
	s5 =	sld [smem:$0x3FAD]  }
0x2b: {  	s6 =	sld [smem:$0x3FAE]  }
0x2c: {  	s7 =	sld [smem:$0x3FAF]  }
0x2d: {  	s3 =	simm.s32 $0x108;
	s8 =	sld [smem:$0x3FB0]  }
0x2e: {  	s3 =	simm.s32 @!p0 $0x1082;
	s9 =	sld [smem:$0x3FB1]  }
0x2f: {  	lr =	sadd.s32 s0, s3;
	s0 =	sld [smem:$0x3FA8]  }
0x30: {  	s3 =	sld [smem:$0x3FAB]  }
0x31: {  	[smem:$0x3FB4] =	sst s10  }
0x32: {  	s10 =	sld [smem:$0x3FB2];
	_ =	sdelay $0x3  }
0x33: {  	p0 =	seq.s32 s10, $0x1;
	s10 =	sld [smem:$0x3FB4];
	_ =	sdelay $0x3  }
0x34: {  	[smem:$0x3FB4] =	sst s10  }
0x35: {  	s10 =	sld [smem:$0x3FB3];
	_ =	sdelay $0x3  }
0x36: {  	p1 =	seq.s32 s10, $0x1;
	s10 =	sld [smem:$0x3FB4];
	_ =	sdelay $0x3  }
0x37: {  	[smem:$0x3FB4] =	sst s10  }
0x38: {  	s10 =	sld [smem:$0x3FB5]  }
0x39: {  	_ = 	snop;
	(pc) =	sbr.ind lr, $3  }
0x3a: {  	_ = 	snop  }
0x3b: {  	_ = 	snop  }
0x3c: {  	p2 =	seq.s32 s10, $0x1;
	s10 =	sld [smem:$0x3FB4]  }
0x3d: {  	_ =	shalt  }
0x3e: {  	_ =	shalt  }
0x3f: {  	_ =	shalt  }
0x40: {  	_ =	shalt  }
0x41: {  	_ =	shalt  }
0x42: {  	_ =	shalt  }
0x43: {  	_ =	shalt  }
0x44: {  	_ =	shalt  }
0x45: {  	_ =	shalt  }
0x46: {  	_ =	shalt  }
0x47: {  	_ =	shalt  }
0x48: {  	_ =	shalt  }
0x49: {  	_ =	shalt  }
0x4a: {  	_ =	shalt  }
0x4b: {  	_ =	shalt  }
0x4c: {  	_ =	shalt  }
0x4d: {  	_ =	shalt  }
0x4e: {  	_ =	shalt  }
0x4f: {  	_ =	shalt  }
0x50: {  	_ =	shalt  }
0x51: {  	_ =	shalt  }
0x52: {  	_ =	shalt  }
0x53: {  	_ =	shalt  }
0x54: {  	_ =	shalt  }
0x55: {  	_ =	shalt  }
0x56: {  	_ =	shalt  }
0x57: {  	_ =	shalt  }
0x58: {  	_ =	shalt  }
0x59: {  	_ =	shalt  }
0x5a: {  	_ =	shalt  }
0x5b: {  	_ =	shalt  }
0x5c: {  	_ =	shalt  }
0x5d: {  	_ =	shalt  }
0x5e: {  	_ =	shalt  }
0x5f: {  	_ =	shalt  }
0x60: {  	_ =	shalt  }
0x61: {  	_ =	shalt  }
0x62: {  	_ =	shalt  }
0x63: {  	_ =	shalt  }
0x64: {  	_ =	shalt  }
0x65: {  	_ =	shalt  }
0x66: {  	_ =	shalt  }
0x67: {  	_ =	shalt  }
0x68: {  	_ =	shalt  }
0x69: {  	_ =	shalt  }
0x6a: {  	_ =	shalt  }
0x6b: {  	_ =	shalt  }
0x6c: {  	_ =	shalt  }
0x6d: {  	_ =	shalt  }
0x6e: {  	_ =	shalt  }
0x6f: {  	_ =	shalt  }
0x70: {  	_ =	shalt  }
0x71: {  	_ =	shalt  }
0x72: {  	_ =	shalt  }
0x73: {  	_ =	shalt  }
0x74: {  	_ =	shalt  }
0x75: {  	_ =	shalt  }
0x76: {  	_ =	shalt  }
0x77: {  	_ =	shalt  }
0x78: {  	_ =	shalt  }
0x79: {  	_ =	shalt  }
0x7a: {  	_ =	shalt  }
0x7b: {  	_ =	shalt  }
0x7c: {  	_ =	shalt  }
0x7d: {  	_ =	shalt  }
0x7e: {  	_ =	shalt  }
0x7f: {  	_ =	shalt  }
0x80: {  	_ =	shalt  }
0x81: {  	_ =	shalt  }
0x82: {  	_ =	shalt  }
0x83: {  	_ =	shalt  }
0x84: {  	_ =	shalt  }
0x85: {  	_ =	shalt  }
0x86: {  	_ =	shalt  }
0x87: {  	_ =	shalt  }
.Lfunc_end0:
.L_simem_size_0:
called_computation.3_lowered:
.L_overlay_start_0:
0x88: {  	s2 =	sld [smem:$0x3FD9]  }
0x89: {  	s3 =	sld [smem:$0x3FFE];
	_ =	sdelay $0x1  }
0x8a: {  	s1 =	srdreg.scid  }
0x8b: {  	s0 =	sand.u32 $0x1, s1  }
0x8c: {  	s17 =	sshll.u32 s0, $0xA;
	s2 =	sadd.s32 s3, s2  }
0x8d: {  	s2 =	sadd.s32 s2, s17  }
0x8e: {  	[smem:$0x3FC0] =	sst s2  }
0x8f: {  	_ = 	snop  }
0x90: {  	s2 =	sld [smem:$0x3FD0];
	(tm) =	ssettm $0x1  }
0x91: {  	s18 =	sld [smem:$0x3FFB];
	_ =	sdelay $0x3  }
0x92: {  	_ =	strace s18  }
0x93: {  	s3 =	sld [smem:$0x3FFC];
	_ =	sdelay $0x3  }
0x94: {  	_ =	strace s3  }
0x95: {  	s3 =	sld [smem:$0x3FFD];
	_ =	sdelay $0x3  }
0x96: {  	_ =	strace s3  }
0x97: {  	_ =	strace $0x8FFFFFFF  }
0x98: {  	s19 =	sld [smem:$0x3FDB];
	_ =	sdelay $0x1  }
0x99: {  	s4 =	simm.s32 $_scs_section_size  }
0x9a: {  	s5 =	simm.s32 $_size__tile_overlayer_lowered;
	s6 =	simm.s32 $_tile_overlayer_lowered  }
0x9b: {  	s22 =	simm.s32 $0x1BFF;
	s21 =	sshll.u32 s6, $0x1;
	s3 =	sadd.s32 s4, s19  }
0x9c: {  	s7 =	simm.s32 $0x0;
	s20 =	sshll.u32 s5, $0x1;
	s5 =	sadd.s32 s21, s3  }
0x9d: {  	[timem:s7], [sflag:s22] =	dma.local [hbm:s5], s20  }
0x9e: {  	_ =	swait.ge [sflag:s22], s20  }
0x9f: {  	s4 =	ssub.s32 $0x0, s20;
	[sflag:s22] =	ssyncset.done $0x0  }
0xa0: {  	[sflag:s22] =	ssyncadd.s32 s4;
	_ =	sdelay $0x1  }
0xa1: {  	s23 =	simm.s32 $0x1B8B  }
0xa2: {  	_ =	swait.ge [sflag:s23], $0x1  }
0xa3: {  	[sflag:s23] =	ssyncset.done $0x0  }
0xa4: {  	s25 =	simm.s32 $0x1B8E;
	s24 =	sld [smem:$0x3FFE];
	[sflag:s23] =	ssyncadd.s32 $0xFFFFFFFF  }
0xa5: {  	s26 =	simm.s32 $execute0_lowered;
	[smem:$0x3FD2] =	sst s25  }
0xa6: {  	s5 =	sshll.u32 s26, $0x1;
	_ =	strace $0x8000004F;
	[dreg:$0x1] =	wrdreg $0xFFFFFFFF  }
0xa7: {  	s28 =	simm.s32 $_size_execute0_lowered;
	s3 =	sadd.s32 s3, s5;
	[dreg:$0x0] =	wrdreg $0x0  }
0xa8: {  	s5 =	sshll.u32 s28, $0x1;
	[dreg:$0x2] =	wrdreg s3  }
0xa9: {  	[dreg:$0x3] =	wrdreg s5  }
0xaa: {  	[dreg:$0x4] =	wrdreg $0xC0  }
0xab: {  	_ =	task [dreg:s7], $0x5FFFF  }
0xac: {  	[dreg:$0x1] =	wrdreg $0xFFFFFFFF  }
0xad: {  	[dreg:$0x0] =	wrdreg $0x60  }
0xae: {  	[dreg:$0x2] =	wrdreg s2  }
0xaf: {  	[dreg:$0x3] =	wrdreg s24  }
0xb0: {  	[dreg:$0x4] =	wrdreg $0x68000  }
0xb1: {  	[dreg:$0x5] =	wrdreg $0x9  }
0xb2: {  	_ =	task.clear_ibuf [dreg:s7], $0x6FFFF;
	_ =	strace $0x9000004F  }
0xb3: {  	s29 =	simm.s32 $0x9;
	_ =	strace $0x80000051  }
0xb4: {  	_ =	swait.ge [sflag:s29], $0x1  }
0xb5: {  	[sflag:s29] =	ssyncadd.s32 $0xFFFFFFFF  }
0xb6: {  	_ =	strace $0x90000051  }
0xb7: {  	_ =	sfence  }
0xb8: {  	s30 =	sld [smem:$0x0];
	_ =	sdelay $0x2  }
0xb9: {  	s31 =	sshll.u32 s1, $0xD;
	s1 =	sshrl.u32 s1, $0x2  }
0xba: {  	s3 =	sand.u32 $0x4000, s31;
	s1 =	sadd.s32 s1, s30  }
0xbb: {  	s0 =	sor.u32 s3, s0;
	s1 =	sshll.u32 s1, $0x11  }
0xbc: {  	s0 =	sor.u32 s1, s0  }
0xbd: {  	s0 =	sadd.s32 $0x8F2B, s0  }
0xbe: {  	[sflag:s0] =	ssyncadd.remote.s32 $0x1  }
0xbf: {  	_ =	sfence.sel $0xFFFF  }
0xc0: {  	[dreg:$0x0] =	wrdreg $0xFFFFFFFF;
	(pc) =	sbr.abs _section_cstart, $3  }
0xc1: {  	[dreg:$0x1] =	wrdreg $0xFFFFFFFF  }
0xc2: {  	_ =	task.clear_ibuf [dreg:s7], $0x2FFFF;
	_ =	strace $0x9FFFFFFF  }
0xc3: {  	(tm) =	ssettm $0x7FFFFFFF  }
tec
execute0_lowered:
.L_overlay_start_1:
0x0: {  	(tag) =	ssettag $0x1  }
0x1: {  	s1 =	rddreg [dreg:$0x0]  }
0x2: {  	s5 =	rddreg [dreg:$0x1];
	s2 =	srdreg.scid  }
0x3: {  	s0 =	stileid.u32;
	s3 =	rddreg [dreg:$0x2]  }
0x4: {  	s4 =	simm.s32 $0x0;
	s17 =	simm.s32 $0x5;
	s18 =	simm.s32 $0x1400  }
0x5: {  	s19 =	simm.s32 $0x80;
	s20 =	simm.s32 $0x4800;
	s21 =	simm.s32 $0x1  }
0x6: {  	s22 =	simm.s32 $0x2;
	s23 =	simm.s32 $0x1480;
	s24 =	simm.s32 $0x3  }
0x7: {  	s25 =	simm.s32 $0x4;
	s6 =	sand.u32 $0x1, s2;
	s2 =	rddreg [dreg:$0x3]  }
0x8: {  	s26 =	simm.s32 $0x0;
	s7 =	smul.u32 $0x9E00, s0;
	[smem:$0x7FF] =	sst s4  }
0x9: {  	s12 =	sadd.s32 $0xC800, s5;
	s13 =	sadd.s32 $0x2800, s5;
	s9 =	smul.u32 $0x27800, s0  }
0xa: {  	s8 =	smul.u32 $0x9E000, s6;
	s30 =	ssub.s32 $0x2, s6;
	s6 =	sshll.u32 s6, $0x4  }
0xb: {  	_ =	strace $0x80000050;
	s31 =	sshrl.u32 s30, $0x1;
	s6 =	sor.u32 s0, s6  }
0xc: {  	s9 =	sshrl.u32 s9, $0x2;
	s8 =	sadd.s32 s7, s8;
	s15 =	ssub.s32 s30, s31  }
0xd: {  	s9 =	sadd.s32 s9, s3;
	s10 =	smul.u32 $0x2800, s6;
	s8 =	sshrl.u32 s8, $0x3  }
0xe: {  	s6 =	sadd.s32 $0x2000, s9;
	s15 =	smax.u32 s15, $0x1;
	s14 =	sadd.s32 s8, s5  }
0xf: {  	s5 =	sadd.s32 s7, s3;
	s7 =	sadd.s32 $0x4000, s9;
	s16 =	sshrl.u32 s10, $0x3  }
0x10: {  	s8 =	sadd.s32 $0x6000, s9;
	s9 =	sadd.s32 $0x8000, s9;
	s10 =	sadd.s32 s12, s16  }
0x11: {  	s11 =	sadd.s32 s13, s16;
	s16 =	sadd.s32 $0x280, s16;
	s14 =	sadd.s32 $0x16800, s14  }
0x12: {  	v0 =	vimm.f32 $0.0e+00;
	s12 =	sadd.s32 s12, s16;
	s13 =	sadd.s32 s13, s16;
	s16 =	simm.s32 $0x2800  }
.LBB2_1:
0x13: {  	s29 =	simm.s32 $0x100;
	s28 =	simm.s32 $0x0  }
.LBB2_2:
0x14: {  	p0 =	sne.s32 s29, $0x7F00;
	[tilespmem:s28+$0x2830] =	vst v0;
	s30 =	smov.u32 s29;
	s29 =	sadd.s32 $0x100, s29  }
.Ltmp0:
0x15: {  	[tilespmem:s28+$0x2820] =	vst v0;
	(pc) =	sbr.rel @p0 .LBB2_2-.Ltmp0, $3  }
0x16: {  	[tilespmem:s28+$0x2800] =	vst v0  }
0x17: {  	[tilespmem:s28+$0x2810] =	vst v0;
	_ =	sdelay $0x1  }
0x18: {  	s28 =	sshra.s32 s30, $0x2  }
0x19: {  	[tilespmem:s28+$0x2830] =	vst v0  }
0x1a: {  	[tilespmem:s28+$0x2820] =	vst v0  }
0x1b: {  	[tilespmem:s28+$0x2800] =	vst v0  }
0x1c: {  	[tilespmem:s28+$0x2810] =	vst v0  }
0x1d: {  	[spmem:s5] =	stream.linear.scatter [tilespmem:s16], [sflag:$0x5], $0x2000, $0x38;
	[tilespmem:$0x10600] =	vst v63  }
0x1e: {  	_ =	swait.ge [sflag:s17], $0x2000  }
0x1f: {  	[sflag:s17] =	ssyncset.done $0x0  }
0x20: {  	[sflag:s17] =	ssyncadd.s32 $0xFFFFE000  }
0x21: {  	[spmem:s6] =	stream.linear.scatter [tilespmem:s16], [sflag:$0x5], $0x2000, $0x38;
	[tilespmem:$0x10600] =	vst v63  }
0x22: {  	_ =	swait.ge [sflag:s17], $0x2000  }
0x23: {  	[sflag:s17] =	ssyncset.done $0x0  }
0x24: {  	[sflag:s17] =	ssyncadd.s32 $0xFFFFE000  }
0x25: {  	[spmem:s7] =	stream.linear.scatter [tilespmem:s16], [sflag:$0x5], $0x2000, $0x38;
	[tilespmem:$0x10600] =	vst v63  }
0x26: {  	_ =	swait.ge [sflag:s17], $0x2000  }
0x27: {  	[sflag:s17] =	ssyncset.done $0x0  }
0x28: {  	[sflag:s17] =	ssyncadd.s32 $0xFFFFE000  }
0x29: {  	[spmem:s8] =	stream.linear.scatter [tilespmem:s16], [sflag:$0x5], $0x2000, $0x38;
	[tilespmem:$0x10600] =	vst v63  }
0x2a: {  	_ =	swait.ge [sflag:s17], $0x2000  }
0x2b: {  	[sflag:s17] =	ssyncset.done $0x0  }
0x2c: {  	[sflag:s17] =	ssyncadd.s32 $0xFFFFE000  }
0x2d: {  	[spmem:s9] =	stream.linear.scatter [tilespmem:s16], [sflag:$0x5], $0x1E00, $0x38;
	[tilespmem:$0x10600] =	vst v63  }
0x2e: {  	_ =	swait.ge [sflag:s17], $0x1E00  }
0x2f: {  	[sflag:s17] =	ssyncset.done $0x0  }
0x30: {  	[sflag:s17] =	ssyncadd.s32 $0xFFFFE200  }
0x31: {  	[bflag:$0x0] =	sbarrier.arrive $0xFFFF  }
0x32: {  	[tilespmem:s4], [sflag:$0x5] =	stream.linear.gather [hbm4b:s10+s4], $0x1400, $0x38;
	[tilespmem:$0x10600] =	vst v63  }
0x33: {  	_ =	swait.ge [sflag:s17], $0x1400  }
0x34: {  	[sflag:s17] =	ssyncset.done $0x0  }
0x35: {  	[sflag:s17] =	ssyncadd.s32 $0xFFFFEC00  }
0x36: {  	[tilespmem:s18], [sflag:$0x5] =	stream.linear.gather [hbm4b:s11+s4], $0x1400, $0x38;
	[tilespmem:$0x10600] =	vst v63  }
0x37: {  	_ =	swait.ge [sflag:s17], $0x1400  }
0x38: {  	[sflag:s17] =	ssyncset.done $0x0  }
0x39: {  	[sflag:s17] =	ssyncadd.s32 $0xFFFFEC00  }
0x3a: {  	[tilespmem:s16], [sflag:$0x1] =	stream.indirect.gather [hbm4b:s1+s19], $0x40, s4, s19, $0xb8;
	[tilespmem:$0x10600] =	vst v63  }
0x3b: {  	_ = 	snop  }
0x3c: {  	[tilespmem:s20], [sflag:$0x2] =	stream.indirect.gather [hbm4b:s1+s19], $0x40, s19, s19, $0xb8;
	[tilespmem:$0x10600] =	vst v63  }
0x3d: {  	_ =	swait.ge [sflag:s21], $0x2000  }
0x3e: {  	[sflag:s21] =	ssyncset.done $0x0  }
0x3f: {  	[sflag:s21] =	ssyncadd.s32 $0xFFFFE000  }
0x40: {  	[spmem:s3] =	stream.indirect.scatter.add.f32 [tilespmem:s16], [sflag:$0x3], $0x40, s18, s19, $0xb8;
	[tilespmem:$0x10600] =	vst v63  }
0x41: {  	_ =	swait.ge [sflag:s22], $0x2000  }
0x42: {  	[sflag:s22] =	ssyncset.done $0x0  }
0x43: {  	[sflag:s22] =	ssyncadd.s32 $0xFFFFE000  }
0x44: {  	[spmem:s3] =	stream.indirect.scatter.add.f32 [tilespmem:s20], [sflag:$0x4], $0x40, s23, s19, $0xb8;
	[tilespmem:$0x10600] =	vst v63  }
0x45: {  	_ =	swait.ge [sflag:s24], $0x2000  }
0x46: {  	[sflag:s24] =	ssyncset.done $0x0  }
0x47: {  	s28 =	simm.s32 $0x100;
	[sflag:s24] =	ssyncadd.s32 $0xFFFFE000  }
0x48: {  	[tilespmem:s16], [sflag:$0x1] =	stream.indirect.gather [hbm4b:s1+s19], $0x40, s28, s19, $0xb8;
	[tilespmem:$0x10600] =	vst v63  }
0x49: {  	_ =	swait.ge [sflag:s25], $0x2000  }
0x4a: {  	[sflag:s25] =	ssyncset.done $0x0  }
0x4b: {  	s28 =	simm.s32 $0x180;
	[sflag:s25] =	ssyncadd.s32 $0xFFFFE000  }
0x4c: {  	[tilespmem:s20], [sflag:$0x2] =	stream.indirect.gather [hbm4b:s1+s19], $0x40, s28, s19, $0xb8;
	[tilespmem:$0x10600] =	vst v63  }
0x4d: {  	_ =	swait.ge [sflag:s21], $0x2000  }
0x4e: {  	[sflag:s21] =	ssyncset.done $0x0  }
0x4f: {  	s28 =	simm.s32 $0x1500;
	[sflag:s21] =	ssyncadd.s32 $0xFFFFE000  }
0x50: {  	[spmem:s3] =	stream.indirect.scatter.add.f32 [tilespmem:s16], [sflag:$0x3], $0x40, s28, s19, $0xb8;
	[tilespmem:$0x10600] =	vst v63  }
0x51: {  	_ =	swait.ge [sflag:s22], $0x2000  }
0x52: {  	[sflag:s22] =	ssyncset.done $0x0  }
0x53: {  	s29 =	simm.s32 $0x1580;
	s28 =	simm.s32 $0xFFFFB800;
	[sflag:s22] =	ssyncadd.s32 $0xFFFFE000  }
.LBB2_4:
0x54: {  	[spmem:s3] =	stream.indirect.scatter.add.f32 [tilespmem:s20], [sflag:$0x4], $0x40, s29, s19, $0xb8;
	[tilespmem:$0x10600] =	vst v63  }
0x55: {  	s29 =	smov.u32 s28  }
0x56: {  	p0 =	sne.s32 s28, $0xFFFFFC00;
	s28 =	sadd.s32 $0x400, s28;
	_ =	swait.ge [sflag:s24], $0x2000  }
0x57: {  	s29 =	sshra.s32 s29, $0x2;
	[sflag:s24] =	ssyncset.done $0x0  }
0x58: {  	s30 =	sadd.s32 $0x1400, s29;
	[sflag:s24] =	ssyncadd.s32 $0xFFFFE000  }
0x59: {  	[tilespmem:s16], [sflag:$0x1] =	stream.indirect.gather [hbm4b:s1+s19], $0x40, s30, s19, $0xb8;
	[tilespmem:$0x10600] =	vst v63  }
0x5a: {  	_ =	swait.ge [sflag:s25], $0x2000  }
0x5b: {  	[sflag:s25] =	ssyncset.done $0x0  }
0x5c: {  	s30 =	sadd.s32 $0x1480, s29;
	[sflag:s25] =	ssyncadd.s32 $0xFFFFE000  }
0x5d: {  	[tilespmem:s20], [sflag:$0x2] =	stream.indirect.gather [hbm4b:s1+s19], $0x40, s30, s19, $0xb8;
	[tilespmem:$0x10600] =	vst v63  }
0x5e: {  	_ =	swait.ge [sflag:s21], $0x2000  }
0x5f: {  	[sflag:s21] =	ssyncset.done $0x0  }
.Ltmp1:
0x60: {  	s30 =	sadd.s32 $0x2800, s29;
	[sflag:s21] =	ssyncadd.s32 $0xFFFFE000;
	(pc) =	sbr.rel @p0 .LBB2_4-.Ltmp1, $4  }
0x61: {  	[spmem:s3] =	stream.indirect.scatter.add.f32 [tilespmem:s16], [sflag:$0x3], $0x40, s30, s19, $0xb8;
	[tilespmem:$0x10600] =	vst v63  }
0x62: {  	_ =	swait.ge [sflag:s22], $0x2000  }
0x63: {  	[sflag:s22] =	ssyncset.done $0x0  }
0x64: {  	s29 =	sadd.s32 $0x2880, s29;
	[sflag:s22] =	ssyncadd.s32 $0xFFFFE000  }
0x65: {  	[spmem:s3] =	stream.indirect.scatter.add.f32 [tilespmem:s20], [sflag:$0x4], $0x40, s29, s19, $0xb8;
	[tilespmem:$0x10600] =	vst v63  }
0x66: {  	_ =	swait.ge [sflag:s24], $0x2000  }
0x67: {  	[sflag:s24] =	ssyncset.done $0x0  }
0x68: {  	[sflag:s24] =	ssyncadd.s32 $0xFFFFE000  }
0x69: {  	_ =	swait.ge [sflag:s25], $0x2000  }
0x6a: {  	[sflag:s25] =	ssyncset.done $0x0  }
0x6b: {  	[sflag:s25] =	ssyncadd.s32 $0xFFFFE000  }
0x6c: {  	[tilespmem:s4], [sflag:$0x5] =	stream.linear.gather [hbm4b:s12+s4], $0x1400, $0x38;
	[tilespmem:$0x10600] =	vst v63  }
0x6d: {  	_ =	swait.ge [sflag:s17], $0x1400  }
0x6e: {  	[sflag:s17] =	ssyncset.done $0x0  }
0x6f: {  	[sflag:s17] =	ssyncadd.s32 $0xFFFFEC00  }
0x70: {  	[tilespmem:s18], [sflag:$0x5] =	stream.linear.gather [hbm4b:s13+s4], $0x1400, $0x38;
	[tilespmem:$0x10600] =	vst v63  }
0x71: {  	_ =	swait.ge [sflag:s17], $0x1400  }
0x72: {  	[sflag:s17] =	ssyncset.done $0x0  }
0x73: {  	[sflag:s17] =	ssyncadd.s32 $0xFFFFEC00  }
0x74: {  	[tilespmem:s16], [sflag:$0x1] =	stream.indirect.gather [hbm4b:s1+s19], $0x40, s4, s19, $0xb8;
	[tilespmem:$0x10600] =	vst v63  }
0x75: {  	_ = 	snop  }
0x76: {  	[tilespmem:s20], [sflag:$0x2] =	stream.indirect.gather [hbm4b:s1+s19], $0x40, s19, s19, $0xb8;
	[tilespmem:$0x10600] =	vst v63  }
0x77: {  	_ =	swait.ge [sflag:s21], $0x2000  }
0x78: {  	[sflag:s21] =	ssyncset.done $0x0  }
0x79: {  	[sflag:s21] =	ssyncadd.s32 $0xFFFFE000  }
0x7a: {  	[spmem:s3] =	stream.indirect.scatter.add.f32 [tilespmem:s16], [sflag:$0x3], $0x40, s18, s19, $0xb8;
	[tilespmem:$0x10600] =	vst v63  }
0x7b: {  	_ =	swait.ge [sflag:s22], $0x2000  }
0x7c: {  	[sflag:s22] =	ssyncset.done $0x0  }
0x7d: {  	[sflag:s22] =	ssyncadd.s32 $0xFFFFE000  }
0x7e: {  	[spmem:s3] =	stream.indirect.scatter.add.f32 [tilespmem:s20], [sflag:$0x4], $0x40, s23, s19, $0xb8;
	[tilespmem:$0x10600] =	vst v63  }
0x7f: {  	_ =	swait.ge [sflag:s24], $0x2000  }
0x80: {  	[sflag:s24] =	ssyncset.done $0x0  }
0x81: {  	s28 =	simm.s32 $0x100;
	[sflag:s24] =	ssyncadd.s32 $0xFFFFE000  }
0x82: {  	[tilespmem:s16], [sflag:$0x1] =	stream.indirect.gather [hbm4b:s1+s19], $0x40, s28, s19, $0xb8;
	[tilespmem:$0x10600] =	vst v63  }
0x83: {  	_ =	swait.ge [sflag:s25], $0x2000  }
0x84: {  	[sflag:s25] =	ssyncset.done $0x0  }
0x85: {  	s28 =	simm.s32 $0x180;
	[sflag:s25] =	ssyncadd.s32 $0xFFFFE000  }
0x86: {  	[tilespmem:s20], [sflag:$0x2] =	stream.indirect.gather [hbm4b:s1+s19], $0x40, s28, s19, $0xb8;
	[tilespmem:$0x10600] =	vst v63  }
0x87: {  	_ =	swait.ge [sflag:s21], $0x2000  }
0x88: {  	[sflag:s21] =	ssyncset.done $0x0  }
0x89: {  	s28 =	simm.s32 $0x1500;
	[sflag:s21] =	ssyncadd.s32 $0xFFFFE000  }
0x8a: {  	[spmem:s3] =	stream.indirect.scatter.add.f32 [tilespmem:s16], [sflag:$0x3], $0x40, s28, s19, $0xb8;
	[tilespmem:$0x10600] =	vst v63  }
0x8b: {  	_ =	swait.ge [sflag:s22], $0x2000  }
0x8c: {  	[sflag:s22] =	ssyncset.done $0x0  }
0x8d: {  	s29 =	simm.s32 $0x1580;
	s28 =	simm.s32 $0xFFFFB800;
	[sflag:s22] =	ssyncadd.s32 $0xFFFFE000  }
.LBB2_6:
0x8e: {  	[spmem:s3] =	stream.indirect.scatter.add.f32 [tilespmem:s20], [sflag:$0x4], $0x40, s29, s19, $0xb8;
	[tilespmem:$0x10600] =	vst v63  }
0x8f: {  	s29 =	smov.u32 s28  }
0x90: {  	p0 =	sne.s32 s28, $0xFFFFFC00;
	s28 =	sadd.s32 $0x400, s28;
	_ =	swait.ge [sflag:s24], $0x2000  }
0x91: {  	s29 =	sshra.s32 s29, $0x2;
	[sflag:s24] =	ssyncset.done $0x0  }
0x92: {  	s30 =	sadd.s32 $0x1400, s29;
	[sflag:s24] =	ssyncadd.s32 $0xFFFFE000  }
0x93: {  	[tilespmem:s16], [sflag:$0x1] =	stream.indirect.gather [hbm4b:s1+s19], $0x40, s30, s19, $0xb8;
	[tilespmem:$0x10600] =	vst v63  }
0x94: {  	_ =	swait.ge [sflag:s25], $0x2000  }
0x95: {  	[sflag:s25] =	ssyncset.done $0x0  }
0x96: {  	s30 =	sadd.s32 $0x1480, s29;
	[sflag:s25] =	ssyncadd.s32 $0xFFFFE000  }
0x97: {  	[tilespmem:s20], [sflag:$0x2] =	stream.indirect.gather [hbm4b:s1+s19], $0x40, s30, s19, $0xb8;
	[tilespmem:$0x10600] =	vst v63  }
0x98: {  	_ =	swait.ge [sflag:s21], $0x2000  }
0x99: {  	[sflag:s21] =	ssyncset.done $0x0  }
.Ltmp2:
0x9a: {  	s30 =	sadd.s32 $0x2800, s29;
	[sflag:s21] =	ssyncadd.s32 $0xFFFFE000;
	(pc) =	sbr.rel @p0 .LBB2_6-.Ltmp2, $4  }
0x9b: {  	[spmem:s3] =	stream.indirect.scatter.add.f32 [tilespmem:s16], [sflag:$0x3], $0x40, s30, s19, $0xb8;
	[tilespmem:$0x10600] =	vst v63  }
0x9c: {  	_ =	swait.ge [sflag:s22], $0x2000  }
0x9d: {  	[sflag:s22] =	ssyncset.done $0x0  }
0x9e: {  	s29 =	sadd.s32 $0x2880, s29;
	[sflag:s22] =	ssyncadd.s32 $0xFFFFE000  }
0x9f: {  	[spmem:s3] =	stream.indirect.scatter.add.f32 [tilespmem:s20], [sflag:$0x4], $0x40, s29, s19, $0xb8;
	[tilespmem:$0x10600] =	vst v63  }
0xa0: {  	_ =	swait.ge [sflag:s24], $0x2000  }
0xa1: {  	[sflag:s24] =	ssyncset.done $0x0  }
0xa2: {  	[sflag:s24] =	ssyncadd.s32 $0xFFFFE000  }
0xa3: {  	_ =	swait.ge [sflag:s25], $0x2000  }
0xa4: {  	s28 =	sshll.u32 s0, $0x6;
	s26 =	sadd.s32 $0x1, s26;
	[sflag:s25] =	ssyncset.done $0x0  }
0xa5: {  	s31 =	sshrl.u32 s5, $0x3;
	p0 =	sne.s32 s26, s15;
	[sflag:s25] =	ssyncadd.s32 $0xFFFFE000  }
.Ltmp3:
0xa6: {  	s28 =	sor.u32 $0x1C05, s28;
	[bflag:$0x0] =	sbarrier.arrive $0xFFFF;
	(pc) =	sbr.rel @p0 .LBB2_1-.Ltmp3, $4  }
0xa7: {  	[hbm:s14], [sflag:s28] =	dma.local [spmem:s31], $0x13C0  }
0xa8: {  	_ =	swait.ge [sflag:s17], $0x13C0  }
0xa9: {  	[sflag:s17] =	ssyncset.done $0x0  }
0xaa: {  	[sflag:s17] =	ssyncadd.s32 $0xFFFFEC40  }
0xab: {  	_ =	sfence.sel $0x180000  }
0xac: {  	[bflag:$0x0] =	sbarrier.arrive $0xFFFF  }
0xad: {  	p0 =	sne.s32 s0, $0x0;
	_ =	strace $0x90000050  }
0xae: {  	s0 =	sadd.s32 @!p0 $0x100000, s2;
	[bflag:$0x2] =	sbarrier.arrive $0xFFFF  }
0xaf: {  	[sflag:s0] =	ssyncadd.tile.s32 @!p0 $0x1;
	_ =	shalt  }
.Lfunc_end2:
_tile_overlayer_lowered:
.L_overlay_start_2:
0xb0: {  	(tag) =	ssettag $0x2  }
0xb1: {  	s0 =	rddreg [dreg:$0x0];
	s2 =	stileid.u32  }
0xb2: {  	s1 =	rddreg [dreg:$0x1];
	p0 =	sne.s32 s2, $0x0  }
0xb3: {  	s3 =	rddreg [dreg:$0x2];
	[bflag:$0x3] =	sbarrier.arrive $0xFFFF;
	s2 =	simm.s32 @!p0 $0x1C05  }
0xb4: {  	[timem:s3], [sflag:s2] =	dma.local @!p0 [hbm:s0], s1  }
0xb5: {  	s0 =	simm.s32 @!p0 $0x5  }
0xb6: {  	_ =	swait.ge @!p0 [sflag:s0], s1  }
0xb7: {  	s1 =	ssub.s32 @!p0 $0x0, s1;
	[sflag:s0] =	ssyncset.done @!p0 $0x0  }
0xb8: {  	[sflag:s0] =	ssyncadd.s32 @!p0 s1  }
0xb9: {  	[bflag:$0x3] =	sbarrier.arrive $0xFFFF  }
0xba: {  	_ =	shalt  }

</sc_bundles>
